<compile_context>
chip_gen: v7x
topology: tpu7x:2x2x1
jax: 0.10.2.dev20260603
libtpu: 0.0.44.dev20260713+nightly
codegen_flags: <defaults>
</compile_context>

<pallas_src>
import functools

import jax
import jax.numpy as jnp
from jax import lax
from jax.experimental import pallas as pl
from jax.experimental.pallas import tpu as pltpu
from jax.experimental.pallas import tpu_sc as plsc

_E = 320000
_N = 10000
_D = 128
_NC = 2
_NS = 16
_NW = _NC * _NS
_PER_W = _E // _NW
_C = 80
_NCH = _PER_W // _C
_G = _C // 16


@functools.partial(
    pl.kernel,
    mesh=plsc.VectorSubcoreMesh(core_axis_name="c", subcore_axis_name="s"),
    out_type=jax.ShapeDtypeStruct((_E,), jnp.float32),
    compiler_params=pltpu.CompilerParams(
        needs_layout_passes=False, use_tc_tiling_on_sc=False),
    scratch_types=[
        pltpu.VMEM_SHARED((_N, _D // 2), jnp.int32),
        pltpu.VMEM((_C, _D), jnp.float32),
        pltpu.VMEM((_C, _D // 2), jnp.int32),
        pltpu.VMEM((_PER_W,), jnp.int32),
        pltpu.VMEM((_PER_W,), jnp.int32),
        pltpu.VMEM((_C, _D // 2), jnp.int32),
        pltpu.VMEM((_C, _D // 2), jnp.int32),
        pltpu.VMEM((_C, _D // 2), jnp.int32),
        pltpu.VMEM((_C, _D // 2), jnp.int32),
        pltpu.VMEM((_C,), jnp.float32),
        pltpu.VMEM((_C,), jnp.float32),
        pltpu.VMEM((_G * 272,), jnp.float32),
        pltpu.SemaphoreType.DMA,
        pltpu.SemaphoreType.DMA,
        pltpu.SemaphoreType.DMA,
        pltpu.SemaphoreType.DMA,
        pltpu.SemaphoreType.DMA,
        pltpu.SemaphoreType.DMA,
        pltpu.SemaphoreType.DMA,
        pltpu.SemaphoreType.DMA,
    ],
)
def _edge_dot(table, src, dst, out, shtab, raf, bb, isrc, idst, ra0,
              rb0, ra1, rb1, ov0, ov1, tsc, sis, sid_, sa0, sb0,
              sa1, sb1, so0, so1):
    wid = lax.axis_index("s") * _NC + lax.axis_index("c")
    base = pl.multiple_of(wid * _PER_W, 8)
    sid = lax.axis_index("s")

    pltpu.async_copy(src.at[pl.ds(base, _PER_W)], isrc, sis)
    pltpu.async_copy(dst.at[pl.ds(base, _PER_W)], idst, sid_)

    for t in range(8):
        c = sid + t * _NS

        @pl.when(c < _N // 80)
        def _():
            roff = pl.multiple_of(c * 80, 8)
            pltpu.sync_copy(table.at[pl.ds(roff, 80)], raf)

            @plsc.parallel_loop(0, _C, unroll=4)
            def _cv(r):
                for k in range(_D // 32):
                    x0 = raf[r, pl.ds(k * 32, 16)]
                    x1 = raf[r, pl.ds(k * 32 + 16, 16)]
                    bb[r, pl.ds(k * 16, 16)] = plsc.bitcast(
                        plsc.pack(x0, x1, format=plsc.PackFormat.INTERLEAVED),
                        jnp.int32)

            pltpu.sync_copy(bb, shtab.at[pl.ds(roff, 80)])

    plsc.subcore_barrier()
    pltpu.make_async_copy(src.at[pl.ds(0, _PER_W)], isrc, sis).wait()
    pltpu.make_async_copy(dst.at[pl.ds(0, _PER_W)], idst, sid_).wait()

    iota = lax.iota(jnp.int32, 16)
    p17 = iota * 17

    def issue_rows(ch, ra, rb, sa, sb):
        off = pl.multiple_of(ch * _C, 16)
        pltpu.async_copy(shtab.at[isrc.at[pl.ds(off, _C)]], ra, sa)
        pltpu.async_copy(shtab.at[idst.at[pl.ds(off, _C)]], rb, sb)

    def drain_rows(ra, rb, sa, sb):
        pltpu.make_async_copy(shtab.at[isrc.at[pl.ds(0, _C)]], ra, sa).wait()
        pltpu.make_async_copy(shtab.at[idst.at[pl.ds(0, _C)]], rb, sb).wait()

    def compute(ch, rows_a, rows_b, ov, so):
        @plsc.parallel_loop(0, _C, unroll=10)
        def _edge(e):
            prods = []
            for k in range(_D // 32):
                pa = plsc.bitcast(rows_a[e, pl.ds(k * 16, 16)], jnp.bfloat16)
                pb = plsc.bitcast(rows_b[e, pl.ds(k * 16, 16)], jnp.bfloat16)
                prods.append(pa * pb)
            t0, t1 = plsc.unpack(
                (prods[0] + prods[1]) + (prods[2] + prods[3]),
                format=plsc.PackFormat.INTERLEAVED)
            s = t0 + t1
            plsc.store_scatter(tsc, [iota + e * 17], s)

        @pl.when(ch >= 2)
        def _():
            pltpu.make_async_copy(ov, out.at[pl.ds(0, _C)], so).wait()

        @plsc.parallel_loop(0, _G, unroll=_G)
        def _grp(g):
            pbase = p17 + g * 272
            acc = plsc.load_gather(tsc, [pbase])
            for k in range(1, 16):
                acc = acc + plsc.load_gather(tsc, [pbase + k])
            acc = 1.0 / (1.0 + jnp.exp(-acc))
            ov[pl.ds(g * 16, 16)] = acc

        pltpu.async_copy(ov, out.at[pl.ds(base + ch * _C, _C)], so)

    issue_rows(0, ra0, rb0, sa0, sb0)
    issue_rows(1, ra1, rb1, sa1, sb1)

    def body2(i, carry):
        c0 = i * 2

        drain_rows(ra0, rb0, sa0, sb0)
        compute(c0, ra0, rb0, ov0, so0)
        issue_rows(c0 + 2, ra0, rb0, sa0, sb0)

        drain_rows(ra1, rb1, sa1, sb1)
        compute(c0 + 1, ra1, rb1, ov1, so1)

        @pl.when(c0 + 3 < _NCH)
        def _():
            issue_rows(c0 + 3, ra1, rb1, sa1, sb1)

        return carry

    lax.fori_loop(0, (_NCH - 1) // 2, body2, 0)

    drain_rows(ra0, rb0, sa0, sb0)
    compute(_NCH - 1, ra0, rb0, ov0, so0)
    pltpu.make_async_copy(ov0, out.at[pl.ds(0, _C)], so0).wait()
    pltpu.make_async_copy(ov1, out.at[pl.ds(0, _C)], so1).wait()


@jax.jit
def kernel(z, pairs):
    table = z[2]
    return _edge_dot(table, pairs[0], pairs[1])

# --- scband reference (transcript-rebuilt; emitter-appended) ---
"""Pipeline reference for scband-dot-product-edge-decoder-86303072845923 (READ-ONLY COPY).

The authoritative reference and input builder live on the scoring server;
editing this copy changes nothing except your own understanding.
"""

import jax, jax.numpy as jnp
import numpy as np

N_LAYERS = 3
N_NODES = 10000
D_FEAT = 128
N_EDGES = 320000
LEFT = 2
RIGHT = 2


def setup_inputs(seed: int = 0) -> dict:
    key = jax.random.key(seed)
    k1, k2, k3 = jax.random.split(key, 3)
    z = jax.random.normal(k1, (N_LAYERS, N_NODES, D_FEAT), dtype=jnp.float32)
    src = jax.random.randint(k2, (N_EDGES,), 0, N_NODES, dtype=jnp.int32)
    dst = jax.random.randint(k3, (N_EDGES,), 0, N_NODES, dtype=jnp.int32)
    pairs = jnp.stack([src, dst], axis=0)
    return {"z": z, "pairs": pairs}


def reference(z, pairs):
    # DotProductEdgeDecoder.forward with left=2, right=2, sigmoid=True
    left = z[LEFT]
    right = z[RIGHT]
    x = left[pairs[0]] * right[pairs[1]]  # gather + elementwise mul
    x = x.sum(-1)                          # per-edge dot product
    return jax.nn.sigmoid(x)

if __name__ == "__main__":
    import jax
    _d = setup_inputs()
    print(jax.jit(kernel)(*tuple(_d.values())))

</pallas_src>

<mosaic_0001>
#map = affine_map<(d0, d1) -> (0, 0)>
#map1 = affine_map<(d0, d1) -> (0)>
module attributes {stable_mosaic.version = 14 : i64} {
  func.func @_edge_dot(%arg0: i32, %arg1: i32, %arg2: memref<10000x128xf32, #tpu.memory_space<hbm>>, %arg3: memref<320000xi32, #tpu.memory_space<hbm>>, %arg4: memref<320000xi32, #tpu.memory_space<hbm>>, %arg5: memref<320000xf32, #tpu.memory_space<hbm>>, %arg6: memref<10000x64xi32, #tpu.memory_space<vmem_shared>>, %arg7: memref<80x128xf32, #tpu.memory_space<vmem>>, %arg8: memref<80x64xi32, #tpu.memory_space<vmem>>, %arg9: memref<10000xi32, #tpu.memory_space<vmem>>, %arg10: memref<10000xi32, #tpu.memory_space<vmem>>, %arg11: memref<80x64xi32, #tpu.memory_space<vmem>>, %arg12: memref<80x64xi32, #tpu.memory_space<vmem>>, %arg13: memref<80x64xi32, #tpu.memory_space<vmem>>, %arg14: memref<80x64xi32, #tpu.memory_space<vmem>>, %arg15: memref<80xf32, #tpu.memory_space<vmem>>, %arg16: memref<80xf32, #tpu.memory_space<vmem>>, %arg17: memref<1360xf32, #tpu.memory_space<vmem>>, %arg18: memref<!tpu.dma_semaphore, #tpu.memory_space<semaphore_mem>>, %arg19: memref<!tpu.dma_semaphore, #tpu.memory_space<semaphore_mem>>, %arg20: memref<!tpu.dma_semaphore, #tpu.memory_space<semaphore_mem>>, %arg21: memref<!tpu.dma_semaphore, #tpu.memory_space<semaphore_mem>>, %arg22: memref<!tpu.dma_semaphore, #tpu.memory_space<semaphore_mem>>, %arg23: memref<!tpu.dma_semaphore, #tpu.memory_space<semaphore_mem>>, %arg24: memref<!tpu.dma_semaphore, #tpu.memory_space<semaphore_mem>>, %arg25: memref<!tpu.dma_semaphore, #tpu.memory_space<semaphore_mem>>) attributes {dimension_semantics = [#tpu.dimension_semantics<core_parallel>, #tpu.dimension_semantics<subcore_parallel>], iteration_bounds = array<i64: 2, 16>, scalar_prefetch = 0 : i64, scratch_operands = 20 : i64, tpu.core_type = #tpu.core_type<sc_vector_subcore>, window_params = [{transform_indices = #map}, {transform_indices = #map1}, {transform_indices = #map1}, {transform_indices = #map1}]} {
    %mul3A = arith.constant 2 : i32
    %mul3A_0 = arith.muli %arg1, %mul3A : i32
    %add3A = arith.addi %mul3A_0, %arg0 : i32
    %mul3A_1 = arith.constant 10000 : i32
    %mul3A_2 = arith.muli %add3A, %mul3A_1 : i32
    %multiple_of3A = tpu.assume_multiple %mul3A_2, 8 : i32
    %dma_start3A = tpu.memref_slice %arg3[%multiple_of3A] : memref<320000xi32, #tpu.memory_space<hbm>> -> memref<10000xi32, #tpu.memory_space<hbm>>
    %dma_start3A_3 = tpu.memref_slice %arg3[%multiple_of3A] : memref<320000xi32, #tpu.memory_space<hbm>> -> memref<10000xi32, #tpu.memory_space<hbm>>
    tpu.enqueue_dma source(%dma_start3A_3 : memref<10000xi32, #tpu.memory_space<hbm>>) target(%arg9 : memref<10000xi32, #tpu.memory_space<vmem>>) target_semaphore(%arg18 : memref<!tpu.dma_semaphore, #tpu.memory_space<semaphore_mem>>)
    %dma_start3A_4 = tpu.memref_slice %arg4[%multiple_of3A] : memref<320000xi32, #tpu.memory_space<hbm>> -> memref<10000xi32, #tpu.memory_space<hbm>>
    %dma_start3A_5 = tpu.memref_slice %arg4[%multiple_of3A] : memref<320000xi32, #tpu.memory_space<hbm>> -> memref<10000xi32, #tpu.memory_space<hbm>>
    tpu.enqueue_dma source(%dma_start3A_5 : memref<10000xi32, #tpu.memory_space<hbm>>) target(%arg10 : memref<10000xi32, #tpu.memory_space<vmem>>) target_semaphore(%arg19 : memref<!tpu.dma_semaphore, #tpu.memory_space<semaphore_mem>>)
    %add3A_6 = arith.constant 0 : i32
    %add3A_7 = arith.addi %arg1, %add3A_6 : i32
    %lt3A = arith.constant 125 : i32
    %lt3A_8 = arith.cmpi slt, %add3A_7, %lt3A : i32
    %convert_element_type3A = arith.extui %lt3A_8 : i1 to i32
    %cond3A = arith.constant 0 : i32
    %cond3A_9 = arith.cmpi ne, %convert_element_type3A, %cond3A : i32
    scf.if %cond3A_9 {
      %mul3A_125 = arith.constant 80 : i32
      %mul3A_126 = arith.muli %add3A_7, %mul3A_125 : i32
      %multiple_of3A_127 = tpu.assume_multiple %mul3A_126, 8 : i32
      "tpu.region"() ({
        %run_scoped3A = tpu.sem_alloc : memref<!tpu.dma_semaphore, #tpu.memory_space<semaphore_mem>>
        %dma_start3A_131 = arith.constant 0 : i32
        %dma_start3A_132 = tpu.memref_slice %arg2[%multiple_of3A_127, %dma_start3A_131] : memref<10000x128xf32, #tpu.memory_space<hbm>> -> memref<80x128xf32, #tpu.memory_space<hbm>>
        %dma_start3A_133 = arith.constant 0 : i32
        %dma_start3A_134 = tpu.memref_slice %arg2[%multiple_of3A_127, %dma_start3A_133] : memref<10000x128xf32, #tpu.memory_space<hbm>> -> memref<80x128xf32, #tpu.memory_space<hbm>>
        tpu.enqueue_dma source(%dma_start3A_134 : memref<80x128xf32, #tpu.memory_space<hbm>>) target(%arg7 : memref<80x128xf32, #tpu.memory_space<vmem>>) target_semaphore(%run_scoped3A : memref<!tpu.dma_semaphore, #tpu.memory_space<semaphore_mem>>)
        %dma_wait3A_135 = arith.constant 0 : i32
        %dma_wait3A_136 = tpu.memref_slice %arg2[%multiple_of3A_127, %dma_wait3A_135] : memref<10000x128xf32, #tpu.memory_space<hbm>> -> memref<80x128xf32, #tpu.memory_space<hbm>>
        %dma_wait3A_137 = arith.constant 0 : i32
        %dma_wait3A_138 = tpu.memref_slice %arg2[%multiple_of3A_127, %dma_wait3A_137] : memref<10000x128xf32, #tpu.memory_space<hbm>> -> memref<80x128xf32, #tpu.memory_space<hbm>>
        tpu.wait_dma2 semaphore(%run_scoped3A : memref<!tpu.dma_semaphore, #tpu.memory_space<semaphore_mem>>) src(%dma_wait3A_138 : memref<80x128xf32, #tpu.memory_space<hbm>>) dst(%arg7 : memref<80x128xf32, #tpu.memory_space<vmem>>)
        tpu.yield
      }) : () -> ()
      %parallel_loop3A_128 = arith.constant 0 : i32
      %parallel_loop3A_129 = arith.constant 80 : i32
      %parallel_loop3A_130 = arith.constant 1 : i32
      scf.for %parallel_loop3A_131 = %parallel_loop3A_128 to %parallel_loop3A_129 step %parallel_loop3A_130  : i32 {
        %parallel_loop3A_132 = arith.index_cast %parallel_loop3A_131 : i32 to index
        %parallel_loop3A_133 = arith.constant 0 : index
        %parallel_loop3A_134 = tpu.vector_load %arg7[%parallel_loop3A_132, %parallel_loop3A_133] {strides = array<i32>} : memref<80x128xf32, #tpu.memory_space<vmem>>, vector<16xf32>,
        %parallel_loop3A_135 = arith.index_cast %parallel_loop3A_131 : i32 to index
        %parallel_loop3A_136 = arith.constant 16 : index
        %parallel_loop3A_137 = tpu.vector_load %arg7[%parallel_loop3A_135, %parallel_loop3A_136] {strides = array<i32>} : memref<80x128xf32, #tpu.memory_space<vmem>>, vector<16xf32>,
        %parallel_loop3A_138 = tpu.pack_subelements %parallel_loop3A_134, %parallel_loop3A_137 {pack_format = #tpu.pack_format<interleaved>, positions = array<i32: 0, 1>} : vector<16xf32>, vector<16xf32> -> vector<32xbf16>
        %parallel_loop3A_139 = vector.bitcast %parallel_loop3A_138 : vector<32xbf16> to vector<16xi32>
        %parallel_loop3A_140 = arith.index_cast %parallel_loop3A_131 : i32 to index
        %parallel_loop3A_141 = arith.constant 0 : index
        %parallel_loop3A_142 = tpu.vector_load %arg8[%parallel_loop3A_140, %parallel_loop3A_141] {strides = array<i32>} : memref<80x64xi32, #tpu.memory_space<vmem>>, vector<16xi32>,
        tpu.vector_store %arg8[%parallel_loop3A_140, %parallel_loop3A_141], %parallel_loop3A_139 {strides = array<i32>} : memref<80x64xi32, #tpu.memory_space<vmem>>, vector<16xi32>,
        %parallel_loop3A_143 = arith.index_cast %parallel_loop3A_131 : i32 to index
        %parallel_loop3A_144 = arith.constant 32 : index
        %parallel_loop3A_145 = tpu.vector_load %arg7[%parallel_loop3A_143, %parallel_loop3A_144] {strides = array<i32>} : memref<80x128xf32, #tpu.memory_space<vmem>>, vector<16xf32>,
        %parallel_loop3A_146 = arith.index_cast %parallel_loop3A_131 : i32 to index
        %parallel_loop3A_147 = arith.constant 48 : index
        %parallel_loop3A_148 = tpu.vector_load %arg7[%parallel_loop3A_146, %parallel_loop3A_147] {strides = array<i32>} : memref<80x128xf32, #tpu.memory_space<vmem>>, vector<16xf32>,
        %parallel_loop3A_149 = tpu.pack_subelements %parallel_loop3A_145, %parallel_loop3A_148 {pack_format = #tpu.pack_format<interleaved>, positions = array<i32: 0, 1>} : vector<16xf32>, vector<16xf32> -> vector<32xbf16>
        %parallel_loop3A_150 = vector.bitcast %parallel_loop3A_149 : vector<32xbf16> to vector<16xi32>
        %parallel_loop3A_151 = arith.index_cast %parallel_loop3A_131 : i32 to index
        %parallel_loop3A_152 = arith.constant 16 : index
        %parallel_loop3A_153 = tpu.vector_load %arg8[%parallel_loop3A_151, %parallel_loop3A_152] {strides = array<i32>} : memref<80x64xi32, #tpu.memory_space<vmem>>, vector<16xi32>,
        tpu.vector_store %arg8[%parallel_loop3A_151, %parallel_loop3A_152], %parallel_loop3A_150 {strides = array<i32>} : memref<80x64xi32, #tpu.memory_space<vmem>>, vector<16xi32>,
        %parallel_loop3A_154 = arith.index_cast %parallel_loop3A_131 : i32 to index
        %parallel_loop3A_155 = arith.constant 64 : index
        %parallel_loop3A_156 = tpu.vector_load %arg7[%parallel_loop3A_154, %parallel_loop3A_155] {strides = array<i32>} : memref<80x128xf32, #tpu.memory_space<vmem>>, vector<16xf32>,
        %parallel_loop3A_157 = arith.index_cast %parallel_loop3A_131 : i32 to index
        %parallel_loop3A_158 = arith.constant 80 : index
        %parallel_loop3A_159 = tpu.vector_load %arg7[%parallel_loop3A_157, %parallel_loop3A_158] {strides = array<i32>} : memref<80x128xf32, #tpu.memory_space<vmem>>, vector<16xf32>,
        %parallel_loop3A_160 = tpu.pack_subelements %parallel_loop3A_156, %parallel_loop3A_159 {pack_format = #tpu.pack_format<interleaved>, positions = array<i32: 0, 1>} : vector<16xf32>, vector<16xf32> -> vector<32xbf16>
        %parallel_loop3A_161 = vector.bitcast %parallel_loop3A_160 : vector<32xbf16> to vector<16xi32>
        %parallel_loop3A_162 = arith.index_cast %parallel_loop3A_131 : i32 to index
        %parallel_loop3A_163 = arith.constant 32 : index
        %parallel_loop3A_164 = tpu.vector_load %arg8[%parallel_loop3A_162, %parallel_loop3A_163] {strides = array<i32>} : memref<80x64xi32, #tpu.memory_space<vmem>>, vector<16xi32>,
        tpu.vector_store %arg8[%parallel_loop3A_162, %parallel_loop3A_163], %parallel_loop3A_161 {strides = array<i32>} : memref<80x64xi32, #tpu.memory_space<vmem>>, vector<16xi32>,
        %parallel_loop3A_165 = arith.index_cast %parallel_loop3A_131 : i32 to index
        %parallel_loop3A_166 = arith.constant 96 : index
        %parallel_loop3A_167 = tpu.vector_load %arg7[%parallel_loop3A_165, %parallel_loop3A_166] {strides = array<i32>} : memref<80x128xf32, #tpu.memory_space<vmem>>, vector<16xf32>,
        %parallel_loop3A_168 = arith.index_cast %parallel_loop3A_131 : i32 to index
        %parallel_loop3A_169 = arith.constant 112 : index
        %parallel_loop3A_170 = tpu.vector_load %arg7[%parallel_loop3A_168, %parallel_loop3A_169] {strides = array<i32>} : memref<80x128xf32, #tpu.memory_space<vmem>>, vector<16xf32>,
        %parallel_loop3A_171 = tpu.pack_subelements %parallel_loop3A_167, %parallel_loop3A_170 {pack_format = #tpu.pack_format<interleaved>, positions = array<i32: 0, 1>} : vector<16xf32>, vector<16xf32> -> vector<32xbf16>
        %parallel_loop3A_172 = vector.bitcast %parallel_loop3A_171 : vector<32xbf16> to vector<16xi32>
        %parallel_loop3A_173 = arith.index_cast %parallel_loop3A_131 : i32 to index
        %parallel_loop3A_174 = arith.constant 48 : index
        %parallel_loop3A_175 = tpu.vector_load %arg8[%parallel_loop3A_173, %parallel_loop3A_174] {strides = array<i32>} : memref<80x64xi32, #tpu.memory_space<vmem>>, vector<16xi32>,
        tpu.vector_store %arg8[%parallel_loop3A_173, %parallel_loop3A_174], %parallel_loop3A_172 {strides = array<i32>} : memref<80x64xi32, #tpu.memory_space<vmem>>, vector<16xi32>,
      } {sc.loop_unroll_factor = 4 : i64, sc.parallel_access}
      "tpu.region"() ({
        %run_scoped3A = tpu.sem_alloc : memref<!tpu.dma_semaphore, #tpu.memory_space<semaphore_mem>>
        %dma_start3A_131 = arith.constant 0 : i32
        %dma_start3A_132 = tpu.memref_slice %arg6[%multiple_of3A_127, %dma_start3A_131] : memref<10000x64xi32, #tpu.memory_space<vmem_shared>> -> memref<80x64xi32, #tpu.memory_space<vmem_shared>>
        %dma_start3A_133 = arith.constant 0 : i32
        %dma_start3A_134 = tpu.memref_slice %arg6[%multiple_of3A_127, %dma_start3A_133] : memref<10000x64xi32, #tpu.memory_space<vmem_shared>> -> memref<80x64xi32, #tpu.memory_space<vmem_shared>>
        tpu.enqueue_dma source(%arg8 : memref<80x64xi32, #tpu.memory_space<vmem>>) target(%dma_start3A_134 : memref<80x64xi32, #tpu.memory_space<vmem_shared>>) target_semaphore(%run_scoped3A : memref<!tpu.dma_semaphore, #tpu.memory_space<semaphore_mem>>)
        %dma_wait3A_135 = arith.constant 0 : i32
        %dma_wait3A_136 = tpu.memref_slice %arg6[%multiple_of3A_127, %dma_wait3A_135] : memref<10000x64xi32, #tpu.memory_space<vmem_shared>> -> memref<80x64xi32, #tpu.memory_space<vmem_shared>>
        %dma_wait3A_137 = arith.constant 0 : i32
        %dma_wait3A_138 = tpu.memref_slice %arg6[%multiple_of3A_127, %dma_wait3A_137] : memref<10000x64xi32, #tpu.memory_space<vmem_shared>> -> memref<80x64xi32, #tpu.memory_space<vmem_shared>>
        tpu.wait_dma2 semaphore(%run_scoped3A : memref<!tpu.dma_semaphore, #tpu.memory_space<semaphore_mem>>) src(%arg8 : memref<80x64xi32, #tpu.memory_space<vmem>>) dst(%dma_wait3A_138 : memref<80x64xi32, #tpu.memory_space<vmem_shared>>)
        tpu.yield
      }) : () -> ()
    } else {
    }
    %add3A_10 = arith.constant 16 : i32
    %add3A_11 = arith.addi %arg1, %add3A_10 : i32
    %lt3A_12 = arith.constant 125 : i32
    %lt3A_13 = arith.cmpi slt, %add3A_11, %lt3A_12 : i32
    %convert_element_type3A_14 = arith.extui %lt3A_13 : i1 to i32
    %cond3A_15 = arith.constant 0 : i32
    %cond3A_16 = arith.cmpi ne, %convert_element_type3A_14, %cond3A_15 : i32
    scf.if %cond3A_16 {
      %mul3A_125 = arith.constant 80 : i32
      %mul3A_126 = arith.muli %add3A_11, %mul3A_125 : i32
      %multiple_of3A_127 = tpu.assume_multiple %mul3A_126, 8 : i32
      "tpu.region"() ({
        %run_scoped3A = tpu.sem_alloc : memref<!tpu.dma_semaphore, #tpu.memory_space<semaphore_mem>>
        %dma_start3A_131 = arith.constant 0 : i32
        %dma_start3A_132 = tpu.memref_slice %arg2[%multiple_of3A_127, %dma_start3A_131] : memref<10000x128xf32, #tpu.memory_space<hbm>> -> memref<80x128xf32, #tpu.memory_space<hbm>>
        %dma_start3A_133 = arith.constant 0 : i32
        %dma_start3A_134 = tpu.memref_slice %arg2[%multiple_of3A_127, %dma_start3A_133] : memref<10000x128xf32, #tpu.memory_space<hbm>> -> memref<80x128xf32, #tpu.memory_space<hbm>>
        tpu.enqueue_dma source(%dma_start3A_134 : memref<80x128xf32, #tpu.memory_space<hbm>>) target(%arg7 : memref<80x128xf32, #tpu.memory_space<vmem>>) target_semaphore(%run_scoped3A : memref<!tpu.dma_semaphore, #tpu.memory_space<semaphore_mem>>)
        %dma_wait3A_135 = arith.constant 0 : i32
        %dma_wait3A_136 = tpu.memref_slice %arg2[%multiple_of3A_127, %dma_wait3A_135] : memref<10000x128xf32, #tpu.memory_space<hbm>> -> memref<80x128xf32, #tpu.memory_space<hbm>>
        %dma_wait3A_137 = arith.constant 0 : i32
        %dma_wait3A_138 = tpu.memref_slice %arg2[%multiple_of3A_127, %dma_wait3A_137] : memref<10000x128xf32, #tpu.memory_space<hbm>> -> memref<80x128xf32, #tpu.memory_space<hbm>>
        tpu.wait_dma2 semaphore(%run_scoped3A : memref<!tpu.dma_semaphore, #tpu.memory_space<semaphore_mem>>) src(%dma_wait3A_138 : memref<80x128xf32, #tpu.memory_space<hbm>>) dst(%arg7 : memref<80x128xf32, #tpu.memory_space<vmem>>)
        tpu.yield
      }) : () -> ()
      %parallel_loop3A_128 = arith.constant 0 : i32
      %parallel_loop3A_129 = arith.constant 80 : i32
      %parallel_loop3A_130 = arith.constant 1 : i32
      scf.for %parallel_loop3A_131 = %parallel_loop3A_128 to %parallel_loop3A_129 step %parallel_loop3A_130  : i32 {
        %parallel_loop3A_132 = arith.index_cast %parallel_loop3A_131 : i32 to index
        %parallel_loop3A_133 = arith.constant 0 : index
        %parallel_loop3A_134 = tpu.vector_load %arg7[%parallel_loop3A_132, %parallel_loop3A_133] {strides = array<i32>} : memref<80x128xf32, #tpu.memory_space<vmem>>, vector<16xf32>,
        %parallel_loop3A_135 = arith.index_cast %parallel_loop3A_131 : i32 to index
        %parallel_loop3A_136 = arith.constant 16 : index
        %parallel_loop3A_137 = tpu.vector_load %arg7[%parallel_loop3A_135, %parallel_loop3A_136] {strides = array<i32>} : memref<80x128xf32, #tpu.memory_space<vmem>>, vector<16xf32>,
        %parallel_loop3A_138 = tpu.pack_subelements %parallel_loop3A_134, %parallel_loop3A_137 {pack_format = #tpu.pack_format<interleaved>, positions = array<i32: 0, 1>} : vector<16xf32>, vector<16xf32> -> vector<32xbf16>
        %parallel_loop3A_139 = vector.bitcast %parallel_loop3A_138 : vector<32xbf16> to vector<16xi32>
        %parallel_loop3A_140 = arith.index_cast %parallel_loop3A_131 : i32 to index
        %parallel_loop3A_141 = arith.constant 0 : index
        %parallel_loop3A_142 = tpu.vector_load %arg8[%parallel_loop3A_140, %parallel_loop3A_141] {strides = array<i32>} : memref<80x64xi32, #tpu.memory_space<vmem>>, vector<16xi32>,
        tpu.vector_store %arg8[%parallel_loop3A_140, %parallel_loop3A_141], %parallel_loop3A_139 {strides = array<i32>} : memref<80x64xi32, #tpu.memory_space<vmem>>, vector<16xi32>,
        %parallel_loop3A_143 = arith.index_cast %parallel_loop3A_131 : i32 to index
        %parallel_loop3A_144 = arith.constant 32 : index
        %parallel_loop3A_145 = tpu.vector_load %arg7[%parallel_loop3A_143, %parallel_loop3A_144] {strides = array<i32>} : memref<80x128xf32, #tpu.memory_space<vmem>>, vector<16xf32>,
        %parallel_loop3A_146 = arith.index_cast %parallel_loop3A_131 : i32 to index
        %parallel_loop3A_147 = arith.constant 48 : index
        %parallel_loop3A_148 = tpu.vector_load %arg7[%parallel_loop3A_146, %parallel_loop3A_147] {strides = array<i32>} : memref<80x128xf32, #tpu.memory_space<vmem>>, vector<16xf32>,
        %parallel_loop3A_149 = tpu.pack_subelements %parallel_loop3A_145, %parallel_loop3A_148 {pack_format = #tpu.pack_format<interleaved>, positions = array<i32: 0, 1>} : vector<16xf32>, vector<16xf32> -> vector<32xbf16>
        %parallel_loop3A_150 = vector.bitcast %parallel_loop3A_149 : vector<32xbf16> to vector<16xi32>
        %parallel_loop3A_151 = arith.index_cast %parallel_loop3A_131 : i32 to index
        %parallel_loop3A_152 = arith.constant 16 : index
        %parallel_loop3A_153 = tpu.vector_load %arg8[%parallel_loop3A_151, %parallel_loop3A_152] {strides = array<i32>} : memref<80x64xi32, #tpu.memory_space<vmem>>, vector<16xi32>,
        tpu.vector_store %arg8[%parallel_loop3A_151, %parallel_loop3A_152], %parallel_loop3A_150 {strides = array<i32>} : memref<80x64xi32, #tpu.memory_space<vmem>>, vector<16xi32>,
        %parallel_loop3A_154 = arith.index_cast %parallel_loop3A_131 : i32 to index
        %parallel_loop3A_155 = arith.constant 64 : index
        %parallel_loop3A_156 = tpu.vector_load %arg7[%parallel_loop3A_154, %parallel_loop3A_155] {strides = array<i32>} : memref<80x128xf32, #tpu.memory_space<vmem>>, vector<16xf32>,
        %parallel_loop3A_157 = arith.index_cast %parallel_loop3A_131 : i32 to index
        %parallel_loop3A_158 = arith.constant 80 : index
        %parallel_loop3A_159 = tpu.vector_load %arg7[%parallel_loop3A_157, %parallel_loop3A_158] {strides = array<i32>} : memref<80x128xf32, #tpu.memory_space<vmem>>, vector<16xf32>,
        %parallel_loop3A_160 = tpu.pack_subelements %parallel_loop3A_156, %parallel_loop3A_159 {pack_format = #tpu.pack_format<interleaved>, positions = array<i32: 0, 1>} : vector<16xf32>, vector<16xf32> -> vector<32xbf16>
        %parallel_loop3A_161 = vector.bitcast %parallel_loop3A_160 : vector<32xbf16> to vector<16xi32>
        %parallel_loop3A_162 = arith.index_cast %parallel_loop3A_131 : i32 to index
        %parallel_loop3A_163 = arith.constant 32 : index
        %parallel_loop3A_164 = tpu.vector_load %arg8[%parallel_loop3A_162, %parallel_loop3A_163] {strides = array<i32>} : memref<80x64xi32, #tpu.memory_space<vmem>>, vector<16xi32>,
        tpu.vector_store %arg8[%parallel_loop3A_162, %parallel_loop3A_163], %parallel_loop3A_161 {strides = array<i32>} : memref<80x64xi32, #tpu.memory_space<vmem>>, vector<16xi32>,
        %parallel_loop3A_165 = arith.index_cast %parallel_loop3A_131 : i32 to index
        %parallel_loop3A_166 = arith.constant 96 : index
        %parallel_loop3A_167 = tpu.vector_load %arg7[%parallel_loop3A_165, %parallel_loop3A_166] {strides = array<i32>} : memref<80x128xf32, #tpu.memory_space<vmem>>, vector<16xf32>,
        %parallel_loop3A_168 = arith.index_cast %parallel_loop3A_131 : i32 to index
        %parallel_loop3A_169 = arith.constant 112 : index
        %parallel_loop3A_170 = tpu.vector_load %arg7[%parallel_loop3A_168, %parallel_loop3A_169] {strides = array<i32>} : memref<80x128xf32, #tpu.memory_space<vmem>>, vector<16xf32>,
        %parallel_loop3A_171 = tpu.pack_subelements %parallel_loop3A_167, %parallel_loop3A_170 {pack_format = #tpu.pack_format<interleaved>, positions = array<i32: 0, 1>} : vector<16xf32>, vector<16xf32> -> vector<32xbf16>
        %parallel_loop3A_172 = vector.bitcast %parallel_loop3A_171 : vector<32xbf16> to vector<16xi32>
        %parallel_loop3A_173 = arith.index_cast %parallel_loop3A_131 : i32 to index
        %parallel_loop3A_174 = arith.constant 48 : index
        %parallel_loop3A_175 = tpu.vector_load %arg8[%parallel_loop3A_173, %parallel_loop3A_174] {strides = array<i32>} : memref<80x64xi32, #tpu.memory_space<vmem>>, vector<16xi32>,
        tpu.vector_store %arg8[%parallel_loop3A_173, %parallel_loop3A_174], %parallel_loop3A_172 {strides = array<i32>} : memref<80x64xi32, #tpu.memory_space<vmem>>, vector<16xi32>,
      } {sc.loop_unroll_factor = 4 : i64, sc.parallel_access}
      "tpu.region"() ({
        %run_scoped3A = tpu.sem_alloc : memref<!tpu.dma_semaphore, #tpu.memory_space<semaphore_mem>>
        %dma_start3A_131 = arith.constant 0 : i32
        %dma_start3A_132 = tpu.memref_slice %arg6[%multiple_of3A_127, %dma_start3A_131] : memref<10000x64xi32, #tpu.memory_space<vmem_shared>> -> memref<80x64xi32, #tpu.memory_space<vmem_shared>>
        %dma_start3A_133 = arith.constant 0 : i32
        %dma_start3A_134 = tpu.memref_slice %arg6[%multiple_of3A_127, %dma_start3A_133] : memref<10000x64xi32, #tpu.memory_space<vmem_shared>> -> memref<80x64xi32, #tpu.memory_space<vmem_shared>>
        tpu.enqueue_dma source(%arg8 : memref<80x64xi32, #tpu.memory_space<vmem>>) target(%dma_start3A_134 : memref<80x64xi32, #tpu.memory_space<vmem_shared>>) target_semaphore(%run_scoped3A : memref<!tpu.dma_semaphore, #tpu.memory_space<semaphore_mem>>)
        %dma_wait3A_135 = arith.constant 0 : i32
        %dma_wait3A_136 = tpu.memref_slice %arg6[%multiple_of3A_127, %dma_wait3A_135] : memref<10000x64xi32, #tpu.memory_space<vmem_shared>> -> memref<80x64xi32, #tpu.memory_space<vmem_shared>>
        %dma_wait3A_137 = arith.constant 0 : i32
        %dma_wait3A_138 = tpu.memref_slice %arg6[%multiple_of3A_127, %dma_wait3A_137] : memref<10000x64xi32, #tpu.memory_space<vmem_shared>> -> memref<80x64xi32, #tpu.memory_space<vmem_shared>>
        tpu.wait_dma2 semaphore(%run_scoped3A : memref<!tpu.dma_semaphore, #tpu.memory_space<semaphore_mem>>) src(%arg8 : memref<80x64xi32, #tpu.memory_space<vmem>>) dst(%dma_wait3A_138 : memref<80x64xi32, #tpu.memory_space<vmem_shared>>)
        tpu.yield
      }) : () -> ()
    } else {
    }
    %add3A_17 = arith.constant 32 : i32
    %add3A_18 = arith.addi %arg1, %add3A_17 : i32
    %lt3A_19 = arith.constant 125 : i32
    %lt3A_20 = arith.cmpi slt, %add3A_18, %lt3A_19 : i32
    %convert_element_type3A_21 = arith.extui %lt3A_20 : i1 to i32
    %cond3A_22 = arith.constant 0 : i32
    %cond3A_23 = arith.cmpi ne, %convert_element_type3A_21, %cond3A_22 : i32
    scf.if %cond3A_23 {
      %mul3A_125 = arith.constant 80 : i32
      %mul3A_126 = arith.muli %add3A_18, %mul3A_125 : i32
      %multiple_of3A_127 = tpu.assume_multiple %mul3A_126, 8 : i32
      "tpu.region"() ({
        %run_scoped3A = tpu.sem_alloc : memref<!tpu.dma_semaphore, #tpu.memory_space<semaphore_mem>>
        %dma_start3A_131 = arith.constant 0 : i32
        %dma_start3A_132 = tpu.memref_slice %arg2[%multiple_of3A_127, %dma_start3A_131] : memref<10000x128xf32, #tpu.memory_space<hbm>> -> memref<80x128xf32, #tpu.memory_space<hbm>>
        %dma_start3A_133 = arith.constant 0 : i32
        %dma_start3A_134 = tpu.memref_slice %arg2[%multiple_of3A_127, %dma_start3A_133] : memref<10000x128xf32, #tpu.memory_space<hbm>> -> memref<80x128xf32, #tpu.memory_space<hbm>>
        tpu.enqueue_dma source(%dma_start3A_134 : memref<80x128xf32, #tpu.memory_space<hbm>>) target(%arg7 : memref<80x128xf32, #tpu.memory_space<vmem>>) target_semaphore(%run_scoped3A : memref<!tpu.dma_semaphore, #tpu.memory_space<semaphore_mem>>)
        %dma_wait3A_135 = arith.constant 0 : i32
        %dma_wait3A_136 = tpu.memref_slice %arg2[%multiple_of3A_127, %dma_wait3A_135] : memref<10000x128xf32, #tpu.memory_space<hbm>> -> memref<80x128xf32, #tpu.memory_space<hbm>>
        %dma_wait3A_137 = arith.constant 0 : i32
        %dma_wait3A_138 = tpu.memref_slice %arg2[%multiple_of3A_127, %dma_wait3A_137] : memref<10000x128xf32, #tpu.memory_space<hbm>> -> memref<80x128xf32, #tpu.memory_space<hbm>>
        tpu.wait_dma2 semaphore(%run_scoped3A : memref<!tpu.dma_semaphore, #tpu.memory_space<semaphore_mem>>) src(%dma_wait3A_138 : memref<80x128xf32, #tpu.memory_space<hbm>>) dst(%arg7 : memref<80x128xf32, #tpu.memory_space<vmem>>)
        tpu.yield
      }) : () -> ()
      %parallel_loop3A_128 = arith.constant 0 : i32
      %parallel_loop3A_129 = arith.constant 80 : i32
      %parallel_loop3A_130 = arith.constant 1 : i32
      scf.for %parallel_loop3A_131 = %parallel_loop3A_128 to %parallel_loop3A_129 step %parallel_loop3A_130  : i32 {
        %parallel_loop3A_132 = arith.index_cast %parallel_loop3A_131 : i32 to index
        %parallel_loop3A_133 = arith.constant 0 : index
        %parallel_loop3A_134 = tpu.vector_load %arg7[%parallel_loop3A_132, %parallel_loop3A_133] {strides = array<i32>} : memref<80x128xf32, #tpu.memory_space<vmem>>, vector<16xf32>,
        %parallel_loop3A_135 = arith.index_cast %parallel_loop3A_131 : i32 to index
        %parallel_loop3A_136 = arith.constant 16 : index
        %parallel_loop3A_137 = tpu.vector_load %arg7[%parallel_loop3A_135, %parallel_loop3A_136] {strides = array<i32>} : memref<80x128xf32, #tpu.memory_space<vmem>>, vector<16xf32>,
        %parallel_loop3A_138 = tpu.pack_subelements %parallel_loop3A_134, %parallel_loop3A_137 {pack_format = #tpu.pack_format<interleaved>, positions = array<i32: 0, 1>} : vector<16xf32>, vector<16xf32> -> vector<32xbf16>
        %parallel_loop3A_139 = vector.bitcast %parallel_loop3A_138 : vector<32xbf16> to vector<16xi32>
        %parallel_loop3A_140 = arith.index_cast %parallel_loop3A_131 : i32 to index
        %parallel_loop3A_141 = arith.constant 0 : index
        %parallel_loop3A_142 = tpu.vector_load %arg8[%parallel_loop3A_140, %parallel_loop3A_141] {strides = array<i32>} : memref<80x64xi32, #tpu.memory_space<vmem>>, vector<16xi32>,
        tpu.vector_store %arg8[%parallel_loop3A_140, %parallel_loop3A_141], %parallel_loop3A_139 {strides = array<i32>} : memref<80x64xi32, #tpu.memory_space<vmem>>, vector<16xi32>,
        %parallel_loop3A_143 = arith.index_cast %parallel_loop3A_131 : i32 to index
        %parallel_loop3A_144 = arith.constant 32 : index
        %parallel_loop3A_145 = tpu.vector_load %arg7[%parallel_loop3A_143, %parallel_loop3A_144] {strides = array<i32>} : memref<80x128xf32, #tpu.memory_space<vmem>>, vector<16xf32>,
        %parallel_loop3A_146 = arith.index_cast %parallel_loop3A_131 : i32 to index
        %parallel_loop3A_147 = arith.constant 48 : index
        %parallel_loop3A_148 = tpu.vector_load %arg7[%parallel_loop3A_146, %parallel_loop3A_147] {strides = array<i32>} : memref<80x128xf32, #tpu.memory_space<vmem>>, vector<16xf32>,
        %parallel_loop3A_149 = tpu.pack_subelements %parallel_loop3A_145, %parallel_loop3A_148 {pack_format = #tpu.pack_format<interleaved>, positions = array<i32: 0, 1>} : vector<16xf32>, vector<16xf32> -> vector<32xbf16>
        %parallel_loop3A_150 = vector.bitcast %parallel_loop3A_149 : vector<32xbf16> to vector<16xi32>
        %parallel_loop3A_151 = arith.index_cast %parallel_loop3A_131 : i32 to index
        %parallel_loop3A_152 = arith.constant 16 : index
        %parallel_loop3A_153 = tpu.vector_load %arg8[%parallel_loop3A_151, %parallel_loop3A_152] {strides = array<i32>} : memref<80x64xi32, #tpu.memory_space<vmem>>, vector<16xi32>,
        tpu.vector_store %arg8[%parallel_loop3A_151, %parallel_loop3A_152], %parallel_loop3A_150 {strides = array<i32>} : memref<80x64xi32, #tpu.memory_space<vmem>>, vector<16xi32>,
        %parallel_loop3A_154 = arith.index_cast %parallel_loop3A_131 : i32 to index
        %parallel_loop3A_155 = arith.constant 64 : index
        %parallel_loop3A_156 = tpu.vector_load %arg7[%parallel_loop3A_154, %parallel_loop3A_155] {strides = array<i32>} : memref<80x128xf32, #tpu.memory_space<vmem>>, vector<16xf32>,
        %parallel_loop3A_157 = arith.index_cast %parallel_loop3A_131 : i32 to index
        %parallel_loop3A_158 = arith.constant 80 : index
        %parallel_loop3A_159 = tpu.vector_load %arg7[%parallel_loop3A_157, %parallel_loop3A_158] {strides = array<i32>} : memref<80x128xf32, #tpu.memory_space<vmem>>, vector<16xf32>,
        %parallel_loop3A_160 = tpu.pack_subelements %parallel_loop3A_156, %parallel_loop3A_159 {pack_format = #tpu.pack_format<interleaved>, positions = array<i32: 0, 1>} : vector<16xf32>, vector<16xf32> -> vector<32xbf16>
        %parallel_loop3A_161 = vector.bitcast %parallel_loop3A_160 : vector<32xbf16> to vector<16xi32>
        %parallel_loop3A_162 = arith.index_cast %parallel_loop3A_131 : i32 to index
        %parallel_loop3A_163 = arith.constant 32 : index
        %parallel_loop3A_164 = tpu.vector_load %arg8[%parallel_loop3A_162, %parallel_loop3A_163] {strides = array<i32>} : memref<80x64xi32, #tpu.memory_space<vmem>>, vector<16xi32>,
        tpu.vector_store %arg8[%parallel_loop3A_162, %parallel_loop3A_163], %parallel_loop3A_161 {strides = array<i32>} : memref<80x64xi32, #tpu.memory_space<vmem>>, vector<16xi32>,
        %parallel_loop3A_165 = arith.index_cast %parallel_loop3A_131 : i32 to index
        %parallel_loop3A_166 = arith.constant 96 : index
        %parallel_loop3A_167 = tpu.vector_load %arg7[%parallel_loop3A_165, %parallel_loop3A_166] {strides = array<i32>} : memref<80x128xf32, #tpu.memory_space<vmem>>, vector<16xf32>,
        %parallel_loop3A_168 = arith.index_cast %parallel_loop3A_131 : i32 to index
        %parallel_loop3A_169 = arith.constant 112 : index
        %parallel_loop3A_170 = tpu.vector_load %arg7[%parallel_loop3A_168, %parallel_loop3A_169] {strides = array<i32>} : memref<80x128xf32, #tpu.memory_space<vmem>>, vector<16xf32>,
        %parallel_loop3A_171 = tpu.pack_subelements %parallel_loop3A_167, %parallel_loop3A_170 {pack_format = #tpu.pack_format<interleaved>, positions = array<i32: 0, 1>} : vector<16xf32>, vector<16xf32> -> vector<32xbf16>
        %parallel_loop3A_172 = vector.bitcast %parallel_loop3A_171 : vector<32xbf16> to vector<16xi32>
        %parallel_loop3A_173 = arith.index_cast %parallel_loop3A_131 : i32 to index
        %parallel_loop3A_174 = arith.constant 48 : index
        %parallel_loop3A_175 = tpu.vector_load %arg8[%parallel_loop3A_173, %parallel_loop3A_174] {strides = array<i32>} : memref<80x64xi32, #tpu.memory_space<vmem>>, vector<16xi32>,
        tpu.vector_store %arg8[%parallel_loop3A_173, %parallel_loop3A_174], %parallel_loop3A_172 {strides = array<i32>} : memref<80x64xi32, #tpu.memory_space<vmem>>, vector<16xi32>,
      } {sc.loop_unroll_factor = 4 : i64, sc.parallel_access}
      "tpu.region"() ({
        %run_scoped3A = tpu.sem_alloc : memref<!tpu.dma_semaphore, #tpu.memory_space<semaphore_mem>>
        %dma_start3A_131 = arith.constant 0 : i32
        %dma_start3A_132 = tpu.memref_slice %arg6[%multiple_of3A_127, %dma_start3A_131] : memref<10000x64xi32, #tpu.memory_space<vmem_shared>> -> memref<80x64xi32, #tpu.memory_space<vmem_shared>>
        %dma_start3A_133 = arith.constant 0 : i32
        %dma_start3A_134 = tpu.memref_slice %arg6[%multiple_of3A_127, %dma_start3A_133] : memref<10000x64xi32, #tpu.memory_space<vmem_shared>> -> memref<80x64xi32, #tpu.memory_space<vmem_shared>>
        tpu.enqueue_dma source(%arg8 : memref<80x64xi32, #tpu.memory_space<vmem>>) target(%dma_start3A_134 : memref<80x64xi32, #tpu.memory_space<vmem_shared>>) target_semaphore(%run_scoped3A : memref<!tpu.dma_semaphore, #tpu.memory_space<semaphore_mem>>)
        %dma_wait3A_135 = arith.constant 0 : i32
        %dma_wait3A_136 = tpu.memref_slice %arg6[%multiple_of3A_127, %dma_wait3A_135] : memref<10000x64xi32, #tpu.memory_space<vmem_shared>> -> memref<80x64xi32, #tpu.memory_space<vmem_shared>>
        %dma_wait3A_137 = arith.constant 0 : i32
        %dma_wait3A_138 = tpu.memref_slice %arg6[%multiple_of3A_127, %dma_wait3A_137] : memref<10000x64xi32, #tpu.memory_space<vmem_shared>> -> memref<80x64xi32, #tpu.memory_space<vmem_shared>>
        tpu.wait_dma2 semaphore(%run_scoped3A : memref<!tpu.dma_semaphore, #tpu.memory_space<semaphore_mem>>) src(%arg8 : memref<80x64xi32, #tpu.memory_space<vmem>>) dst(%dma_wait3A_138 : memref<80x64xi32, #tpu.memory_space<vmem_shared>>)
        tpu.yield
      }) : () -> ()
    } else {
    }
    %add3A_24 = arith.constant 48 : i32
    %add3A_25 = arith.addi %arg1, %add3A_24 : i32
    %lt3A_26 = arith.constant 125 : i32
    %lt3A_27 = arith.cmpi slt, %add3A_25, %lt3A_26 : i32
    %convert_element_type3A_28 = arith.extui %lt3A_27 : i1 to i32
    %cond3A_29 = arith.constant 0 : i32
    %cond3A_30 = arith.cmpi ne, %convert_element_type3A_28, %cond3A_29 : i32
    scf.if %cond3A_30 {
      %mul3A_125 = arith.constant 80 : i32
      %mul3A_126 = arith.muli %add3A_25, %mul3A_125 : i32
      %multiple_of3A_127 = tpu.assume_multiple %mul3A_126, 8 : i32
      "tpu.region"() ({
        %run_scoped3A = tpu.sem_alloc : memref<!tpu.dma_semaphore, #tpu.memory_space<semaphore_mem>>
        %dma_start3A_131 = arith.constant 0 : i32
        %dma_start3A_132 = tpu.memref_slice %arg2[%multiple_of3A_127, %dma_start3A_131] : memref<10000x128xf32, #tpu.memory_space<hbm>> -> memref<80x128xf32, #tpu.memory_space<hbm>>
        %dma_start3A_133 = arith.constant 0 : i32
        %dma_start3A_134 = tpu.memref_slice %arg2[%multiple_of3A_127, %dma_start3A_133] : memref<10000x128xf32, #tpu.memory_space<hbm>> -> memref<80x128xf32, #tpu.memory_space<hbm>>
        tpu.enqueue_dma source(%dma_start3A_134 : memref<80x128xf32, #tpu.memory_space<hbm>>) target(%arg7 : memref<80x128xf32, #tpu.memory_space<vmem>>) target_semaphore(%run_scoped3A : memref<!tpu.dma_semaphore, #tpu.memory_space<semaphore_mem>>)
        %dma_wait3A_135 = arith.constant 0 : i32
        %dma_wait3A_136 = tpu.memref_slice %arg2[%multiple_of3A_127, %dma_wait3A_135] : memref<10000x128xf32, #tpu.memory_space<hbm>> -> memref<80x128xf32, #tpu.memory_space<hbm>>
        %dma_wait3A_137 = arith.constant 0 : i32
        %dma_wait3A_138 = tpu.memref_slice %arg2[%multiple_of3A_127, %dma_wait3A_137] : memref<10000x128xf32, #tpu.memory_space<hbm>> -> memref<80x128xf32, #tpu.memory_space<hbm>>
        tpu.wait_dma2 semaphore(%run_scoped3A : memref<!tpu.dma_semaphore, #tpu.memory_space<semaphore_mem>>) src(%dma_wait3A_138 : memref<80x128xf32, #tpu.memory_space<hbm>>) dst(%arg7 : memref<80x128xf32, #tpu.memory_space<vmem>>)
        tpu.yield
      }) : () -> ()
      %parallel_loop3A_128 = arith.constant 0 : i32
      %parallel_loop3A_129 = arith.constant 80 : i32
      %parallel_loop3A_130 = arith.constant 1 : i32
      scf.for %parallel_loop3A_131 = %parallel_loop3A_128 to %parallel_loop3A_129 step %parallel_loop3A_130  : i32 {
        %parallel_loop3A_132 = arith.index_cast %parallel_loop3A_131 : i32 to index
        %parallel_loop3A_133 = arith.constant 0 : index
        %parallel_loop3A_134 = tpu.vector_load %arg7[%parallel_loop3A_132, %parallel_loop3A_133] {strides = array<i32>} : memref<80x128xf32, #tpu.memory_space<vmem>>, vector<16xf32>,
        %parallel_loop3A_135 = arith.index_cast %parallel_loop3A_131 : i32 to index
        %parallel_loop3A_136 = arith.constant 16 : index
        %parallel_loop3A_137 = tpu.vector_load %arg7[%parallel_loop3A_135, %parallel_loop3A_136] {strides = array<i32>} : memref<80x128xf32, #tpu.memory_space<vmem>>, vector<16xf32>,
        %parallel_loop3A_138 = tpu.pack_subelements %parallel_loop3A_134, %parallel_loop3A_137 {pack_format = #tpu.pack_format<interleaved>, positions = array<i32: 0, 1>} : vector<16xf32>, vector<16xf32> -> vector<32xbf16>
        %parallel_loop3A_139 = vector.bitcast %parallel_loop3A_138 : vector<32xbf16> to vector<16xi32>
        %parallel_loop3A_140 = arith.index_cast %parallel_loop3A_131 : i32 to index
        %parallel_loop3A_141 = arith.constant 0 : index
        %parallel_loop3A_142 = tpu.vector_load %arg8[%parallel_loop3A_140, %parallel_loop3A_141] {strides = array<i32>} : memref<80x64xi32, #tpu.memory_space<vmem>>, vector<16xi32>,
        tpu.vector_store %arg8[%parallel_loop3A_140, %parallel_loop3A_141], %parallel_loop3A_139 {strides = array<i32>} : memref<80x64xi32, #tpu.memory_space<vmem>>, vector<16xi32>,
        %parallel_loop3A_143 = arith.index_cast %parallel_loop3A_131 : i32 to index
        %parallel_loop3A_144 = arith.constant 32 : index
        %parallel_loop3A_145 = tpu.vector_load %arg7[%parallel_loop3A_143, %parallel_loop3A_144] {strides = array<i32>} : memref<80x128xf32, #tpu.memory_space<vmem>>, vector<16xf32>,
        %parallel_loop3A_146 = arith.index_cast %parallel_loop3A_131 : i32 to index
        %parallel_loop3A_147 = arith.constant 48 : index
        %parallel_loop3A_148 = tpu.vector_load %arg7[%parallel_loop3A_146, %parallel_loop3A_147] {strides = array<i32>} : memref<80x128xf32, #tpu.memory_space<vmem>>, vector<16xf32>,
        %parallel_loop3A_149 = tpu.pack_subelements %parallel_loop3A_145, %parallel_loop3A_148 {pack_format = #tpu.pack_format<interleaved>, positions = array<i32: 0, 1>} : vector<16xf32>, vector<16xf32> -> vector<32xbf16>
        %parallel_loop3A_150 = vector.bitcast %parallel_loop3A_149 : vector<32xbf16> to vector<16xi32>
        %parallel_loop3A_151 = arith.index_cast %parallel_loop3A_131 : i32 to index
        %parallel_loop3A_152 = arith.constant 16 : index
        %parallel_loop3A_153 = tpu.vector_load %arg8[%parallel_loop3A_151, %parallel_loop3A_152] {strides = array<i32>} : memref<80x64xi32, #tpu.memory_space<vmem>>, vector<16xi32>,
        tpu.vector_store %arg8[%parallel_loop3A_151, %parallel_loop3A_152], %parallel_loop3A_150 {strides = array<i32>} : memref<80x64xi32, #tpu.memory_space<vmem>>, vector<16xi32>,
        %parallel_loop3A_154 = arith.index_cast %parallel_loop3A_131 : i32 to index
        %parallel_loop3A_155 = arith.constant 64 : index
        %parallel_loop3A_156 = tpu.vector_load %arg7[%parallel_loop3A_154, %parallel_loop3A_155] {strides = array<i32>} : memref<80x128xf32, #tpu.memory_space<vmem>>, vector<16xf32>,
        %parallel_loop3A_157 = arith.index_cast %parallel_loop3A_131 : i32 to index
        %parallel_loop3A_158 = arith.constant 80 : index
        %parallel_loop3A_159 = tpu.vector_load %arg7[%parallel_loop3A_157, %parallel_loop3A_158] {strides = array<i32>} : memref<80x128xf32, #tpu.memory_space<vmem>>, vector<16xf32>,
        %parallel_loop3A_160 = tpu.pack_subelements %parallel_loop3A_156, %parallel_loop3A_159 {pack_format = #tpu.pack_format<interleaved>, positions = array<i32: 0, 1>} : vector<16xf32>, vector<16xf32> -> vector<32xbf16>
        %parallel_loop3A_161 = vector.bitcast %parallel_loop3A_160 : vector<32xbf16> to vector<16xi32>
        %parallel_loop3A_162 = arith.index_cast %parallel_loop3A_131 : i32 to index
        %parallel_loop3A_163 = arith.constant 32 : index
        %parallel_loop3A_164 = tpu.vector_load %arg8[%parallel_loop3A_162, %parallel_loop3A_163] {strides = array<i32>} : memref<80x64xi32, #tpu.memory_space<vmem>>, vector<16xi32>,
        tpu.vector_store %arg8[%parallel_loop3A_162, %parallel_loop3A_163], %parallel_loop3A_161 {strides = array<i32>} : memref<80x64xi32, #tpu.memory_space<vmem>>, vector<16xi32>,
        %parallel_loop3A_165 = arith.index_cast %parallel_loop3A_131 : i32 to index
        %parallel_loop3A_166 = arith.constant 96 : index
        %parallel_loop3A_167 = tpu.vector_load %arg7[%parallel_loop3A_165, %parallel_loop3A_166] {strides = array<i32>} : memref<80x128xf32, #tpu.memory_space<vmem>>, vector<16xf32>,
        %parallel_loop3A_168 = arith.index_cast %parallel_loop3A_131 : i32 to index
        %parallel_loop3A_169 = arith.constant 112 : index
        %parallel_loop3A_170 = tpu.vector_load %arg7[%parallel_loop3A_168, %parallel_loop3A_169] {strides = array<i32>} : memref<80x128xf32, #tpu.memory_space<vmem>>, vector<16xf32>,
        %parallel_loop3A_171 = tpu.pack_subelements %parallel_loop3A_167, %parallel_loop3A_170 {pack_format = #tpu.pack_format<interleaved>, positions = array<i32: 0, 1>} : vector<16xf32>, vector<16xf32> -> vector<32xbf16>
        %parallel_loop3A_172 = vector.bitcast %parallel_loop3A_171 : vector<32xbf16> to vector<16xi32>
        %parallel_loop3A_173 = arith.index_cast %parallel_loop3A_131 : i32 to index
        %parallel_loop3A_174 = arith.constant 48 : index
        %parallel_loop3A_175 = tpu.vector_load %arg8[%parallel_loop3A_173, %parallel_loop3A_174] {strides = array<i32>} : memref<80x64xi32, #tpu.memory_space<vmem>>, vector<16xi32>,
        tpu.vector_store %arg8[%parallel_loop3A_173, %parallel_loop3A_174], %parallel_loop3A_172 {strides = array<i32>} : memref<80x64xi32, #tpu.memory_space<vmem>>, vector<16xi32>,
      } {sc.loop_unroll_factor = 4 : i64, sc.parallel_access}
      "tpu.region"() ({
        %run_scoped3A = tpu.sem_alloc : memref<!tpu.dma_semaphore, #tpu.memory_space<semaphore_mem>>
        %dma_start3A_131 = arith.constant 0 : i32
        %dma_start3A_132 = tpu.memref_slice %arg6[%multiple_of3A_127, %dma_start3A_131] : memref<10000x64xi32, #tpu.memory_space<vmem_shared>> -> memref<80x64xi32, #tpu.memory_space<vmem_shared>>
        %dma_start3A_133 = arith.constant 0 : i32
        %dma_start3A_134 = tpu.memref_slice %arg6[%multiple_of3A_127, %dma_start3A_133] : memref<10000x64xi32, #tpu.memory_space<vmem_shared>> -> memref<80x64xi32, #tpu.memory_space<vmem_shared>>
        tpu.enqueue_dma source(%arg8 : memref<80x64xi32, #tpu.memory_space<vmem>>) target(%dma_start3A_134 : memref<80x64xi32, #tpu.memory_space<vmem_shared>>) target_semaphore(%run_scoped3A : memref<!tpu.dma_semaphore, #tpu.memory_space<semaphore_mem>>)
        %dma_wait3A_135 = arith.constant 0 : i32
        %dma_wait3A_136 = tpu.memref_slice %arg6[%multiple_of3A_127, %dma_wait3A_135] : memref<10000x64xi32, #tpu.memory_space<vmem_shared>> -> memref<80x64xi32, #tpu.memory_space<vmem_shared>>
        %dma_wait3A_137 = arith.constant 0 : i32
        %dma_wait3A_138 = tpu.memref_slice %arg6[%multiple_of3A_127, %dma_wait3A_137] : memref<10000x64xi32, #tpu.memory_space<vmem_shared>> -> memref<80x64xi32, #tpu.memory_space<vmem_shared>>
        tpu.wait_dma2 semaphore(%run_scoped3A : memref<!tpu.dma_semaphore, #tpu.memory_space<semaphore_mem>>) src(%arg8 : memref<80x64xi32, #tpu.memory_space<vmem>>) dst(%dma_wait3A_138 : memref<80x64xi32, #tpu.memory_space<vmem_shared>>)
        tpu.yield
      }) : () -> ()
    } else {
    }
    %add3A_31 = arith.constant 64 : i32
    %add3A_32 = arith.addi %arg1, %add3A_31 : i32
    %lt3A_33 = arith.constant 125 : i32
    %lt3A_34 = arith.cmpi slt, %add3A_32, %lt3A_33 : i32
    %convert_element_type3A_35 = arith.extui %lt3A_34 : i1 to i32
    %cond3A_36 = arith.constant 0 : i32
    %cond3A_37 = arith.cmpi ne, %convert_element_type3A_35, %cond3A_36 : i32
    scf.if %cond3A_37 {
      %mul3A_125 = arith.constant 80 : i32
      %mul3A_126 = arith.muli %add3A_32, %mul3A_125 : i32
      %multiple_of3A_127 = tpu.assume_multiple %mul3A_126, 8 : i32
      "tpu.region"() ({
        %run_scoped3A = tpu.sem_alloc : memref<!tpu.dma_semaphore, #tpu.memory_space<semaphore_mem>>
        %dma_start3A_131 = arith.constant 0 : i32
        %dma_start3A_132 = tpu.memref_slice %arg2[%multiple_of3A_127, %dma_start3A_131] : memref<10000x128xf32, #tpu.memory_space<hbm>> -> memref<80x128xf32, #tpu.memory_space<hbm>>
        %dma_start3A_133 = arith.constant 0 : i32
        %dma_start3A_134 = tpu.memref_slice %arg2[%multiple_of3A_127, %dma_start3A_133] : memref<10000x128xf32, #tpu.memory_space<hbm>> -> memref<80x128xf32, #tpu.memory_space<hbm>>
        tpu.enqueue_dma source(%dma_start3A_134 : memref<80x128xf32, #tpu.memory_space<hbm>>) target(%arg7 : memref<80x128xf32, #tpu.memory_space<vmem>>) target_semaphore(%run_scoped3A : memref<!tpu.dma_semaphore, #tpu.memory_space<semaphore_mem>>)
        %dma_wait3A_135 = arith.constant 0 : i32
        %dma_wait3A_136 = tpu.memref_slice %arg2[%multiple_of3A_127, %dma_wait3A_135] : memref<10000x128xf32, #tpu.memory_space<hbm>> -> memref<80x128xf32, #tpu.memory_space<hbm>>
        %dma_wait3A_137 = arith.constant 0 : i32
        %dma_wait3A_138 = tpu.memref_slice %arg2[%multiple_of3A_127, %dma_wait3A_137] : memref<10000x128xf32, #tpu.memory_space<hbm>> -> memref<80x128xf32, #tpu.memory_space<hbm>>
        tpu.wait_dma2 semaphore(%run_scoped3A : memref<!tpu.dma_semaphore, #tpu.memory_space<semaphore_mem>>) src(%dma_wait3A_138 : memref<80x128xf32, #tpu.memory_space<hbm>>) dst(%arg7 : memref<80x128xf32, #tpu.memory_space<vmem>>)
        tpu.yield
      }) : () -> ()
      %parallel_loop3A_128 = arith.constant 0 : i32
      %parallel_loop3A_129 = arith.constant 80 : i32
      %parallel_loop3A_130 = arith.constant 1 : i32
      scf.for %parallel_loop3A_131 = %parallel_loop3A_128 to %parallel_loop3A_129 step %parallel_loop3A_130  : i32 {
        %parallel_loop3A_132 = arith.index_cast %parallel_loop3A_131 : i32 to index
        %parallel_loop3A_133 = arith.constant 0 : index
        %parallel_loop3A_134 = tpu.vector_load %arg7[%parallel_loop3A_132, %parallel_loop3A_133] {strides = array<i32>} : memref<80x128xf32, #tpu.memory_space<vmem>>, vector<16xf32>,
        %parallel_loop3A_135 = arith.index_cast %parallel_loop3A_131 : i32 to index
        %parallel_loop3A_136 = arith.constant 16 : index
        %parallel_loop3A_137 = tpu.vector_load %arg7[%parallel_loop3A_135, %parallel_loop3A_136] {strides = array<i32>} : memref<80x128xf32, #tpu.memory_space<vmem>>, vector<16xf32>,
        %parallel_loop3A_138 = tpu.pack_subelements %parallel_loop3A_134, %parallel_loop3A_137 {pack_format = #tpu.pack_format<interleaved>, positions = array<i32: 0, 1>} : vector<16xf32>, vector<16xf32> -> vector<32xbf16>
        %parallel_loop3A_139 = vector.bitcast %parallel_loop3A_138 : vector<32xbf16> to vector<16xi32>
        %parallel_loop3A_140 = arith.index_cast %parallel_loop3A_131 : i32 to index
        %parallel_loop3A_141 = arith.constant 0 : index
        %parallel_loop3A_142 = tpu.vector_load %arg8[%parallel_loop3A_140, %parallel_loop3A_141] {strides = array<i32>} : memref<80x64xi32, #tpu.memory_space<vmem>>, vector<16xi32>,
        tpu.vector_store %arg8[%parallel_loop3A_140, %parallel_loop3A_141], %parallel_loop3A_139 {strides = array<i32>} : memref<80x64xi32, #tpu.memory_space<vmem>>, vector<16xi32>,
        %parallel_loop3A_143 = arith.index_cast %parallel_loop3A_131 : i32 to index
        %parallel_loop3A_144 = arith.constant 32 : index
        %parallel_loop3A_145 = tpu.vector_load %arg7[%parallel_loop3A_143, %parallel_loop3A_144] {strides = array<i32>} : memref<80x128xf32, #tpu.memory_space<vmem>>, vector<16xf32>,
        %parallel_loop3A_146 = arith.index_cast %parallel_loop3A_131 : i32 to index
        %parallel_loop3A_147 = arith.constant 48 : index
        %parallel_loop3A_148 = tpu.vector_load %arg7[%parallel_loop3A_146, %parallel_loop3A_147] {strides = array<i32>} : memref<80x128xf32, #tpu.memory_space<vmem>>, vector<16xf32>,
        %parallel_loop3A_149 = tpu.pack_subelements %parallel_loop3A_145, %parallel_loop3A_148 {pack_format = #tpu.pack_format<interleaved>, positions = array<i32: 0, 1>} : vector<16xf32>, vector<16xf32> -> vector<32xbf16>
        %parallel_loop3A_150 = vector.bitcast %parallel_loop3A_149 : vector<32xbf16> to vector<16xi32>
        %parallel_loop3A_151 = arith.index_cast %parallel_loop3A_131 : i32 to index
        %parallel_loop3A_152 = arith.constant 16 : index
        %parallel_loop3A_153 = tpu.vector_load %arg8[%parallel_loop3A_151, %parallel_loop3A_152] {strides = array<i32>} : memref<80x64xi32, #tpu.memory_space<vmem>>, vector<16xi32>,
        tpu.vector_store %arg8[%parallel_loop3A_151, %parallel_loop3A_152], %parallel_loop3A_150 {strides = array<i32>} : memref<80x64xi32, #tpu.memory_space<vmem>>, vector<16xi32>,
        %parallel_loop3A_154 = arith.index_cast %parallel_loop3A_131 : i32 to index
        %parallel_loop3A_155 = arith.constant 64 : index
        %parallel_loop3A_156 = tpu.vector_load %arg7[%parallel_loop3A_154, %parallel_loop3A_155] {strides = array<i32>} : memref<80x128xf32, #tpu.memory_space<vmem>>, vector<16xf32>,
        %parallel_loop3A_157 = arith.index_cast %parallel_loop3A_131 : i32 to index
        %parallel_loop3A_158 = arith.constant 80 : index
        %parallel_loop3A_159 = tpu.vector_load %arg7[%parallel_loop3A_157, %parallel_loop3A_158] {strides = array<i32>} : memref<80x128xf32, #tpu.memory_space<vmem>>, vector<16xf32>,
        %parallel_loop3A_160 = tpu.pack_subelements %parallel_loop3A_156, %parallel_loop3A_159 {pack_format = #tpu.pack_format<interleaved>, positions = array<i32: 0, 1>} : vector<16xf32>, vector<16xf32> -> vector<32xbf16>
        %parallel_loop3A_161 = vector.bitcast %parallel_loop3A_160 : vector<32xbf16> to vector<16xi32>
        %parallel_loop3A_162 = arith.index_cast %parallel_loop3A_131 : i32 to index
        %parallel_loop3A_163 = arith.constant 32 : index
        %parallel_loop3A_164 = tpu.vector_load %arg8[%parallel_loop3A_162, %parallel_loop3A_163] {strides = array<i32>} : memref<80x64xi32, #tpu.memory_space<vmem>>, vector<16xi32>,
        tpu.vector_store %arg8[%parallel_loop3A_162, %parallel_loop3A_163], %parallel_loop3A_161 {strides = array<i32>} : memref<80x64xi32, #tpu.memory_space<vmem>>, vector<16xi32>,
        %parallel_loop3A_165 = arith.index_cast %parallel_loop3A_131 : i32 to index
        %parallel_loop3A_166 = arith.constant 96 : index
        %parallel_loop3A_167 = tpu.vector_load %arg7[%parallel_loop3A_165, %parallel_loop3A_166] {strides = array<i32>} : memref<80x128xf32, #tpu.memory_space<vmem>>, vector<16xf32>,
        %parallel_loop3A_168 = arith.index_cast %parallel_loop3A_131 : i32 to index
        %parallel_loop3A_169 = arith.constant 112 : index
        %parallel_loop3A_170 = tpu.vector_load %arg7[%parallel_loop3A_168, %parallel_loop3A_169] {strides = array<i32>} : memref<80x128xf32, #tpu.memory_space<vmem>>, vector<16xf32>,
        %parallel_loop3A_171 = tpu.pack_subelements %parallel_loop3A_167, %parallel_loop3A_170 {pack_format = #tpu.pack_format<interleaved>, positions = array<i32: 0, 1>} : vector<16xf32>, vector<16xf32> -> vector<32xbf16>
        %parallel_loop3A_172 = vector.bitcast %parallel_loop3A_171 : vector<32xbf16> to vector<16xi32>
        %parallel_loop3A_173 = arith.index_cast %parallel_loop3A_131 : i32 to index
        %parallel_loop3A_174 = arith.constant 48 : index
        %parallel_loop3A_175 = tpu.vector_load %arg8[%parallel_loop3A_173, %parallel_loop3A_174] {strides = array<i32>} : memref<80x64xi32, #tpu.memory_space<vmem>>, vector<16xi32>,
        tpu.vector_store %arg8[%parallel_loop3A_173, %parallel_loop3A_174], %parallel_loop3A_172 {strides = array<i32>} : memref<80x64xi32, #tpu.memory_space<vmem>>, vector<16xi32>,
      } {sc.loop_unroll_factor = 4 : i64, sc.parallel_access}
      "tpu.region"() ({
        %run_scoped3A = tpu.sem_alloc : memref<!tpu.dma_semaphore, #tpu.memory_space<semaphore_mem>>
        %dma_start3A_131 = arith.constant 0 : i32
        %dma_start3A_132 = tpu.memref_slice %arg6[%multiple_of3A_127, %dma_start3A_131] : memref<10000x64xi32, #tpu.memory_space<vmem_shared>> -> memref<80x64xi32, #tpu.memory_space<vmem_shared>>
        %dma_start3A_133 = arith.constant 0 : i32
        %dma_start3A_134 = tpu.memref_slice %arg6[%multiple_of3A_127, %dma_start3A_133] : memref<10000x64xi32, #tpu.memory_space<vmem_shared>> -> memref<80x64xi32, #tpu.memory_space<vmem_shared>>
        tpu.enqueue_dma source(%arg8 : memref<80x64xi32, #tpu.memory_space<vmem>>) target(%dma_start3A_134 : memref<80x64xi32, #tpu.memory_space<vmem_shared>>) target_semaphore(%run_scoped3A : memref<!tpu.dma_semaphore, #tpu.memory_space<semaphore_mem>>)
        %dma_wait3A_135 = arith.constant 0 : i32
        %dma_wait3A_136 = tpu.memref_slice %arg6[%multiple_of3A_127, %dma_wait3A_135] : memref<10000x64xi32, #tpu.memory_space<vmem_shared>> -> memref<80x64xi32, #tpu.memory_space<vmem_shared>>
        %dma_wait3A_137 = arith.constant 0 : i32
        %dma_wait3A_138 = tpu.memref_slice %arg6[%multiple_of3A_127, %dma_wait3A_137] : memref<10000x64xi32, #tpu.memory_space<vmem_shared>> -> memref<80x64xi32, #tpu.memory_space<vmem_shared>>
        tpu.wait_dma2 semaphore(%run_scoped3A : memref<!tpu.dma_semaphore, #tpu.memory_space<semaphore_mem>>) src(%arg8 : memref<80x64xi32, #tpu.memory_space<vmem>>) dst(%dma_wait3A_138 : memref<80x64xi32, #tpu.memory_space<vmem_shared>>)
        tpu.yield
      }) : () -> ()
    } else {
    }
    %add3A_38 = arith.constant 80 : i32
    %add3A_39 = arith.addi %arg1, %add3A_38 : i32
    %lt3A_40 = arith.constant 125 : i32
    %lt3A_41 = arith.cmpi slt, %add3A_39, %lt3A_40 : i32
    %convert_element_type3A_42 = arith.extui %lt3A_41 : i1 to i32
    %cond3A_43 = arith.constant 0 : i32
    %cond3A_44 = arith.cmpi ne, %convert_element_type3A_42, %cond3A_43 : i32
    scf.if %cond3A_44 {
      %mul3A_125 = arith.constant 80 : i32
      %mul3A_126 = arith.muli %add3A_39, %mul3A_125 : i32
      %multiple_of3A_127 = tpu.assume_multiple %mul3A_126, 8 : i32
      "tpu.region"() ({
        %run_scoped3A = tpu.sem_alloc : memref<!tpu.dma_semaphore, #tpu.memory_space<semaphore_mem>>
        %dma_start3A_131 = arith.constant 0 : i32
        %dma_start3A_132 = tpu.memref_slice %arg2[%multiple_of3A_127, %dma_start3A_131] : memref<10000x128xf32, #tpu.memory_space<hbm>> -> memref<80x128xf32, #tpu.memory_space<hbm>>
        %dma_start3A_133 = arith.constant 0 : i32
        %dma_start3A_134 = tpu.memref_slice %arg2[%multiple_of3A_127, %dma_start3A_133] : memref<10000x128xf32, #tpu.memory_space<hbm>> -> memref<80x128xf32, #tpu.memory_space<hbm>>
        tpu.enqueue_dma source(%dma_start3A_134 : memref<80x128xf32, #tpu.memory_space<hbm>>) target(%arg7 : memref<80x128xf32, #tpu.memory_space<vmem>>) target_semaphore(%run_scoped3A : memref<!tpu.dma_semaphore, #tpu.memory_space<semaphore_mem>>)
        %dma_wait3A_135 = arith.constant 0 : i32
        %dma_wait3A_136 = tpu.memref_slice %arg2[%multiple_of3A_127, %dma_wait3A_135] : memref<10000x128xf32, #tpu.memory_space<hbm>> -> memref<80x128xf32, #tpu.memory_space<hbm>>
        %dma_wait3A_137 = arith.constant 0 : i32
        %dma_wait3A_138 = tpu.memref_slice %arg2[%multiple_of3A_127, %dma_wait3A_137] : memref<10000x128xf32, #tpu.memory_space<hbm>> -> memref<80x128xf32, #tpu.memory_space<hbm>>
        tpu.wait_dma2 semaphore(%run_scoped3A : memref<!tpu.dma_semaphore, #tpu.memory_space<semaphore_mem>>) src(%dma_wait3A_138 : memref<80x128xf32, #tpu.memory_space<hbm>>) dst(%arg7 : memref<80x128xf32, #tpu.memory_space<vmem>>)
        tpu.yield
      }) : () -> ()
      %parallel_loop3A_128 = arith.constant 0 : i32
      %parallel_loop3A_129 = arith.constant 80 : i32
      %parallel_loop3A_130 = arith.constant 1 : i32
      scf.for %parallel_loop3A_131 = %parallel_loop3A_128 to %parallel_loop3A_129 step %parallel_loop3A_130  : i32 {
        %parallel_loop3A_132 = arith.index_cast %parallel_loop3A_131 : i32 to index
        %parallel_loop3A_133 = arith.constant 0 : index
        %parallel_loop3A_134 = tpu.vector_load %arg7[%parallel_loop3A_132, %parallel_loop3A_133] {strides = array<i32>} : memref<80x128xf32, #tpu.memory_space<vmem>>, vector<16xf32>,
        %parallel_loop3A_135 = arith.index_cast %parallel_loop3A_131 : i32 to index
        %parallel_loop3A_136 = arith.constant 16 : index
        %parallel_loop3A_137 = tpu.vector_load %arg7[%parallel_loop3A_135, %parallel_loop3A_136] {strides = array<i32>} : memref<80x128xf32, #tpu.memory_space<vmem>>, vector<16xf32>,
        %parallel_loop3A_138 = tpu.pack_subelements %parallel_loop3A_134, %parallel_loop3A_137 {pack_format = #tpu.pack_format<interleaved>, positions = array<i32: 0, 1>} : vector<16xf32>, vector<16xf32> -> vector<32xbf16>
        %parallel_loop3A_139 = vector.bitcast %parallel_loop3A_138 : vector<32xbf16> to vector<16xi32>
        %parallel_loop3A_140 = arith.index_cast %parallel_loop3A_131 : i32 to index
        %parallel_loop3A_141 = arith.constant 0 : index
        %parallel_loop3A_142 = tpu.vector_load %arg8[%parallel_loop3A_140, %parallel_loop3A_141] {strides = array<i32>} : memref<80x64xi32, #tpu.memory_space<vmem>>, vector<16xi32>,
        tpu.vector_store %arg8[%parallel_loop3A_140, %parallel_loop3A_141], %parallel_loop3A_139 {strides = array<i32>} : memref<80x64xi32, #tpu.memory_space<vmem>>, vector<16xi32>,
        %parallel_loop3A_143 = arith.index_cast %parallel_loop3A_131 : i32 to index
        %parallel_loop3A_144 = arith.constant 32 : index
        %parallel_loop3A_145 = tpu.vector_load %arg7[%parallel_loop3A_143, %parallel_loop3A_144] {strides = array<i32>} : memref<80x128xf32, #tpu.memory_space<vmem>>, vector<16xf32>,
        %parallel_loop3A_146 = arith.index_cast %parallel_loop3A_131 : i32 to index
        %parallel_loop3A_147 = arith.constant 48 : index
        %parallel_loop3A_148 = tpu.vector_load %arg7[%parallel_loop3A_146, %parallel_loop3A_147] {strides = array<i32>} : memref<80x128xf32, #tpu.memory_space<vmem>>, vector<16xf32>,
        %parallel_loop3A_149 = tpu.pack_subelements %parallel_loop3A_145, %parallel_loop3A_148 {pack_format = #tpu.pack_format<interleaved>, positions = array<i32: 0, 1>} : vector<16xf32>, vector<16xf32> -> vector<32xbf16>
        %parallel_loop3A_150 = vector.bitcast %parallel_loop3A_149 : vector<32xbf16> to vector<16xi32>
        %parallel_loop3A_151 = arith.index_cast %parallel_loop3A_131 : i32 to index
        %parallel_loop3A_152 = arith.constant 16 : index
        %parallel_loop3A_153 = tpu.vector_load %arg8[%parallel_loop3A_151, %parallel_loop3A_152] {strides = array<i32>} : memref<80x64xi32, #tpu.memory_space<vmem>>, vector<16xi32>,
        tpu.vector_store %arg8[%parallel_loop3A_151, %parallel_loop3A_152], %parallel_loop3A_150 {strides = array<i32>} : memref<80x64xi32, #tpu.memory_space<vmem>>, vector<16xi32>,
        %parallel_loop3A_154 = arith.index_cast %parallel_loop3A_131 : i32 to index
        %parallel_loop3A_155 = arith.constant 64 : index
        %parallel_loop3A_156 = tpu.vector_load %arg7[%parallel_loop3A_154, %parallel_loop3A_155] {strides = array<i32>} : memref<80x128xf32, #tpu.memory_space<vmem>>, vector<16xf32>,
        %parallel_loop3A_157 = arith.index_cast %parallel_loop3A_131 : i32 to index
        %parallel_loop3A_158 = arith.constant 80 : index
        %parallel_loop3A_159 = tpu.vector_load %arg7[%parallel_loop3A_157, %parallel_loop3A_158] {strides = array<i32>} : memref<80x128xf32, #tpu.memory_space<vmem>>, vector<16xf32>,
        %parallel_loop3A_160 = tpu.pack_subelements %parallel_loop3A_156, %parallel_loop3A_159 {pack_format = #tpu.pack_format<interleaved>, positions = array<i32: 0, 1>} : vector<16xf32>, vector<16xf32> -> vector<32xbf16>
        %parallel_loop3A_161 = vector.bitcast %parallel_loop3A_160 : vector<32xbf16> to vector<16xi32>
        %parallel_loop3A_162 = arith.index_cast %parallel_loop3A_131 : i32 to index
        %parallel_loop3A_163 = arith.constant 32 : index
        %parallel_loop3A_164 = tpu.vector_load %arg8[%parallel_loop3A_162, %parallel_loop3A_163] {strides = array<i32>} : memref<80x64xi32, #tpu.memory_space<vmem>>, vector<16xi32>,
        tpu.vector_store %arg8[%parallel_loop3A_162, %parallel_loop3A_163], %parallel_loop3A_161 {strides = array<i32>} : memref<80x64xi32, #tpu.memory_space<vmem>>, vector<16xi32>,
        %parallel_loop3A_165 = arith.index_cast %parallel_loop3A_131 : i32 to index
        %parallel_loop3A_166 = arith.constant 96 : index
        %parallel_loop3A_167 = tpu.vector_load %arg7[%parallel_loop3A_165, %parallel_loop3A_166] {strides = array<i32>} : memref<80x128xf32, #tpu.memory_space<vmem>>, vector<16xf32>,
        %parallel_loop3A_168 = arith.index_cast %parallel_loop3A_131 : i32 to index
        %parallel_loop3A_169 = arith.constant 112 : index
        %parallel_loop3A_170 = tpu.vector_load %arg7[%parallel_loop3A_168, %parallel_loop3A_169] {strides = array<i32>} : memref<80x128xf32, #tpu.memory_space<vmem>>, vector<16xf32>,
        %parallel_loop3A_171 = tpu.pack_subelements %parallel_loop3A_167, %parallel_loop3A_170 {pack_format = #tpu.pack_format<interleaved>, positions = array<i32: 0, 1>} : vector<16xf32>, vector<16xf32> -> vector<32xbf16>
        %parallel_loop3A_172 = vector.bitcast %parallel_loop3A_171 : vector<32xbf16> to vector<16xi32>
        %parallel_loop3A_173 = arith.index_cast %parallel_loop3A_131 : i32 to index
        %parallel_loop3A_174 = arith.constant 48 : index
        %parallel_loop3A_175 = tpu.vector_load %arg8[%parallel_loop3A_173, %parallel_loop3A_174] {strides = array<i32>} : memref<80x64xi32, #tpu.memory_space<vmem>>, vector<16xi32>,
        tpu.vector_store %arg8[%parallel_loop3A_173, %parallel_loop3A_174], %parallel_loop3A_172 {strides = array<i32>} : memref<80x64xi32, #tpu.memory_space<vmem>>, vector<16xi32>,
      } {sc.loop_unroll_factor = 4 : i64, sc.parallel_access}
      "tpu.region"() ({
        %run_scoped3A = tpu.sem_alloc : memref<!tpu.dma_semaphore, #tpu.memory_space<semaphore_mem>>
        %dma_start3A_131 = arith.constant 0 : i32
        %dma_start3A_132 = tpu.memref_slice %arg6[%multiple_of3A_127, %dma_start3A_131] : memref<10000x64xi32, #tpu.memory_space<vmem_shared>> -> memref<80x64xi32, #tpu.memory_space<vmem_shared>>
        %dma_start3A_133 = arith.constant 0 : i32
        %dma_start3A_134 = tpu.memref_slice %arg6[%multiple_of3A_127, %dma_start3A_133] : memref<10000x64xi32, #tpu.memory_space<vmem_shared>> -> memref<80x64xi32, #tpu.memory_space<vmem_shared>>
        tpu.enqueue_dma source(%arg8 : memref<80x64xi32, #tpu.memory_space<vmem>>) target(%dma_start3A_134 : memref<80x64xi32, #tpu.memory_space<vmem_shared>>) target_semaphore(%run_scoped3A : memref<!tpu.dma_semaphore, #tpu.memory_space<semaphore_mem>>)
        %dma_wait3A_135 = arith.constant 0 : i32
        %dma_wait3A_136 = tpu.memref_slice %arg6[%multiple_of3A_127, %dma_wait3A_135] : memref<10000x64xi32, #tpu.memory_space<vmem_shared>> -> memref<80x64xi32, #tpu.memory_space<vmem_shared>>
        %dma_wait3A_137 = arith.constant 0 : i32
        %dma_wait3A_138 = tpu.memref_slice %arg6[%multiple_of3A_127, %dma_wait3A_137] : memref<10000x64xi32, #tpu.memory_space<vmem_shared>> -> memref<80x64xi32, #tpu.memory_space<vmem_shared>>
        tpu.wait_dma2 semaphore(%run_scoped3A : memref<!tpu.dma_semaphore, #tpu.memory_space<semaphore_mem>>) src(%arg8 : memref<80x64xi32, #tpu.memory_space<vmem>>) dst(%dma_wait3A_138 : memref<80x64xi32, #tpu.memory_space<vmem_shared>>)
        tpu.yield
      }) : () -> ()
    } else {
    }
    %add3A_45 = arith.constant 96 : i32
    %add3A_46 = arith.addi %arg1, %add3A_45 : i32
    %lt3A_47 = arith.constant 125 : i32
    %lt3A_48 = arith.cmpi slt, %add3A_46, %lt3A_47 : i32
    %convert_element_type3A_49 = arith.extui %lt3A_48 : i1 to i32
    %cond3A_50 = arith.constant 0 : i32
    %cond3A_51 = arith.cmpi ne, %convert_element_type3A_49, %cond3A_50 : i32
    scf.if %cond3A_51 {
      %mul3A_125 = arith.constant 80 : i32
      %mul3A_126 = arith.muli %add3A_46, %mul3A_125 : i32
      %multiple_of3A_127 = tpu.assume_multiple %mul3A_126, 8 : i32
      "tpu.region"() ({
        %run_scoped3A = tpu.sem_alloc : memref<!tpu.dma_semaphore, #tpu.memory_space<semaphore_mem>>
        %dma_start3A_131 = arith.constant 0 : i32
        %dma_start3A_132 = tpu.memref_slice %arg2[%multiple_of3A_127, %dma_start3A_131] : memref<10000x128xf32, #tpu.memory_space<hbm>> -> memref<80x128xf32, #tpu.memory_space<hbm>>
        %dma_start3A_133 = arith.constant 0 : i32
        %dma_start3A_134 = tpu.memref_slice %arg2[%multiple_of3A_127, %dma_start3A_133] : memref<10000x128xf32, #tpu.memory_space<hbm>> -> memref<80x128xf32, #tpu.memory_space<hbm>>
        tpu.enqueue_dma source(%dma_start3A_134 : memref<80x128xf32, #tpu.memory_space<hbm>>) target(%arg7 : memref<80x128xf32, #tpu.memory_space<vmem>>) target_semaphore(%run_scoped3A : memref<!tpu.dma_semaphore, #tpu.memory_space<semaphore_mem>>)
        %dma_wait3A_135 = arith.constant 0 : i32
        %dma_wait3A_136 = tpu.memref_slice %arg2[%multiple_of3A_127, %dma_wait3A_135] : memref<10000x128xf32, #tpu.memory_space<hbm>> -> memref<80x128xf32, #tpu.memory_space<hbm>>
        %dma_wait3A_137 = arith.constant 0 : i32
        %dma_wait3A_138 = tpu.memref_slice %arg2[%multiple_of3A_127, %dma_wait3A_137] : memref<10000x128xf32, #tpu.memory_space<hbm>> -> memref<80x128xf32, #tpu.memory_space<hbm>>
        tpu.wait_dma2 semaphore(%run_scoped3A : memref<!tpu.dma_semaphore, #tpu.memory_space<semaphore_mem>>) src(%dma_wait3A_138 : memref<80x128xf32, #tpu.memory_space<hbm>>) dst(%arg7 : memref<80x128xf32, #tpu.memory_space<vmem>>)
        tpu.yield
      }) : () -> ()
      %parallel_loop3A_128 = arith.constant 0 : i32
      %parallel_loop3A_129 = arith.constant 80 : i32
      %parallel_loop3A_130 = arith.constant 1 : i32
      scf.for %parallel_loop3A_131 = %parallel_loop3A_128 to %parallel_loop3A_129 step %parallel_loop3A_130  : i32 {
        %parallel_loop3A_132 = arith.index_cast %parallel_loop3A_131 : i32 to index
        %parallel_loop3A_133 = arith.constant 0 : index
        %parallel_loop3A_134 = tpu.vector_load %arg7[%parallel_loop3A_132, %parallel_loop3A_133] {strides = array<i32>} : memref<80x128xf32, #tpu.memory_space<vmem>>, vector<16xf32>,
        %parallel_loop3A_135 = arith.index_cast %parallel_loop3A_131 : i32 to index
        %parallel_loop3A_136 = arith.constant 16 : index
        %parallel_loop3A_137 = tpu.vector_load %arg7[%parallel_loop3A_135, %parallel_loop3A_136] {strides = array<i32>} : memref<80x128xf32, #tpu.memory_space<vmem>>, vector<16xf32>,
        %parallel_loop3A_138 = tpu.pack_subelements %parallel_loop3A_134, %parallel_loop3A_137 {pack_format = #tpu.pack_format<interleaved>, positions = array<i32: 0, 1>} : vector<16xf32>, vector<16xf32> -> vector<32xbf16>
        %parallel_loop3A_139 = vector.bitcast %parallel_loop3A_138 : vector<32xbf16> to vector<16xi32>
        %parallel_loop3A_140 = arith.index_cast %parallel_loop3A_131 : i32 to index
        %parallel_loop3A_141 = arith.constant 0 : index
        %parallel_loop3A_142 = tpu.vector_load %arg8[%parallel_loop3A_140, %parallel_loop3A_141] {strides = array<i32>} : memref<80x64xi32, #tpu.memory_space<vmem>>, vector<16xi32>,
        tpu.vector_store %arg8[%parallel_loop3A_140, %parallel_loop3A_141], %parallel_loop3A_139 {strides = array<i32>} : memref<80x64xi32, #tpu.memory_space<vmem>>, vector<16xi32>,
        %parallel_loop3A_143 = arith.index_cast %parallel_loop3A_131 : i32 to index
        %parallel_loop3A_144 = arith.constant 32 : index
        %parallel_loop3A_145 = tpu.vector_load %arg7[%parallel_loop3A_143, %parallel_loop3A_144] {strides = array<i32>} : memref<80x128xf32, #tpu.memory_space<vmem>>, vector<16xf32>,
        %parallel_loop3A_146 = arith.index_cast %parallel_loop3A_131 : i32 to index
        %parallel_loop3A_147 = arith.constant 48 : index
        %parallel_loop3A_148 = tpu.vector_load %arg7[%parallel_loop3A_146, %parallel_loop3A_147] {strides = array<i32>} : memref<80x128xf32, #tpu.memory_space<vmem>>, vector<16xf32>,
        %parallel_loop3A_149 = tpu.pack_subelements %parallel_loop3A_145, %parallel_loop3A_148 {pack_format = #tpu.pack_format<interleaved>, positions = array<i32: 0, 1>} : vector<16xf32>, vector<16xf32> -> vector<32xbf16>
        %parallel_loop3A_150 = vector.bitcast %parallel_loop3A_149 : vector<32xbf16> to vector<16xi32>
        %parallel_loop3A_151 = arith.index_cast %parallel_loop3A_131 : i32 to index
        %parallel_loop3A_152 = arith.constant 16 : index
        %parallel_loop3A_153 = tpu.vector_load %arg8[%parallel_loop3A_151, %parallel_loop3A_152] {strides = array<i32>} : memref<80x64xi32, #tpu.memory_space<vmem>>, vector<16xi32>,
        tpu.vector_store %arg8[%parallel_loop3A_151, %parallel_loop3A_152], %parallel_loop3A_150 {strides = array<i32>} : memref<80x64xi32, #tpu.memory_space<vmem>>, vector<16xi32>,
        %parallel_loop3A_154 = arith.index_cast %parallel_loop3A_131 : i32 to index
        %parallel_loop3A_155 = arith.constant 64 : index
        %parallel_loop3A_156 = tpu.vector_load %arg7[%parallel_loop3A_154, %parallel_loop3A_155] {strides = array<i32>} : memref<80x128xf32, #tpu.memory_space<vmem>>, vector<16xf32>,
        %parallel_loop3A_157 = arith.index_cast %parallel_loop3A_131 : i32 to index
        %parallel_loop3A_158 = arith.constant 80 : index
        %parallel_loop3A_159 = tpu.vector_load %arg7[%parallel_loop3A_157, %parallel_loop3A_158] {strides = array<i32>} : memref<80x128xf32, #tpu.memory_space<vmem>>, vector<16xf32>,
        %parallel_loop3A_160 = tpu.pack_subelements %parallel_loop3A_156, %parallel_loop3A_159 {pack_format = #tpu.pack_format<interleaved>, positions = array<i32: 0, 1>} : vector<16xf32>, vector<16xf32> -> vector<32xbf16>
        %parallel_loop3A_161 = vector.bitcast %parallel_loop3A_160 : vector<32xbf16> to vector<16xi32>
        %parallel_loop3A_162 = arith.index_cast %parallel_loop3A_131 : i32 to index
        %parallel_loop3A_163 = arith.constant 32 : index
        %parallel_loop3A_164 = tpu.vector_load %arg8[%parallel_loop3A_162, %parallel_loop3A_163] {strides = array<i32>} : memref<80x64xi32, #tpu.memory_space<vmem>>, vector<16xi32>,
        tpu.vector_store %arg8[%parallel_loop3A_162, %parallel_loop3A_163], %parallel_loop3A_161 {strides = array<i32>} : memref<80x64xi32, #tpu.memory_space<vmem>>, vector<16xi32>,
        %parallel_loop3A_165 = arith.index_cast %parallel_loop3A_131 : i32 to index
        %parallel_loop3A_166 = arith.constant 96 : index
        %parallel_loop3A_167 = tpu.vector_load %arg7[%parallel_loop3A_165, %parallel_loop3A_166] {strides = array<i32>} : memref<80x128xf32, #tpu.memory_space<vmem>>, vector<16xf32>,
        %parallel_loop3A_168 = arith.index_cast %parallel_loop3A_131 : i32 to index
        %parallel_loop3A_169 = arith.constant 112 : index
        %parallel_loop3A_170 = tpu.vector_load %arg7[%parallel_loop3A_168, %parallel_loop3A_169] {strides = array<i32>} : memref<80x128xf32, #tpu.memory_space<vmem>>, vector<16xf32>,
        %parallel_loop3A_171 = tpu.pack_subelements %parallel_loop3A_167, %parallel_loop3A_170 {pack_format = #tpu.pack_format<interleaved>, positions = array<i32: 0, 1>} : vector<16xf32>, vector<16xf32> -> vector<32xbf16>
        %parallel_loop3A_172 = vector.bitcast %parallel_loop3A_171 : vector<32xbf16> to vector<16xi32>
        %parallel_loop3A_173 = arith.index_cast %parallel_loop3A_131 : i32 to index
        %parallel_loop3A_174 = arith.constant 48 : index
        %parallel_loop3A_175 = tpu.vector_load %arg8[%parallel_loop3A_173, %parallel_loop3A_174] {strides = array<i32>} : memref<80x64xi32, #tpu.memory_space<vmem>>, vector<16xi32>,
        tpu.vector_store %arg8[%parallel_loop3A_173, %parallel_loop3A_174], %parallel_loop3A_172 {strides = array<i32>} : memref<80x64xi32, #tpu.memory_space<vmem>>, vector<16xi32>,
      } {sc.loop_unroll_factor = 4 : i64, sc.parallel_access}
      "tpu.region"() ({
        %run_scoped3A = tpu.sem_alloc : memref<!tpu.dma_semaphore, #tpu.memory_space<semaphore_mem>>
        %dma_start3A_131 = arith.constant 0 : i32
        %dma_start3A_132 = tpu.memref_slice %arg6[%multiple_of3A_127, %dma_start3A_131] : memref<10000x64xi32, #tpu.memory_space<vmem_shared>> -> memref<80x64xi32, #tpu.memory_space<vmem_shared>>
        %dma_start3A_133 = arith.constant 0 : i32
        %dma_start3A_134 = tpu.memref_slice %arg6[%multiple_of3A_127, %dma_start3A_133] : memref<10000x64xi32, #tpu.memory_space<vmem_shared>> -> memref<80x64xi32, #tpu.memory_space<vmem_shared>>
        tpu.enqueue_dma source(%arg8 : memref<80x64xi32, #tpu.memory_space<vmem>>) target(%dma_start3A_134 : memref<80x64xi32, #tpu.memory_space<vmem_shared>>) target_semaphore(%run_scoped3A : memref<!tpu.dma_semaphore, #tpu.memory_space<semaphore_mem>>)
        %dma_wait3A_135 = arith.constant 0 : i32
        %dma_wait3A_136 = tpu.memref_slice %arg6[%multiple_of3A_127, %dma_wait3A_135] : memref<10000x64xi32, #tpu.memory_space<vmem_shared>> -> memref<80x64xi32, #tpu.memory_space<vmem_shared>>
        %dma_wait3A_137 = arith.constant 0 : i32
        %dma_wait3A_138 = tpu.memref_slice %arg6[%multiple_of3A_127, %dma_wait3A_137] : memref<10000x64xi32, #tpu.memory_space<vmem_shared>> -> memref<80x64xi32, #tpu.memory_space<vmem_shared>>
        tpu.wait_dma2 semaphore(%run_scoped3A : memref<!tpu.dma_semaphore, #tpu.memory_space<semaphore_mem>>) src(%arg8 : memref<80x64xi32, #tpu.memory_space<vmem>>) dst(%dma_wait3A_138 : memref<80x64xi32, #tpu.memory_space<vmem_shared>>)
        tpu.yield
      }) : () -> ()
    } else {
    }
    %add3A_52 = arith.constant 112 : i32
    %add3A_53 = arith.addi %arg1, %add3A_52 : i32
    %lt3A_54 = arith.constant 125 : i32
    %lt3A_55 = arith.cmpi slt, %add3A_53, %lt3A_54 : i32
    %convert_element_type3A_56 = arith.extui %lt3A_55 : i1 to i32
    %cond3A_57 = arith.constant 0 : i32
    %cond3A_58 = arith.cmpi ne, %convert_element_type3A_56, %cond3A_57 : i32
    scf.if %cond3A_58 {
      %mul3A_125 = arith.constant 80 : i32
      %mul3A_126 = arith.muli %add3A_53, %mul3A_125 : i32
      %multiple_of3A_127 = tpu.assume_multiple %mul3A_126, 8 : i32
      "tpu.region"() ({
        %run_scoped3A = tpu.sem_alloc : memref<!tpu.dma_semaphore, #tpu.memory_space<semaphore_mem>>
        %dma_start3A_131 = arith.constant 0 : i32
        %dma_start3A_132 = tpu.memref_slice %arg2[%multiple_of3A_127, %dma_start3A_131] : memref<10000x128xf32, #tpu.memory_space<hbm>> -> memref<80x128xf32, #tpu.memory_space<hbm>>
        %dma_start3A_133 = arith.constant 0 : i32
        %dma_start3A_134 = tpu.memref_slice %arg2[%multiple_of3A_127, %dma_start3A_133] : memref<10000x128xf32, #tpu.memory_space<hbm>> -> memref<80x128xf32, #tpu.memory_space<hbm>>
        tpu.enqueue_dma source(%dma_start3A_134 : memref<80x128xf32, #tpu.memory_space<hbm>>) target(%arg7 : memref<80x128xf32, #tpu.memory_space<vmem>>) target_semaphore(%run_scoped3A : memref<!tpu.dma_semaphore, #tpu.memory_space<semaphore_mem>>)
        %dma_wait3A_135 = arith.constant 0 : i32
        %dma_wait3A_136 = tpu.memref_slice %arg2[%multiple_of3A_127, %dma_wait3A_135] : memref<10000x128xf32, #tpu.memory_space<hbm>> -> memref<80x128xf32, #tpu.memory_space<hbm>>
        %dma_wait3A_137 = arith.constant 0 : i32
        %dma_wait3A_138 = tpu.memref_slice %arg2[%multiple_of3A_127, %dma_wait3A_137] : memref<10000x128xf32, #tpu.memory_space<hbm>> -> memref<80x128xf32, #tpu.memory_space<hbm>>
        tpu.wait_dma2 semaphore(%run_scoped3A : memref<!tpu.dma_semaphore, #tpu.memory_space<semaphore_mem>>) src(%dma_wait3A_138 : memref<80x128xf32, #tpu.memory_space<hbm>>) dst(%arg7 : memref<80x128xf32, #tpu.memory_space<vmem>>)
        tpu.yield
      }) : () -> ()
      %parallel_loop3A_128 = arith.constant 0 : i32
      %parallel_loop3A_129 = arith.constant 80 : i32
      %parallel_loop3A_130 = arith.constant 1 : i32
      scf.for %parallel_loop3A_131 = %parallel_loop3A_128 to %parallel_loop3A_129 step %parallel_loop3A_130  : i32 {
        %parallel_loop3A_132 = arith.index_cast %parallel_loop3A_131 : i32 to index
        %parallel_loop3A_133 = arith.constant 0 : index
        %parallel_loop3A_134 = tpu.vector_load %arg7[%parallel_loop3A_132, %parallel_loop3A_133] {strides = array<i32>} : memref<80x128xf32, #tpu.memory_space<vmem>>, vector<16xf32>,
        %parallel_loop3A_135 = arith.index_cast %parallel_loop3A_131 : i32 to index
        %parallel_loop3A_136 = arith.constant 16 : index
        %parallel_loop3A_137 = tpu.vector_load %arg7[%parallel_loop3A_135, %parallel_loop3A_136] {strides = array<i32>} : memref<80x128xf32, #tpu.memory_space<vmem>>, vector<16xf32>,
        %parallel_loop3A_138 = tpu.pack_subelements %parallel_loop3A_134, %parallel_loop3A_137 {pack_format = #tpu.pack_format<interleaved>, positions = array<i32: 0, 1>} : vector<16xf32>, vector<16xf32> -> vector<32xbf16>
        %parallel_loop3A_139 = vector.bitcast %parallel_loop3A_138 : vector<32xbf16> to vector<16xi32>
        %parallel_loop3A_140 = arith.index_cast %parallel_loop3A_131 : i32 to index
        %parallel_loop3A_141 = arith.constant 0 : index
        %parallel_loop3A_142 = tpu.vector_load %arg8[%parallel_loop3A_140, %parallel_loop3A_141] {strides = array<i32>} : memref<80x64xi32, #tpu.memory_space<vmem>>, vector<16xi32>,
        tpu.vector_store %arg8[%parallel_loop3A_140, %parallel_loop3A_141], %parallel_loop3A_139 {strides = array<i32>} : memref<80x64xi32, #tpu.memory_space<vmem>>, vector<16xi32>,
        %parallel_loop3A_143 = arith.index_cast %parallel_loop3A_131 : i32 to index
        %parallel_loop3A_144 = arith.constant 32 : index
        %parallel_loop3A_145 = tpu.vector_load %arg7[%parallel_loop3A_143, %parallel_loop3A_144] {strides = array<i32>} : memref<80x128xf32, #tpu.memory_space<vmem>>, vector<16xf32>,
        %parallel_loop3A_146 = arith.index_cast %parallel_loop3A_131 : i32 to index
        %parallel_loop3A_147 = arith.constant 48 : index
        %parallel_loop3A_148 = tpu.vector_load %arg7[%parallel_loop3A_146, %parallel_loop3A_147] {strides = array<i32>} : memref<80x128xf32, #tpu.memory_space<vmem>>, vector<16xf32>,
        %parallel_loop3A_149 = tpu.pack_subelements %parallel_loop3A_145, %parallel_loop3A_148 {pack_format = #tpu.pack_format<interleaved>, positions = array<i32: 0, 1>} : vector<16xf32>, vector<16xf32> -> vector<32xbf16>
        %parallel_loop3A_150 = vector.bitcast %parallel_loop3A_149 : vector<32xbf16> to vector<16xi32>
        %parallel_loop3A_151 = arith.index_cast %parallel_loop3A_131 : i32 to index
        %parallel_loop3A_152 = arith.constant 16 : index
        %parallel_loop3A_153 = tpu.vector_load %arg8[%parallel_loop3A_151, %parallel_loop3A_152] {strides = array<i32>} : memref<80x64xi32, #tpu.memory_space<vmem>>, vector<16xi32>,
        tpu.vector_store %arg8[%parallel_loop3A_151, %parallel_loop3A_152], %parallel_loop3A_150 {strides = array<i32>} : memref<80x64xi32, #tpu.memory_space<vmem>>, vector<16xi32>,
        %parallel_loop3A_154 = arith.index_cast %parallel_loop3A_131 : i32 to index
        %parallel_loop3A_155 = arith.constant 64 : index
        %parallel_loop3A_156 = tpu.vector_load %arg7[%parallel_loop3A_154, %parallel_loop3A_155] {strides = array<i32>} : memref<80x128xf32, #tpu.memory_space<vmem>>, vector<16xf32>,
        %parallel_loop3A_157 = arith.index_cast %parallel_loop3A_131 : i32 to index
        %parallel_loop3A_158 = arith.constant 80 : index
        %parallel_loop3A_159 = tpu.vector_load %arg7[%parallel_loop3A_157, %parallel_loop3A_158] {strides = array<i32>} : memref<80x128xf32, #tpu.memory_space<vmem>>, vector<16xf32>,
        %parallel_loop3A_160 = tpu.pack_subelements %parallel_loop3A_156, %parallel_loop3A_159 {pack_format = #tpu.pack_format<interleaved>, positions = array<i32: 0, 1>} : vector<16xf32>, vector<16xf32> -> vector<32xbf16>
        %parallel_loop3A_161 = vector.bitcast %parallel_loop3A_160 : vector<32xbf16> to vector<16xi32>
        %parallel_loop3A_162 = arith.index_cast %parallel_loop3A_131 : i32 to index
        %parallel_loop3A_163 = arith.constant 32 : index
        %parallel_loop3A_164 = tpu.vector_load %arg8[%parallel_loop3A_162, %parallel_loop3A_163] {strides = array<i32>} : memref<80x64xi32, #tpu.memory_space<vmem>>, vector<16xi32>,
        tpu.vector_store %arg8[%parallel_loop3A_162, %parallel_loop3A_163], %parallel_loop3A_161 {strides = array<i32>} : memref<80x64xi32, #tpu.memory_space<vmem>>, vector<16xi32>,
        %parallel_loop3A_165 = arith.index_cast %parallel_loop3A_131 : i32 to index
        %parallel_loop3A_166 = arith.constant 96 : index
        %parallel_loop3A_167 = tpu.vector_load %arg7[%parallel_loop3A_165, %parallel_loop3A_166] {strides = array<i32>} : memref<80x128xf32, #tpu.memory_space<vmem>>, vector<16xf32>,
        %parallel_loop3A_168 = arith.index_cast %parallel_loop3A_131 : i32 to index
        %parallel_loop3A_169 = arith.constant 112 : index
        %parallel_loop3A_170 = tpu.vector_load %arg7[%parallel_loop3A_168, %parallel_loop3A_169] {strides = array<i32>} : memref<80x128xf32, #tpu.memory_space<vmem>>, vector<16xf32>,
        %parallel_loop3A_171 = tpu.pack_subelements %parallel_loop3A_167, %parallel_loop3A_170 {pack_format = #tpu.pack_format<interleaved>, positions = array<i32: 0, 1>} : vector<16xf32>, vector<16xf32> -> vector<32xbf16>
        %parallel_loop3A_172 = vector.bitcast %parallel_loop3A_171 : vector<32xbf16> to vector<16xi32>
        %parallel_loop3A_173 = arith.index_cast %parallel_loop3A_131 : i32 to index
        %parallel_loop3A_174 = arith.constant 48 : index
        %parallel_loop3A_175 = tpu.vector_load %arg8[%parallel_loop3A_173, %parallel_loop3A_174] {strides = array<i32>} : memref<80x64xi32, #tpu.memory_space<vmem>>, vector<16xi32>,
        tpu.vector_store %arg8[%parallel_loop3A_173, %parallel_loop3A_174], %parallel_loop3A_172 {strides = array<i32>} : memref<80x64xi32, #tpu.memory_space<vmem>>, vector<16xi32>,
      } {sc.loop_unroll_factor = 4 : i64, sc.parallel_access}
      "tpu.region"() ({
        %run_scoped3A = tpu.sem_alloc : memref<!tpu.dma_semaphore, #tpu.memory_space<semaphore_mem>>
        %dma_start3A_131 = arith.constant 0 : i32
        %dma_start3A_132 = tpu.memref_slice %arg6[%multiple_of3A_127, %dma_start3A_131] : memref<10000x64xi32, #tpu.memory_space<vmem_shared>> -> memref<80x64xi32, #tpu.memory_space<vmem_shared>>
        %dma_start3A_133 = arith.constant 0 : i32
        %dma_start3A_134 = tpu.memref_slice %arg6[%multiple_of3A_127, %dma_start3A_133] : memref<10000x64xi32, #tpu.memory_space<vmem_shared>> -> memref<80x64xi32, #tpu.memory_space<vmem_shared>>
        tpu.enqueue_dma source(%arg8 : memref<80x64xi32, #tpu.memory_space<vmem>>) target(%dma_start3A_134 : memref<80x64xi32, #tpu.memory_space<vmem_shared>>) target_semaphore(%run_scoped3A : memref<!tpu.dma_semaphore, #tpu.memory_space<semaphore_mem>>)
        %dma_wait3A_135 = arith.constant 0 : i32
        %dma_wait3A_136 = tpu.memref_slice %arg6[%multiple_of3A_127, %dma_wait3A_135] : memref<10000x64xi32, #tpu.memory_space<vmem_shared>> -> memref<80x64xi32, #tpu.memory_space<vmem_shared>>
        %dma_wait3A_137 = arith.constant 0 : i32
        %dma_wait3A_138 = tpu.memref_slice %arg6[%multiple_of3A_127, %dma_wait3A_137] : memref<10000x64xi32, #tpu.memory_space<vmem_shared>> -> memref<80x64xi32, #tpu.memory_space<vmem_shared>>
        tpu.wait_dma2 semaphore(%run_scoped3A : memref<!tpu.dma_semaphore, #tpu.memory_space<semaphore_mem>>) src(%arg8 : memref<80x64xi32, #tpu.memory_space<vmem>>) dst(%dma_wait3A_138 : memref<80x64xi32, #tpu.memory_space<vmem_shared>>)
        tpu.yield
      }) : () -> ()
    } else {
    }
    %barrier3A = arith.constant 0 : index
    tpu.barrier barrier_id(%barrier3A)
    %dma_wait3A = arith.constant 0 : i32
    %dma_wait3A_59 = tpu.memref_slice %arg3[%dma_wait3A] : memref<320000xi32, #tpu.memory_space<hbm>> -> memref<10000xi32, #tpu.memory_space<hbm>>
    %dma_wait3A_60 = arith.constant 0 : i32
    %dma_wait3A_61 = tpu.memref_slice %arg3[%dma_wait3A_60] : memref<320000xi32, #tpu.memory_space<hbm>> -> memref<10000xi32, #tpu.memory_space<hbm>>
    tpu.wait_dma2 semaphore(%arg18 : memref<!tpu.dma_semaphore, #tpu.memory_space<semaphore_mem>>) src(%dma_wait3A_61 : memref<10000xi32, #tpu.memory_space<hbm>>) dst(%arg9 : memref<10000xi32, #tpu.memory_space<vmem>>)
    %dma_wait3A_62 = arith.constant 0 : i32
    %dma_wait3A_63 = tpu.memref_slice %arg4[%dma_wait3A_62] : memref<320000xi32, #tpu.memory_space<hbm>> -> memref<10000xi32, #tpu.memory_space<hbm>>
    %dma_wait3A_64 = arith.constant 0 : i32
    %dma_wait3A_65 = tpu.memref_slice %arg4[%dma_wait3A_64] : memref<320000xi32, #tpu.memory_space<hbm>> -> memref<10000xi32, #tpu.memory_space<hbm>>
    tpu.wait_dma2 semaphore(%arg19 : memref<!tpu.dma_semaphore, #tpu.memory_space<semaphore_mem>>) src(%dma_wait3A_65 : memref<10000xi32, #tpu.memory_space<hbm>>) dst(%arg10 : memref<10000xi32, #tpu.memory_space<vmem>>)
    %iota3A = tpu.iota {dimensions = array<i32: 0>} : vector<16xi32>
    %mul3A_66 = arith.constant 17 : i32
    %mul3A_67 = vector.broadcast %mul3A_66 : i32 to vector<16xi32>
    %mul3A_68 = arith.muli %iota3A, %mul3A_67 : vector<16xi32>
    %multiple_of3A_69 = arith.constant 0 : i32
    %multiple_of3A_70 = tpu.assume_multiple %multiple_of3A_69, 16 : i32
    %dma_start3A_71 = tpu.memref_slice %arg9[%multiple_of3A_70] : memref<10000xi32, #tpu.memory_space<vmem>> -> memref<80xi32, #tpu.memory_space<vmem>>
    %dma_start3A_72 = arith.constant 0 : i32
    %dma_start3A_73 = arith.constant 0 : i32
    %dma_start3A_74 = tpu.memref_slice %arg6[%dma_start3A_72, %dma_start3A_73] : memref<10000x64xi32, #tpu.memory_space<vmem_shared>> -> memref<10000x64xi32, #tpu.memory_space<vmem_shared>>
    tpu.enqueue_indirect_dma source(%dma_start3A_74 : memref<10000x64xi32, #tpu.memory_space<vmem_shared>>) target(%arg11 : memref<80x64xi32, #tpu.memory_space<vmem>>) offsets(%dma_start3A_71 : memref<80xi32, #tpu.memory_space<vmem>>) semaphore(%arg20 : memref<!tpu.dma_semaphore, #tpu.memory_space<semaphore_mem>>)
    %dma_start3A_75 = tpu.memref_slice %arg10[%multiple_of3A_70] : memref<10000xi32, #tpu.memory_space<vmem>> -> memref<80xi32, #tpu.memory_space<vmem>>
    %dma_start3A_76 = arith.constant 0 : i32
    %dma_start3A_77 = arith.constant 0 : i32
    %dma_start3A_78 = tpu.memref_slice %arg6[%dma_start3A_76, %dma_start3A_77] : memref<10000x64xi32, #tpu.memory_space<vmem_shared>> -> memref<10000x64xi32, #tpu.memory_space<vmem_shared>>
    tpu.enqueue_indirect_dma source(%dma_start3A_78 : memref<10000x64xi32, #tpu.memory_space<vmem_shared>>) target(%arg12 : memref<80x64xi32, #tpu.memory_space<vmem>>) offsets(%dma_start3A_75 : memref<80xi32, #tpu.memory_space<vmem>>) semaphore(%arg21 : memref<!tpu.dma_semaphore, #tpu.memory_space<semaphore_mem>>)
    %multiple_of3A_79 = arith.constant 80 : i32
    %multiple_of3A_80 = tpu.assume_multiple %multiple_of3A_79, 16 : i32
    %dma_start3A_81 = tpu.memref_slice %arg9[%multiple_of3A_80] : memref<10000xi32, #tpu.memory_space<vmem>> -> memref<80xi32, #tpu.memory_space<vmem>>
    %dma_start3A_82 = arith.constant 0 : i32
    %dma_start3A_83 = arith.constant 0 : i32
    %dma_start3A_84 = tpu.memref_slice %arg6[%dma_start3A_82, %dma_start3A_83] : memref<10000x64xi32, #tpu.memory_space<vmem_shared>> -> memref<10000x64xi32, #tpu.memory_space<vmem_shared>>
    tpu.enqueue_indirect_dma source(%dma_start3A_84 : memref<10000x64xi32, #tpu.memory_space<vmem_shared>>) target(%arg13 : memref<80x64xi32, #tpu.memory_space<vmem>>) offsets(%dma_start3A_81 : memref<80xi32, #tpu.memory_space<vmem>>) semaphore(%arg22 : memref<!tpu.dma_semaphore, #tpu.memory_space<semaphore_mem>>)
    %dma_start3A_85 = tpu.memref_slice %arg10[%multiple_of3A_80] : memref<10000xi32, #tpu.memory_space<vmem>> -> memref<80xi32, #tpu.memory_space<vmem>>
    %dma_start3A_86 = arith.constant 0 : i32
    %dma_start3A_87 = arith.constant 0 : i32
    %dma_start3A_88 = tpu.memref_slice %arg6[%dma_start3A_86, %dma_start3A_87] : memref<10000x64xi32, #tpu.memory_space<vmem_shared>> -> memref<10000x64xi32, #tpu.memory_space<vmem_shared>>
    tpu.enqueue_indirect_dma source(%dma_start3A_88 : memref<10000x64xi32, #tpu.memory_space<vmem_shared>>) target(%arg14 : memref<80x64xi32, #tpu.memory_space<vmem>>) offsets(%dma_start3A_85 : memref<80xi32, #tpu.memory_space<vmem>>) semaphore(%arg23 : memref<!tpu.dma_semaphore, #tpu.memory_space<semaphore_mem>>)
    %scan3A = arith.constant 0 : i32
    %scan3A_89 = arith.constant 0 : i32
    %scan3A_90 = arith.constant 62 : i32
    %scan3A_91 = arith.addi %scan3A_89, %scan3A_90 : i32
    %scan3A_92 = arith.constant 1 : i32
    scf.for %scan3A_125 = %scan3A_89 to %scan3A_91 step %scan3A_92  : i32 {
      %mul3A_126 = arith.constant 2 : i32
      %mul3A_127 = arith.muli %scan3A_125, %mul3A_126 : i32
      %dma_wait3A_128 = arith.constant 0 : i32
      %dma_wait3A_129 = tpu.memref_slice %arg9[%dma_wait3A_128] : memref<10000xi32, #tpu.memory_space<vmem>> -> memref<80xi32, #tpu.memory_space<vmem>>
      %dma_wait3A_130 = arith.constant 0 : i32
      %dma_wait3A_131 = arith.constant 0 : i32
      %dma_wait3A_132 = tpu.memref_slice %arg6[%dma_wait3A_130, %dma_wait3A_131] : memref<10000x64xi32, #tpu.memory_space<vmem_shared>> -> memref<10000x64xi32, #tpu.memory_space<vmem_shared>>
      tpu.wait_indirect_dma semaphore(%arg20 : memref<!tpu.dma_semaphore, #tpu.memory_space<semaphore_mem>>) src(%dma_wait3A_132 : memref<10000x64xi32, #tpu.memory_space<vmem_shared>>) dst(%arg11 : memref<80x64xi32, #tpu.memory_space<vmem>>)
      %dma_wait3A_133 = arith.constant 0 : i32
      %dma_wait3A_134 = tpu.memref_slice %arg10[%dma_wait3A_133] : memref<10000xi32, #tpu.memory_space<vmem>> -> memref<80xi32, #tpu.memory_space<vmem>>
      %dma_wait3A_135 = arith.constant 0 : i32
      %dma_wait3A_136 = arith.constant 0 : i32
      %dma_wait3A_137 = tpu.memref_slice %arg6[%dma_wait3A_135, %dma_wait3A_136] : memref<10000x64xi32, #tpu.memory_space<vmem_shared>> -> memref<10000x64xi32, #tpu.memory_space<vmem_shared>>
      tpu.wait_indirect_dma semaphore(%arg21 : memref<!tpu.dma_semaphore, #tpu.memory_space<semaphore_mem>>) src(%dma_wait3A_137 : memref<10000x64xi32, #tpu.memory_space<vmem_shared>>) dst(%arg12 : memref<80x64xi32, #tpu.memory_space<vmem>>)
      %parallel_loop3A_138 = arith.constant 0 : i32
      %parallel_loop3A_139 = arith.constant 80 : i32
      %parallel_loop3A_140 = arith.constant 1 : i32
      scf.for %parallel_loop3A_201 = %parallel_loop3A_138 to %parallel_loop3A_139 step %parallel_loop3A_140  : i32 {
        %parallel_loop3A_202 = arith.index_cast %parallel_loop3A_201 : i32 to index
        %parallel_loop3A_203 = arith.constant 0 : index
        %parallel_loop3A_204 = tpu.vector_load %arg11[%parallel_loop3A_202, %parallel_loop3A_203] {strides = array<i32>} : memref<80x64xi32, #tpu.memory_space<vmem>>, vector<16xi32>,
        %parallel_loop3A_205 = vector.bitcast %parallel_loop3A_204 : vector<16xi32> to vector<32xbf16>
        %parallel_loop3A_206 = arith.index_cast %parallel_loop3A_201 : i32 to index
        %parallel_loop3A_207 = arith.constant 0 : index
        %parallel_loop3A_208 = tpu.vector_load %arg12[%parallel_loop3A_206, %parallel_loop3A_207] {strides = array<i32>} : memref<80x64xi32, #tpu.memory_space<vmem>>, vector<16xi32>,
        %parallel_loop3A_209 = vector.bitcast %parallel_loop3A_208 : vector<16xi32> to vector<32xbf16>
        %parallel_loop3A_210 = arith.mulf %parallel_loop3A_205, %parallel_loop3A_209 : vector<32xbf16>
        %parallel_loop3A_211 = arith.index_cast %parallel_loop3A_201 : i32 to index
        %parallel_loop3A_212 = arith.constant 16 : index
        %parallel_loop3A_213 = tpu.vector_load %arg11[%parallel_loop3A_211, %parallel_loop3A_212] {strides = array<i32>} : memref<80x64xi32, #tpu.memory_space<vmem>>, vector<16xi32>,
        %parallel_loop3A_214 = vector.bitcast %parallel_loop3A_213 : vector<16xi32> to vector<32xbf16>
        %parallel_loop3A_215 = arith.index_cast %parallel_loop3A_201 : i32 to index
        %parallel_loop3A_216 = arith.constant 16 : index
        %parallel_loop3A_217 = tpu.vector_load %arg12[%parallel_loop3A_215, %parallel_loop3A_216] {strides = array<i32>} : memref<80x64xi32, #tpu.memory_space<vmem>>, vector<16xi32>,
        %parallel_loop3A_218 = vector.bitcast %parallel_loop3A_217 : vector<16xi32> to vector<32xbf16>
        %parallel_loop3A_219 = arith.mulf %parallel_loop3A_214, %parallel_loop3A_218 : vector<32xbf16>
        %parallel_loop3A_220 = arith.index_cast %parallel_loop3A_201 : i32 to index
        %parallel_loop3A_221 = arith.constant 32 : index
        %parallel_loop3A_222 = tpu.vector_load %arg11[%parallel_loop3A_220, %parallel_loop3A_221] {strides = array<i32>} : memref<80x64xi32, #tpu.memory_space<vmem>>, vector<16xi32>,
        %parallel_loop3A_223 = vector.bitcast %parallel_loop3A_222 : vector<16xi32> to vector<32xbf16>
        %parallel_loop3A_224 = arith.index_cast %parallel_loop3A_201 : i32 to index
        %parallel_loop3A_225 = arith.constant 32 : index
        %parallel_loop3A_226 = tpu.vector_load %arg12[%parallel_loop3A_224, %parallel_loop3A_225] {strides = array<i32>} : memref<80x64xi32, #tpu.memory_space<vmem>>, vector<16xi32>,
        %parallel_loop3A_227 = vector.bitcast %parallel_loop3A_226 : vector<16xi32> to vector<32xbf16>
        %parallel_loop3A_228 = arith.mulf %parallel_loop3A_223, %parallel_loop3A_227 : vector<32xbf16>
        %parallel_loop3A_229 = arith.index_cast %parallel_loop3A_201 : i32 to index
        %parallel_loop3A_230 = arith.constant 48 : index
        %parallel_loop3A_231 = tpu.vector_load %arg11[%parallel_loop3A_229, %parallel_loop3A_230] {strides = array<i32>} : memref<80x64xi32, #tpu.memory_space<vmem>>, vector<16xi32>,
        %parallel_loop3A_232 = vector.bitcast %parallel_loop3A_231 : vector<16xi32> to vector<32xbf16>
        %parallel_loop3A_233 = arith.index_cast %parallel_loop3A_201 : i32 to index
        %parallel_loop3A_234 = arith.constant 48 : index
        %parallel_loop3A_235 = tpu.vector_load %arg12[%parallel_loop3A_233, %parallel_loop3A_234] {strides = array<i32>} : memref<80x64xi32, #tpu.memory_space<vmem>>, vector<16xi32>,
        %parallel_loop3A_236 = vector.bitcast %parallel_loop3A_235 : vector<16xi32> to vector<32xbf16>
        %parallel_loop3A_237 = arith.mulf %parallel_loop3A_232, %parallel_loop3A_236 : vector<32xbf16>
        %parallel_loop3A_238 = arith.addf %parallel_loop3A_210, %parallel_loop3A_219 : vector<32xbf16>
        %parallel_loop3A_239 = arith.addf %parallel_loop3A_228, %parallel_loop3A_237 : vector<32xbf16>
        %parallel_loop3A_240 = arith.addf %parallel_loop3A_238, %parallel_loop3A_239 : vector<32xbf16>
        %parallel_loop3A_241 = tpu.unpack_subelements %parallel_loop3A_240, 0 {pack_format = #tpu.pack_format<interleaved>} : vector<32xbf16> -> vector<16xf32>
        %parallel_loop3A_242 = tpu.unpack_subelements %parallel_loop3A_240, 1 {pack_format = #tpu.pack_format<interleaved>} : vector<32xbf16> -> vector<16xf32>
        %parallel_loop3A_243 = arith.addf %parallel_loop3A_241, %parallel_loop3A_242 : vector<16xf32>
        %parallel_loop3A_244 = arith.constant 17 : i32
        %parallel_loop3A_245 = arith.muli %parallel_loop3A_201, %parallel_loop3A_244 : i32
        %parallel_loop3A_246 = vector.broadcast %parallel_loop3A_245 : i32 to vector<16xi32>
        %parallel_loop3A_247 = arith.addi %iota3A, %parallel_loop3A_246 : vector<16xi32>
        tpu.vector_store_idx %arg17[%parallel_loop3A_247], %parallel_loop3A_243 : memref<1360xf32, #tpu.memory_space<vmem>>[vector<16xi32>], vector<16xf32>,
      } {sc.loop_unroll_factor = 10 : i64, sc.parallel_access}
      %ge3A = arith.constant 2 : i32
      %ge3A_141 = arith.cmpi sge, %mul3A_127, %ge3A : i32
      %convert_element_type3A_142 = arith.extui %ge3A_141 : i1 to i32
      %cond3A_143 = arith.constant 0 : i32
      %cond3A_144 = arith.cmpi ne, %convert_element_type3A_142, %cond3A_143 : i32
      scf.if %cond3A_144 {
        %dma_wait3A_201 = arith.constant 0 : i32
        %dma_wait3A_202 = tpu.memref_slice %arg5[%dma_wait3A_201] : memref<320000xf32, #tpu.memory_space<hbm>> -> memref<80xf32, #tpu.memory_space<hbm>>
        %dma_wait3A_203 = arith.constant 0 : i32
        %dma_wait3A_204 = tpu.memref_slice %arg5[%dma_wait3A_203] : memref<320000xf32, #tpu.memory_space<hbm>> -> memref<80xf32, #tpu.memory_space<hbm>>
        tpu.wait_dma2 semaphore(%arg24 : memref<!tpu.dma_semaphore, #tpu.memory_space<semaphore_mem>>) src(%arg15 : memref<80xf32, #tpu.memory_space<vmem>>) dst(%dma_wait3A_204 : memref<80xf32, #tpu.memory_space<hbm>>)
      } else {
      }
      %parallel_loop3A_145 = arith.constant 0 : i32
      %parallel_loop3A_146 = arith.constant 5 : i32
      %parallel_loop3A_147 = arith.constant 1 : i32
      scf.for %parallel_loop3A_201 = %parallel_loop3A_145 to %parallel_loop3A_146 step %parallel_loop3A_147  : i32 {
        %parallel_loop3A_202 = arith.constant 272 : i32
        %parallel_loop3A_203 = arith.muli %parallel_loop3A_201, %parallel_loop3A_202 : i32
        %parallel_loop3A_204 = vector.broadcast %parallel_loop3A_203 : i32 to vector<16xi32>
        %parallel_loop3A_205 = arith.addi %mul3A_68, %parallel_loop3A_204 : vector<16xi32>
        %parallel_loop3A_206 = tpu.vector_load_idx %arg17[%parallel_loop3A_205] : memref<1360xf32, #tpu.memory_space<vmem>>[vector<16xi32>], vector<16xf32>,
        %parallel_loop3A_207 = arith.constant 1 : i32
        %parallel_loop3A_208 = vector.broadcast %parallel_loop3A_207 : i32 to vector<16xi32>
        %parallel_loop3A_209 = arith.addi %parallel_loop3A_205, %parallel_loop3A_208 : vector<16xi32>
        %parallel_loop3A_210 = tpu.vector_load_idx %arg17[%parallel_loop3A_209] : memref<1360xf32, #tpu.memory_space<vmem>>[vector<16xi32>], vector<16xf32>,
        %parallel_loop3A_211 = arith.addf %parallel_loop3A_206, %parallel_loop3A_210 : vector<16xf32>
        %parallel_loop3A_212 = arith.constant 2 : i32
        %parallel_loop3A_213 = vector.broadcast %parallel_loop3A_212 : i32 to vector<16xi32>
        %parallel_loop3A_214 = arith.addi %parallel_loop3A_205, %parallel_loop3A_213 : vector<16xi32>
        %parallel_loop3A_215 = tpu.vector_load_idx %arg17[%parallel_loop3A_214] : memref<1360xf32, #tpu.memory_space<vmem>>[vector<16xi32>], vector<16xf32>,
        %parallel_loop3A_216 = arith.addf %parallel_loop3A_211, %parallel_loop3A_215 : vector<16xf32>
        %parallel_loop3A_217 = arith.constant 3 : i32
        %parallel_loop3A_218 = vector.broadcast %parallel_loop3A_217 : i32 to vector<16xi32>
        %parallel_loop3A_219 = arith.addi %parallel_loop3A_205, %parallel_loop3A_218 : vector<16xi32>
        %parallel_loop3A_220 = tpu.vector_load_idx %arg17[%parallel_loop3A_219] : memref<1360xf32, #tpu.memory_space<vmem>>[vector<16xi32>], vector<16xf32>,
        %parallel_loop3A_221 = arith.addf %parallel_loop3A_216, %parallel_loop3A_220 : vector<16xf32>
        %parallel_loop3A_222 = arith.constant 4 : i32
        %parallel_loop3A_223 = vector.broadcast %parallel_loop3A_222 : i32 to vector<16xi32>
        %parallel_loop3A_224 = arith.addi %parallel_loop3A_205, %parallel_loop3A_223 : vector<16xi32>
        %parallel_loop3A_225 = tpu.vector_load_idx %arg17[%parallel_loop3A_224] : memref<1360xf32, #tpu.memory_space<vmem>>[vector<16xi32>], vector<16xf32>,
        %parallel_loop3A_226 = arith.addf %parallel_loop3A_221, %parallel_loop3A_225 : vector<16xf32>
        %parallel_loop3A_227 = arith.constant 5 : i32
        %parallel_loop3A_228 = vector.broadcast %parallel_loop3A_227 : i32 to vector<16xi32>
        %parallel_loop3A_229 = arith.addi %parallel_loop3A_205, %parallel_loop3A_228 : vector<16xi32>
        %parallel_loop3A_230 = tpu.vector_load_idx %arg17[%parallel_loop3A_229] : memref<1360xf32, #tpu.memory_space<vmem>>[vector<16xi32>], vector<16xf32>,
        %parallel_loop3A_231 = arith.addf %parallel_loop3A_226, %parallel_loop3A_230 : vector<16xf32>
        %parallel_loop3A_232 = arith.constant 6 : i32
        %parallel_loop3A_233 = vector.broadcast %parallel_loop3A_232 : i32 to vector<16xi32>
        %parallel_loop3A_234 = arith.addi %parallel_loop3A_205, %parallel_loop3A_233 : vector<16xi32>
        %parallel_loop3A_235 = tpu.vector_load_idx %arg17[%parallel_loop3A_234] : memref<1360xf32, #tpu.memory_space<vmem>>[vector<16xi32>], vector<16xf32>,
        %parallel_loop3A_236 = arith.addf %parallel_loop3A_231, %parallel_loop3A_235 : vector<16xf32>
        %parallel_loop3A_237 = arith.constant 7 : i32
        %parallel_loop3A_238 = vector.broadcast %parallel_loop3A_237 : i32 to vector<16xi32>
        %parallel_loop3A_239 = arith.addi %parallel_loop3A_205, %parallel_loop3A_238 : vector<16xi32>
        %parallel_loop3A_240 = tpu.vector_load_idx %arg17[%parallel_loop3A_239] : memref<1360xf32, #tpu.memory_space<vmem>>[vector<16xi32>], vector<16xf32>,
        %parallel_loop3A_241 = arith.addf %parallel_loop3A_236, %parallel_loop3A_240 : vector<16xf32>
        %parallel_loop3A_242 = arith.constant 8 : i32
        %parallel_loop3A_243 = vector.broadcast %parallel_loop3A_242 : i32 to vector<16xi32>
        %parallel_loop3A_244 = arith.addi %parallel_loop3A_205, %parallel_loop3A_243 : vector<16xi32>
        %parallel_loop3A_245 = tpu.vector_load_idx %arg17[%parallel_loop3A_244] : memref<1360xf32, #tpu.memory_space<vmem>>[vector<16xi32>], vector<16xf32>,
        %parallel_loop3A_246 = arith.addf %parallel_loop3A_241, %parallel_loop3A_245 : vector<16xf32>
        %parallel_loop3A_247 = arith.constant 9 : i32
        %parallel_loop3A_248 = vector.broadcast %parallel_loop3A_247 : i32 to vector<16xi32>
        %parallel_loop3A_249 = arith.addi %parallel_loop3A_205, %parallel_loop3A_248 : vector<16xi32>
        %parallel_loop3A_250 = tpu.vector_load_idx %arg17[%parallel_loop3A_249] : memref<1360xf32, #tpu.memory_space<vmem>>[vector<16xi32>], vector<16xf32>,
        %parallel_loop3A_251 = arith.addf %parallel_loop3A_246, %parallel_loop3A_250 : vector<16xf32>
        %parallel_loop3A_252 = arith.constant 10 : i32
        %parallel_loop3A_253 = vector.broadcast %parallel_loop3A_252 : i32 to vector<16xi32>
        %parallel_loop3A_254 = arith.addi %parallel_loop3A_205, %parallel_loop3A_253 : vector<16xi32>
        %parallel_loop3A_255 = tpu.vector_load_idx %arg17[%parallel_loop3A_254] : memref<1360xf32, #tpu.memory_space<vmem>>[vector<16xi32>], vector<16xf32>,
        %parallel_loop3A_256 = arith.addf %parallel_loop3A_251, %parallel_loop3A_255 : vector<16xf32>
        %parallel_loop3A_257 = arith.constant 11 : i32
        %parallel_loop3A_258 = vector.broadcast %parallel_loop3A_257 : i32 to vector<16xi32>
        %parallel_loop3A_259 = arith.addi %parallel_loop3A_205, %parallel_loop3A_258 : vector<16xi32>
        %parallel_loop3A_260 = tpu.vector_load_idx %arg17[%parallel_loop3A_259] : memref<1360xf32, #tpu.memory_space<vmem>>[vector<16xi32>], vector<16xf32>,
        %parallel_loop3A_261 = arith.addf %parallel_loop3A_256, %parallel_loop3A_260 : vector<16xf32>
        %parallel_loop3A_262 = arith.constant 12 : i32
        %parallel_loop3A_263 = vector.broadcast %parallel_loop3A_262 : i32 to vector<16xi32>
        %parallel_loop3A_264 = arith.addi %parallel_loop3A_205, %parallel_loop3A_263 : vector<16xi32>
        %parallel_loop3A_265 = tpu.vector_load_idx %arg17[%parallel_loop3A_264] : memref<1360xf32, #tpu.memory_space<vmem>>[vector<16xi32>], vector<16xf32>,
        %parallel_loop3A_266 = arith.addf %parallel_loop3A_261, %parallel_loop3A_265 : vector<16xf32>
        %parallel_loop3A_267 = arith.constant 13 : i32
        %parallel_loop3A_268 = vector.broadcast %parallel_loop3A_267 : i32 to vector<16xi32>
        %parallel_loop3A_269 = arith.addi %parallel_loop3A_205, %parallel_loop3A_268 : vector<16xi32>
        %parallel_loop3A_270 = tpu.vector_load_idx %arg17[%parallel_loop3A_269] : memref<1360xf32, #tpu.memory_space<vmem>>[vector<16xi32>], vector<16xf32>,
        %parallel_loop3A_271 = arith.addf %parallel_loop3A_266, %parallel_loop3A_270 : vector<16xf32>
        %parallel_loop3A_272 = arith.constant 14 : i32
        %parallel_loop3A_273 = vector.broadcast %parallel_loop3A_272 : i32 to vector<16xi32>
        %parallel_loop3A_274 = arith.addi %parallel_loop3A_205, %parallel_loop3A_273 : vector<16xi32>
        %parallel_loop3A_275 = tpu.vector_load_idx %arg17[%parallel_loop3A_274] : memref<1360xf32, #tpu.memory_space<vmem>>[vector<16xi32>], vector<16xf32>,
        %parallel_loop3A_276 = arith.addf %parallel_loop3A_271, %parallel_loop3A_275 : vector<16xf32>
        %parallel_loop3A_277 = arith.constant 15 : i32
        %parallel_loop3A_278 = vector.broadcast %parallel_loop3A_277 : i32 to vector<16xi32>
        %parallel_loop3A_279 = arith.addi %parallel_loop3A_205, %parallel_loop3A_278 : vector<16xi32>
        %parallel_loop3A_280 = tpu.vector_load_idx %arg17[%parallel_loop3A_279] : memref<1360xf32, #tpu.memory_space<vmem>>[vector<16xi32>], vector<16xf32>,
        %parallel_loop3A_281 = arith.addf %parallel_loop3A_276, %parallel_loop3A_280 : vector<16xf32>
        %parallel_loop3A_282 = arith.constant 0.000000e+00 : f32
        %parallel_loop3A_283 = vector.broadcast %parallel_loop3A_282 : f32 to vector<16xf32>
        %parallel_loop3A_284 = arith.subf %parallel_loop3A_283, %parallel_loop3A_281 : vector<16xf32>
        %parallel_loop3A_285 = math.exp %parallel_loop3A_284 : vector<16xf32>
        %parallel_loop3A_286 = arith.constant 1.000000e+00 : f32
        %parallel_loop3A_287 = vector.broadcast %parallel_loop3A_286 : f32 to vector<16xf32>
        %parallel_loop3A_288 = arith.addf %parallel_loop3A_287, %parallel_loop3A_285 : vector<16xf32>
        %parallel_loop3A_289 = arith.constant 1.000000e+00 : f32
        %parallel_loop3A_290 = vector.broadcast %parallel_loop3A_289 : f32 to vector<16xf32>
        %parallel_loop3A_291 = arith.divf %parallel_loop3A_290, %parallel_loop3A_288 : vector<16xf32>
        %parallel_loop3A_292 = arith.constant 16 : i32
        %parallel_loop3A_293 = arith.muli %parallel_loop3A_201, %parallel_loop3A_292 : i32
        %parallel_loop3A_294 = arith.index_cast %parallel_loop3A_293 : i32 to index
        %parallel_loop3A_295 = tpu.vector_load %arg15[%parallel_loop3A_294] {strides = array<i32>} : memref<80xf32, #tpu.memory_space<vmem>>, vector<16xf32>,
        tpu.vector_store %arg15[%parallel_loop3A_294], %parallel_loop3A_291 {strides = array<i32>} : memref<80xf32, #tpu.memory_space<vmem>>, vector<16xf32>,
      } {sc.loop_unroll_factor = 5 : i64, sc.parallel_access}
      %mul3A_148 = arith.constant 80 : i32
      %mul3A_149 = arith.muli %mul3A_127, %mul3A_148 : i32
      %add3A_150 = arith.addi %multiple_of3A, %mul3A_149 : i32
      %dma_start3A_151 = tpu.memref_slice %arg5[%add3A_150] : memref<320000xf32, #tpu.memory_space<hbm>> -> memref<80xf32, #tpu.memory_space<hbm>>
      %dma_start3A_152 = tpu.memref_slice %arg5[%add3A_150] : memref<320000xf32, #tpu.memory_space<hbm>> -> memref<80xf32, #tpu.memory_space<hbm>>
      tpu.enqueue_dma source(%arg15 : memref<80xf32, #tpu.memory_space<vmem>>) target(%dma_start3A_152 : memref<80xf32, #tpu.memory_space<hbm>>) target_semaphore(%arg24 : memref<!tpu.dma_semaphore, #tpu.memory_space<semaphore_mem>>)
      %add3A_153 = arith.constant 2 : i32
      %add3A_154 = arith.addi %mul3A_127, %add3A_153 : i32
      %mul3A_155 = arith.constant 80 : i32
      %mul3A_156 = arith.muli %add3A_154, %mul3A_155 : i32
      %multiple_of3A_157 = tpu.assume_multiple %mul3A_156, 16 : i32
      %dma_start3A_158 = tpu.memref_slice %arg9[%multiple_of3A_157] : memref<10000xi32, #tpu.memory_space<vmem>> -> memref<80xi32, #tpu.memory_space<vmem>>
      %dma_start3A_159 = arith.constant 0 : i32
      %dma_start3A_160 = arith.constant 0 : i32
      %dma_start3A_161 = tpu.memref_slice %arg6[%dma_start3A_159, %dma_start3A_160] : memref<10000x64xi32, #tpu.memory_space<vmem_shared>> -> memref<10000x64xi32, #tpu.memory_space<vmem_shared>>
      tpu.enqueue_indirect_dma source(%dma_start3A_161 : memref<10000x64xi32, #tpu.memory_space<vmem_shared>>) target(%arg11 : memref<80x64xi32, #tpu.memory_space<vmem>>) offsets(%dma_start3A_158 : memref<80xi32, #tpu.memory_space<vmem>>) semaphore(%arg20 : memref<!tpu.dma_semaphore, #tpu.memory_space<semaphore_mem>>)
      %dma_start3A_162 = tpu.memref_slice %arg10[%multiple_of3A_157] : memref<10000xi32, #tpu.memory_space<vmem>> -> memref<80xi32, #tpu.memory_space<vmem>>
      %dma_start3A_163 = arith.constant 0 : i32
      %dma_start3A_164 = arith.constant 0 : i32
      %dma_start3A_165 = tpu.memref_slice %arg6[%dma_start3A_163, %dma_start3A_164] : memref<10000x64xi32, #tpu.memory_space<vmem_shared>> -> memref<10000x64xi32, #tpu.memory_space<vmem_shared>>
      tpu.enqueue_indirect_dma source(%dma_start3A_165 : memref<10000x64xi32, #tpu.memory_space<vmem_shared>>) target(%arg12 : memref<80x64xi32, #tpu.memory_space<vmem>>) offsets(%dma_start3A_162 : memref<80xi32, #tpu.memory_space<vmem>>) semaphore(%arg21 : memref<!tpu.dma_semaphore, #tpu.memory_space<semaphore_mem>>)
      %dma_wait3A_166 = arith.constant 0 : i32
      %dma_wait3A_167 = tpu.memref_slice %arg9[%dma_wait3A_166] : memref<10000xi32, #tpu.memory_space<vmem>> -> memref<80xi32, #tpu.memory_space<vmem>>
      %dma_wait3A_168 = arith.constant 0 : i32
      %dma_wait3A_169 = arith.constant 0 : i32
      %dma_wait3A_170 = tpu.memref_slice %arg6[%dma_wait3A_168, %dma_wait3A_169] : memref<10000x64xi32, #tpu.memory_space<vmem_shared>> -> memref<10000x64xi32, #tpu.memory_space<vmem_shared>>
      tpu.wait_indirect_dma semaphore(%arg22 : memref<!tpu.dma_semaphore, #tpu.memory_space<semaphore_mem>>) src(%dma_wait3A_170 : memref<10000x64xi32, #tpu.memory_space<vmem_shared>>) dst(%arg13 : memref<80x64xi32, #tpu.memory_space<vmem>>)
      %dma_wait3A_171 = arith.constant 0 : i32
      %dma_wait3A_172 = tpu.memref_slice %arg10[%dma_wait3A_171] : memref<10000xi32, #tpu.memory_space<vmem>> -> memref<80xi32, #tpu.memory_space<vmem>>
      %dma_wait3A_173 = arith.constant 0 : i32
      %dma_wait3A_174 = arith.constant 0 : i32
      %dma_wait3A_175 = tpu.memref_slice %arg6[%dma_wait3A_173, %dma_wait3A_174] : memref<10000x64xi32, #tpu.memory_space<vmem_shared>> -> memref<10000x64xi32, #tpu.memory_space<vmem_shared>>
      tpu.wait_indirect_dma semaphore(%arg23 : memref<!tpu.dma_semaphore, #tpu.memory_space<semaphore_mem>>) src(%dma_wait3A_175 : memref<10000x64xi32, #tpu.memory_space<vmem_shared>>) dst(%arg14 : memref<80x64xi32, #tpu.memory_space<vmem>>)
      %add3A_176 = arith.constant 1 : i32
      %add3A_177 = arith.addi %mul3A_127, %add3A_176 : i32
      %parallel_loop3A_178 = arith.constant 0 : i32
      %parallel_loop3A_179 = arith.constant 80 : i32
      %parallel_loop3A_180 = arith.constant 1 : i32
      scf.for %parallel_loop3A_201 = %parallel_loop3A_178 to %parallel_loop3A_179 step %parallel_loop3A_180  : i32 {
        %parallel_loop3A_202 = arith.index_cast %parallel_loop3A_201 : i32 to index
        %parallel_loop3A_203 = arith.constant 0 : index
        %parallel_loop3A_204 = tpu.vector_load %arg13[%parallel_loop3A_202, %parallel_loop3A_203] {strides = array<i32>} : memref<80x64xi32, #tpu.memory_space<vmem>>, vector<16xi32>,
        %parallel_loop3A_205 = vector.bitcast %parallel_loop3A_204 : vector<16xi32> to vector<32xbf16>
        %parallel_loop3A_206 = arith.index_cast %parallel_loop3A_201 : i32 to index
        %parallel_loop3A_207 = arith.constant 0 : index
        %parallel_loop3A_208 = tpu.vector_load %arg14[%parallel_loop3A_206, %parallel_loop3A_207] {strides = array<i32>} : memref<80x64xi32, #tpu.memory_space<vmem>>, vector<16xi32>,
        %parallel_loop3A_209 = vector.bitcast %parallel_loop3A_208 : vector<16xi32> to vector<32xbf16>
        %parallel_loop3A_210 = arith.mulf %parallel_loop3A_205, %parallel_loop3A_209 : vector<32xbf16>
        %parallel_loop3A_211 = arith.index_cast %parallel_loop3A_201 : i32 to index
        %parallel_loop3A_212 = arith.constant 16 : index
        %parallel_loop3A_213 = tpu.vector_load %arg13[%parallel_loop3A_211, %parallel_loop3A_212] {strides = array<i32>} : memref<80x64xi32, #tpu.memory_space<vmem>>, vector<16xi32>,
        %parallel_loop3A_214 = vector.bitcast %parallel_loop3A_213 : vector<16xi32> to vector<32xbf16>
        %parallel_loop3A_215 = arith.index_cast %parallel_loop3A_201 : i32 to index
        %parallel_loop3A_216 = arith.constant 16 : index
        %parallel_loop3A_217 = tpu.vector_load %arg14[%parallel_loop3A_215, %parallel_loop3A_216] {strides = array<i32>} : memref<80x64xi32, #tpu.memory_space<vmem>>, vector<16xi32>,
        %parallel_loop3A_218 = vector.bitcast %parallel_loop3A_217 : vector<16xi32> to vector<32xbf16>
        %parallel_loop3A_219 = arith.mulf %parallel_loop3A_214, %parallel_loop3A_218 : vector<32xbf16>
        %parallel_loop3A_220 = arith.index_cast %parallel_loop3A_201 : i32 to index
        %parallel_loop3A_221 = arith.constant 32 : index
        %parallel_loop3A_222 = tpu.vector_load %arg13[%parallel_loop3A_220, %parallel_loop3A_221] {strides = array<i32>} : memref<80x64xi32, #tpu.memory_space<vmem>>, vector<16xi32>,
        %parallel_loop3A_223 = vector.bitcast %parallel_loop3A_222 : vector<16xi32> to vector<32xbf16>
        %parallel_loop3A_224 = arith.index_cast %parallel_loop3A_201 : i32 to index
        %parallel_loop3A_225 = arith.constant 32 : index
        %parallel_loop3A_226 = tpu.vector_load %arg14[%parallel_loop3A_224, %parallel_loop3A_225] {strides = array<i32>} : memref<80x64xi32, #tpu.memory_space<vmem>>, vector<16xi32>,
        %parallel_loop3A_227 = vector.bitcast %parallel_loop3A_226 : vector<16xi32> to vector<32xbf16>
        %parallel_loop3A_228 = arith.mulf %parallel_loop3A_223, %parallel_loop3A_227 : vector<32xbf16>
        %parallel_loop3A_229 = arith.index_cast %parallel_loop3A_201 : i32 to index
        %parallel_loop3A_230 = arith.constant 48 : index
        %parallel_loop3A_231 = tpu.vector_load %arg13[%parallel_loop3A_229, %parallel_loop3A_230] {strides = array<i32>} : memref<80x64xi32, #tpu.memory_space<vmem>>, vector<16xi32>,
        %parallel_loop3A_232 = vector.bitcast %parallel_loop3A_231 : vector<16xi32> to vector<32xbf16>
        %parallel_loop3A_233 = arith.index_cast %parallel_loop3A_201 : i32 to index
        %parallel_loop3A_234 = arith.constant 48 : index
        %parallel_loop3A_235 = tpu.vector_load %arg14[%parallel_loop3A_233, %parallel_loop3A_234] {strides = array<i32>} : memref<80x64xi32, #tpu.memory_space<vmem>>, vector<16xi32>,
        %parallel_loop3A_236 = vector.bitcast %parallel_loop3A_235 : vector<16xi32> to vector<32xbf16>
        %parallel_loop3A_237 = arith.mulf %parallel_loop3A_232, %parallel_loop3A_236 : vector<32xbf16>
        %parallel_loop3A_238 = arith.addf %parallel_loop3A_210, %parallel_loop3A_219 : vector<32xbf16>
        %parallel_loop3A_239 = arith.addf %parallel_loop3A_228, %parallel_loop3A_237 : vector<32xbf16>
        %parallel_loop3A_240 = arith.addf %parallel_loop3A_238, %parallel_loop3A_239 : vector<32xbf16>
        %parallel_loop3A_241 = tpu.unpack_subelements %parallel_loop3A_240, 0 {pack_format = #tpu.pack_format<interleaved>} : vector<32xbf16> -> vector<16xf32>
        %parallel_loop3A_242 = tpu.unpack_subelements %parallel_loop3A_240, 1 {pack_format = #tpu.pack_format<interleaved>} : vector<32xbf16> -> vector<16xf32>
        %parallel_loop3A_243 = arith.addf %parallel_loop3A_241, %parallel_loop3A_242 : vector<16xf32>
        %parallel_loop3A_244 = arith.constant 17 : i32
        %parallel_loop3A_245 = arith.muli %parallel_loop3A_201, %parallel_loop3A_244 : i32
        %parallel_loop3A_246 = vector.broadcast %parallel_loop3A_245 : i32 to vector<16xi32>
        %parallel_loop3A_247 = arith.addi %iota3A, %parallel_loop3A_246 : vector<16xi32>
        tpu.vector_store_idx %arg17[%parallel_loop3A_247], %parallel_loop3A_243 : memref<1360xf32, #tpu.memory_space<vmem>>[vector<16xi32>], vector<16xf32>,
      } {sc.loop_unroll_factor = 10 : i64, sc.parallel_access}
      %ge3A_181 = arith.constant 2 : i32
      %ge3A_182 = arith.cmpi sge, %add3A_177, %ge3A_181 : i32
      %convert_element_type3A_183 = arith.extui %ge3A_182 : i1 to i32
      %cond3A_184 = arith.constant 0 : i32
      %cond3A_185 = arith.cmpi ne, %convert_element_type3A_183, %cond3A_184 : i32
      scf.if %cond3A_185 {
        %dma_wait3A_201 = arith.constant 0 : i32
        %dma_wait3A_202 = tpu.memref_slice %arg5[%dma_wait3A_201] : memref<320000xf32, #tpu.memory_space<hbm>> -> memref<80xf32, #tpu.memory_space<hbm>>
        %dma_wait3A_203 = arith.constant 0 : i32
        %dma_wait3A_204 = tpu.memref_slice %arg5[%dma_wait3A_203] : memref<320000xf32, #tpu.memory_space<hbm>> -> memref<80xf32, #tpu.memory_space<hbm>>
        tpu.wait_dma2 semaphore(%arg25 : memref<!tpu.dma_semaphore, #tpu.memory_space<semaphore_mem>>) src(%arg16 : memref<80xf32, #tpu.memory_space<vmem>>) dst(%dma_wait3A_204 : memref<80xf32, #tpu.memory_space<hbm>>)
      } else {
      }
      %parallel_loop3A_186 = arith.constant 0 : i32
      %parallel_loop3A_187 = arith.constant 5 : i32
      %parallel_loop3A_188 = arith.constant 1 : i32
      scf.for %parallel_loop3A_201 = %parallel_loop3A_186 to %parallel_loop3A_187 step %parallel_loop3A_188  : i32 {
        %parallel_loop3A_202 = arith.constant 272 : i32
        %parallel_loop3A_203 = arith.muli %parallel_loop3A_201, %parallel_loop3A_202 : i32
        %parallel_loop3A_204 = vector.broadcast %parallel_loop3A_203 : i32 to vector<16xi32>
        %parallel_loop3A_205 = arith.addi %mul3A_68, %parallel_loop3A_204 : vector<16xi32>
        %parallel_loop3A_206 = tpu.vector_load_idx %arg17[%parallel_loop3A_205] : memref<1360xf32, #tpu.memory_space<vmem>>[vector<16xi32>], vector<16xf32>,
        %parallel_loop3A_207 = arith.constant 1 : i32
        %parallel_loop3A_208 = vector.broadcast %parallel_loop3A_207 : i32 to vector<16xi32>
        %parallel_loop3A_209 = arith.addi %parallel_loop3A_205, %parallel_loop3A_208 : vector<16xi32>
        %parallel_loop3A_210 = tpu.vector_load_idx %arg17[%parallel_loop3A_209] : memref<1360xf32, #tpu.memory_space<vmem>>[vector<16xi32>], vector<16xf32>,
        %parallel_loop3A_211 = arith.addf %parallel_loop3A_206, %parallel_loop3A_210 : vector<16xf32>
        %parallel_loop3A_212 = arith.constant 2 : i32
        %parallel_loop3A_213 = vector.broadcast %parallel_loop3A_212 : i32 to vector<16xi32>
        %parallel_loop3A_214 = arith.addi %parallel_loop3A_205, %parallel_loop3A_213 : vector<16xi32>
        %parallel_loop3A_215 = tpu.vector_load_idx %arg17[%parallel_loop3A_214] : memref<1360xf32, #tpu.memory_space<vmem>>[vector<16xi32>], vector<16xf32>,
        %parallel_loop3A_216 = arith.addf %parallel_loop3A_211, %parallel_loop3A_215 : vector<16xf32>
        %parallel_loop3A_217 = arith.constant 3 : i32
        %parallel_loop3A_218 = vector.broadcast %parallel_loop3A_217 : i32 to vector<16xi32>
        %parallel_loop3A_219 = arith.addi %parallel_loop3A_205, %parallel_loop3A_218 : vector<16xi32>
        %parallel_loop3A_220 = tpu.vector_load_idx %arg17[%parallel_loop3A_219] : memref<1360xf32, #tpu.memory_space<vmem>>[vector<16xi32>], vector<16xf32>,
        %parallel_loop3A_221 = arith.addf %parallel_loop3A_216, %parallel_loop3A_220 : vector<16xf32>
        %parallel_loop3A_222 = arith.constant 4 : i32
        %parallel_loop3A_223 = vector.broadcast %parallel_loop3A_222 : i32 to vector<16xi32>
        %parallel_loop3A_224 = arith.addi %parallel_loop3A_205, %parallel_loop3A_223 : vector<16xi32>
        %parallel_loop3A_225 = tpu.vector_load_idx %arg17[%parallel_loop3A_224] : memref<1360xf32, #tpu.memory_space<vmem>>[vector<16xi32>], vector<16xf32>,
        %parallel_loop3A_226 = arith.addf %parallel_loop3A_221, %parallel_loop3A_225 : vector<16xf32>
        %parallel_loop3A_227 = arith.constant 5 : i32
        %parallel_loop3A_228 = vector.broadcast %parallel_loop3A_227 : i32 to vector<16xi32>
        %parallel_loop3A_229 = arith.addi %parallel_loop3A_205, %parallel_loop3A_228 : vector<16xi32>
        %parallel_loop3A_230 = tpu.vector_load_idx %arg17[%parallel_loop3A_229] : memref<1360xf32, #tpu.memory_space<vmem>>[vector<16xi32>], vector<16xf32>,
        %parallel_loop3A_231 = arith.addf %parallel_loop3A_226, %parallel_loop3A_230 : vector<16xf32>
        %parallel_loop3A_232 = arith.constant 6 : i32
        %parallel_loop3A_233 = vector.broadcast %parallel_loop3A_232 : i32 to vector<16xi32>
        %parallel_loop3A_234 = arith.addi %parallel_loop3A_205, %parallel_loop3A_233 : vector<16xi32>
        %parallel_loop3A_235 = tpu.vector_load_idx %arg17[%parallel_loop3A_234] : memref<1360xf32, #tpu.memory_space<vmem>>[vector<16xi32>], vector<16xf32>,
        %parallel_loop3A_236 = arith.addf %parallel_loop3A_231, %parallel_loop3A_235 : vector<16xf32>
        %parallel_loop3A_237 = arith.constant 7 : i32
        %parallel_loop3A_238 = vector.broadcast %parallel_loop3A_237 : i32 to vector<16xi32>
        %parallel_loop3A_239 = arith.addi %parallel_loop3A_205, %parallel_loop3A_238 : vector<16xi32>
        %parallel_loop3A_240 = tpu.vector_load_idx %arg17[%parallel_loop3A_239] : memref<1360xf32, #tpu.memory_space<vmem>>[vector<16xi32>], vector<16xf32>,
        %parallel_loop3A_241 = arith.addf %parallel_loop3A_236, %parallel_loop3A_240 : vector<16xf32>
        %parallel_loop3A_242 = arith.constant 8 : i32
        %parallel_loop3A_243 = vector.broadcast %parallel_loop3A_242 : i32 to vector<16xi32>
        %parallel_loop3A_244 = arith.addi %parallel_loop3A_205, %parallel_loop3A_243 : vector<16xi32>
        %parallel_loop3A_245 = tpu.vector_load_idx %arg17[%parallel_loop3A_244] : memref<1360xf32, #tpu.memory_space<vmem>>[vector<16xi32>], vector<16xf32>,
        %parallel_loop3A_246 = arith.addf %parallel_loop3A_241, %parallel_loop3A_245 : vector<16xf32>
        %parallel_loop3A_247 = arith.constant 9 : i32
        %parallel_loop3A_248 = vector.broadcast %parallel_loop3A_247 : i32 to vector<16xi32>
        %parallel_loop3A_249 = arith.addi %parallel_loop3A_205, %parallel_loop3A_248 : vector<16xi32>
        %parallel_loop3A_250 = tpu.vector_load_idx %arg17[%parallel_loop3A_249] : memref<1360xf32, #tpu.memory_space<vmem>>[vector<16xi32>], vector<16xf32>,
        %parallel_loop3A_251 = arith.addf %parallel_loop3A_246, %parallel_loop3A_250 : vector<16xf32>
        %parallel_loop3A_252 = arith.constant 10 : i32
        %parallel_loop3A_253 = vector.broadcast %parallel_loop3A_252 : i32 to vector<16xi32>
        %parallel_loop3A_254 = arith.addi %parallel_loop3A_205, %parallel_loop3A_253 : vector<16xi32>
        %parallel_loop3A_255 = tpu.vector_load_idx %arg17[%parallel_loop3A_254] : memref<1360xf32, #tpu.memory_space<vmem>>[vector<16xi32>], vector<16xf32>,
        %parallel_loop3A_256 = arith.addf %parallel_loop3A_251, %parallel_loop3A_255 : vector<16xf32>
        %parallel_loop3A_257 = arith.constant 11 : i32
        %parallel_loop3A_258 = vector.broadcast %parallel_loop3A_257 : i32 to vector<16xi32>
        %parallel_loop3A_259 = arith.addi %parallel_loop3A_205, %parallel_loop3A_258 : vector<16xi32>
        %parallel_loop3A_260 = tpu.vector_load_idx %arg17[%parallel_loop3A_259] : memref<1360xf32, #tpu.memory_space<vmem>>[vector<16xi32>], vector<16xf32>,
        %parallel_loop3A_261 = arith.addf %parallel_loop3A_256, %parallel_loop3A_260 : vector<16xf32>
        %parallel_loop3A_262 = arith.constant 12 : i32
        %parallel_loop3A_263 = vector.broadcast %parallel_loop3A_262 : i32 to vector<16xi32>
        %parallel_loop3A_264 = arith.addi %parallel_loop3A_205, %parallel_loop3A_263 : vector<16xi32>
        %parallel_loop3A_265 = tpu.vector_load_idx %arg17[%parallel_loop3A_264] : memref<1360xf32, #tpu.memory_space<vmem>>[vector<16xi32>], vector<16xf32>,
        %parallel_loop3A_266 = arith.addf %parallel_loop3A_261, %parallel_loop3A_265 : vector<16xf32>
        %parallel_loop3A_267 = arith.constant 13 : i32
        %parallel_loop3A_268 = vector.broadcast %parallel_loop3A_267 : i32 to vector<16xi32>
        %parallel_loop3A_269 = arith.addi %parallel_loop3A_205, %parallel_loop3A_268 : vector<16xi32>
        %parallel_loop3A_270 = tpu.vector_load_idx %arg17[%parallel_loop3A_269] : memref<1360xf32, #tpu.memory_space<vmem>>[vector<16xi32>], vector<16xf32>,
        %parallel_loop3A_271 = arith.addf %parallel_loop3A_266, %parallel_loop3A_270 : vector<16xf32>
        %parallel_loop3A_272 = arith.constant 14 : i32
        %parallel_loop3A_273 = vector.broadcast %parallel_loop3A_272 : i32 to vector<16xi32>
        %parallel_loop3A_274 = arith.addi %parallel_loop3A_205, %parallel_loop3A_273 : vector<16xi32>
        %parallel_loop3A_275 = tpu.vector_load_idx %arg17[%parallel_loop3A_274] : memref<1360xf32, #tpu.memory_space<vmem>>[vector<16xi32>], vector<16xf32>,
        %parallel_loop3A_276 = arith.addf %parallel_loop3A_271, %parallel_loop3A_275 : vector<16xf32>
        %parallel_loop3A_277 = arith.constant 15 : i32
        %parallel_loop3A_278 = vector.broadcast %parallel_loop3A_277 : i32 to vector<16xi32>
        %parallel_loop3A_279 = arith.addi %parallel_loop3A_205, %parallel_loop3A_278 : vector<16xi32>
        %parallel_loop3A_280 = tpu.vector_load_idx %arg17[%parallel_loop3A_279] : memref<1360xf32, #tpu.memory_space<vmem>>[vector<16xi32>], vector<16xf32>,
        %parallel_loop3A_281 = arith.addf %parallel_loop3A_276, %parallel_loop3A_280 : vector<16xf32>
        %parallel_loop3A_282 = arith.constant 0.000000e+00 : f32
        %parallel_loop3A_283 = vector.broadcast %parallel_loop3A_282 : f32 to vector<16xf32>
        %parallel_loop3A_284 = arith.subf %parallel_loop3A_283, %parallel_loop3A_281 : vector<16xf32>
        %parallel_loop3A_285 = math.exp %parallel_loop3A_284 : vector<16xf32>
        %parallel_loop3A_286 = arith.constant 1.000000e+00 : f32
        %parallel_loop3A_287 = vector.broadcast %parallel_loop3A_286 : f32 to vector<16xf32>
        %parallel_loop3A_288 = arith.addf %parallel_loop3A_287, %parallel_loop3A_285 : vector<16xf32>
        %parallel_loop3A_289 = arith.constant 1.000000e+00 : f32
        %parallel_loop3A_290 = vector.broadcast %parallel_loop3A_289 : f32 to vector<16xf32>
        %parallel_loop3A_291 = arith.divf %parallel_loop3A_290, %parallel_loop3A_288 : vector<16xf32>
        %parallel_loop3A_292 = arith.constant 16 : i32
        %parallel_loop3A_293 = arith.muli %parallel_loop3A_201, %parallel_loop3A_292 : i32
        %parallel_loop3A_294 = arith.index_cast %parallel_loop3A_293 : i32 to index
        %parallel_loop3A_295 = tpu.vector_load %arg16[%parallel_loop3A_294] {strides = array<i32>} : memref<80xf32, #tpu.memory_space<vmem>>, vector<16xf32>,
        tpu.vector_store %arg16[%parallel_loop3A_294], %parallel_loop3A_291 {strides = array<i32>} : memref<80xf32, #tpu.memory_space<vmem>>, vector<16xf32>,
      } {sc.loop_unroll_factor = 5 : i64, sc.parallel_access}
      %mul3A_189 = arith.constant 80 : i32
      %mul3A_190 = arith.muli %add3A_177, %mul3A_189 : i32
      %add3A_191 = arith.addi %multiple_of3A, %mul3A_190 : i32
      %dma_start3A_192 = tpu.memref_slice %arg5[%add3A_191] : memref<320000xf32, #tpu.memory_space<hbm>> -> memref<80xf32, #tpu.memory_space<hbm>>
      %dma_start3A_193 = tpu.memref_slice %arg5[%add3A_191] : memref<320000xf32, #tpu.memory_space<hbm>> -> memref<80xf32, #tpu.memory_space<hbm>>
      tpu.enqueue_dma source(%arg16 : memref<80xf32, #tpu.memory_space<vmem>>) target(%dma_start3A_193 : memref<80xf32, #tpu.memory_space<hbm>>) target_semaphore(%arg25 : memref<!tpu.dma_semaphore, #tpu.memory_space<semaphore_mem>>)
      %add3A_194 = arith.constant 3 : i32
      %add3A_195 = arith.addi %mul3A_127, %add3A_194 : i32
      %lt3A_196 = arith.constant 125 : i32
      %lt3A_197 = arith.cmpi slt, %add3A_195, %lt3A_196 : i32
      %convert_element_type3A_198 = arith.extui %lt3A_197 : i1 to i32
      %cond3A_199 = arith.constant 0 : i32
      %cond3A_200 = arith.cmpi ne, %convert_element_type3A_198, %cond3A_199 : i32
      scf.if %cond3A_200 {
        %add3A_201 = arith.constant 3 : i32
        %add3A_202 = arith.addi %mul3A_127, %add3A_201 : i32
        %mul3A_203 = arith.constant 80 : i32
        %mul3A_204 = arith.muli %add3A_202, %mul3A_203 : i32
        %multiple_of3A_205 = tpu.assume_multiple %mul3A_204, 16 : i32
        %dma_start3A_206 = tpu.memref_slice %arg9[%multiple_of3A_205] : memref<10000xi32, #tpu.memory_space<vmem>> -> memref<80xi32, #tpu.memory_space<vmem>>
        %dma_start3A_207 = arith.constant 0 : i32
        %dma_start3A_208 = arith.constant 0 : i32
        %dma_start3A_209 = tpu.memref_slice %arg6[%dma_start3A_207, %dma_start3A_208] : memref<10000x64xi32, #tpu.memory_space<vmem_shared>> -> memref<10000x64xi32, #tpu.memory_space<vmem_shared>>
        tpu.enqueue_indirect_dma source(%dma_start3A_209 : memref<10000x64xi32, #tpu.memory_space<vmem_shared>>) target(%arg13 : memref<80x64xi32, #tpu.memory_space<vmem>>) offsets(%dma_start3A_206 : memref<80xi32, #tpu.memory_space<vmem>>) semaphore(%arg22 : memref<!tpu.dma_semaphore, #tpu.memory_space<semaphore_mem>>)
        %dma_start3A_210 = tpu.memref_slice %arg10[%multiple_of3A_205] : memref<10000xi32, #tpu.memory_space<vmem>> -> memref<80xi32, #tpu.memory_space<vmem>>
        %dma_start3A_211 = arith.constant 0 : i32
        %dma_start3A_212 = arith.constant 0 : i32
        %dma_start3A_213 = tpu.memref_slice %arg6[%dma_start3A_211, %dma_start3A_212] : memref<10000x64xi32, #tpu.memory_space<vmem_shared>> -> memref<10000x64xi32, #tpu.memory_space<vmem_shared>>
        tpu.enqueue_indirect_dma source(%dma_start3A_213 : memref<10000x64xi32, #tpu.memory_space<vmem_shared>>) target(%arg14 : memref<80x64xi32, #tpu.memory_space<vmem>>) offsets(%dma_start3A_210 : memref<80xi32, #tpu.memory_space<vmem>>) semaphore(%arg23 : memref<!tpu.dma_semaphore, #tpu.memory_space<semaphore_mem>>)
      } else {
      }
    }
    %scan3A_93 = arith.constant 62 : i32
    %dma_wait3A_94 = arith.constant 0 : i32
    %dma_wait3A_95 = tpu.memref_slice %arg9[%dma_wait3A_94] : memref<10000xi32, #tpu.memory_space<vmem>> -> memref<80xi32, #tpu.memory_space<vmem>>
    %dma_wait3A_96 = arith.constant 0 : i32
    %dma_wait3A_97 = arith.constant 0 : i32
    %dma_wait3A_98 = tpu.memref_slice %arg6[%dma_wait3A_96, %dma_wait3A_97] : memref<10000x64xi32, #tpu.memory_space<vmem_shared>> -> memref<10000x64xi32, #tpu.memory_space<vmem_shared>>
    tpu.wait_indirect_dma semaphore(%arg20 : memref<!tpu.dma_semaphore, #tpu.memory_space<semaphore_mem>>) src(%dma_wait3A_98 : memref<10000x64xi32, #tpu.memory_space<vmem_shared>>) dst(%arg11 : memref<80x64xi32, #tpu.memory_space<vmem>>)
    %dma_wait3A_99 = arith.constant 0 : i32
    %dma_wait3A_100 = tpu.memref_slice %arg10[%dma_wait3A_99] : memref<10000xi32, #tpu.memory_space<vmem>> -> memref<80xi32, #tpu.memory_space<vmem>>
    %dma_wait3A_101 = arith.constant 0 : i32
    %dma_wait3A_102 = arith.constant 0 : i32
    %dma_wait3A_103 = tpu.memref_slice %arg6[%dma_wait3A_101, %dma_wait3A_102] : memref<10000x64xi32, #tpu.memory_space<vmem_shared>> -> memref<10000x64xi32, #tpu.memory_space<vmem_shared>>
    tpu.wait_indirect_dma semaphore(%arg21 : memref<!tpu.dma_semaphore, #tpu.memory_space<semaphore_mem>>) src(%dma_wait3A_103 : memref<10000x64xi32, #tpu.memory_space<vmem_shared>>) dst(%arg12 : memref<80x64xi32, #tpu.memory_space<vmem>>)
    %parallel_loop3A = arith.constant 0 : i32
    %parallel_loop3A_104 = arith.constant 80 : i32
    %parallel_loop3A_105 = arith.constant 1 : i32
    scf.for %parallel_loop3A_125 = %parallel_loop3A to %parallel_loop3A_104 step %parallel_loop3A_105  : i32 {
      %parallel_loop3A_126 = arith.index_cast %parallel_loop3A_125 : i32 to index
      %parallel_loop3A_127 = arith.constant 0 : index
      %parallel_loop3A_128 = tpu.vector_load %arg11[%parallel_loop3A_126, %parallel_loop3A_127] {strides = array<i32>} : memref<80x64xi32, #tpu.memory_space<vmem>>, vector<16xi32>,
      %parallel_loop3A_129 = vector.bitcast %parallel_loop3A_128 : vector<16xi32> to vector<32xbf16>
      %parallel_loop3A_130 = arith.index_cast %parallel_loop3A_125 : i32 to index
      %parallel_loop3A_131 = arith.constant 0 : index
      %parallel_loop3A_132 = tpu.vector_load %arg12[%parallel_loop3A_130, %parallel_loop3A_131] {strides = array<i32>} : memref<80x64xi32, #tpu.memory_space<vmem>>, vector<16xi32>,
      %parallel_loop3A_133 = vector.bitcast %parallel_loop3A_132 : vector<16xi32> to vector<32xbf16>
      %parallel_loop3A_134 = arith.mulf %parallel_loop3A_129, %parallel_loop3A_133 : vector<32xbf16>
      %parallel_loop3A_135 = arith.index_cast %parallel_loop3A_125 : i32 to index
      %parallel_loop3A_136 = arith.constant 16 : index
      %parallel_loop3A_137 = tpu.vector_load %arg11[%parallel_loop3A_135, %parallel_loop3A_136] {strides = array<i32>} : memref<80x64xi32, #tpu.memory_space<vmem>>, vector<16xi32>,
      %parallel_loop3A_138 = vector.bitcast %parallel_loop3A_137 : vector<16xi32> to vector<32xbf16>
      %parallel_loop3A_139 = arith.index_cast %parallel_loop3A_125 : i32 to index
      %parallel_loop3A_140 = arith.constant 16 : index
      %parallel_loop3A_141 = tpu.vector_load %arg12[%parallel_loop3A_139, %parallel_loop3A_140] {strides = array<i32>} : memref<80x64xi32, #tpu.memory_space<vmem>>, vector<16xi32>,
      %parallel_loop3A_142 = vector.bitcast %parallel_loop3A_141 : vector<16xi32> to vector<32xbf16>
      %parallel_loop3A_143 = arith.mulf %parallel_loop3A_138, %parallel_loop3A_142 : vector<32xbf16>
      %parallel_loop3A_144 = arith.index_cast %parallel_loop3A_125 : i32 to index
      %parallel_loop3A_145 = arith.constant 32 : index
      %parallel_loop3A_146 = tpu.vector_load %arg11[%parallel_loop3A_144, %parallel_loop3A_145] {strides = array<i32>} : memref<80x64xi32, #tpu.memory_space<vmem>>, vector<16xi32>,
      %parallel_loop3A_147 = vector.bitcast %parallel_loop3A_146 : vector<16xi32> to vector<32xbf16>
      %parallel_loop3A_148 = arith.index_cast %parallel_loop3A_125 : i32 to index
      %parallel_loop3A_149 = arith.constant 32 : index
      %parallel_loop3A_150 = tpu.vector_load %arg12[%parallel_loop3A_148, %parallel_loop3A_149] {strides = array<i32>} : memref<80x64xi32, #tpu.memory_space<vmem>>, vector<16xi32>,
      %parallel_loop3A_151 = vector.bitcast %parallel_loop3A_150 : vector<16xi32> to vector<32xbf16>
      %parallel_loop3A_152 = arith.mulf %parallel_loop3A_147, %parallel_loop3A_151 : vector<32xbf16>
      %parallel_loop3A_153 = arith.index_cast %parallel_loop3A_125 : i32 to index
      %parallel_loop3A_154 = arith.constant 48 : index
      %parallel_loop3A_155 = tpu.vector_load %arg11[%parallel_loop3A_153, %parallel_loop3A_154] {strides = array<i32>} : memref<80x64xi32, #tpu.memory_space<vmem>>, vector<16xi32>,
      %parallel_loop3A_156 = vector.bitcast %parallel_loop3A_155 : vector<16xi32> to vector<32xbf16>
      %parallel_loop3A_157 = arith.index_cast %parallel_loop3A_125 : i32 to index
      %parallel_loop3A_158 = arith.constant 48 : index
      %parallel_loop3A_159 = tpu.vector_load %arg12[%parallel_loop3A_157, %parallel_loop3A_158] {strides = array<i32>} : memref<80x64xi32, #tpu.memory_space<vmem>>, vector<16xi32>,
      %parallel_loop3A_160 = vector.bitcast %parallel_loop3A_159 : vector<16xi32> to vector<32xbf16>
      %parallel_loop3A_161 = arith.mulf %parallel_loop3A_156, %parallel_loop3A_160 : vector<32xbf16>
      %parallel_loop3A_162 = arith.addf %parallel_loop3A_134, %parallel_loop3A_143 : vector<32xbf16>
      %parallel_loop3A_163 = arith.addf %parallel_loop3A_152, %parallel_loop3A_161 : vector<32xbf16>
      %parallel_loop3A_164 = arith.addf %parallel_loop3A_162, %parallel_loop3A_163 : vector<32xbf16>
      %parallel_loop3A_165 = tpu.unpack_subelements %parallel_loop3A_164, 0 {pack_format = #tpu.pack_format<interleaved>} : vector<32xbf16> -> vector<16xf32>
      %parallel_loop3A_166 = tpu.unpack_subelements %parallel_loop3A_164, 1 {pack_format = #tpu.pack_format<interleaved>} : vector<32xbf16> -> vector<16xf32>
      %parallel_loop3A_167 = arith.addf %parallel_loop3A_165, %parallel_loop3A_166 : vector<16xf32>
      %parallel_loop3A_168 = arith.constant 17 : i32
      %parallel_loop3A_169 = arith.muli %parallel_loop3A_125, %parallel_loop3A_168 : i32
      %parallel_loop3A_170 = vector.broadcast %parallel_loop3A_169 : i32 to vector<16xi32>
      %parallel_loop3A_171 = arith.addi %iota3A, %parallel_loop3A_170 : vector<16xi32>
      tpu.vector_store_idx %arg17[%parallel_loop3A_171], %parallel_loop3A_167 : memref<1360xf32, #tpu.memory_space<vmem>>[vector<16xi32>], vector<16xf32>,
    } {sc.loop_unroll_factor = 10 : i64, sc.parallel_access}
    %dma_wait3A_106 = arith.constant 0 : i32
    %dma_wait3A_107 = tpu.memref_slice %arg5[%dma_wait3A_106] : memref<320000xf32, #tpu.memory_space<hbm>> -> memref<80xf32, #tpu.memory_space<hbm>>
    %dma_wait3A_108 = arith.constant 0 : i32
    %dma_wait3A_109 = tpu.memref_slice %arg5[%dma_wait3A_108] : memref<320000xf32, #tpu.memory_space<hbm>> -> memref<80xf32, #tpu.memory_space<hbm>>
    tpu.wait_dma2 semaphore(%arg24 : memref<!tpu.dma_semaphore, #tpu.memory_space<semaphore_mem>>) src(%arg15 : memref<80xf32, #tpu.memory_space<vmem>>) dst(%dma_wait3A_109 : memref<80xf32, #tpu.memory_space<hbm>>)
    %parallel_loop3A_110 = arith.constant 0 : i32
    %parallel_loop3A_111 = arith.constant 5 : i32
    %parallel_loop3A_112 = arith.constant 1 : i32
    scf.for %parallel_loop3A_125 = %parallel_loop3A_110 to %parallel_loop3A_111 step %parallel_loop3A_112  : i32 {
      %parallel_loop3A_126 = arith.constant 272 : i32
      %parallel_loop3A_127 = arith.muli %parallel_loop3A_125, %parallel_loop3A_126 : i32
      %parallel_loop3A_128 = vector.broadcast %parallel_loop3A_127 : i32 to vector<16xi32>
      %parallel_loop3A_129 = arith.addi %mul3A_68, %parallel_loop3A_128 : vector<16xi32>
      %parallel_loop3A_130 = tpu.vector_load_idx %arg17[%parallel_loop3A_129] : memref<1360xf32, #tpu.memory_space<vmem>>[vector<16xi32>], vector<16xf32>,
      %parallel_loop3A_131 = arith.constant 1 : i32
      %parallel_loop3A_132 = vector.broadcast %parallel_loop3A_131 : i32 to vector<16xi32>
      %parallel_loop3A_133 = arith.addi %parallel_loop3A_129, %parallel_loop3A_132 : vector<16xi32>
      %parallel_loop3A_134 = tpu.vector_load_idx %arg17[%parallel_loop3A_133] : memref<1360xf32, #tpu.memory_space<vmem>>[vector<16xi32>], vector<16xf32>,
      %parallel_loop3A_135 = arith.addf %parallel_loop3A_130, %parallel_loop3A_134 : vector<16xf32>
      %parallel_loop3A_136 = arith.constant 2 : i32
      %parallel_loop3A_137 = vector.broadcast %parallel_loop3A_136 : i32 to vector<16xi32>
      %parallel_loop3A_138 = arith.addi %parallel_loop3A_129, %parallel_loop3A_137 : vector<16xi32>
      %parallel_loop3A_139 = tpu.vector_load_idx %arg17[%parallel_loop3A_138] : memref<1360xf32, #tpu.memory_space<vmem>>[vector<16xi32>], vector<16xf32>,
      %parallel_loop3A_140 = arith.addf %parallel_loop3A_135, %parallel_loop3A_139 : vector<16xf32>
      %parallel_loop3A_141 = arith.constant 3 : i32
      %parallel_loop3A_142 = vector.broadcast %parallel_loop3A_141 : i32 to vector<16xi32>
      %parallel_loop3A_143 = arith.addi %parallel_loop3A_129, %parallel_loop3A_142 : vector<16xi32>
      %parallel_loop3A_144 = tpu.vector_load_idx %arg17[%parallel_loop3A_143] : memref<1360xf32, #tpu.memory_space<vmem>>[vector<16xi32>], vector<16xf32>,
      %parallel_loop3A_145 = arith.addf %parallel_loop3A_140, %parallel_loop3A_144 : vector<16xf32>
      %parallel_loop3A_146 = arith.constant 4 : i32
      %parallel_loop3A_147 = vector.broadcast %parallel_loop3A_146 : i32 to vector<16xi32>
      %parallel_loop3A_148 = arith.addi %parallel_loop3A_129, %parallel_loop3A_147 : vector<16xi32>
      %parallel_loop3A_149 = tpu.vector_load_idx %arg17[%parallel_loop3A_148] : memref<1360xf32, #tpu.memory_space<vmem>>[vector<16xi32>], vector<16xf32>,
      %parallel_loop3A_150 = arith.addf %parallel_loop3A_145, %parallel_loop3A_149 : vector<16xf32>
      %parallel_loop3A_151 = arith.constant 5 : i32
      %parallel_loop3A_152 = vector.broadcast %parallel_loop3A_151 : i32 to vector<16xi32>
      %parallel_loop3A_153 = arith.addi %parallel_loop3A_129, %parallel_loop3A_152 : vector<16xi32>
      %parallel_loop3A_154 = tpu.vector_load_idx %arg17[%parallel_loop3A_153] : memref<1360xf32, #tpu.memory_space<vmem>>[vector<16xi32>], vector<16xf32>,
      %parallel_loop3A_155 = arith.addf %parallel_loop3A_150, %parallel_loop3A_154 : vector<16xf32>
      %parallel_loop3A_156 = arith.constant 6 : i32
      %parallel_loop3A_157 = vector.broadcast %parallel_loop3A_156 : i32 to vector<16xi32>
      %parallel_loop3A_158 = arith.addi %parallel_loop3A_129, %parallel_loop3A_157 : vector<16xi32>
      %parallel_loop3A_159 = tpu.vector_load_idx %arg17[%parallel_loop3A_158] : memref<1360xf32, #tpu.memory_space<vmem>>[vector<16xi32>], vector<16xf32>,
      %parallel_loop3A_160 = arith.addf %parallel_loop3A_155, %parallel_loop3A_159 : vector<16xf32>
      %parallel_loop3A_161 = arith.constant 7 : i32
      %parallel_loop3A_162 = vector.broadcast %parallel_loop3A_161 : i32 to vector<16xi32>
      %parallel_loop3A_163 = arith.addi %parallel_loop3A_129, %parallel_loop3A_162 : vector<16xi32>
      %parallel_loop3A_164 = tpu.vector_load_idx %arg17[%parallel_loop3A_163] : memref<1360xf32, #tpu.memory_space<vmem>>[vector<16xi32>], vector<16xf32>,
      %parallel_loop3A_165 = arith.addf %parallel_loop3A_160, %parallel_loop3A_164 : vector<16xf32>
      %parallel_loop3A_166 = arith.constant 8 : i32
      %parallel_loop3A_167 = vector.broadcast %parallel_loop3A_166 : i32 to vector<16xi32>
      %parallel_loop3A_168 = arith.addi %parallel_loop3A_129, %parallel_loop3A_167 : vector<16xi32>
      %parallel_loop3A_169 = tpu.vector_load_idx %arg17[%parallel_loop3A_168] : memref<1360xf32, #tpu.memory_space<vmem>>[vector<16xi32>], vector<16xf32>,
      %parallel_loop3A_170 = arith.addf %parallel_loop3A_165, %parallel_loop3A_169 : vector<16xf32>
      %parallel_loop3A_171 = arith.constant 9 : i32
      %parallel_loop3A_172 = vector.broadcast %parallel_loop3A_171 : i32 to vector<16xi32>
      %parallel_loop3A_173 = arith.addi %parallel_loop3A_129, %parallel_loop3A_172 : vector<16xi32>
      %parallel_loop3A_174 = tpu.vector_load_idx %arg17[%parallel_loop3A_173] : memref<1360xf32, #tpu.memory_space<vmem>>[vector<16xi32>], vector<16xf32>,
      %parallel_loop3A_175 = arith.addf %parallel_loop3A_170, %parallel_loop3A_174 : vector<16xf32>
      %parallel_loop3A_176 = arith.constant 10 : i32
      %parallel_loop3A_177 = vector.broadcast %parallel_loop3A_176 : i32 to vector<16xi32>
      %parallel_loop3A_178 = arith.addi %parallel_loop3A_129, %parallel_loop3A_177 : vector<16xi32>
      %parallel_loop3A_179 = tpu.vector_load_idx %arg17[%parallel_loop3A_178] : memref<1360xf32, #tpu.memory_space<vmem>>[vector<16xi32>], vector<16xf32>,
      %parallel_loop3A_180 = arith.addf %parallel_loop3A_175, %parallel_loop3A_179 : vector<16xf32>
      %parallel_loop3A_181 = arith.constant 11 : i32
      %parallel_loop3A_182 = vector.broadcast %parallel_loop3A_181 : i32 to vector<16xi32>
      %parallel_loop3A_183 = arith.addi %parallel_loop3A_129, %parallel_loop3A_182 : vector<16xi32>
      %parallel_loop3A_184 = tpu.vector_load_idx %arg17[%parallel_loop3A_183] : memref<1360xf32, #tpu.memory_space<vmem>>[vector<16xi32>], vector<16xf32>,
      %parallel_loop3A_185 = arith.addf %parallel_loop3A_180, %parallel_loop3A_184 : vector<16xf32>
      %parallel_loop3A_186 = arith.constant 12 : i32
      %parallel_loop3A_187 = vector.broadcast %parallel_loop3A_186 : i32 to vector<16xi32>
      %parallel_loop3A_188 = arith.addi %parallel_loop3A_129, %parallel_loop3A_187 : vector<16xi32>
      %parallel_loop3A_189 = tpu.vector_load_idx %arg17[%parallel_loop3A_188] : memref<1360xf32, #tpu.memory_space<vmem>>[vector<16xi32>], vector<16xf32>,
      %parallel_loop3A_190 = arith.addf %parallel_loop3A_185, %parallel_loop3A_189 : vector<16xf32>
      %parallel_loop3A_191 = arith.constant 13 : i32
      %parallel_loop3A_192 = vector.broadcast %parallel_loop3A_191 : i32 to vector<16xi32>
      %parallel_loop3A_193 = arith.addi %parallel_loop3A_129, %parallel_loop3A_192 : vector<16xi32>
      %parallel_loop3A_194 = tpu.vector_load_idx %arg17[%parallel_loop3A_193] : memref<1360xf32, #tpu.memory_space<vmem>>[vector<16xi32>], vector<16xf32>,
      %parallel_loop3A_195 = arith.addf %parallel_loop3A_190, %parallel_loop3A_194 : vector<16xf32>
      %parallel_loop3A_196 = arith.constant 14 : i32
      %parallel_loop3A_197 = vector.broadcast %parallel_loop3A_196 : i32 to vector<16xi32>
      %parallel_loop3A_198 = arith.addi %parallel_loop3A_129, %parallel_loop3A_197 : vector<16xi32>
      %parallel_loop3A_199 = tpu.vector_load_idx %arg17[%parallel_loop3A_198] : memref<1360xf32, #tpu.memory_space<vmem>>[vector<16xi32>], vector<16xf32>,
      %parallel_loop3A_200 = arith.addf %parallel_loop3A_195, %parallel_loop3A_199 : vector<16xf32>
      %parallel_loop3A_201 = arith.constant 15 : i32
      %parallel_loop3A_202 = vector.broadcast %parallel_loop3A_201 : i32 to vector<16xi32>
      %parallel_loop3A_203 = arith.addi %parallel_loop3A_129, %parallel_loop3A_202 : vector<16xi32>
      %parallel_loop3A_204 = tpu.vector_load_idx %arg17[%parallel_loop3A_203] : memref<1360xf32, #tpu.memory_space<vmem>>[vector<16xi32>], vector<16xf32>,
      %parallel_loop3A_205 = arith.addf %parallel_loop3A_200, %parallel_loop3A_204 : vector<16xf32>
      %parallel_loop3A_206 = arith.constant 0.000000e+00 : f32
      %parallel_loop3A_207 = vector.broadcast %parallel_loop3A_206 : f32 to vector<16xf32>
      %parallel_loop3A_208 = arith.subf %parallel_loop3A_207, %parallel_loop3A_205 : vector<16xf32>
      %parallel_loop3A_209 = math.exp %parallel_loop3A_208 : vector<16xf32>
      %parallel_loop3A_210 = arith.constant 1.000000e+00 : f32
      %parallel_loop3A_211 = vector.broadcast %parallel_loop3A_210 : f32 to vector<16xf32>
      %parallel_loop3A_212 = arith.addf %parallel_loop3A_211, %parallel_loop3A_209 : vector<16xf32>
      %parallel_loop3A_213 = arith.constant 1.000000e+00 : f32
      %parallel_loop3A_214 = vector.broadcast %parallel_loop3A_213 : f32 to vector<16xf32>
      %parallel_loop3A_215 = arith.divf %parallel_loop3A_214, %parallel_loop3A_212 : vector<16xf32>
      %parallel_loop3A_216 = arith.constant 16 : i32
      %parallel_loop3A_217 = arith.muli %parallel_loop3A_125, %parallel_loop3A_216 : i32
      %parallel_loop3A_218 = arith.index_cast %parallel_loop3A_217 : i32 to index
      %parallel_loop3A_219 = tpu.vector_load %arg15[%parallel_loop3A_218] {strides = array<i32>} : memref<80xf32, #tpu.memory_space<vmem>>, vector<16xf32>,
      tpu.vector_store %arg15[%parallel_loop3A_218], %parallel_loop3A_215 {strides = array<i32>} : memref<80xf32, #tpu.memory_space<vmem>>, vector<16xf32>,
    } {sc.loop_unroll_factor = 5 : i64, sc.parallel_access}
    %add3A_113 = arith.constant 9920 : i32
    %add3A_114 = arith.addi %multiple_of3A, %add3A_113 : i32
    %dma_start3A_115 = tpu.memref_slice %arg5[%add3A_114] : memref<320000xf32, #tpu.memory_space<hbm>> -> memref<80xf32, #tpu.memory_space<hbm>>
    %dma_start3A_116 = tpu.memref_slice %arg5[%add3A_114] : memref<320000xf32, #tpu.memory_space<hbm>> -> memref<80xf32, #tpu.memory_space<hbm>>
    tpu.enqueue_dma source(%arg15 : memref<80xf32, #tpu.memory_space<vmem>>) target(%dma_start3A_116 : memref<80xf32, #tpu.memory_space<hbm>>) target_semaphore(%arg24 : memref<!tpu.dma_semaphore, #tpu.memory_space<semaphore_mem>>)
    %dma_wait3A_117 = arith.constant 0 : i32
    %dma_wait3A_118 = tpu.memref_slice %arg5[%dma_wait3A_117] : memref<320000xf32, #tpu.memory_space<hbm>> -> memref<80xf32, #tpu.memory_space<hbm>>
    %dma_wait3A_119 = arith.constant 0 : i32
    %dma_wait3A_120 = tpu.memref_slice %arg5[%dma_wait3A_119] : memref<320000xf32, #tpu.memory_space<hbm>> -> memref<80xf32, #tpu.memory_space<hbm>>
    tpu.wait_dma2 semaphore(%arg24 : memref<!tpu.dma_semaphore, #tpu.memory_space<semaphore_mem>>) src(%arg15 : memref<80xf32, #tpu.memory_space<vmem>>) dst(%dma_wait3A_120 : memref<80xf32, #tpu.memory_space<hbm>>)
    %dma_wait3A_121 = arith.constant 0 : i32
    %dma_wait3A_122 = tpu.memref_slice %arg5[%dma_wait3A_121] : memref<320000xf32, #tpu.memory_space<hbm>> -> memref<80xf32, #tpu.memory_space<hbm>>
    %dma_wait3A_123 = arith.constant 0 : i32
    %dma_wait3A_124 = tpu.memref_slice %arg5[%dma_wait3A_123] : memref<320000xf32, #tpu.memory_space<hbm>> -> memref<80xf32, #tpu.memory_space<hbm>>
    tpu.wait_dma2 semaphore(%arg25 : memref<!tpu.dma_semaphore, #tpu.memory_space<semaphore_mem>>) src(%arg16 : memref<80xf32, #tpu.memory_space<vmem>>) dst(%dma_wait3A_124 : memref<80xf32, #tpu.memory_space<hbm>>)
    return
  }
}

</mosaic_0001>

<sc_bundles>
// kernel: kernel.3.cloned.1.call-start
scs
__scs_entry_jumppad:
0x0: {  	(pc) =	sbr.rel $0x88, $3  }
0x1: {  	(tag) =	ssettag $0x0;
	lr =	simm.s32 $0x1  }
0x2: {  	[smem:$0x3F9F] =	sst lr;
	_ =	strace $0xD0000000  }
0x3: {  	_ = 	snop  }
0x4: {  	_ = 	snop  }
0x5: {  	_ = 	snop  }
0x6: {  	_ = 	snop  }
0x7: {  	_ = 	snop  }
__scs_overlays_trampoline_lowered:
0x8: {  	[smem:$0x3FAE] =	sst s0  }
0x9: {  	[smem:$0x3FAF] =	sst s1  }
0xa: {  	[smem:$0x3FB0] =	sst s2  }
0xb: {  	[smem:$0x3FB1] =	sst s3  }
0xc: {  	[smem:$0x3FB2] =	sst s4  }
0xd: {  	[smem:$0x3FB3] =	sst s5  }
0xe: {  	[smem:$0x3FB4] =	sst s6  }
0xf: {  	[smem:$0x3FB5] =	sst s7  }
0x10: {  	[smem:$0x3FB6] =	sst s8  }
0x11: {  	[smem:$0x3FB7] =	sst s9;
	s0 =	simm.s32 @!p0 $0x0  }
0x12: {  	s1 =	sld [smem:$0x3F9D];
	s0 =	simm.s32 @p0 $0x1  }
0x13: {  	[smem:$0x3FB8] =	sst s0;
	s0 =	simm.s32 @!p1 $0x0  }
0x14: {  	s2 =	sld [smem:$0x3F9C];
	s0 =	simm.s32 @p1 $0x1  }
0x15: {  	[smem:$0x3FB9] =	sst s0;
	s0 =	simm.s32 @!p2 $0x0  }
0x16: {  	s3 =	sld [smem:$0x3FDB];
	s0 =	simm.s32 @p2 $0x1  }
0x17: {  	s4 =	simm.s32 $0x1BF5;
	[smem:$0x3FBB] =	sst s0  }
0x18: {  	s0 =	sld [smem:$0x3F9E];
	_ =	swait.ge [sflag:s4], $0x0  }
0x19: {  	s7 =	sld [smem:$0x3F9F]  }
0x1a: {  	s8 =	sadd.s32 $0xFFFFE003, lr  }
0x1b: {  	s9 =	sadd.s32 $0xFFFFFEF7, lr;
	s5 =	simm.s32 $0xFFFFFFFF;
	p2 =	slt.u32 s8, $0xFFFFF086  }
0x1c: {  	p1 =	slt.u32 s9, $0xF7A;
	s5 =	simm.s32 @!p2 $0x0  }
0x1d: {  	s5 =	simm.s32 @p1 $0x1;
	p0 =	seq.s32 s7, s2  }
0x1e: {  	s7 =	smul.u32 @!p0 $0xF7A, s2;
	p2 =	seq.s32 @!p0 s5, $0x0  }
0x1f: {  	s9 =	smul.u32 $0xF7A, s1;
	s8 =	simm.s32 @!p0 $0x1BF5;
	p2 =	por !p2, p0  }
0x20: {  	[sflag:s8] =	ssyncset.s32 @!p0 $0xFFFFF086;
	s6 =	sadd.s32 @!p0 s3, s7;
	s7 =	simm.s32 @!p0 $0x108  }
0x21: {  	s3 =	sadd.s32 s3, s9;
	s6 =	sadd.s32 @!p0 $0x88, s6;
	s7 =	simm.s32 @p2 $0x1082  }
0x22: {  	[simem:s7], [sflag:s8] =	dma.local @!p0 [hbm:s6], $0xF7A  }
0x23: {  	s9 =	sor.u32 $0xD0000000, s2;
	s6 =	simm.s32 $0x108;
	_ =	swait.ge @!p0 [sflag:s8], $0x0  }
0x24: {  	s3 =	sadd.s32 $0x88, s3;
	s6 =	simm.s32 @!p1 $0x1082;
	[sflag:s4] =	ssyncset.s32 $0xFFFFF086  }
0x25: {  	[simem:s6], [sflag:s4] =	dma.local [hbm:s3], $0xF7A  }
0x26: {  	[smem:$0x3F9F] =	sst s1;
	(tag) =	ssettag s2;
	_ =	strace s9  }
0x27: {  	s1 =	sld [smem:$0x3FAF]  }
0x28: {  	s2 =	sld [smem:$0x3FB0]  }
0x29: {  	s4 =	sld [smem:$0x3FB2]  }
0x2a: {  	p0 =	seq.s32 s5, $0x0;
	s5 =	sld [smem:$0x3FB3]  }
0x2b: {  	s6 =	sld [smem:$0x3FB4]  }
0x2c: {  	s7 =	sld [smem:$0x3FB5]  }
0x2d: {  	s3 =	simm.s32 $0x108;
	s8 =	sld [smem:$0x3FB6]  }
0x2e: {  	s3 =	simm.s32 @!p0 $0x1082;
	s9 =	sld [smem:$0x3FB7]  }
0x2f: {  	lr =	sadd.s32 s0, s3;
	s0 =	sld [smem:$0x3FAE]  }
0x30: {  	s3 =	sld [smem:$0x3FB1]  }
0x31: {  	[smem:$0x3FBA] =	sst s10  }
0x32: {  	s10 =	sld [smem:$0x3FB8];
	_ =	sdelay $0x3  }
0x33: {  	p0 =	seq.s32 s10, $0x1;
	s10 =	sld [smem:$0x3FBA];
	_ =	sdelay $0x3  }
0x34: {  	[smem:$0x3FBA] =	sst s10  }
0x35: {  	s10 =	sld [smem:$0x3FB9];
	_ =	sdelay $0x3  }
0x36: {  	p1 =	seq.s32 s10, $0x1;
	s10 =	sld [smem:$0x3FBA];
	_ =	sdelay $0x3  }
0x37: {  	[smem:$0x3FBA] =	sst s10  }
0x38: {  	s10 =	sld [smem:$0x3FBB]  }
0x39: {  	_ = 	snop;
	(pc) =	sbr.ind lr, $3  }
0x3a: {  	_ = 	snop  }
0x3b: {  	_ = 	snop  }
0x3c: {  	p2 =	seq.s32 s10, $0x1;
	s10 =	sld [smem:$0x3FBA]  }
0x3d: {  	_ =	shalt  }
0x3e: {  	_ =	shalt  }
0x3f: {  	_ =	shalt  }
0x40: {  	_ =	shalt  }
0x41: {  	_ =	shalt  }
0x42: {  	_ =	shalt  }
0x43: {  	_ =	shalt  }
0x44: {  	_ =	shalt  }
0x45: {  	_ =	shalt  }
0x46: {  	_ =	shalt  }
0x47: {  	_ =	shalt  }
0x48: {  	_ =	shalt  }
0x49: {  	_ =	shalt  }
0x4a: {  	_ =	shalt  }
0x4b: {  	_ =	shalt  }
0x4c: {  	_ =	shalt  }
0x4d: {  	_ =	shalt  }
0x4e: {  	_ =	shalt  }
0x4f: {  	_ =	shalt  }
0x50: {  	_ =	shalt  }
0x51: {  	_ =	shalt  }
0x52: {  	_ =	shalt  }
0x53: {  	_ =	shalt  }
0x54: {  	_ =	shalt  }
0x55: {  	_ =	shalt  }
0x56: {  	_ =	shalt  }
0x57: {  	_ =	shalt  }
0x58: {  	_ =	shalt  }
0x59: {  	_ =	shalt  }
0x5a: {  	_ =	shalt  }
0x5b: {  	_ =	shalt  }
0x5c: {  	_ =	shalt  }
0x5d: {  	_ =	shalt  }
0x5e: {  	_ =	shalt  }
0x5f: {  	_ =	shalt  }
0x60: {  	_ =	shalt  }
0x61: {  	_ =	shalt  }
0x62: {  	_ =	shalt  }
0x63: {  	_ =	shalt  }
0x64: {  	_ =	shalt  }
0x65: {  	_ =	shalt  }
0x66: {  	_ =	shalt  }
0x67: {  	_ =	shalt  }
0x68: {  	_ =	shalt  }
0x69: {  	_ =	shalt  }
0x6a: {  	_ =	shalt  }
0x6b: {  	_ =	shalt  }
0x6c: {  	_ =	shalt  }
0x6d: {  	_ =	shalt  }
0x6e: {  	_ =	shalt  }
0x6f: {  	_ =	shalt  }
0x70: {  	_ =	shalt  }
0x71: {  	_ =	shalt  }
0x72: {  	_ =	shalt  }
0x73: {  	_ =	shalt  }
0x74: {  	_ =	shalt  }
0x75: {  	_ =	shalt  }
0x76: {  	_ =	shalt  }
0x77: {  	_ =	shalt  }
0x78: {  	_ =	shalt  }
0x79: {  	_ =	shalt  }
0x7a: {  	_ =	shalt  }
0x7b: {  	_ =	shalt  }
0x7c: {  	_ =	shalt  }
0x7d: {  	_ =	shalt  }
0x7e: {  	_ =	shalt  }
0x7f: {  	_ =	shalt  }
0x80: {  	_ =	shalt  }
0x81: {  	_ =	shalt  }
0x82: {  	_ =	shalt  }
0x83: {  	_ =	shalt  }
0x84: {  	_ =	shalt  }
0x85: {  	_ =	shalt  }
0x86: {  	_ =	shalt  }
0x87: {  	_ =	shalt  }
.Lfunc_end0:
.L_simem_size_0:
called_computation_lowered:
.L_overlay_start_0:
0x88: {  	s2 =	sld [smem:$0x3FD9]  }
0x89: {  	s3 =	sld [smem:$0x3FFE];
	_ =	sdelay $0x1  }
0x8a: {  	s1 =	srdreg.scid  }
0x8b: {  	s0 =	sand.u32 $0x1, s1  }
0x8c: {  	s17 =	sshll.u32 s0, $0xA;
	s2 =	sadd.s32 s3, s2  }
0x8d: {  	s2 =	sadd.s32 s2, s17  }
0x8e: {  	[smem:$0x3FC6] =	sst s2  }
0x8f: {  	_ = 	snop  }
0x90: {  	s2 =	sld [smem:$0x3FD0];
	(tm) =	ssettm $0x1  }
0x91: {  	s18 =	sld [smem:$0x3FFB];
	_ =	sdelay $0x3  }
0x92: {  	_ =	strace s18  }
0x93: {  	s3 =	sld [smem:$0x3FFC];
	_ =	sdelay $0x3  }
0x94: {  	_ =	strace s3  }
0x95: {  	s3 =	sld [smem:$0x3FFD];
	_ =	sdelay $0x3  }
0x96: {  	_ =	strace s3  }
0x97: {  	_ =	strace $0x8FFFFFFF  }
0x98: {  	s19 =	sld [smem:$0x3FDB];
	_ =	sdelay $0x1  }
0x99: {  	s4 =	simm.s32 $_scs_section_size  }
0x9a: {  	s5 =	simm.s32 $_size__tile_overlayer_lowered;
	s6 =	simm.s32 $_tile_overlayer_lowered  }
0x9b: {  	s22 =	simm.s32 $0x1BFF;
	s21 =	sshll.u32 s6, $0x1;
	s3 =	sadd.s32 s4, s19  }
0x9c: {  	s7 =	simm.s32 $0x0;
	s20 =	sshll.u32 s5, $0x1;
	s5 =	sadd.s32 s21, s3  }
0x9d: {  	[timem:s7], [sflag:s22] =	dma.local [hbm:s5], s20  }
0x9e: {  	_ =	swait.ge [sflag:s22], s20  }
0x9f: {  	s4 =	ssub.s32 $0x0, s20;
	[sflag:s22] =	ssyncset.done $0x0  }
0xa0: {  	[sflag:s22] =	ssyncadd.s32 s4;
	_ =	sdelay $0x1  }
0xa1: {  	s23 =	simm.s32 $0x1B8B  }
0xa2: {  	_ =	swait.ge [sflag:s23], $0x1  }
0xa3: {  	[sflag:s23] =	ssyncset.done $0x0  }
0xa4: {  	s25 =	simm.s32 $0x1B8E;
	s24 =	sld [smem:$0x3FFE];
	[sflag:s23] =	ssyncadd.s32 $0xFFFFFFFF  }
0xa5: {  	s26 =	simm.s32 $execute0_lowered;
	[smem:$0x3FD2] =	sst s25  }
0xa6: {  	s5 =	sshll.u32 s26, $0x1;
	_ =	strace $0x80000046;
	[dreg:$0x1] =	wrdreg $0xFFFFFFFF  }
0xa7: {  	s28 =	simm.s32 $_size_execute0_lowered;
	s3 =	sadd.s32 s3, s5;
	[dreg:$0x0] =	wrdreg $0x0  }
0xa8: {  	s5 =	sshll.u32 s28, $0x1;
	[dreg:$0x2] =	wrdreg s3  }
0xa9: {  	[dreg:$0x3] =	wrdreg s5  }
0xaa: {  	[dreg:$0x4] =	wrdreg $0xC0  }
0xab: {  	_ =	task [dreg:s7], $0x5FFFF  }
0xac: {  	[dreg:$0x1] =	wrdreg $0xFFFFFFFF  }
0xad: {  	[dreg:$0x0] =	wrdreg $0x60  }
0xae: {  	[dreg:$0x2] =	wrdreg s24  }
0xaf: {  	[dreg:$0x3] =	wrdreg s2  }
0xb0: {  	[dreg:$0x4] =	wrdreg $0x0  }
0xb1: {  	[dreg:$0x5] =	wrdreg $0x9  }
0xb2: {  	_ =	task.clear_ibuf [dreg:s7], $0x6FFFF;
	_ =	strace $0x90000046  }
0xb3: {  	s29 =	simm.s32 $0x9;
	_ =	strace $0x80000048  }
0xb4: {  	_ =	swait.ge [sflag:s29], $0x1  }
0xb5: {  	[sflag:s29] =	ssyncadd.s32 $0xFFFFFFFF  }
0xb6: {  	_ =	strace $0x90000048  }
0xb7: {  	_ =	sfence  }
0xb8: {  	s30 =	sld [smem:$0x0];
	_ =	sdelay $0x2  }
0xb9: {  	s31 =	sshll.u32 s1, $0xD;
	s1 =	sshrl.u32 s1, $0x2  }
0xba: {  	s3 =	sand.u32 $0x4000, s31;
	s1 =	sadd.s32 s1, s30  }
0xbb: {  	s0 =	sor.u32 s3, s0;
	s1 =	sshll.u32 s1, $0x11  }
0xbc: {  	s0 =	sor.u32 s1, s0  }
0xbd: {  	s0 =	sadd.s32 $0x8F2B, s0  }
0xbe: {  	[sflag:s0] =	ssyncadd.remote.s32 $0x1  }
0xbf: {  	_ =	sfence.sel $0xFFFF  }
0xc0: {  	[dreg:$0x0] =	wrdreg $0xFFFFFFFF;
	(pc) =	sbr.abs _section_cstart, $3  }
0xc1: {  	[dreg:$0x1] =	wrdreg $0xFFFFFFFF  }
0xc2: {  	_ =	task.clear_ibuf [dreg:s7], $0x2FFFF;
	_ =	strace $0x9FFFFFFF  }
0xc3: {  	(tm) =	ssettm $0x7FFFFFFF  }
tec
execute0_lowered:
.L_overlay_start_1:
0x0: {  	(tag) =	ssettag $0x1  }
0x1: {  	v0 =	vlaneseq.u32  }
0x2: {  	s0 =	srdreg.scid;
	s1 =	rddreg [dreg:$0x0];
	v1 =	vmul.u32 $0x11, v0  }
0x3: {  	s21 =	stileid.u32;
	s2 =	rddreg [dreg:$0x1];
	s5 =	simm.s32 $0x0  }
0x4: {  	s0 =	sand.u32 $0x1, s0;
	s3 =	sshll.u32 s21, $0x1;
	[smem:$0x7FF] =	sst s5;
	v2 =	vadd.s32 $0x1, v1  }
0x5: {  	s4 =	sor.u32 s0, s3;
	s3 =	rddreg [dreg:$0x2];
	_ =	strace $0x80000047;
	[tilespmem:$0x1FCC0] =	vst v2;
	v2 =	vadd.s32 $0x2, v1  }
0x6: {  	[tilespmem:$0x1FCD0] =	vst v2;
	v2 =	vadd.s32 $0x3, v1  }
0x7: {  	[tilespmem:$0x1FCE0] =	vst v2;
	v2 =	vadd.s32 $0x4, v1  }
0x8: {  	[tilespmem:$0x1FCF0] =	vst v2;
	v2 =	vadd.s32 $0x5, v1  }
0x9: {  	[tilespmem:$0x1FD00] =	vst v2;
	v2 =	vadd.s32 $0x6, v1  }
0xa: {  	[tilespmem:$0x1FD10] =	vst v2;
	v2 =	vadd.s32 $0x7, v1  }
0xb: {  	[tilespmem:$0x1FD20] =	vst v2;
	v2 =	vadd.s32 $0x8, v1  }
0xc: {  	[tilespmem:$0x1FD30] =	vst v2;
	v2 =	vadd.s32 $0x9, v1  }
0xd: {  	[tilespmem:$0x1FD40] =	vst v2;
	v2 =	vadd.s32 $0xA, v1  }
0xe: {  	[tilespmem:$0x1FD50] =	vst v2;
	v2 =	vadd.s32 $0xB, v1  }
0xf: {  	[tilespmem:$0x1FD60] =	vst v2;
	v2 =	vadd.s32 $0xC, v1  }
0x10: {  	[tilespmem:$0x1FD70] =	vst v2;
	v2 =	vadd.s32 $0xD, v1  }
0x11: {  	[tilespmem:$0x1FD80] =	vst v2;
	v2 =	vadd.s32 $0xE, v1  }
0x12: {  	[tilespmem:$0x1FD90] =	vst v2;
	v2 =	vadd.s32 $0xF, v1  }
0x13: {  	[tilespmem:$0x1FDA0] =	vst v2;
	v2 =	vadd.s32 $0x110, v1  }
0x14: {  	[tilespmem:$0x1FDB0] =	vst v2;
	v2 =	vadd.s32 $0x111, v1  }
0x15: {  	[tilespmem:$0x1FDC0] =	vst v2;
	v2 =	vadd.s32 $0x112, v1  }
0x16: {  	s6 =	smul.u32 $0x500, s21;
	[tilespmem:$0x1FDD0] =	vst v2;
	v2 =	vadd.s32 $0x113, v1  }
0x17: {  	s7 =	smul.u32 $0x5000, s21;
	s8 =	sor.u32 $0x10, s21;
	[tilespmem:$0x1FDE0] =	vst v2;
	v2 =	vadd.s32 $0x114, v1  }
0x18: {  	s10 =	smul.u32 $0x500, s8;
	[tilespmem:$0x1FDF0] =	vst v2;
	v2 =	vadd.s32 $0x115, v1  }
0x19: {  	s11 =	sor.u32 $0x20, s21;
	s8 =	smul.u32 $0x5000, s8;
	[tilespmem:$0x1FE00] =	vst v2;
	v2 =	vadd.s32 $0x116, v1  }
0x1a: {  	s14 =	sor.u32 $0x30, s21;
	s13 =	smul.u32 $0x500, s11;
	[tilespmem:$0x1FE10] =	vst v2;
	v2 =	vadd.s32 $0x117, v1  }
0x1b: {  	s31 =	simm.s32 $0x9;
	s15 =	sor.u32 $0x40, s21;
	s25 =	smul.u32 $0x500, s14;
	[tilespmem:$0x1FE20] =	vst v2;
	v2 =	vadd.s32 $0x118, v1  }
0x1c: {  	s28 =	simm.s32 $0x17660;
	s18 =	sor.u32 $0x50, s21;
	s17 =	smul.u32 $0x500, s15;
	[tilespmem:$0x1FE30] =	vst v2;
	v2 =	vadd.s32 $0x119, v1  }
0x1d: {  	s29 =	simm.s32 $0x6;
	s19 =	sor.u32 $0x60, s21;
	s26 =	smul.u32 $0x500, s18;
	[tilespmem:$0x1FE40] =	vst v2;
	v2 =	vadd.s32 $0x11A, v1  }
0x1e: {  	s9 =	sadd.s32 $0x13C00, s1;
	s20 =	sor.u32 $0x70, s21;
	s30 =	smul.u32 $0x500, s19;
	[tilespmem:$0x1FE50] =	vst v2;
	v2 =	vadd.s32 $0x11B, v1  }
0x1f: {  	p0 =	sgt.u32 s21, $0xC;
	s0 =	ssub.s32 $0x2, s0;
	s24 =	smul.u32 $0x500, s20;
	[tilespmem:$0x1FE60] =	vst v2;
	v2 =	vadd.s32 $0x11C, v1  }
0x20: {  	s11 =	smul.u32 $0x5000, s11;
	s12 =	sshrl.u32 s0, $0x1;
	s6 =	sadd.s32 s9, s6;
	[tilespmem:$0x1FE70] =	vst v2;
	v2 =	vadd.s32 $0x11D, v1  }
0x21: {  	s4 =	smul.u32 $0x2710, s4;
	s0 =	ssub.s32 s0, s12;
	[dreg:$0x5] =	wrdreg s6;
	[tilespmem:$0x1FE80] =	vst v2;
	v2 =	vadd.s32 $0x11E, v1  }
0x22: {  	s10 =	sadd.s32 s9, s10;
	s23 =	sadd.s32 s9, s13;
	s13 =	smul.u32 $0x5000, s15;
	[tilespmem:$0x1FE90] =	vst v2;
	v2 =	vadd.s32 $0x11F, v1  }
0x23: {  	s12 =	sadd.s32 s9, s25;
	s15 =	smul.u32 $0x5000, s18;
	[dreg:$0x6] =	wrdreg s10;
	[tilespmem:$0x1FEA0] =	vst v2;
	v2 =	vadd.s32 $0x220, v1  }
0x24: {  	s25 =	sadd.s32 s9, s17;
	s18 =	smul.u32 $0x5000, s19;
	[dreg:$0x7] =	wrdreg s23;
	[tilespmem:$0x1FEB0] =	vst v2;
	v2 =	vadd.s32 $0x221, v1  }
0x25: {  	s19 =	smul.u32 $0x5000, s20;
	s16 =	sshrl.u32 s4, $0x3;
	[dreg:$0x8] =	wrdreg s12;
	[tilespmem:$0x1FEC0] =	vst v2;
	v2 =	vadd.s32 $0x222, v1  }
0x26: {  	[dreg:$0x9] =	wrdreg s25;
	s10 =	smul.u32 $0x5000, s14;
	s12 =	sshrl.u32 s8, $0x2;
	[tilespmem:$0x1FED0] =	vst v2;
	v2 =	vadd.s32 $0x223, v1  }
0x27: {  	s14 =	sshrl.u32 s11, $0x2;
	s0 =	smax.u32 s0, $0x1;
	s11 =	simm.s32 $0x3;
	[tilespmem:$0x1FEE0] =	vst v2;
	v2 =	vadd.s32 $0x224, v1  }
0x28: {  	s22 =	sadd.s32 s1, s16;
	s1 =	sadd.s32 s9, s26;
	s26 =	sadd.s32 s9, s30;
	[tilespmem:$0x1FEF0] =	vst v2;
	v2 =	vadd.s32 $0x225, v1  }
0x29: {  	s30 =	sadd.s32 s9, s24;
	s9 =	sshrl.u32 s7, $0x2;
	s7 =	sshrl.u32 s13, $0x2;
	[tilespmem:$0x1FF00] =	vst v2;
	v2 =	vadd.s32 $0x226, v1  }
0x2a: {  	s8 =	sshrl.u32 s15, $0x2;
	s23 =	sshrl.u32 s18, $0x2;
	[dreg:$0x17] =	wrdreg s0;
	[tilespmem:$0x1FF10] =	vst v2;
	v2 =	vadd.s32 $0x227, v1  }
0x2b: {  	s24 =	sshrl.u32 s19, $0x2;
	s25 =	sadd.s32 s2, s16;
	[dreg:$0xa] =	wrdreg s1;
	[tilespmem:$0x1FF20] =	vst v2;
	v2 =	vadd.s32 $0x228, v1  }
0x2c: {  	s18 =	simm.s32 $0xC440;
	s13 =	simm.s32 $0x17700;
	[dreg:$0xb] =	wrdreg s26;
	[tilespmem:$0x1FF30] =	vst v2;
	v2 =	vadd.s32 $0x229, v1  }
0x2d: {  	s15 =	simm.s32 $0x5;
	s16 =	simm.s32 $0x176B0;
	[dreg:$0xc] =	wrdreg s30;
	[tilespmem:$0x1FF40] =	vst v2;
	v2 =	vadd.s32 $0x22A, v1  }
0x2e: {  	s19 =	simm.s32 $0x0;
	[dreg:$0x4] =	wrdreg s22;
	s6 =	sadd.s32 $0x9E00, s22;
	[tilespmem:$0x1FF50] =	vst v2;
	v2 =	vadd.s32 $0x22B, v1  }
0x2f: {  	s1 =	sadd.s32 s9, s3;
	s17 =	sshrl.u32 s10, $0x2;
	[dreg:$0xd] =	wrdreg s6;
	[tilespmem:$0x1FF60] =	vst v2;
	v2 =	vadd.s32 $0x22C, v1  }
0x30: {  	s20 =	sadd.s32 s7, s3;
	s22 =	sadd.s32 s8, s3;
	[dreg:$0xe] =	wrdreg s1;
	[tilespmem:$0x1FF70] =	vst v2;
	v2 =	vadd.s32 $0x22D, v1  }
0x31: {  	s26 =	sadd.s32 s24, s3;
	s30 =	sadd.s32 $0x4D8, s25;
	[dreg:$0x12] =	wrdreg s20;
	[tilespmem:$0x1FF80] =	vst v2;
	v2 =	vadd.s32 $0x22E, v1  }
0x32: {  	s7 =	simm.s32 $0x12660;
	s8 =	simm.s32 $0x13A60;
	[dreg:$0x13] =	wrdreg s22;
	[tilespmem:$0x1FF90] =	vst v2;
	v2 =	vadd.s32 $0x22F, v1  }
0x33: {  	s9 =	simm.s32 $0x14E60;
	s10 =	simm.s32 $0x16260;
	[dreg:$0x15] =	wrdreg s26;
	[tilespmem:$0x1FFA0] =	vst v2;
	v2 =	vadd.s32 $0x330, v1  }
0x34: {  	s1 =	sadd.s32 s12, s3;
	[dreg:$0x16] =	wrdreg s30;
	s26 =	sadd.s32 $0x50, s4;
	[tilespmem:$0x1FFB0] =	vst v2;
	v2 =	vadd.s32 $0x331, v1  }
0x35: {  	s12 =	simm.s32 $0x4;
	[dreg:$0xf] =	wrdreg s1;
	s1 =	sadd.s32 s14, s3;
	[tilespmem:$0x1FFC0] =	vst v2;
	v2 =	vadd.s32 $0x332, v1  }
0x36: {  	s14 =	simm.s32 $0xFF50;
	[dreg:$0x10] =	wrdreg s1;
	s1 =	sadd.s32 s17, s3;
	[tilespmem:$0x1FFD0] =	vst v2;
	v2 =	vadd.s32 $0x333, v1  }
0x37: {  	s17 =	simm.s32 $0x9C40;
	[dreg:$0x11] =	wrdreg s1;
	s1 =	sadd.s32 s23, s3;
	[tilespmem:$0x1FFE0] =	vst v2;
	v2 =	vadd.s32 $0x334, v1  }
0x38: {  	s23 =	simm.s32 $0x50;
	[dreg:$0x14] =	wrdreg s1;
	s1 =	simm.s32 $0xD840;
	[tilespmem:$0x1FFF0] =	vst v2  }
.LBB2_1:
0x39: {  	s0 =	rddreg [dreg:$0xd]  }
0x3a: {  	[tilespmem:s1], [sflag:$0x1] =	stream.linear.gather [hbm4b:s0+s5], $0x2710, $0x38;
	[tilespmem:$0x17C50] =	vst v63  }
0x3b: {  	s25 =	rddreg [dreg:$0x4]  }
0x3c: {  	[tilespmem:s14], [sflag:$0x2] =	stream.linear.gather [hbm4b:s25+s5], $0x2710, $0x38;
	[tilespmem:$0x17C50] =	vst v63  }
0x3d: {  	s30 =	rddreg [dreg:$0x5]  }
0x3e: {  	[tilespmem:s17], [sflag:$0x9] =	stream.linear.gather [hbm4b:s30+s5], $0x2800, $0x38;
	[tilespmem:$0x17C50] =	vst v63  }
0x3f: {  	_ =	swait.ge [sflag:s31], $0x2800  }
0x40: {  	[sflag:s31] =	ssyncset.done $0x0  }
0x41: {  	s6 =	simm.s32 $0x9D40;
	[sflag:s31] =	ssyncadd.s32 $0xFFFFD800  }
0x42: {  	v2 =	vld [tilespmem:s6+$0x80]  }
0x43: {  	v3 =	vld [tilespmem:s6+$0x90];
	_ =	sdelay $0x2  }
0x44: {  	v4 =	vld [tilespmem:s6+$0xFFFFFF80]  }
0x45: {  	v5 =	vld [tilespmem:s6+$0xFFFFFF90]  }
0x46: {  	s20 =	simm.s32 $0xC4C0;
	v6 =	vld [tilespmem:s6+$0xFFFFFF10];
	v2 =	vpack.i.f32.bf16 v3, v2  }
0x47: {  	v3 =	vld [tilespmem:s6+$0xFFFFFF00];
	[tilespmem:s20+$0x40] =	vst v2  }
0x48: {  	v2 =	vld [tilespmem:s6+$0xA0]  }
0x49: {  	v7 =	vld [tilespmem:s6+$0xB0]  }
0x4a: {  	v8 =	vld [tilespmem:s6+$0x0];
	v4 =	vpack.i.f32.bf16 v5, v4  }
0x4b: {  	v5 =	vld [tilespmem:s6+$0x10];
	[tilespmem:s20+$0xFFFFFFC0] =	vst v4  }
0x4c: {  	v4 =	vld [tilespmem:s6+$0xFFFFFFA0];
	v3 =	vpack.i.f32.bf16 v6, v3  }
0x4d: {  	v6 =	vld [tilespmem:s6+$0xFFFFFFB0];
	[tilespmem:s20+$0xFFFFFF80] =	vst v3  }
0x4e: {  	v3 =	vld [tilespmem:s6+$0xFFFFFF20];
	v2 =	vpack.i.f32.bf16 v7, v2  }
0x4f: {  	v7 =	vld [tilespmem:s6+$0xFFFFFF30];
	[tilespmem:s20+$0x50] =	vst v2  }
0x50: {  	v2 =	vpack.i.f32.bf16 v5, v8;
	v5 =	vld [tilespmem:s6+$0xC0]  }
0x51: {  	[tilespmem:s20+$0x0] =	vst v2;
	v2 =	vld [tilespmem:s6+$0xD0]  }
0x52: {  	v8 =	vld [tilespmem:s6+$0x20];
	v4 =	vpack.i.f32.bf16 v6, v4  }
0x53: {  	[tilespmem:s20+$0xFFFFFFD0] =	vst v4;
	v4 =	vld [tilespmem:s6+$0x30]  }
0x54: {  	v6 =	vld [tilespmem:s6+$0xFFFFFFC0];
	v3 =	vpack.i.f32.bf16 v7, v3  }
0x55: {  	v7 =	vld [tilespmem:s6+$0xFFFFFFD0];
	[tilespmem:s20+$0xFFFFFF90] =	vst v3  }
0x56: {  	v3 =	vld [tilespmem:s6+$0xFFFFFF40];
	v2 =	vpack.i.f32.bf16 v2, v5  }
0x57: {  	v9 =	vld [tilespmem:s6+$0xFFFFFF50];
	[tilespmem:s20+$0x60] =	vst v2  }
0x58: {  	v2 =	vpack.i.f32.bf16 v4, v8;
	v8 =	vld [tilespmem:s6+$0xE0]  }
0x59: {  	v10 =	vld [tilespmem:s6+$0xF0];
	[tilespmem:s20+$0x10] =	vst v2  }
0x5a: {  	v4 =	vpack.i.f32.bf16 v7, v6;
	v2 =	vld [tilespmem:s6+$0x40]  }
0x5b: {  	[tilespmem:s20+$0xFFFFFFE0] =	vst v4;
	v5 =	vld [tilespmem:s6+$0x50]  }
0x5c: {  	v3 =	vpack.i.f32.bf16 v9, v3;
	v4 =	vld [tilespmem:s6+$0xFFFFFFE0]  }
0x5d: {  	v6 =	vld [tilespmem:s6+$0xFFFFFFF0];
	[tilespmem:s20+$0xFFFFFFA0] =	vst v3  }
0x5e: {  	v3 =	vld [tilespmem:s6+$0xFFFFFF60];
	v8 =	vpack.i.f32.bf16 v10, v8  }
0x5f: {  	s22 =	simm.s32 $0x0;
	s24 =	simm.s32 $0x9F40;
	s21 =	simm.s32 $0xC4C0;
	v7 =	vld [tilespmem:s6+$0xFFFFFF70];
	[tilespmem:s20+$0x70] =	vst v8  }
.LBB2_2:
0x60: {  	v8 =	vld [tilespmem:s24+$0x80];
	v2 =	vpack.i.f32.bf16 v5, v2  }
0x61: {  	v5 =	vld [tilespmem:s24+$0x90];
	[tilespmem:s20+$0x20] =	vst v2  }
0x62: {  	v2 =	vld [tilespmem:s24+$0xFFFFFF10];
	v4 =	vpack.i.f32.bf16 v6, v4  }
0x63: {  	v6 =	vld [tilespmem:s24+$0xFFFFFF80];
	[tilespmem:s20+$0xFFFFFFF0] =	vst v4  }
0x64: {  	s22 =	sadd.s32 $0x4, s22;
	v4 =	vld [tilespmem:s24+$0xFFFFFF90];
	v3 =	vpack.i.f32.bf16 v7, v3  }
0x65: {  	p1 =	slt.u32 s22, $0x4C;
	v7 =	vld [tilespmem:s24+$0x0];
	[tilespmem:s20+$0xFFFFFFB0] =	vst v3  }
0x66: {  	s20 =	sadd.s32 $0x100, s20;
	v3 =	vld [tilespmem:s24+$0x10];
	v5 =	vpack.i.f32.bf16 v5, v8  }
0x67: {  	v8 =	vld [tilespmem:s24+$0xFFFFFF00];
	[tilespmem:s20+$0x40] =	vst v5  }
0x68: {  	v5 =	vld [tilespmem:s24+$0xA0]  }
0x69: {  	v4 =	vpack.i.f32.bf16 v4, v6;
	v6 =	vld [tilespmem:s24+$0xB0]  }
0x6a: {  	[tilespmem:s20+$0xFFFFFFC0] =	vst v4;
	v4 =	vld [tilespmem:s6+$0x60]  }
0x6b: {  	v9 =	vld [tilespmem:s24+$0xFFFFFFA0];
	v3 =	vpack.i.f32.bf16 v3, v7  }
0x6c: {  	v2 =	vpack.i.f32.bf16 v2, v8;
	v7 =	vld [tilespmem:s24+$0xFFFFFFB0];
	[tilespmem:s20+$0x0] =	vst v3  }
0x6d: {  	[tilespmem:s20+$0xFFFFFF80] =	vst v2;
	v2 =	vld [tilespmem:s24+$0x20]  }
0x6e: {  	v3 =	vld [tilespmem:s24+$0xFFFFFF20];
	v5 =	vpack.i.f32.bf16 v6, v5  }
0x6f: {  	v6 =	vld [tilespmem:s24+$0xFFFFFF30];
	[tilespmem:s20+$0x50] =	vst v5  }
0x70: {  	v5 =	vld [tilespmem:s24+$0xC0]  }
0x71: {  	v7 =	vpack.i.f32.bf16 v7, v9;
	v8 =	vld [tilespmem:s24+$0xD0]  }
0x72: {  	[tilespmem:s20+$0xFFFFFFD0] =	vst v7;
	v7 =	vld [tilespmem:s24+$0x30]  }
0x73: {  	v9 =	vld [tilespmem:s24+$0xFFFFFFC0]  }
0x74: {  	v3 =	vpack.i.f32.bf16 v6, v3;
	v6 =	vld [tilespmem:s24+$0xFFFFFFD0]  }
0x75: {  	[tilespmem:s20+$0xFFFFFF90] =	vst v3;
	v3 =	vld [tilespmem:s6+$0x70];
	s6 =	smov.u32 s24  }
0x76: {  	v10 =	vld [tilespmem:s24+$0xFFFFFF40];
	v5 =	vpack.i.f32.bf16 v8, v5  }
0x77: {  	v8 =	vld [tilespmem:s24+$0xFFFFFF50];
	v2 =	vpack.i.f32.bf16 v7, v2;
	[tilespmem:s20+$0x60] =	vst v5  }
0x78: {  	[tilespmem:s20+$0x10] =	vst v2;
	v7 =	vld [tilespmem:s24+$0xE0]  }
0x79: {  	v2 =	vpack.i.f32.bf16 v6, v9;
	v9 =	vld [tilespmem:s24+$0xF0]  }
0x7a: {  	[tilespmem:s20+$0xFFFFFFE0] =	vst v2;
	v2 =	vld [tilespmem:s24+$0x40];
	v3 =	vpack.i.f32.bf16 v3, v4  }
.Ltmp0:
0x7b: {  	v5 =	vld [tilespmem:s24+$0x50];
	[tilespmem:s21+$0x30] =	vst v3;
	s21 =	smov.u32 s20;
	(pc) =	sbr.rel @p1 .LBB2_2-.Ltmp0, $4  }
0x7c: {  	v3 =	vpack.i.f32.bf16 v8, v10;
	v4 =	vld [tilespmem:s24+$0xFFFFFFE0]  }
0x7d: {  	[tilespmem:s20+$0xFFFFFFA0] =	vst v3;
	v6 =	vld [tilespmem:s24+$0xFFFFFFF0]  }
0x7e: {  	v3 =	vld [tilespmem:s24+$0xFFFFFF60];
	v8 =	vpack.i.f32.bf16 v9, v7  }
0x7f: {  	s24 =	sadd.s32 $0x200, s24;
	v7 =	vld [tilespmem:s6+$0xFFFFFF70];
	[tilespmem:s20+$0x70] =	vst v8  }
0x80: {  	v2 =	vpack.i.f32.bf16 v5, v2  }
0x81: {  	[tilespmem:s20+$0x20] =	vst v2  }
0x82: {  	v2 =	vld [tilespmem:s6+$0x60]  }
0x83: {  	v5 =	vld [tilespmem:s6+$0x70];
	_ =	sdelay $0x2  }
0x84: {  	v4 =	vpack.i.f32.bf16 v6, v4  }
0x85: {  	[tilespmem:s20+$0xFFFFFFF0] =	vst v4;
	v3 =	vpack.i.f32.bf16 v7, v3  }
0x86: {  	[tilespmem:s20+$0xFFFFFFB0] =	vst v3;
	v2 =	vpack.i.f32.bf16 v5, v2  }
0x87: {  	[tilespmem:s21+$0x30] =	vst v2  }
0x88: {  	s0 =	rddreg [dreg:$0xe]  }
0x89: {  	[spmem:s0] =	stream.linear.scatter [tilespmem:s18], [sflag:$0x9], $0x1400, $0x38;
	[tilespmem:$0x17C50] =	vst v63  }
0x8a: {  	_ =	swait.ge [sflag:s31], $0x1400  }
0x8b: {  	[sflag:s31] =	ssyncset.done $0x0  }
0x8c: {  	s30 =	rddreg [dreg:$0x6];
	[sflag:s31] =	ssyncadd.s32 $0xFFFFEC00  }
0x8d: {  	[tilespmem:s17], [sflag:$0x9] =	stream.linear.gather [hbm4b:s30+s5], $0x2800, $0x38;
	[tilespmem:$0x17C50] =	vst v63  }
0x8e: {  	_ =	swait.ge [sflag:s31], $0x2800  }
0x8f: {  	[sflag:s31] =	ssyncset.done $0x0  }
0x90: {  	s6 =	simm.s32 $0x9D40;
	[sflag:s31] =	ssyncadd.s32 $0xFFFFD800  }
0x91: {  	v2 =	vld [tilespmem:s6+$0x80]  }
0x92: {  	v3 =	vld [tilespmem:s6+$0x90];
	_ =	sdelay $0x2  }
0x93: {  	v4 =	vld [tilespmem:s6+$0xFFFFFF80]  }
0x94: {  	v5 =	vld [tilespmem:s6+$0xFFFFFF90]  }
0x95: {  	s20 =	simm.s32 $0xC4C0;
	v6 =	vld [tilespmem:s6+$0xFFFFFF10];
	v2 =	vpack.i.f32.bf16 v3, v2  }
0x96: {  	v3 =	vld [tilespmem:s6+$0xFFFFFF00];
	[tilespmem:s20+$0x40] =	vst v2  }
0x97: {  	v2 =	vld [tilespmem:s6+$0xA0]  }
0x98: {  	v7 =	vld [tilespmem:s6+$0xB0]  }
0x99: {  	v8 =	vld [tilespmem:s6+$0x0];
	v4 =	vpack.i.f32.bf16 v5, v4  }
0x9a: {  	v5 =	vld [tilespmem:s6+$0x10];
	[tilespmem:s20+$0xFFFFFFC0] =	vst v4  }
0x9b: {  	v4 =	vld [tilespmem:s6+$0xFFFFFFA0];
	v3 =	vpack.i.f32.bf16 v6, v3  }
0x9c: {  	v6 =	vld [tilespmem:s6+$0xFFFFFFB0];
	[tilespmem:s20+$0xFFFFFF80] =	vst v3  }
0x9d: {  	v3 =	vld [tilespmem:s6+$0xFFFFFF20];
	v2 =	vpack.i.f32.bf16 v7, v2  }
0x9e: {  	v7 =	vld [tilespmem:s6+$0xFFFFFF30];
	[tilespmem:s20+$0x50] =	vst v2  }
0x9f: {  	v2 =	vpack.i.f32.bf16 v5, v8;
	v5 =	vld [tilespmem:s6+$0xC0]  }
0xa0: {  	[tilespmem:s20+$0x0] =	vst v2;
	v2 =	vld [tilespmem:s6+$0xD0]  }
0xa1: {  	v8 =	vld [tilespmem:s6+$0x20];
	v4 =	vpack.i.f32.bf16 v6, v4  }
0xa2: {  	[tilespmem:s20+$0xFFFFFFD0] =	vst v4;
	v4 =	vld [tilespmem:s6+$0x30]  }
0xa3: {  	v6 =	vld [tilespmem:s6+$0xFFFFFFC0];
	v3 =	vpack.i.f32.bf16 v7, v3  }
0xa4: {  	v7 =	vld [tilespmem:s6+$0xFFFFFFD0];
	[tilespmem:s20+$0xFFFFFF90] =	vst v3  }
0xa5: {  	v3 =	vld [tilespmem:s6+$0xFFFFFF40];
	v2 =	vpack.i.f32.bf16 v2, v5  }
0xa6: {  	v9 =	vld [tilespmem:s6+$0xFFFFFF50];
	[tilespmem:s20+$0x60] =	vst v2  }
0xa7: {  	v2 =	vpack.i.f32.bf16 v4, v8;
	v8 =	vld [tilespmem:s6+$0xE0]  }
0xa8: {  	v10 =	vld [tilespmem:s6+$0xF0];
	[tilespmem:s20+$0x10] =	vst v2  }
0xa9: {  	v4 =	vpack.i.f32.bf16 v7, v6;
	v2 =	vld [tilespmem:s6+$0x40]  }
0xaa: {  	[tilespmem:s20+$0xFFFFFFE0] =	vst v4;
	v5 =	vld [tilespmem:s6+$0x50]  }
0xab: {  	v3 =	vpack.i.f32.bf16 v9, v3;
	v4 =	vld [tilespmem:s6+$0xFFFFFFE0]  }
0xac: {  	v6 =	vld [tilespmem:s6+$0xFFFFFFF0];
	[tilespmem:s20+$0xFFFFFFA0] =	vst v3  }
0xad: {  	v3 =	vld [tilespmem:s6+$0xFFFFFF60];
	v8 =	vpack.i.f32.bf16 v10, v8  }
0xae: {  	s22 =	simm.s32 $0x0;
	s24 =	simm.s32 $0x9F40;
	s21 =	simm.s32 $0xC4C0;
	v7 =	vld [tilespmem:s6+$0xFFFFFF70];
	[tilespmem:s20+$0x70] =	vst v8  }
.LBB2_4:
0xaf: {  	v8 =	vld [tilespmem:s24+$0x80];
	v2 =	vpack.i.f32.bf16 v5, v2  }
0xb0: {  	v5 =	vld [tilespmem:s24+$0x90];
	[tilespmem:s20+$0x20] =	vst v2  }
0xb1: {  	v2 =	vld [tilespmem:s24+$0xFFFFFF10];
	v4 =	vpack.i.f32.bf16 v6, v4  }
0xb2: {  	v6 =	vld [tilespmem:s24+$0xFFFFFF80];
	[tilespmem:s20+$0xFFFFFFF0] =	vst v4  }
0xb3: {  	s22 =	sadd.s32 $0x4, s22;
	v4 =	vld [tilespmem:s24+$0xFFFFFF90];
	v3 =	vpack.i.f32.bf16 v7, v3  }
0xb4: {  	p1 =	slt.u32 s22, $0x4C;
	v7 =	vld [tilespmem:s24+$0x0];
	[tilespmem:s20+$0xFFFFFFB0] =	vst v3  }
0xb5: {  	s20 =	sadd.s32 $0x100, s20;
	v3 =	vld [tilespmem:s24+$0x10];
	v5 =	vpack.i.f32.bf16 v5, v8  }
0xb6: {  	v8 =	vld [tilespmem:s24+$0xFFFFFF00];
	[tilespmem:s20+$0x40] =	vst v5  }
0xb7: {  	v5 =	vld [tilespmem:s24+$0xA0]  }
0xb8: {  	v4 =	vpack.i.f32.bf16 v4, v6;
	v6 =	vld [tilespmem:s24+$0xB0]  }
0xb9: {  	[tilespmem:s20+$0xFFFFFFC0] =	vst v4;
	v4 =	vld [tilespmem:s6+$0x60]  }
0xba: {  	v9 =	vld [tilespmem:s24+$0xFFFFFFA0];
	v3 =	vpack.i.f32.bf16 v3, v7  }
0xbb: {  	v2 =	vpack.i.f32.bf16 v2, v8;
	v7 =	vld [tilespmem:s24+$0xFFFFFFB0];
	[tilespmem:s20+$0x0] =	vst v3  }
0xbc: {  	[tilespmem:s20+$0xFFFFFF80] =	vst v2;
	v2 =	vld [tilespmem:s24+$0x20]  }
0xbd: {  	v3 =	vld [tilespmem:s24+$0xFFFFFF20];
	v5 =	vpack.i.f32.bf16 v6, v5  }
0xbe: {  	v6 =	vld [tilespmem:s24+$0xFFFFFF30];
	[tilespmem:s20+$0x50] =	vst v5  }
0xbf: {  	v5 =	vld [tilespmem:s24+$0xC0]  }
0xc0: {  	v7 =	vpack.i.f32.bf16 v7, v9;
	v8 =	vld [tilespmem:s24+$0xD0]  }
0xc1: {  	[tilespmem:s20+$0xFFFFFFD0] =	vst v7;
	v7 =	vld [tilespmem:s24+$0x30]  }
0xc2: {  	v9 =	vld [tilespmem:s24+$0xFFFFFFC0]  }
0xc3: {  	v3 =	vpack.i.f32.bf16 v6, v3;
	v6 =	vld [tilespmem:s24+$0xFFFFFFD0]  }
0xc4: {  	[tilespmem:s20+$0xFFFFFF90] =	vst v3;
	v3 =	vld [tilespmem:s6+$0x70];
	s6 =	smov.u32 s24  }
0xc5: {  	v10 =	vld [tilespmem:s24+$0xFFFFFF40];
	v5 =	vpack.i.f32.bf16 v8, v5  }
0xc6: {  	v8 =	vld [tilespmem:s24+$0xFFFFFF50];
	v2 =	vpack.i.f32.bf16 v7, v2;
	[tilespmem:s20+$0x60] =	vst v5  }
0xc7: {  	[tilespmem:s20+$0x10] =	vst v2;
	v7 =	vld [tilespmem:s24+$0xE0]  }
0xc8: {  	v2 =	vpack.i.f32.bf16 v6, v9;
	v9 =	vld [tilespmem:s24+$0xF0]  }
0xc9: {  	[tilespmem:s20+$0xFFFFFFE0] =	vst v2;
	v2 =	vld [tilespmem:s24+$0x40];
	v3 =	vpack.i.f32.bf16 v3, v4  }
.Ltmp1:
0xca: {  	v5 =	vld [tilespmem:s24+$0x50];
	[tilespmem:s21+$0x30] =	vst v3;
	s21 =	smov.u32 s20;
	(pc) =	sbr.rel @p1 .LBB2_4-.Ltmp1, $4  }
0xcb: {  	v3 =	vpack.i.f32.bf16 v8, v10;
	v4 =	vld [tilespmem:s24+$0xFFFFFFE0]  }
0xcc: {  	[tilespmem:s20+$0xFFFFFFA0] =	vst v3;
	v6 =	vld [tilespmem:s24+$0xFFFFFFF0]  }
0xcd: {  	v3 =	vld [tilespmem:s24+$0xFFFFFF60];
	v8 =	vpack.i.f32.bf16 v9, v7  }
0xce: {  	s24 =	sadd.s32 $0x200, s24;
	v7 =	vld [tilespmem:s6+$0xFFFFFF70];
	[tilespmem:s20+$0x70] =	vst v8  }
0xcf: {  	v2 =	vpack.i.f32.bf16 v5, v2  }
0xd0: {  	[tilespmem:s20+$0x20] =	vst v2  }
0xd1: {  	v2 =	vld [tilespmem:s6+$0x60]  }
0xd2: {  	v5 =	vld [tilespmem:s6+$0x70];
	_ =	sdelay $0x2  }
0xd3: {  	v4 =	vpack.i.f32.bf16 v6, v4  }
0xd4: {  	[tilespmem:s20+$0xFFFFFFF0] =	vst v4;
	v3 =	vpack.i.f32.bf16 v7, v3  }
0xd5: {  	[tilespmem:s20+$0xFFFFFFB0] =	vst v3;
	v2 =	vpack.i.f32.bf16 v5, v2  }
0xd6: {  	[tilespmem:s21+$0x30] =	vst v2  }
0xd7: {  	s0 =	rddreg [dreg:$0xf]  }
0xd8: {  	[spmem:s0] =	stream.linear.scatter [tilespmem:s18], [sflag:$0x9], $0x1400, $0x38;
	[tilespmem:$0x17C50] =	vst v63  }
0xd9: {  	_ =	swait.ge [sflag:s31], $0x1400  }
0xda: {  	[sflag:s31] =	ssyncset.done $0x0  }
0xdb: {  	s30 =	rddreg [dreg:$0x7];
	[sflag:s31] =	ssyncadd.s32 $0xFFFFEC00  }
0xdc: {  	[tilespmem:s17], [sflag:$0x9] =	stream.linear.gather [hbm4b:s30+s5], $0x2800, $0x38;
	[tilespmem:$0x17C50] =	vst v63  }
0xdd: {  	_ =	swait.ge [sflag:s31], $0x2800  }
0xde: {  	[sflag:s31] =	ssyncset.done $0x0  }
0xdf: {  	s6 =	simm.s32 $0x9D40;
	[sflag:s31] =	ssyncadd.s32 $0xFFFFD800  }
0xe0: {  	v2 =	vld [tilespmem:s6+$0x80]  }
0xe1: {  	v3 =	vld [tilespmem:s6+$0x90];
	_ =	sdelay $0x2  }
0xe2: {  	v4 =	vld [tilespmem:s6+$0xFFFFFF80]  }
0xe3: {  	v5 =	vld [tilespmem:s6+$0xFFFFFF90]  }
0xe4: {  	s20 =	simm.s32 $0xC4C0;
	v6 =	vld [tilespmem:s6+$0xFFFFFF10];
	v2 =	vpack.i.f32.bf16 v3, v2  }
0xe5: {  	v3 =	vld [tilespmem:s6+$0xFFFFFF00];
	[tilespmem:s20+$0x40] =	vst v2  }
0xe6: {  	v2 =	vld [tilespmem:s6+$0xA0]  }
0xe7: {  	v7 =	vld [tilespmem:s6+$0xB0]  }
0xe8: {  	v8 =	vld [tilespmem:s6+$0x0];
	v4 =	vpack.i.f32.bf16 v5, v4  }
0xe9: {  	v5 =	vld [tilespmem:s6+$0x10];
	[tilespmem:s20+$0xFFFFFFC0] =	vst v4  }
0xea: {  	v4 =	vld [tilespmem:s6+$0xFFFFFFA0];
	v3 =	vpack.i.f32.bf16 v6, v3  }
0xeb: {  	v6 =	vld [tilespmem:s6+$0xFFFFFFB0];
	[tilespmem:s20+$0xFFFFFF80] =	vst v3  }
0xec: {  	v3 =	vld [tilespmem:s6+$0xFFFFFF20];
	v2 =	vpack.i.f32.bf16 v7, v2  }
0xed: {  	v7 =	vld [tilespmem:s6+$0xFFFFFF30];
	[tilespmem:s20+$0x50] =	vst v2  }
0xee: {  	v2 =	vpack.i.f32.bf16 v5, v8;
	v5 =	vld [tilespmem:s6+$0xC0]  }
0xef: {  	[tilespmem:s20+$0x0] =	vst v2;
	v2 =	vld [tilespmem:s6+$0xD0]  }
0xf0: {  	v8 =	vld [tilespmem:s6+$0x20];
	v4 =	vpack.i.f32.bf16 v6, v4  }
0xf1: {  	[tilespmem:s20+$0xFFFFFFD0] =	vst v4;
	v4 =	vld [tilespmem:s6+$0x30]  }
0xf2: {  	v6 =	vld [tilespmem:s6+$0xFFFFFFC0];
	v3 =	vpack.i.f32.bf16 v7, v3  }
0xf3: {  	v7 =	vld [tilespmem:s6+$0xFFFFFFD0];
	[tilespmem:s20+$0xFFFFFF90] =	vst v3  }
0xf4: {  	v3 =	vld [tilespmem:s6+$0xFFFFFF40];
	v2 =	vpack.i.f32.bf16 v2, v5  }
0xf5: {  	v9 =	vld [tilespmem:s6+$0xFFFFFF50];
	[tilespmem:s20+$0x60] =	vst v2  }
0xf6: {  	v2 =	vpack.i.f32.bf16 v4, v8;
	v8 =	vld [tilespmem:s6+$0xE0]  }
0xf7: {  	v10 =	vld [tilespmem:s6+$0xF0];
	[tilespmem:s20+$0x10] =	vst v2  }
0xf8: {  	v4 =	vpack.i.f32.bf16 v7, v6;
	v2 =	vld [tilespmem:s6+$0x40]  }
0xf9: {  	[tilespmem:s20+$0xFFFFFFE0] =	vst v4;
	v5 =	vld [tilespmem:s6+$0x50]  }
0xfa: {  	v3 =	vpack.i.f32.bf16 v9, v3;
	v4 =	vld [tilespmem:s6+$0xFFFFFFE0]  }
0xfb: {  	v6 =	vld [tilespmem:s6+$0xFFFFFFF0];
	[tilespmem:s20+$0xFFFFFFA0] =	vst v3  }
0xfc: {  	v3 =	vld [tilespmem:s6+$0xFFFFFF60];
	v8 =	vpack.i.f32.bf16 v10, v8  }
0xfd: {  	s22 =	simm.s32 $0x0;
	s24 =	simm.s32 $0x9F40;
	s21 =	simm.s32 $0xC4C0;
	v7 =	vld [tilespmem:s6+$0xFFFFFF70];
	[tilespmem:s20+$0x70] =	vst v8  }
.LBB2_6:
0xfe: {  	v8 =	vld [tilespmem:s24+$0x80];
	v2 =	vpack.i.f32.bf16 v5, v2  }
0xff: {  	v5 =	vld [tilespmem:s24+$0x90];
	[tilespmem:s20+$0x20] =	vst v2  }
0x100: {  	v2 =	vld [tilespmem:s24+$0xFFFFFF10];
	v4 =	vpack.i.f32.bf16 v6, v4  }
0x101: {  	v6 =	vld [tilespmem:s24+$0xFFFFFF80];
	[tilespmem:s20+$0xFFFFFFF0] =	vst v4  }
0x102: {  	s22 =	sadd.s32 $0x4, s22;
	v4 =	vld [tilespmem:s24+$0xFFFFFF90];
	v3 =	vpack.i.f32.bf16 v7, v3  }
0x103: {  	p1 =	slt.u32 s22, $0x4C;
	v7 =	vld [tilespmem:s24+$0x0];
	[tilespmem:s20+$0xFFFFFFB0] =	vst v3  }
0x104: {  	s20 =	sadd.s32 $0x100, s20;
	v3 =	vld [tilespmem:s24+$0x10];
	v5 =	vpack.i.f32.bf16 v5, v8  }
0x105: {  	v8 =	vld [tilespmem:s24+$0xFFFFFF00];
	[tilespmem:s20+$0x40] =	vst v5  }
0x106: {  	v5 =	vld [tilespmem:s24+$0xA0]  }
0x107: {  	v4 =	vpack.i.f32.bf16 v4, v6;
	v6 =	vld [tilespmem:s24+$0xB0]  }
0x108: {  	[tilespmem:s20+$0xFFFFFFC0] =	vst v4;
	v4 =	vld [tilespmem:s6+$0x60]  }
0x109: {  	v9 =	vld [tilespmem:s24+$0xFFFFFFA0];
	v3 =	vpack.i.f32.bf16 v3, v7  }
0x10a: {  	v2 =	vpack.i.f32.bf16 v2, v8;
	v7 =	vld [tilespmem:s24+$0xFFFFFFB0];
	[tilespmem:s20+$0x0] =	vst v3  }
0x10b: {  	[tilespmem:s20+$0xFFFFFF80] =	vst v2;
	v2 =	vld [tilespmem:s24+$0x20]  }
0x10c: {  	v3 =	vld [tilespmem:s24+$0xFFFFFF20];
	v5 =	vpack.i.f32.bf16 v6, v5  }
0x10d: {  	v6 =	vld [tilespmem:s24+$0xFFFFFF30];
	[tilespmem:s20+$0x50] =	vst v5  }
0x10e: {  	v5 =	vld [tilespmem:s24+$0xC0]  }
0x10f: {  	v7 =	vpack.i.f32.bf16 v7, v9;
	v8 =	vld [tilespmem:s24+$0xD0]  }
0x110: {  	[tilespmem:s20+$0xFFFFFFD0] =	vst v7;
	v7 =	vld [tilespmem:s24+$0x30]  }
0x111: {  	v9 =	vld [tilespmem:s24+$0xFFFFFFC0]  }
0x112: {  	v3 =	vpack.i.f32.bf16 v6, v3;
	v6 =	vld [tilespmem:s24+$0xFFFFFFD0]  }
0x113: {  	[tilespmem:s20+$0xFFFFFF90] =	vst v3;
	v3 =	vld [tilespmem:s6+$0x70];
	s6 =	smov.u32 s24  }
0x114: {  	v10 =	vld [tilespmem:s24+$0xFFFFFF40];
	v5 =	vpack.i.f32.bf16 v8, v5  }
0x115: {  	v8 =	vld [tilespmem:s24+$0xFFFFFF50];
	v2 =	vpack.i.f32.bf16 v7, v2;
	[tilespmem:s20+$0x60] =	vst v5  }
0x116: {  	[tilespmem:s20+$0x10] =	vst v2;
	v7 =	vld [tilespmem:s24+$0xE0]  }
0x117: {  	v2 =	vpack.i.f32.bf16 v6, v9;
	v9 =	vld [tilespmem:s24+$0xF0]  }
0x118: {  	[tilespmem:s20+$0xFFFFFFE0] =	vst v2;
	v2 =	vld [tilespmem:s24+$0x40];
	v3 =	vpack.i.f32.bf16 v3, v4  }
.Ltmp2:
0x119: {  	v5 =	vld [tilespmem:s24+$0x50];
	[tilespmem:s21+$0x30] =	vst v3;
	s21 =	smov.u32 s20;
	(pc) =	sbr.rel @p1 .LBB2_6-.Ltmp2, $4  }
0x11a: {  	v3 =	vpack.i.f32.bf16 v8, v10;
	v4 =	vld [tilespmem:s24+$0xFFFFFFE0]  }
0x11b: {  	[tilespmem:s20+$0xFFFFFFA0] =	vst v3;
	v6 =	vld [tilespmem:s24+$0xFFFFFFF0]  }
0x11c: {  	v3 =	vld [tilespmem:s24+$0xFFFFFF60];
	v8 =	vpack.i.f32.bf16 v9, v7  }
0x11d: {  	s24 =	sadd.s32 $0x200, s24;
	v7 =	vld [tilespmem:s6+$0xFFFFFF70];
	[tilespmem:s20+$0x70] =	vst v8  }
0x11e: {  	v2 =	vpack.i.f32.bf16 v5, v2  }
0x11f: {  	[tilespmem:s20+$0x20] =	vst v2  }
0x120: {  	v2 =	vld [tilespmem:s6+$0x60]  }
0x121: {  	v5 =	vld [tilespmem:s6+$0x70];
	_ =	sdelay $0x2  }
0x122: {  	v4 =	vpack.i.f32.bf16 v6, v4  }
0x123: {  	[tilespmem:s20+$0xFFFFFFF0] =	vst v4;
	v3 =	vpack.i.f32.bf16 v7, v3  }
0x124: {  	[tilespmem:s20+$0xFFFFFFB0] =	vst v3;
	v2 =	vpack.i.f32.bf16 v5, v2  }
0x125: {  	[tilespmem:s21+$0x30] =	vst v2  }
0x126: {  	s0 =	rddreg [dreg:$0x10]  }
0x127: {  	[spmem:s0] =	stream.linear.scatter [tilespmem:s18], [sflag:$0x9], $0x1400, $0x38;
	[tilespmem:$0x17C50] =	vst v63  }
0x128: {  	_ =	swait.ge [sflag:s31], $0x1400  }
0x129: {  	[sflag:s31] =	ssyncset.done $0x0  }
0x12a: {  	s30 =	rddreg [dreg:$0x8];
	[sflag:s31] =	ssyncadd.s32 $0xFFFFEC00  }
0x12b: {  	[tilespmem:s17], [sflag:$0x9] =	stream.linear.gather [hbm4b:s30+s5], $0x2800, $0x38;
	[tilespmem:$0x17C50] =	vst v63  }
0x12c: {  	_ =	swait.ge [sflag:s31], $0x2800  }
0x12d: {  	[sflag:s31] =	ssyncset.done $0x0  }
0x12e: {  	s6 =	simm.s32 $0x9D40;
	[sflag:s31] =	ssyncadd.s32 $0xFFFFD800  }
0x12f: {  	v2 =	vld [tilespmem:s6+$0x80]  }
0x130: {  	v3 =	vld [tilespmem:s6+$0x90];
	_ =	sdelay $0x2  }
0x131: {  	v4 =	vld [tilespmem:s6+$0xFFFFFF80]  }
0x132: {  	v5 =	vld [tilespmem:s6+$0xFFFFFF90]  }
0x133: {  	s20 =	simm.s32 $0xC4C0;
	v6 =	vld [tilespmem:s6+$0xFFFFFF10];
	v2 =	vpack.i.f32.bf16 v3, v2  }
0x134: {  	v3 =	vld [tilespmem:s6+$0xFFFFFF00];
	[tilespmem:s20+$0x40] =	vst v2  }
0x135: {  	v2 =	vld [tilespmem:s6+$0xA0]  }
0x136: {  	v7 =	vld [tilespmem:s6+$0xB0]  }
0x137: {  	v8 =	vld [tilespmem:s6+$0x0];
	v4 =	vpack.i.f32.bf16 v5, v4  }
0x138: {  	v5 =	vld [tilespmem:s6+$0x10];
	[tilespmem:s20+$0xFFFFFFC0] =	vst v4  }
0x139: {  	v4 =	vld [tilespmem:s6+$0xFFFFFFA0];
	v3 =	vpack.i.f32.bf16 v6, v3  }
0x13a: {  	v6 =	vld [tilespmem:s6+$0xFFFFFFB0];
	[tilespmem:s20+$0xFFFFFF80] =	vst v3  }
0x13b: {  	v3 =	vld [tilespmem:s6+$0xFFFFFF20];
	v2 =	vpack.i.f32.bf16 v7, v2  }
0x13c: {  	v7 =	vld [tilespmem:s6+$0xFFFFFF30];
	[tilespmem:s20+$0x50] =	vst v2  }
0x13d: {  	v2 =	vpack.i.f32.bf16 v5, v8;
	v5 =	vld [tilespmem:s6+$0xC0]  }
0x13e: {  	[tilespmem:s20+$0x0] =	vst v2;
	v2 =	vld [tilespmem:s6+$0xD0]  }
0x13f: {  	v8 =	vld [tilespmem:s6+$0x20];
	v4 =	vpack.i.f32.bf16 v6, v4  }
0x140: {  	[tilespmem:s20+$0xFFFFFFD0] =	vst v4;
	v4 =	vld [tilespmem:s6+$0x30]  }
0x141: {  	v6 =	vld [tilespmem:s6+$0xFFFFFFC0];
	v3 =	vpack.i.f32.bf16 v7, v3  }
0x142: {  	v7 =	vld [tilespmem:s6+$0xFFFFFFD0];
	[tilespmem:s20+$0xFFFFFF90] =	vst v3  }
0x143: {  	v3 =	vld [tilespmem:s6+$0xFFFFFF40];
	v2 =	vpack.i.f32.bf16 v2, v5  }
0x144: {  	v9 =	vld [tilespmem:s6+$0xFFFFFF50];
	[tilespmem:s20+$0x60] =	vst v2  }
0x145: {  	v2 =	vpack.i.f32.bf16 v4, v8;
	v8 =	vld [tilespmem:s6+$0xE0]  }
0x146: {  	v10 =	vld [tilespmem:s6+$0xF0];
	[tilespmem:s20+$0x10] =	vst v2  }
0x147: {  	v4 =	vpack.i.f32.bf16 v7, v6;
	v2 =	vld [tilespmem:s6+$0x40]  }
0x148: {  	[tilespmem:s20+$0xFFFFFFE0] =	vst v4;
	v5 =	vld [tilespmem:s6+$0x50]  }
0x149: {  	v3 =	vpack.i.f32.bf16 v9, v3;
	v4 =	vld [tilespmem:s6+$0xFFFFFFE0]  }
0x14a: {  	v6 =	vld [tilespmem:s6+$0xFFFFFFF0];
	[tilespmem:s20+$0xFFFFFFA0] =	vst v3  }
0x14b: {  	v3 =	vld [tilespmem:s6+$0xFFFFFF60];
	v8 =	vpack.i.f32.bf16 v10, v8  }
0x14c: {  	s22 =	simm.s32 $0x0;
	s24 =	simm.s32 $0x9F40;
	s21 =	simm.s32 $0xC4C0;
	v7 =	vld [tilespmem:s6+$0xFFFFFF70];
	[tilespmem:s20+$0x70] =	vst v8  }
.LBB2_8:
0x14d: {  	v8 =	vld [tilespmem:s24+$0x80];
	v2 =	vpack.i.f32.bf16 v5, v2  }
0x14e: {  	v5 =	vld [tilespmem:s24+$0x90];
	[tilespmem:s20+$0x20] =	vst v2  }
0x14f: {  	v2 =	vld [tilespmem:s24+$0xFFFFFF10];
	v4 =	vpack.i.f32.bf16 v6, v4  }
0x150: {  	v6 =	vld [tilespmem:s24+$0xFFFFFF80];
	[tilespmem:s20+$0xFFFFFFF0] =	vst v4  }
0x151: {  	s22 =	sadd.s32 $0x4, s22;
	v4 =	vld [tilespmem:s24+$0xFFFFFF90];
	v3 =	vpack.i.f32.bf16 v7, v3  }
0x152: {  	p1 =	slt.u32 s22, $0x4C;
	v7 =	vld [tilespmem:s24+$0x0];
	[tilespmem:s20+$0xFFFFFFB0] =	vst v3  }
0x153: {  	s20 =	sadd.s32 $0x100, s20;
	v3 =	vld [tilespmem:s24+$0x10];
	v5 =	vpack.i.f32.bf16 v5, v8  }
0x154: {  	v8 =	vld [tilespmem:s24+$0xFFFFFF00];
	[tilespmem:s20+$0x40] =	vst v5  }
0x155: {  	v5 =	vld [tilespmem:s24+$0xA0]  }
0x156: {  	v4 =	vpack.i.f32.bf16 v4, v6;
	v6 =	vld [tilespmem:s24+$0xB0]  }
0x157: {  	[tilespmem:s20+$0xFFFFFFC0] =	vst v4;
	v4 =	vld [tilespmem:s6+$0x60]  }
0x158: {  	v9 =	vld [tilespmem:s24+$0xFFFFFFA0];
	v3 =	vpack.i.f32.bf16 v3, v7  }
0x159: {  	v2 =	vpack.i.f32.bf16 v2, v8;
	v7 =	vld [tilespmem:s24+$0xFFFFFFB0];
	[tilespmem:s20+$0x0] =	vst v3  }
0x15a: {  	[tilespmem:s20+$0xFFFFFF80] =	vst v2;
	v2 =	vld [tilespmem:s24+$0x20]  }
0x15b: {  	v3 =	vld [tilespmem:s24+$0xFFFFFF20];
	v5 =	vpack.i.f32.bf16 v6, v5  }
0x15c: {  	v6 =	vld [tilespmem:s24+$0xFFFFFF30];
	[tilespmem:s20+$0x50] =	vst v5  }
0x15d: {  	v5 =	vld [tilespmem:s24+$0xC0]  }
0x15e: {  	v7 =	vpack.i.f32.bf16 v7, v9;
	v8 =	vld [tilespmem:s24+$0xD0]  }
0x15f: {  	[tilespmem:s20+$0xFFFFFFD0] =	vst v7;
	v7 =	vld [tilespmem:s24+$0x30]  }
0x160: {  	v9 =	vld [tilespmem:s24+$0xFFFFFFC0]  }
0x161: {  	v3 =	vpack.i.f32.bf16 v6, v3;
	v6 =	vld [tilespmem:s24+$0xFFFFFFD0]  }
0x162: {  	[tilespmem:s20+$0xFFFFFF90] =	vst v3;
	v3 =	vld [tilespmem:s6+$0x70];
	s6 =	smov.u32 s24  }
0x163: {  	v10 =	vld [tilespmem:s24+$0xFFFFFF40];
	v5 =	vpack.i.f32.bf16 v8, v5  }
0x164: {  	v8 =	vld [tilespmem:s24+$0xFFFFFF50];
	v2 =	vpack.i.f32.bf16 v7, v2;
	[tilespmem:s20+$0x60] =	vst v5  }
0x165: {  	[tilespmem:s20+$0x10] =	vst v2;
	v7 =	vld [tilespmem:s24+$0xE0]  }
0x166: {  	v2 =	vpack.i.f32.bf16 v6, v9;
	v9 =	vld [tilespmem:s24+$0xF0]  }
0x167: {  	[tilespmem:s20+$0xFFFFFFE0] =	vst v2;
	v2 =	vld [tilespmem:s24+$0x40];
	v3 =	vpack.i.f32.bf16 v3, v4  }
.Ltmp3:
0x168: {  	v5 =	vld [tilespmem:s24+$0x50];
	[tilespmem:s21+$0x30] =	vst v3;
	s21 =	smov.u32 s20;
	(pc) =	sbr.rel @p1 .LBB2_8-.Ltmp3, $4  }
0x169: {  	v3 =	vpack.i.f32.bf16 v8, v10;
	v4 =	vld [tilespmem:s24+$0xFFFFFFE0]  }
0x16a: {  	[tilespmem:s20+$0xFFFFFFA0] =	vst v3;
	v6 =	vld [tilespmem:s24+$0xFFFFFFF0]  }
0x16b: {  	v3 =	vld [tilespmem:s24+$0xFFFFFF60];
	v8 =	vpack.i.f32.bf16 v9, v7  }
0x16c: {  	s24 =	sadd.s32 $0x200, s24;
	v7 =	vld [tilespmem:s6+$0xFFFFFF70];
	[tilespmem:s20+$0x70] =	vst v8  }
0x16d: {  	v2 =	vpack.i.f32.bf16 v5, v2  }
0x16e: {  	[tilespmem:s20+$0x20] =	vst v2  }
0x16f: {  	v2 =	vld [tilespmem:s6+$0x60]  }
0x170: {  	v5 =	vld [tilespmem:s6+$0x70];
	_ =	sdelay $0x2  }
0x171: {  	v4 =	vpack.i.f32.bf16 v6, v4  }
0x172: {  	[tilespmem:s20+$0xFFFFFFF0] =	vst v4;
	v3 =	vpack.i.f32.bf16 v7, v3  }
0x173: {  	[tilespmem:s20+$0xFFFFFFB0] =	vst v3;
	v2 =	vpack.i.f32.bf16 v5, v2  }
0x174: {  	[tilespmem:s21+$0x30] =	vst v2  }
0x175: {  	s0 =	rddreg [dreg:$0x11]  }
0x176: {  	[spmem:s0] =	stream.linear.scatter [tilespmem:s18], [sflag:$0x9], $0x1400, $0x38;
	[tilespmem:$0x17C50] =	vst v63  }
0x177: {  	_ =	swait.ge [sflag:s31], $0x1400  }
0x178: {  	[sflag:s31] =	ssyncset.done $0x0  }
0x179: {  	s30 =	rddreg [dreg:$0x9];
	[sflag:s31] =	ssyncadd.s32 $0xFFFFEC00  }
0x17a: {  	[tilespmem:s17], [sflag:$0x9] =	stream.linear.gather [hbm4b:s30+s5], $0x2800, $0x38;
	[tilespmem:$0x17C50] =	vst v63  }
0x17b: {  	_ =	swait.ge [sflag:s31], $0x2800  }
0x17c: {  	[sflag:s31] =	ssyncset.done $0x0  }
0x17d: {  	s6 =	simm.s32 $0x9D40;
	[sflag:s31] =	ssyncadd.s32 $0xFFFFD800  }
0x17e: {  	v2 =	vld [tilespmem:s6+$0x80]  }
0x17f: {  	v3 =	vld [tilespmem:s6+$0x90];
	_ =	sdelay $0x2  }
0x180: {  	v4 =	vld [tilespmem:s6+$0xFFFFFF80]  }
0x181: {  	v5 =	vld [tilespmem:s6+$0xFFFFFF90]  }
0x182: {  	s20 =	simm.s32 $0xC4C0;
	v6 =	vld [tilespmem:s6+$0xFFFFFF10];
	v2 =	vpack.i.f32.bf16 v3, v2  }
0x183: {  	v3 =	vld [tilespmem:s6+$0xFFFFFF00];
	[tilespmem:s20+$0x40] =	vst v2  }
0x184: {  	v2 =	vld [tilespmem:s6+$0xA0]  }
0x185: {  	v7 =	vld [tilespmem:s6+$0xB0]  }
0x186: {  	v8 =	vld [tilespmem:s6+$0x0];
	v4 =	vpack.i.f32.bf16 v5, v4  }
0x187: {  	v5 =	vld [tilespmem:s6+$0x10];
	[tilespmem:s20+$0xFFFFFFC0] =	vst v4  }
0x188: {  	v4 =	vld [tilespmem:s6+$0xFFFFFFA0];
	v3 =	vpack.i.f32.bf16 v6, v3  }
0x189: {  	v6 =	vld [tilespmem:s6+$0xFFFFFFB0];
	[tilespmem:s20+$0xFFFFFF80] =	vst v3  }
0x18a: {  	v3 =	vld [tilespmem:s6+$0xFFFFFF20];
	v2 =	vpack.i.f32.bf16 v7, v2  }
0x18b: {  	v7 =	vld [tilespmem:s6+$0xFFFFFF30];
	[tilespmem:s20+$0x50] =	vst v2  }
0x18c: {  	v2 =	vpack.i.f32.bf16 v5, v8;
	v5 =	vld [tilespmem:s6+$0xC0]  }
0x18d: {  	[tilespmem:s20+$0x0] =	vst v2;
	v2 =	vld [tilespmem:s6+$0xD0]  }
0x18e: {  	v8 =	vld [tilespmem:s6+$0x20];
	v4 =	vpack.i.f32.bf16 v6, v4  }
0x18f: {  	[tilespmem:s20+$0xFFFFFFD0] =	vst v4;
	v4 =	vld [tilespmem:s6+$0x30]  }
0x190: {  	v6 =	vld [tilespmem:s6+$0xFFFFFFC0];
	v3 =	vpack.i.f32.bf16 v7, v3  }
0x191: {  	v7 =	vld [tilespmem:s6+$0xFFFFFFD0];
	[tilespmem:s20+$0xFFFFFF90] =	vst v3  }
0x192: {  	v3 =	vld [tilespmem:s6+$0xFFFFFF40];
	v2 =	vpack.i.f32.bf16 v2, v5  }
0x193: {  	v9 =	vld [tilespmem:s6+$0xFFFFFF50];
	[tilespmem:s20+$0x60] =	vst v2  }
0x194: {  	v2 =	vpack.i.f32.bf16 v4, v8;
	v8 =	vld [tilespmem:s6+$0xE0]  }
0x195: {  	v10 =	vld [tilespmem:s6+$0xF0];
	[tilespmem:s20+$0x10] =	vst v2  }
0x196: {  	v4 =	vpack.i.f32.bf16 v7, v6;
	v2 =	vld [tilespmem:s6+$0x40]  }
0x197: {  	[tilespmem:s20+$0xFFFFFFE0] =	vst v4;
	v5 =	vld [tilespmem:s6+$0x50]  }
0x198: {  	v3 =	vpack.i.f32.bf16 v9, v3;
	v4 =	vld [tilespmem:s6+$0xFFFFFFE0]  }
0x199: {  	v6 =	vld [tilespmem:s6+$0xFFFFFFF0];
	[tilespmem:s20+$0xFFFFFFA0] =	vst v3  }
0x19a: {  	v3 =	vld [tilespmem:s6+$0xFFFFFF60];
	v8 =	vpack.i.f32.bf16 v10, v8  }
0x19b: {  	s22 =	simm.s32 $0x0;
	s24 =	simm.s32 $0x9F40;
	s21 =	simm.s32 $0xC4C0;
	v7 =	vld [tilespmem:s6+$0xFFFFFF70];
	[tilespmem:s20+$0x70] =	vst v8  }
.LBB2_10:
0x19c: {  	v8 =	vld [tilespmem:s24+$0x80];
	v2 =	vpack.i.f32.bf16 v5, v2  }
0x19d: {  	v5 =	vld [tilespmem:s24+$0x90];
	[tilespmem:s20+$0x20] =	vst v2  }
0x19e: {  	v2 =	vld [tilespmem:s24+$0xFFFFFF10];
	v4 =	vpack.i.f32.bf16 v6, v4  }
0x19f: {  	v6 =	vld [tilespmem:s24+$0xFFFFFF80];
	[tilespmem:s20+$0xFFFFFFF0] =	vst v4  }
0x1a0: {  	s22 =	sadd.s32 $0x4, s22;
	v4 =	vld [tilespmem:s24+$0xFFFFFF90];
	v3 =	vpack.i.f32.bf16 v7, v3  }
0x1a1: {  	p1 =	slt.u32 s22, $0x4C;
	v7 =	vld [tilespmem:s24+$0x0];
	[tilespmem:s20+$0xFFFFFFB0] =	vst v3  }
0x1a2: {  	s20 =	sadd.s32 $0x100, s20;
	v3 =	vld [tilespmem:s24+$0x10];
	v5 =	vpack.i.f32.bf16 v5, v8  }
0x1a3: {  	v8 =	vld [tilespmem:s24+$0xFFFFFF00];
	[tilespmem:s20+$0x40] =	vst v5  }
0x1a4: {  	v5 =	vld [tilespmem:s24+$0xA0]  }
0x1a5: {  	v4 =	vpack.i.f32.bf16 v4, v6;
	v6 =	vld [tilespmem:s24+$0xB0]  }
0x1a6: {  	[tilespmem:s20+$0xFFFFFFC0] =	vst v4;
	v4 =	vld [tilespmem:s6+$0x60]  }
0x1a7: {  	v9 =	vld [tilespmem:s24+$0xFFFFFFA0];
	v3 =	vpack.i.f32.bf16 v3, v7  }
0x1a8: {  	v2 =	vpack.i.f32.bf16 v2, v8;
	v7 =	vld [tilespmem:s24+$0xFFFFFFB0];
	[tilespmem:s20+$0x0] =	vst v3  }
0x1a9: {  	[tilespmem:s20+$0xFFFFFF80] =	vst v2;
	v2 =	vld [tilespmem:s24+$0x20]  }
0x1aa: {  	v3 =	vld [tilespmem:s24+$0xFFFFFF20];
	v5 =	vpack.i.f32.bf16 v6, v5  }
0x1ab: {  	v6 =	vld [tilespmem:s24+$0xFFFFFF30];
	[tilespmem:s20+$0x50] =	vst v5  }
0x1ac: {  	v5 =	vld [tilespmem:s24+$0xC0]  }
0x1ad: {  	v7 =	vpack.i.f32.bf16 v7, v9;
	v8 =	vld [tilespmem:s24+$0xD0]  }
0x1ae: {  	[tilespmem:s20+$0xFFFFFFD0] =	vst v7;
	v7 =	vld [tilespmem:s24+$0x30]  }
0x1af: {  	v9 =	vld [tilespmem:s24+$0xFFFFFFC0]  }
0x1b0: {  	v3 =	vpack.i.f32.bf16 v6, v3;
	v6 =	vld [tilespmem:s24+$0xFFFFFFD0]  }
0x1b1: {  	[tilespmem:s20+$0xFFFFFF90] =	vst v3;
	v3 =	vld [tilespmem:s6+$0x70];
	s6 =	smov.u32 s24  }
0x1b2: {  	v10 =	vld [tilespmem:s24+$0xFFFFFF40];
	v5 =	vpack.i.f32.bf16 v8, v5  }
0x1b3: {  	v8 =	vld [tilespmem:s24+$0xFFFFFF50];
	v2 =	vpack.i.f32.bf16 v7, v2;
	[tilespmem:s20+$0x60] =	vst v5  }
0x1b4: {  	[tilespmem:s20+$0x10] =	vst v2;
	v7 =	vld [tilespmem:s24+$0xE0]  }
0x1b5: {  	v2 =	vpack.i.f32.bf16 v6, v9;
	v9 =	vld [tilespmem:s24+$0xF0]  }
0x1b6: {  	[tilespmem:s20+$0xFFFFFFE0] =	vst v2;
	v2 =	vld [tilespmem:s24+$0x40];
	v3 =	vpack.i.f32.bf16 v3, v4  }
.Ltmp4:
0x1b7: {  	v5 =	vld [tilespmem:s24+$0x50];
	[tilespmem:s21+$0x30] =	vst v3;
	s21 =	smov.u32 s20;
	(pc) =	sbr.rel @p1 .LBB2_10-.Ltmp4, $4  }
0x1b8: {  	v3 =	vpack.i.f32.bf16 v8, v10;
	v4 =	vld [tilespmem:s24+$0xFFFFFFE0]  }
0x1b9: {  	[tilespmem:s20+$0xFFFFFFA0] =	vst v3;
	v6 =	vld [tilespmem:s24+$0xFFFFFFF0]  }
0x1ba: {  	v3 =	vld [tilespmem:s24+$0xFFFFFF60];
	v8 =	vpack.i.f32.bf16 v9, v7  }
0x1bb: {  	s24 =	sadd.s32 $0x200, s24;
	v7 =	vld [tilespmem:s6+$0xFFFFFF70];
	[tilespmem:s20+$0x70] =	vst v8  }
0x1bc: {  	v2 =	vpack.i.f32.bf16 v5, v2  }
0x1bd: {  	[tilespmem:s20+$0x20] =	vst v2  }
0x1be: {  	v2 =	vld [tilespmem:s6+$0x60]  }
0x1bf: {  	v5 =	vld [tilespmem:s6+$0x70];
	_ =	sdelay $0x2  }
0x1c0: {  	v4 =	vpack.i.f32.bf16 v6, v4  }
0x1c1: {  	[tilespmem:s20+$0xFFFFFFF0] =	vst v4;
	v3 =	vpack.i.f32.bf16 v7, v3  }
0x1c2: {  	[tilespmem:s20+$0xFFFFFFB0] =	vst v3;
	v2 =	vpack.i.f32.bf16 v5, v2  }
0x1c3: {  	[tilespmem:s21+$0x30] =	vst v2  }
0x1c4: {  	s0 =	rddreg [dreg:$0x12]  }
0x1c5: {  	[spmem:s0] =	stream.linear.scatter [tilespmem:s18], [sflag:$0x9], $0x1400, $0x38;
	[tilespmem:$0x17C50] =	vst v63  }
0x1c6: {  	_ =	swait.ge [sflag:s31], $0x1400  }
0x1c7: {  	[sflag:s31] =	ssyncset.done $0x0  }
0x1c8: {  	s30 =	rddreg [dreg:$0xa];
	[sflag:s31] =	ssyncadd.s32 $0xFFFFEC00  }
0x1c9: {  	[tilespmem:s17], [sflag:$0x9] =	stream.linear.gather [hbm4b:s30+s5], $0x2800, $0x38;
	[tilespmem:$0x17C50] =	vst v63  }
0x1ca: {  	_ =	swait.ge [sflag:s31], $0x2800  }
0x1cb: {  	[sflag:s31] =	ssyncset.done $0x0  }
0x1cc: {  	s6 =	simm.s32 $0x9D40;
	[sflag:s31] =	ssyncadd.s32 $0xFFFFD800  }
0x1cd: {  	v2 =	vld [tilespmem:s6+$0x80]  }
0x1ce: {  	v3 =	vld [tilespmem:s6+$0x90];
	_ =	sdelay $0x2  }
0x1cf: {  	v4 =	vld [tilespmem:s6+$0xFFFFFF80]  }
0x1d0: {  	v5 =	vld [tilespmem:s6+$0xFFFFFF90]  }
0x1d1: {  	s20 =	simm.s32 $0xC4C0;
	v6 =	vld [tilespmem:s6+$0xFFFFFF10];
	v2 =	vpack.i.f32.bf16 v3, v2  }
0x1d2: {  	v3 =	vld [tilespmem:s6+$0xFFFFFF00];
	[tilespmem:s20+$0x40] =	vst v2  }
0x1d3: {  	v2 =	vld [tilespmem:s6+$0xA0]  }
0x1d4: {  	v7 =	vld [tilespmem:s6+$0xB0]  }
0x1d5: {  	v8 =	vld [tilespmem:s6+$0x0];
	v4 =	vpack.i.f32.bf16 v5, v4  }
0x1d6: {  	v5 =	vld [tilespmem:s6+$0x10];
	[tilespmem:s20+$0xFFFFFFC0] =	vst v4  }
0x1d7: {  	v4 =	vld [tilespmem:s6+$0xFFFFFFA0];
	v3 =	vpack.i.f32.bf16 v6, v3  }
0x1d8: {  	v6 =	vld [tilespmem:s6+$0xFFFFFFB0];
	[tilespmem:s20+$0xFFFFFF80] =	vst v3  }
0x1d9: {  	v3 =	vld [tilespmem:s6+$0xFFFFFF20];
	v2 =	vpack.i.f32.bf16 v7, v2  }
0x1da: {  	v7 =	vld [tilespmem:s6+$0xFFFFFF30];
	[tilespmem:s20+$0x50] =	vst v2  }
0x1db: {  	v2 =	vpack.i.f32.bf16 v5, v8;
	v5 =	vld [tilespmem:s6+$0xC0]  }
0x1dc: {  	[tilespmem:s20+$0x0] =	vst v2;
	v2 =	vld [tilespmem:s6+$0xD0]  }
0x1dd: {  	v8 =	vld [tilespmem:s6+$0x20];
	v4 =	vpack.i.f32.bf16 v6, v4  }
0x1de: {  	[tilespmem:s20+$0xFFFFFFD0] =	vst v4;
	v4 =	vld [tilespmem:s6+$0x30]  }
0x1df: {  	v6 =	vld [tilespmem:s6+$0xFFFFFFC0];
	v3 =	vpack.i.f32.bf16 v7, v3  }
0x1e0: {  	v7 =	vld [tilespmem:s6+$0xFFFFFFD0];
	[tilespmem:s20+$0xFFFFFF90] =	vst v3  }
0x1e1: {  	v3 =	vld [tilespmem:s6+$0xFFFFFF40];
	v2 =	vpack.i.f32.bf16 v2, v5  }
0x1e2: {  	v9 =	vld [tilespmem:s6+$0xFFFFFF50];
	[tilespmem:s20+$0x60] =	vst v2  }
0x1e3: {  	v2 =	vpack.i.f32.bf16 v4, v8;
	v8 =	vld [tilespmem:s6+$0xE0]  }
0x1e4: {  	v10 =	vld [tilespmem:s6+$0xF0];
	[tilespmem:s20+$0x10] =	vst v2  }
0x1e5: {  	v4 =	vpack.i.f32.bf16 v7, v6;
	v2 =	vld [tilespmem:s6+$0x40]  }
0x1e6: {  	[tilespmem:s20+$0xFFFFFFE0] =	vst v4;
	v5 =	vld [tilespmem:s6+$0x50]  }
0x1e7: {  	v3 =	vpack.i.f32.bf16 v9, v3;
	v4 =	vld [tilespmem:s6+$0xFFFFFFE0]  }
0x1e8: {  	v6 =	vld [tilespmem:s6+$0xFFFFFFF0];
	[tilespmem:s20+$0xFFFFFFA0] =	vst v3  }
0x1e9: {  	v3 =	vld [tilespmem:s6+$0xFFFFFF60];
	v8 =	vpack.i.f32.bf16 v10, v8  }
0x1ea: {  	s22 =	simm.s32 $0x0;
	s24 =	simm.s32 $0x9F40;
	s21 =	simm.s32 $0xC4C0;
	v7 =	vld [tilespmem:s6+$0xFFFFFF70];
	[tilespmem:s20+$0x70] =	vst v8  }
.LBB2_12:
0x1eb: {  	v8 =	vld [tilespmem:s24+$0x80];
	v2 =	vpack.i.f32.bf16 v5, v2  }
0x1ec: {  	v5 =	vld [tilespmem:s24+$0x90];
	[tilespmem:s20+$0x20] =	vst v2  }
0x1ed: {  	v2 =	vld [tilespmem:s24+$0xFFFFFF10];
	v4 =	vpack.i.f32.bf16 v6, v4  }
0x1ee: {  	v6 =	vld [tilespmem:s24+$0xFFFFFF80];
	[tilespmem:s20+$0xFFFFFFF0] =	vst v4  }
0x1ef: {  	s22 =	sadd.s32 $0x4, s22;
	v4 =	vld [tilespmem:s24+$0xFFFFFF90];
	v3 =	vpack.i.f32.bf16 v7, v3  }
0x1f0: {  	p1 =	slt.u32 s22, $0x4C;
	v7 =	vld [tilespmem:s24+$0x0];
	[tilespmem:s20+$0xFFFFFFB0] =	vst v3  }
0x1f1: {  	s20 =	sadd.s32 $0x100, s20;
	v3 =	vld [tilespmem:s24+$0x10];
	v5 =	vpack.i.f32.bf16 v5, v8  }
0x1f2: {  	v8 =	vld [tilespmem:s24+$0xFFFFFF00];
	[tilespmem:s20+$0x40] =	vst v5  }
0x1f3: {  	v5 =	vld [tilespmem:s24+$0xA0]  }
0x1f4: {  	v4 =	vpack.i.f32.bf16 v4, v6;
	v6 =	vld [tilespmem:s24+$0xB0]  }
0x1f5: {  	[tilespmem:s20+$0xFFFFFFC0] =	vst v4;
	v4 =	vld [tilespmem:s6+$0x60]  }
0x1f6: {  	v9 =	vld [tilespmem:s24+$0xFFFFFFA0];
	v3 =	vpack.i.f32.bf16 v3, v7  }
0x1f7: {  	v2 =	vpack.i.f32.bf16 v2, v8;
	v7 =	vld [tilespmem:s24+$0xFFFFFFB0];
	[tilespmem:s20+$0x0] =	vst v3  }
0x1f8: {  	[tilespmem:s20+$0xFFFFFF80] =	vst v2;
	v2 =	vld [tilespmem:s24+$0x20]  }
0x1f9: {  	v3 =	vld [tilespmem:s24+$0xFFFFFF20];
	v5 =	vpack.i.f32.bf16 v6, v5  }
0x1fa: {  	v6 =	vld [tilespmem:s24+$0xFFFFFF30];
	[tilespmem:s20+$0x50] =	vst v5  }
0x1fb: {  	v5 =	vld [tilespmem:s24+$0xC0]  }
0x1fc: {  	v7 =	vpack.i.f32.bf16 v7, v9;
	v8 =	vld [tilespmem:s24+$0xD0]  }
0x1fd: {  	[tilespmem:s20+$0xFFFFFFD0] =	vst v7;
	v7 =	vld [tilespmem:s24+$0x30]  }
0x1fe: {  	v9 =	vld [tilespmem:s24+$0xFFFFFFC0]  }
0x1ff: {  	v3 =	vpack.i.f32.bf16 v6, v3;
	v6 =	vld [tilespmem:s24+$0xFFFFFFD0]  }
0x200: {  	[tilespmem:s20+$0xFFFFFF90] =	vst v3;
	v3 =	vld [tilespmem:s6+$0x70];
	s6 =	smov.u32 s24  }
0x201: {  	v10 =	vld [tilespmem:s24+$0xFFFFFF40];
	v5 =	vpack.i.f32.bf16 v8, v5  }
0x202: {  	v8 =	vld [tilespmem:s24+$0xFFFFFF50];
	v2 =	vpack.i.f32.bf16 v7, v2;
	[tilespmem:s20+$0x60] =	vst v5  }
0x203: {  	[tilespmem:s20+$0x10] =	vst v2;
	v7 =	vld [tilespmem:s24+$0xE0]  }
0x204: {  	v2 =	vpack.i.f32.bf16 v6, v9;
	v9 =	vld [tilespmem:s24+$0xF0]  }
0x205: {  	[tilespmem:s20+$0xFFFFFFE0] =	vst v2;
	v2 =	vld [tilespmem:s24+$0x40];
	v3 =	vpack.i.f32.bf16 v3, v4  }
.Ltmp5:
0x206: {  	v5 =	vld [tilespmem:s24+$0x50];
	[tilespmem:s21+$0x30] =	vst v3;
	s21 =	smov.u32 s20;
	(pc) =	sbr.rel @p1 .LBB2_12-.Ltmp5, $4  }
0x207: {  	v3 =	vpack.i.f32.bf16 v8, v10;
	v4 =	vld [tilespmem:s24+$0xFFFFFFE0]  }
0x208: {  	[tilespmem:s20+$0xFFFFFFA0] =	vst v3;
	v6 =	vld [tilespmem:s24+$0xFFFFFFF0]  }
0x209: {  	v3 =	vld [tilespmem:s24+$0xFFFFFF60];
	v8 =	vpack.i.f32.bf16 v9, v7  }
0x20a: {  	s24 =	sadd.s32 $0x200, s24;
	v7 =	vld [tilespmem:s6+$0xFFFFFF70];
	[tilespmem:s20+$0x70] =	vst v8  }
0x20b: {  	v2 =	vpack.i.f32.bf16 v5, v2  }
0x20c: {  	[tilespmem:s20+$0x20] =	vst v2  }
0x20d: {  	v2 =	vld [tilespmem:s6+$0x60]  }
0x20e: {  	v5 =	vld [tilespmem:s6+$0x70];
	_ =	sdelay $0x2  }
0x20f: {  	v4 =	vpack.i.f32.bf16 v6, v4  }
0x210: {  	[tilespmem:s20+$0xFFFFFFF0] =	vst v4;
	v3 =	vpack.i.f32.bf16 v7, v3  }
0x211: {  	[tilespmem:s20+$0xFFFFFFB0] =	vst v3;
	v2 =	vpack.i.f32.bf16 v5, v2  }
0x212: {  	[tilespmem:s21+$0x30] =	vst v2  }
0x213: {  	s0 =	rddreg [dreg:$0x13]  }
0x214: {  	[spmem:s0] =	stream.linear.scatter [tilespmem:s18], [sflag:$0x9], $0x1400, $0x38;
	[tilespmem:$0x17C50] =	vst v63  }
0x215: {  	_ =	swait.ge [sflag:s31], $0x1400  }
0x216: {  	[sflag:s31] =	ssyncset.done $0x0  }
0x217: {  	s30 =	rddreg [dreg:$0xb];
	[sflag:s31] =	ssyncadd.s32 $0xFFFFEC00  }
0x218: {  	[tilespmem:s17], [sflag:$0x9] =	stream.linear.gather [hbm4b:s30+s5], $0x2800, $0x38;
	[tilespmem:$0x17C50] =	vst v63  }
0x219: {  	_ =	swait.ge [sflag:s31], $0x2800  }
0x21a: {  	[sflag:s31] =	ssyncset.done $0x0  }
0x21b: {  	s6 =	simm.s32 $0x9D40;
	[sflag:s31] =	ssyncadd.s32 $0xFFFFD800  }
0x21c: {  	v2 =	vld [tilespmem:s6+$0x80]  }
0x21d: {  	v3 =	vld [tilespmem:s6+$0x90];
	_ =	sdelay $0x2  }
0x21e: {  	v4 =	vld [tilespmem:s6+$0xFFFFFF80]  }
0x21f: {  	v5 =	vld [tilespmem:s6+$0xFFFFFF90]  }
0x220: {  	s20 =	simm.s32 $0xC4C0;
	v6 =	vld [tilespmem:s6+$0xFFFFFF10];
	v2 =	vpack.i.f32.bf16 v3, v2  }
0x221: {  	v3 =	vld [tilespmem:s6+$0xFFFFFF00];
	[tilespmem:s20+$0x40] =	vst v2  }
0x222: {  	v2 =	vld [tilespmem:s6+$0xA0]  }
0x223: {  	v7 =	vld [tilespmem:s6+$0xB0]  }
0x224: {  	v8 =	vld [tilespmem:s6+$0x0];
	v4 =	vpack.i.f32.bf16 v5, v4  }
0x225: {  	v5 =	vld [tilespmem:s6+$0x10];
	[tilespmem:s20+$0xFFFFFFC0] =	vst v4  }
0x226: {  	v4 =	vld [tilespmem:s6+$0xFFFFFFA0];
	v3 =	vpack.i.f32.bf16 v6, v3  }
0x227: {  	v6 =	vld [tilespmem:s6+$0xFFFFFFB0];
	[tilespmem:s20+$0xFFFFFF80] =	vst v3  }
0x228: {  	v3 =	vld [tilespmem:s6+$0xFFFFFF20];
	v2 =	vpack.i.f32.bf16 v7, v2  }
0x229: {  	v7 =	vld [tilespmem:s6+$0xFFFFFF30];
	[tilespmem:s20+$0x50] =	vst v2  }
0x22a: {  	v2 =	vpack.i.f32.bf16 v5, v8;
	v5 =	vld [tilespmem:s6+$0xC0]  }
0x22b: {  	[tilespmem:s20+$0x0] =	vst v2;
	v2 =	vld [tilespmem:s6+$0xD0]  }
0x22c: {  	v8 =	vld [tilespmem:s6+$0x20];
	v4 =	vpack.i.f32.bf16 v6, v4  }
0x22d: {  	[tilespmem:s20+$0xFFFFFFD0] =	vst v4;
	v4 =	vld [tilespmem:s6+$0x30]  }
0x22e: {  	v6 =	vld [tilespmem:s6+$0xFFFFFFC0];
	v3 =	vpack.i.f32.bf16 v7, v3  }
0x22f: {  	v7 =	vld [tilespmem:s6+$0xFFFFFFD0];
	[tilespmem:s20+$0xFFFFFF90] =	vst v3  }
0x230: {  	v3 =	vld [tilespmem:s6+$0xFFFFFF40];
	v2 =	vpack.i.f32.bf16 v2, v5  }
0x231: {  	v9 =	vld [tilespmem:s6+$0xFFFFFF50];
	[tilespmem:s20+$0x60] =	vst v2  }
0x232: {  	v2 =	vpack.i.f32.bf16 v4, v8;
	v8 =	vld [tilespmem:s6+$0xE0]  }
0x233: {  	v10 =	vld [tilespmem:s6+$0xF0];
	[tilespmem:s20+$0x10] =	vst v2  }
0x234: {  	v4 =	vpack.i.f32.bf16 v7, v6;
	v2 =	vld [tilespmem:s6+$0x40]  }
0x235: {  	[tilespmem:s20+$0xFFFFFFE0] =	vst v4;
	v5 =	vld [tilespmem:s6+$0x50]  }
0x236: {  	v3 =	vpack.i.f32.bf16 v9, v3;
	v4 =	vld [tilespmem:s6+$0xFFFFFFE0]  }
0x237: {  	v6 =	vld [tilespmem:s6+$0xFFFFFFF0];
	[tilespmem:s20+$0xFFFFFFA0] =	vst v3  }
0x238: {  	v3 =	vld [tilespmem:s6+$0xFFFFFF60];
	v8 =	vpack.i.f32.bf16 v10, v8  }
0x239: {  	s22 =	simm.s32 $0x0;
	s24 =	simm.s32 $0x9F40;
	s21 =	simm.s32 $0xC4C0;
	v7 =	vld [tilespmem:s6+$0xFFFFFF70];
	[tilespmem:s20+$0x70] =	vst v8  }
.LBB2_14:
0x23a: {  	v8 =	vld [tilespmem:s24+$0x80];
	v2 =	vpack.i.f32.bf16 v5, v2  }
0x23b: {  	v5 =	vld [tilespmem:s24+$0x90];
	[tilespmem:s20+$0x20] =	vst v2  }
0x23c: {  	v2 =	vld [tilespmem:s24+$0xFFFFFF10];
	v4 =	vpack.i.f32.bf16 v6, v4  }
0x23d: {  	v6 =	vld [tilespmem:s24+$0xFFFFFF80];
	[tilespmem:s20+$0xFFFFFFF0] =	vst v4  }
0x23e: {  	s22 =	sadd.s32 $0x4, s22;
	v4 =	vld [tilespmem:s24+$0xFFFFFF90];
	v3 =	vpack.i.f32.bf16 v7, v3  }
0x23f: {  	p1 =	slt.u32 s22, $0x4C;
	v7 =	vld [tilespmem:s24+$0x0];
	[tilespmem:s20+$0xFFFFFFB0] =	vst v3  }
0x240: {  	s20 =	sadd.s32 $0x100, s20;
	v3 =	vld [tilespmem:s24+$0x10];
	v5 =	vpack.i.f32.bf16 v5, v8  }
0x241: {  	v8 =	vld [tilespmem:s24+$0xFFFFFF00];
	[tilespmem:s20+$0x40] =	vst v5  }
0x242: {  	v5 =	vld [tilespmem:s24+$0xA0]  }
0x243: {  	v4 =	vpack.i.f32.bf16 v4, v6;
	v6 =	vld [tilespmem:s24+$0xB0]  }
0x244: {  	[tilespmem:s20+$0xFFFFFFC0] =	vst v4;
	v4 =	vld [tilespmem:s6+$0x60]  }
0x245: {  	v9 =	vld [tilespmem:s24+$0xFFFFFFA0];
	v3 =	vpack.i.f32.bf16 v3, v7  }
0x246: {  	v2 =	vpack.i.f32.bf16 v2, v8;
	v7 =	vld [tilespmem:s24+$0xFFFFFFB0];
	[tilespmem:s20+$0x0] =	vst v3  }
0x247: {  	[tilespmem:s20+$0xFFFFFF80] =	vst v2;
	v2 =	vld [tilespmem:s24+$0x20]  }
0x248: {  	v3 =	vld [tilespmem:s24+$0xFFFFFF20];
	v5 =	vpack.i.f32.bf16 v6, v5  }
0x249: {  	v6 =	vld [tilespmem:s24+$0xFFFFFF30];
	[tilespmem:s20+$0x50] =	vst v5  }
0x24a: {  	v5 =	vld [tilespmem:s24+$0xC0]  }
0x24b: {  	v7 =	vpack.i.f32.bf16 v7, v9;
	v8 =	vld [tilespmem:s24+$0xD0]  }
0x24c: {  	[tilespmem:s20+$0xFFFFFFD0] =	vst v7;
	v7 =	vld [tilespmem:s24+$0x30]  }
0x24d: {  	v9 =	vld [tilespmem:s24+$0xFFFFFFC0]  }
0x24e: {  	v3 =	vpack.i.f32.bf16 v6, v3;
	v6 =	vld [tilespmem:s24+$0xFFFFFFD0]  }
0x24f: {  	[tilespmem:s20+$0xFFFFFF90] =	vst v3;
	v3 =	vld [tilespmem:s6+$0x70];
	s6 =	smov.u32 s24  }
0x250: {  	v10 =	vld [tilespmem:s24+$0xFFFFFF40];
	v5 =	vpack.i.f32.bf16 v8, v5  }
0x251: {  	v8 =	vld [tilespmem:s24+$0xFFFFFF50];
	v2 =	vpack.i.f32.bf16 v7, v2;
	[tilespmem:s20+$0x60] =	vst v5  }
0x252: {  	[tilespmem:s20+$0x10] =	vst v2;
	v7 =	vld [tilespmem:s24+$0xE0]  }
0x253: {  	v2 =	vpack.i.f32.bf16 v6, v9;
	v9 =	vld [tilespmem:s24+$0xF0]  }
0x254: {  	[tilespmem:s20+$0xFFFFFFE0] =	vst v2;
	v2 =	vld [tilespmem:s24+$0x40];
	v3 =	vpack.i.f32.bf16 v3, v4  }
.Ltmp6:
0x255: {  	v5 =	vld [tilespmem:s24+$0x50];
	[tilespmem:s21+$0x30] =	vst v3;
	s21 =	smov.u32 s20;
	(pc) =	sbr.rel @p1 .LBB2_14-.Ltmp6, $4  }
0x256: {  	v3 =	vpack.i.f32.bf16 v8, v10;
	v4 =	vld [tilespmem:s24+$0xFFFFFFE0]  }
0x257: {  	[tilespmem:s20+$0xFFFFFFA0] =	vst v3;
	v6 =	vld [tilespmem:s24+$0xFFFFFFF0]  }
0x258: {  	v3 =	vld [tilespmem:s24+$0xFFFFFF60];
	v8 =	vpack.i.f32.bf16 v9, v7  }
0x259: {  	s24 =	sadd.s32 $0x200, s24;
	v7 =	vld [tilespmem:s6+$0xFFFFFF70];
	[tilespmem:s20+$0x70] =	vst v8  }
0x25a: {  	v2 =	vpack.i.f32.bf16 v5, v2  }
0x25b: {  	[tilespmem:s20+$0x20] =	vst v2  }
0x25c: {  	v2 =	vld [tilespmem:s6+$0x60]  }
0x25d: {  	v63 =	vld [tilespmem:s6+$0x70];
	_ =	sdelay $0x2  }
0x25e: {  	v4 =	vpack.i.f32.bf16 v6, v4  }
0x25f: {  	[tilespmem:s20+$0xFFFFFFF0] =	vst v4;
	v3 =	vpack.i.f32.bf16 v7, v3  }
0x260: {  	[tilespmem:s20+$0xFFFFFFB0] =	vst v3;
	v2 =	vpack.i.f32.bf16 v63, v2  }
0x261: {  	[tilespmem:s21+$0x30] =	vst v2  }
.Ltmp7:
0x262: {  	s0 =	rddreg [dreg:$0x14];
	(pc) =	sbr.rel @p0 .LBB2_19-.Ltmp7, $4  }
0x263: {  	[spmem:s0] =	stream.linear.scatter [tilespmem:s18], [sflag:$0x9], $0x1400, $0x38;
	[tilespmem:$0x17C50] =	vst v63  }
0x264: {  	_ =	swait.ge [sflag:s31], $0x1400  }
0x265: {  	[sflag:s31] =	ssyncset.done $0x0  }
0x266: {  	[sflag:s31] =	ssyncadd.s32 $0xFFFFEC00  }
0x267: {  	s0 =	rddreg [dreg:$0xc]  }
0x268: {  	[tilespmem:s17], [sflag:$0x9] =	stream.linear.gather [hbm4b:s0+s5], $0x2800, $0x38;
	[tilespmem:$0x17C50] =	vst v63  }
0x269: {  	_ =	swait.ge [sflag:s31], $0x2800  }
0x26a: {  	[sflag:s31] =	ssyncset.done $0x0  }
0x26b: {  	s6 =	simm.s32 $0x9D40;
	[sflag:s31] =	ssyncadd.s32 $0xFFFFD800  }
0x26c: {  	v2 =	vld [tilespmem:s6+$0x80]  }
0x26d: {  	v3 =	vld [tilespmem:s6+$0x90];
	_ =	sdelay $0x2  }
0x26e: {  	v4 =	vld [tilespmem:s6+$0xFFFFFF80]  }
0x26f: {  	v5 =	vld [tilespmem:s6+$0xFFFFFF90]  }
0x270: {  	s20 =	simm.s32 $0xC4C0;
	v6 =	vld [tilespmem:s6+$0xFFFFFF10];
	v2 =	vpack.i.f32.bf16 v3, v2  }
0x271: {  	v3 =	vld [tilespmem:s6+$0xFFFFFF00];
	[tilespmem:s20+$0x40] =	vst v2  }
0x272: {  	v2 =	vld [tilespmem:s6+$0xA0]  }
0x273: {  	v7 =	vld [tilespmem:s6+$0xB0]  }
0x274: {  	v8 =	vld [tilespmem:s6+$0x0];
	v4 =	vpack.i.f32.bf16 v5, v4  }
0x275: {  	v5 =	vld [tilespmem:s6+$0x10];
	[tilespmem:s20+$0xFFFFFFC0] =	vst v4  }
0x276: {  	v4 =	vld [tilespmem:s6+$0xFFFFFFA0];
	v3 =	vpack.i.f32.bf16 v6, v3  }
0x277: {  	v6 =	vld [tilespmem:s6+$0xFFFFFFB0];
	[tilespmem:s20+$0xFFFFFF80] =	vst v3  }
0x278: {  	v3 =	vld [tilespmem:s6+$0xFFFFFF20];
	v2 =	vpack.i.f32.bf16 v7, v2  }
0x279: {  	v7 =	vld [tilespmem:s6+$0xFFFFFF30];
	[tilespmem:s20+$0x50] =	vst v2  }
0x27a: {  	v2 =	vpack.i.f32.bf16 v5, v8;
	v5 =	vld [tilespmem:s6+$0xC0]  }
0x27b: {  	[tilespmem:s20+$0x0] =	vst v2;
	v2 =	vld [tilespmem:s6+$0xD0]  }
0x27c: {  	v8 =	vld [tilespmem:s6+$0x20];
	v4 =	vpack.i.f32.bf16 v6, v4  }
0x27d: {  	[tilespmem:s20+$0xFFFFFFD0] =	vst v4;
	v4 =	vld [tilespmem:s6+$0x30]  }
0x27e: {  	v6 =	vld [tilespmem:s6+$0xFFFFFFC0];
	v3 =	vpack.i.f32.bf16 v7, v3  }
0x27f: {  	v7 =	vld [tilespmem:s6+$0xFFFFFFD0];
	[tilespmem:s20+$0xFFFFFF90] =	vst v3  }
0x280: {  	v3 =	vld [tilespmem:s6+$0xFFFFFF40];
	v2 =	vpack.i.f32.bf16 v2, v5  }
0x281: {  	v9 =	vld [tilespmem:s6+$0xFFFFFF50];
	[tilespmem:s20+$0x60] =	vst v2  }
0x282: {  	v2 =	vpack.i.f32.bf16 v4, v8;
	v8 =	vld [tilespmem:s6+$0xE0]  }
0x283: {  	v10 =	vld [tilespmem:s6+$0xF0];
	[tilespmem:s20+$0x10] =	vst v2  }
0x284: {  	v4 =	vpack.i.f32.bf16 v7, v6;
	v2 =	vld [tilespmem:s6+$0x40]  }
0x285: {  	[tilespmem:s20+$0xFFFFFFE0] =	vst v4;
	v5 =	vld [tilespmem:s6+$0x50]  }
0x286: {  	v3 =	vpack.i.f32.bf16 v9, v3;
	v4 =	vld [tilespmem:s6+$0xFFFFFFE0]  }
0x287: {  	v6 =	vld [tilespmem:s6+$0xFFFFFFF0];
	[tilespmem:s20+$0xFFFFFFA0] =	vst v3  }
0x288: {  	v3 =	vld [tilespmem:s6+$0xFFFFFF60];
	v8 =	vpack.i.f32.bf16 v10, v8  }
0x289: {  	s22 =	simm.s32 $0x0;
	s24 =	simm.s32 $0x9F40;
	s21 =	simm.s32 $0xC4C0;
	v7 =	vld [tilespmem:s6+$0xFFFFFF70];
	[tilespmem:s20+$0x70] =	vst v8  }
.LBB2_17:
0x28a: {  	v8 =	vld [tilespmem:s24+$0x80];
	v2 =	vpack.i.f32.bf16 v5, v2  }
0x28b: {  	v5 =	vld [tilespmem:s24+$0x90];
	[tilespmem:s20+$0x20] =	vst v2  }
0x28c: {  	v2 =	vld [tilespmem:s24+$0xFFFFFF10];
	v4 =	vpack.i.f32.bf16 v6, v4  }
0x28d: {  	v6 =	vld [tilespmem:s24+$0xFFFFFF80];
	[tilespmem:s20+$0xFFFFFFF0] =	vst v4  }
0x28e: {  	s22 =	sadd.s32 $0x4, s22;
	v4 =	vld [tilespmem:s24+$0xFFFFFF90];
	v3 =	vpack.i.f32.bf16 v7, v3  }
0x28f: {  	p1 =	slt.u32 s22, $0x4C;
	v7 =	vld [tilespmem:s24+$0x0];
	[tilespmem:s20+$0xFFFFFFB0] =	vst v3  }
0x290: {  	s20 =	sadd.s32 $0x100, s20;
	v3 =	vld [tilespmem:s24+$0x10];
	v5 =	vpack.i.f32.bf16 v5, v8  }
0x291: {  	v8 =	vld [tilespmem:s24+$0xFFFFFF00];
	[tilespmem:s20+$0x40] =	vst v5  }
0x292: {  	v5 =	vld [tilespmem:s24+$0xA0]  }
0x293: {  	v4 =	vpack.i.f32.bf16 v4, v6;
	v6 =	vld [tilespmem:s24+$0xB0]  }
0x294: {  	[tilespmem:s20+$0xFFFFFFC0] =	vst v4;
	v4 =	vld [tilespmem:s6+$0x60]  }
0x295: {  	v9 =	vld [tilespmem:s24+$0xFFFFFFA0];
	v3 =	vpack.i.f32.bf16 v3, v7  }
0x296: {  	v2 =	vpack.i.f32.bf16 v2, v8;
	v7 =	vld [tilespmem:s24+$0xFFFFFFB0];
	[tilespmem:s20+$0x0] =	vst v3  }
0x297: {  	[tilespmem:s20+$0xFFFFFF80] =	vst v2;
	v2 =	vld [tilespmem:s24+$0x20]  }
0x298: {  	v3 =	vld [tilespmem:s24+$0xFFFFFF20];
	v5 =	vpack.i.f32.bf16 v6, v5  }
0x299: {  	v6 =	vld [tilespmem:s24+$0xFFFFFF30];
	[tilespmem:s20+$0x50] =	vst v5  }
0x29a: {  	v5 =	vld [tilespmem:s24+$0xC0]  }
0x29b: {  	v7 =	vpack.i.f32.bf16 v7, v9;
	v8 =	vld [tilespmem:s24+$0xD0]  }
0x29c: {  	[tilespmem:s20+$0xFFFFFFD0] =	vst v7;
	v7 =	vld [tilespmem:s24+$0x30]  }
0x29d: {  	v9 =	vld [tilespmem:s24+$0xFFFFFFC0]  }
0x29e: {  	v3 =	vpack.i.f32.bf16 v6, v3;
	v6 =	vld [tilespmem:s24+$0xFFFFFFD0]  }
0x29f: {  	[tilespmem:s20+$0xFFFFFF90] =	vst v3;
	v3 =	vld [tilespmem:s6+$0x70];
	s6 =	smov.u32 s24  }
0x2a0: {  	v10 =	vld [tilespmem:s24+$0xFFFFFF40];
	v5 =	vpack.i.f32.bf16 v8, v5  }
0x2a1: {  	v8 =	vld [tilespmem:s24+$0xFFFFFF50];
	v2 =	vpack.i.f32.bf16 v7, v2;
	[tilespmem:s20+$0x60] =	vst v5  }
0x2a2: {  	[tilespmem:s20+$0x10] =	vst v2;
	v7 =	vld [tilespmem:s24+$0xE0]  }
0x2a3: {  	v2 =	vpack.i.f32.bf16 v6, v9;
	v9 =	vld [tilespmem:s24+$0xF0]  }
0x2a4: {  	[tilespmem:s20+$0xFFFFFFE0] =	vst v2;
	v2 =	vld [tilespmem:s24+$0x40];
	v3 =	vpack.i.f32.bf16 v3, v4  }
.Ltmp8:
0x2a5: {  	v5 =	vld [tilespmem:s24+$0x50];
	[tilespmem:s21+$0x30] =	vst v3;
	s21 =	smov.u32 s20;
	(pc) =	sbr.rel @p1 .LBB2_17-.Ltmp8, $4  }
0x2a6: {  	v3 =	vpack.i.f32.bf16 v8, v10;
	v4 =	vld [tilespmem:s24+$0xFFFFFFE0]  }
0x2a7: {  	[tilespmem:s20+$0xFFFFFFA0] =	vst v3;
	v6 =	vld [tilespmem:s24+$0xFFFFFFF0]  }
0x2a8: {  	v3 =	vld [tilespmem:s24+$0xFFFFFF60];
	v8 =	vpack.i.f32.bf16 v9, v7  }
0x2a9: {  	s24 =	sadd.s32 $0x200, s24;
	v7 =	vld [tilespmem:s6+$0xFFFFFF70];
	[tilespmem:s20+$0x70] =	vst v8  }
0x2aa: {  	v2 =	vpack.i.f32.bf16 v5, v2  }
0x2ab: {  	[tilespmem:s20+$0x20] =	vst v2  }
0x2ac: {  	v2 =	vld [tilespmem:s6+$0x60]  }
0x2ad: {  	v63 =	vld [tilespmem:s6+$0x70];
	_ =	sdelay $0x2  }
0x2ae: {  	v4 =	vpack.i.f32.bf16 v6, v4  }
0x2af: {  	[tilespmem:s20+$0xFFFFFFF0] =	vst v4;
	v3 =	vpack.i.f32.bf16 v7, v3  }
0x2b0: {  	[tilespmem:s20+$0xFFFFFFB0] =	vst v3;
	v2 =	vpack.i.f32.bf16 v63, v2  }
0x2b1: {  	[tilespmem:s21+$0x30] =	vst v2  }
0x2b2: {  	s0 =	rddreg [dreg:$0x15]  }
0x2b3: {  	[spmem:s0] =	stream.linear.scatter [tilespmem:s18], [sflag:$0x9], $0x1400, $0x38;
	[tilespmem:$0x17C50] =	vst v63  }
0x2b4: {  	_ =	swait.ge [sflag:s31], $0x1400  }
0x2b5: {  	[sflag:s31] =	ssyncset.done $0x0  }
0x2b6: {  	[sflag:s31] =	ssyncadd.s32 $0xFFFFEC00  }
.LBB2_19:
0x2b7: {  	[bflag:$0x0] =	sbarrier.arrive $0xFFFF;
	s0 =	simm.s32 $0x1  }
0x2b8: {  	_ =	swait.ge [sflag:s0], $0x2710  }
0x2b9: {  	[sflag:s0] =	ssyncset.done $0x0  }
0x2ba: {  	s24 =	simm.s32 $0x2;
	[sflag:s0] =	ssyncadd.s32 $0xFFFFD8F0  }
0x2bb: {  	_ =	swait.ge [sflag:s24], $0x2710  }
0x2bc: {  	[sflag:s24] =	ssyncset.done $0x0  }
0x2bd: {  	[sflag:s24] =	ssyncadd.s32 $0xFFFFD8F0  }
0x2be: {  	[tilespmem:s7], [sflag:$0x3] =	stream.indirect.gather [spmem:s3], $0x40, s1, s23, $0xb8;
	[tilespmem:$0x17C50] =	vst v63  }
0x2bf: {  	_ = 	snop  }
0x2c0: {  	[tilespmem:s8], [sflag:$0x4] =	stream.indirect.gather [spmem:s3], $0x40, s14, s23, $0xb8;
	[tilespmem:$0x17C50] =	vst v63  }
0x2c1: {  	s25 =	simm.s32 $0xD890  }
0x2c2: {  	[tilespmem:s9], [sflag:$0x5] =	stream.indirect.gather [spmem:s3], $0x40, s25, s23, $0xb8;
	[tilespmem:$0x17C50] =	vst v63  }
0x2c3: {  	s30 =	simm.s32 $0xFFA0;
	s20 =	simm.s32 $0x0  }
0x2c4: {  	[tilespmem:s10], [sflag:$0x6] =	stream.indirect.gather [spmem:s3], $0x40, s30, s23, $0xb8;
	[tilespmem:$0x17C50] =	vst v63  }
.LBB2_20:
0x2c5: {  	_ =	swait.ge [sflag:s11], $0x1400  }
0x2c6: {  	[sflag:s11] =	ssyncset.done $0x0  }
0x2c7: {  	[sflag:s11] =	ssyncadd.s32 $0xFFFFEC00  }
0x2c8: {  	_ =	swait.ge [sflag:s12], $0x1400  }
0x2c9: {  	[sflag:s12] =	ssyncset.done $0x0  }
0x2ca: {  	s6 =	simm.s32 $0x127A0;
	[sflag:s12] =	ssyncadd.s32 $0xFFFFEC00  }
0x2cb: {  	s21 =	simm.s32 $0x13BA0;
	v3 =	vld [tilespmem:s6+$0x100]  }
0x2cc: {  	v6 =	vld [tilespmem:s21+$0x100]  }
0x2cd: {  	v7 =	vld [tilespmem:s6+$0x110]  }
0x2ce: {  	v8 =	vld [tilespmem:s21+$0x110]  }
0x2cf: {  	v9 =	vld [tilespmem:s6+$0x120]  }
0x2d0: {  	v10 =	vld [tilespmem:s21+$0x120]  }
0x2d1: {  	v11 =	vld [tilespmem:s6+$0x130]  }
0x2d2: {  	v12 =	vld [tilespmem:s21+$0x130]  }
0x2d3: {  	v2 =	vld [tilespmem:s21+$0xFFFFFEC0]  }
0x2d4: {  	v13 =	vld [tilespmem:s6+$0xFFFFFED0]  }
0x2d5: {  	v14 =	vld [tilespmem:s21+$0xFFFFFED0]  }
0x2d6: {  	v15 =	vld [tilespmem:s6+$0xFFFFFEE0]  }
0x2d7: {  	v16 =	vld [tilespmem:s21+$0xFFFFFEE0]  }
0x2d8: {  	v4 =	vld [tilespmem:s6+$0xFFFFFEF0]  }
0x2d9: {  	v5 =	vld [tilespmem:s21+$0xFFFFFEF0]  }
0x2da: {  	v17 =	vld [tilespmem:s6+$0xFFFFFF00]  }
0x2db: {  	v18 =	vld [tilespmem:s21+$0xFFFFFF00]  }
0x2dc: {  	v19 =	vld [tilespmem:s6+$0xFFFFFF10]  }
0x2dd: {  	v20 =	vld [tilespmem:s21+$0xFFFFFF10]  }
0x2de: {  	v21 =	vld [tilespmem:s6+$0xFFFFFF20]  }
0x2df: {  	v22 =	vld [tilespmem:s21+$0xFFFFFF20]  }
0x2e0: {  	v23 =	vld [tilespmem:s6+$0xFFFFFF30]  }
0x2e1: {  	v24 =	vld [tilespmem:s21+$0xFFFFFF30]  }
0x2e2: {  	v25 =	vld [tilespmem:s6+$0xFFFFFF40]  }
0x2e3: {  	v26 =	vld [tilespmem:s21+$0xFFFFFF40]  }
0x2e4: {  	v27 =	vld [tilespmem:s6+$0xFFFFFF50]  }
0x2e5: {  	v28 =	vld [tilespmem:s21+$0xFFFFFF50]  }
0x2e6: {  	v29 =	vld [tilespmem:s6+$0xFFFFFF60]  }
0x2e7: {  	v30 =	vld [tilespmem:s21+$0xFFFFFF60]  }
0x2e8: {  	v31 =	vld [tilespmem:s6+$0xFFFFFF70]  }
0x2e9: {  	v32 =	vld [tilespmem:s21+$0xFFFFFF70]  }
0x2ea: {  	v54 =	vld [tilespmem:s6+$0xFFFFFF80]  }
0x2eb: {  	v55 =	vld [tilespmem:s21+$0xFFFFFF80]  }
0x2ec: {  	v56 =	vld [tilespmem:s6+$0xFFFFFF90]  }
0x2ed: {  	v57 =	vld [tilespmem:s21+$0xFFFFFF90]  }
0x2ee: {  	v58 =	vld [tilespmem:s6+$0xFFFFFFA0]  }
0x2ef: {  	v59 =	vld [tilespmem:s21+$0xFFFFFFA0]  }
0x2f0: {  	v60 =	vld [tilespmem:s6+$0xFFFFFFB0]  }
0x2f1: {  	v61 =	vld [tilespmem:s21+$0xFFFFFFB0]  }
0x2f2: {  	v62 =	vld [tilespmem:s6+$0xFFFFFFC0]  }
0x2f3: {  	v63 =	vld [tilespmem:s21+$0xFFFFFFC0]  }
0x2f4: {  	v33 =	vld [tilespmem:s6+$0xFFFFFFD0]  }
0x2f5: {  	v34 =	vld [tilespmem:s21+$0xFFFFFFD0]  }
0x2f6: {  	v35 =	vld [tilespmem:s6+$0xFFFFFFE0]  }
0x2f7: {  	v36 =	vld [tilespmem:s21+$0xFFFFFFE0]  }
0x2f8: {  	v37 =	vld [tilespmem:s6+$0xFFFFFFF0]  }
0x2f9: {  	v38 =	vld [tilespmem:s21+$0xFFFFFFF0];
	v3 =	vmul.bf16 v6, v3  }
0x2fa: {  	v49 =	vld [tilespmem:s21+$0x20];
	v6 =	vmul.bf16 v8, v7;
	v8 =	vmul.bf16 v10, v9  }
0x2fb: {  	v51 =	vld [tilespmem:s6+$0x30];
	v9 =	vmul.bf16 v12, v11;
	v11 =	vmul.bf16 v20, v19  }
0x2fc: {  	v41 =	vld [tilespmem:s21+$0x50];
	v46 =	vmul.bf16 v24, v23;
	v47 =	vmul.bf16 v26, v25  }
0x2fd: {  	v7 =	vld [tilespmem:s6+$0x0];
	v48 =	vmul.bf16 v28, v27;
	v50 =	vmul.bf16 v32, v31  }
0x2fe: {  	v10 =	vld [tilespmem:s21+$0x0];
	v58 =	vmul.bf16 v59, v58;
	v40 =	vmul.bf16 v61, v60  }
0x2ff: {  	v19 =	vld [tilespmem:s6+$0x20];
	v15 =	vmul.bf16 v16, v15;
	v43 =	vmul.bf16 v34, v33  }
0x300: {  	v59 =	vld [tilespmem:s6+$0x50];
	v3 =	vadd.bf16 v6, v3;
	v8 =	vadd.bf16 v9, v8;
	v9 =	vmul.bf16 v18, v17  }
0x301: {  	v53 =	vld [tilespmem:s6+$0x40];
	v45 =	vmul.bf16 v36, v35;
	v17 =	vmul.bf16 v22, v21;
	v21 =	vadd.bf16 v40, v58  }
0x302: {  	v12 =	vld [tilespmem:s21+$0x10];
	v8 =	vadd.bf16 v8, v3;
	v9 =	vadd.bf16 v11, v9;
	v11 =	vmul.bf16 v30, v29  }
0x303: {  	s24 =	simm.s32 $0x11;
	v6 =	vld [tilespmem:s6+$0x10];
	v3 =	vmul.bf16 v14, v13;
	v13 =	vadd.bf16 v46, v17;
	v14 =	vadd.bf16 v48, v47  }
0x304: {  	s22 =	simm.s32 $0x99;
	v42 =	vld [tilespmem:s21+$0x60];
	v46 =	vmul.bf16 v38, v37;
	v48 =	vadd.s32 s24, v0;
	v7 =	vmul.bf16 v10, v7  }
0x305: {  	v17 =	vld [tilespmem:s21+$0x30];
	v10 =	vadd.s32 s22, v0;
	v19 =	vmul.bf16 v49, v19;
	v23 =	vmul.bf16 v41, v59  }
0x306: {  	s25 =	simm.s32 $0x22;
	v44 =	vld [tilespmem:s6+$0x70];
	v52 =	vunpack.i.u.bf16.f32 v8;
	v8 =	vunpack.i.l.bf16.f32 v8;
	v11 =	vadd.bf16 v50, v11  }
0x307: {  	v47 =	vld [tilespmem:s21+$0x70];
	v9 =	vadd.bf16 v13, v9;
	v13 =	vmul.bf16 v55, v54;
	v50 =	vadd.s32 s25, v0  }
0x308: {  	v55 =	vld [tilespmem:s21+$0x40];
	v8 =	vadd.f32 v8, v52;
	v6 =	vmul.bf16 v12, v6;
	v11 =	vadd.bf16 v11, v14  }
0x309: {  	v58 =	vld [tilespmem:s21+$0xB0];
	v14 =	vmul.bf16 v57, v56;
	v39 =	vunpack.i.u.bf16.f32 v9;
	v9 =	vunpack.i.l.bf16.f32 v9  }
0x30a: {  	v52 =	vld [tilespmem:s21+$0x90];
	v9 =	vadd.f32 v9, v39;
	v17 =	vmul.bf16 v17, v51;
	v6 =	vadd.bf16 v6, v7  }
0x30b: {  	s0 =	simm.s32 $0x33;
	v13 =	vadd.bf16 v14, v13;
	v14 =	vld [tilespmem:s6+$0x60];
	v16 =	vunpack.i.u.bf16.f32 v11;
	v11 =	vunpack.i.l.bf16.f32 v11  }
0x30c: {  	v51 =	vld [tilespmem:s6+$0x90];
	v7 =	vadd.s32 s0, v0;
	v28 =	vmul.bf16 v47, v44;
	v11 =	vadd.f32 v11, v16  }
0x30d: {  	s1 =	simm.s32 $0x44;
	v49 =	vld [tilespmem:s21+$0x80];
	v16 =	vmul.bf16 v63, v62;
	v17 =	vadd.bf16 v17, v19;
	v18 =	vmul.bf16 v55, v53  }
0x30e: {  	s14 =	simm.s32 $0x55;
	v12 =	vld [tilespmem:s6+$0x80];
	v53 =	vadd.s32 s1, v0;
	v13 =	vadd.bf16 v21, v13;
	v21 =	vadd.bf16 v46, v45  }
0x30f: {  	v54 =	vld [tilespmem:s6+$0xA0];
	v55 =	vadd.s32 s14, v0;
	v16 =	vadd.bf16 v43, v16;
	v6 =	vadd.bf16 v17, v6  }
0x310: {  	v56 =	vld [tilespmem:s21+$0xA0];
	v18 =	vadd.bf16 v23, v18;
	v57 =	vunpack.i.u.bf16.f32 v13;
	v14 =	vmul.bf16 v42, v14  }
0x311: {  	v17 =	vld [tilespmem:s6+$0xB0];
	[tilespmem:v50+s13+$0x0] =	vst.idx.msk $0xffff, v11;
	v13 =	vunpack.i.l.bf16.f32 v13;
	v11 =	vmul.bf16 v52, v51;
	v16 =	vadd.bf16 v21, v16  }
0x312: {  	v60 =	vld [tilespmem:s6+$0xC0];
	[tilespmem:v10+s13+$0x0] =	vst.idx.msk $0xffff, v8;
	v8 =	vunpack.i.u.bf16.f32 v6;
	v6 =	vunpack.i.l.bf16.f32 v6;
	v14 =	vadd.bf16 v28, v14  }
0x313: {  	v62 =	vld [tilespmem:s6+$0xD0];
	v13 =	vadd.f32 v13, v57;
	v6 =	vadd.f32 v6, v8;
	v8 =	vmul.bf16 v49, v12  }
0x314: {  	s17 =	simm.s32 $0x66;
	v63 =	vld [tilespmem:s21+$0xD0];
	v59 =	vunpack.i.u.bf16.f32 v16;
	v16 =	vunpack.i.l.bf16.f32 v16;
	v10 =	vadd.bf16 v14, v18  }
0x315: {  	v61 =	vadd.s32 s17, v0;
	[tilespmem:v7+s13+$0x0] =	vst.idx.msk $0xffff, v13;
	v7 =	vmul.bf16 v56, v54;
	v16 =	vadd.f32 v16, v59;
	v14 =	vld [tilespmem:s21+$0xC0]  }
0x316: {  	[tilespmem:v48+s13+$0x0] =	vst.idx.msk $0xffff, v9;
	v9 =	vld [tilespmem:s6+$0xE0];
	v13 =	vmul.bf16 v58, v17;
	v12 =	vunpack.i.u.bf16.f32 v10;
	v10 =	vunpack.i.l.bf16.f32 v10  }
0x317: {  	s18 =	simm.s32 $0x0;
	v5 =	vmul.bf16 v5, v4;
	v12 =	vadd.f32 v10, v12;
	v10 =	vld [tilespmem:s21+$0xE0]  }
0x318: {  	s30 =	simm.s32 $0x88;
	v4 =	vadd.s32 s18, v0;
	[tilespmem:v53+s13+$0x0] =	vst.idx.msk $0xffff, v16;
	v16 =	vadd.bf16 v11, v8;
	v13 =	vadd.bf16 v13, v7;
	v8 =	vld [tilespmem:s6+$0xF0]  }
0x319: {  	s25 =	simm.s32 $0x77;
	[tilespmem:v55+s13+$0x0] =	vst.idx.msk $0xffff, v6;
	v6 =	vadd.bf16 v5, v15;
	v5 =	vadd.s32 s30, v0;
	v15 =	vmul.bf16 v63, v62;
	v11 =	vld [tilespmem:s21+$0xF0]  }
0x31a: {  	s24 =	simm.s32 $0x0;
	v7 =	vadd.s32 s25, v0;
	s25 =	simm.s32 $0x12A20;
	v13 =	vadd.bf16 v13, v16;
	[tilespmem:v61+s13+$0x0] =	vst.idx.msk $0xffff, v12;
	v14 =	vmul.bf16 v14, v60;
	v12 =	vld [tilespmem:s6+$0xFFFFFEC0]  }
.LBB2_21:
0x31b: {  	v16 =	vld [tilespmem:s25+$0x100];
	s21 =	sadd.s32 $0x280, s21  }
0x31c: {  	v17 =	vld [tilespmem:s21+$0x100];
	v18 =	vunpack.i.u.bf16.f32 v13;
	v9 =	vmul.bf16 v10, v9;
	v10 =	vadd.bf16 v15, v14  }
0x31d: {  	v13 =	vunpack.i.l.bf16.f32 v13;
	v14 =	vld [tilespmem:s25+$0x110]  }
0x31e: {  	v13 =	vadd.f32 v13, v18;
	v15 =	vld [tilespmem:s21+$0x110];
	v8 =	vmul.bf16 v11, v8  }
0x31f: {  	v11 =	vld [tilespmem:s25+$0x120];
	v2 =	vmul.bf16 v2, v12  }
0x320: {  	v12 =	vld [tilespmem:s21+$0x120];
	[tilespmem:v7+s13+$0x0] =	vst.idx.msk $0xffff, v13;
	v7 =	vadd.bf16 v8, v9  }
0x321: {  	v8 =	vld [tilespmem:s25+$0x130];
	v3 =	vadd.bf16 v3, v2  }
0x322: {  	s24 =	sadd.s32 $0xA, s24;
	v9 =	vld [tilespmem:s21+$0x130];
	v7 =	vadd.bf16 v7, v10  }
0x323: {  	p1 =	slt.u32 s24, $0x46;
	v2 =	vld [tilespmem:s21+$0xFFFFFEC0];
	v3 =	vadd.bf16 v6, v3  }
0x324: {  	v6 =	vld [tilespmem:s25+$0xFFFFFED0];
	v10 =	vunpack.i.u.bf16.f32 v7;
	v7 =	vunpack.i.l.bf16.f32 v7  }
0x325: {  	v13 =	vld [tilespmem:s21+$0xFFFFFED0];
	v18 =	vunpack.i.u.bf16.f32 v3;
	v3 =	vunpack.i.l.bf16.f32 v3;
	v7 =	vadd.f32 v7, v10  }
0x326: {  	v16 =	vmul.bf16 v17, v16;
	v14 =	vmul.bf16 v15, v14;
	v10 =	vld [tilespmem:s25+$0xFFFFFEE0];
	v3 =	vadd.f32 v3, v18  }
0x327: {  	v11 =	vmul.bf16 v12, v11;
	v15 =	vld [tilespmem:s21+$0xFFFFFEE0];
	v8 =	vmul.bf16 v9, v8;
	[tilespmem:v5+s13+$0x0] =	vst.idx.msk $0xffff, v7  }
0x328: {  	v5 =	vld [tilespmem:s25+$0xFFFFFEF0];
	[tilespmem:v4+s13+$0x0] =	vst.idx.msk $0xffff, v3  }
0x329: {  	v4 =	vadd.bf16 v14, v16;
	v7 =	vld [tilespmem:s21+$0xFFFFFEF0];
	v8 =	vadd.bf16 v8, v11  }
0x32a: {  	s22 =	sadd.s32 $0xAA, s22;
	v3 =	vmul.bf16 v13, v6;
	v11 =	vld [tilespmem:s25+$0xFFFFFF00]  }
0x32b: {  	s6 =	sadd.s32 $0xFFFFFF67, s22;
	s0 =	sadd.s32 $0xFFFFFF78, s22;
	s14 =	sadd.s32 $0xFFFFFF89, s22;
	v13 =	vadd.s32 s22, v0;
	v12 =	vld [tilespmem:s21+$0xFFFFFF00];
	v6 =	vadd.bf16 v8, v4  }
0x32c: {  	s18 =	sadd.s32 $0xFFFFFFBC, s22;
	v16 =	vadd.s32 s0, v0;
	s0 =	sadd.s32 $0xFFFFFF9A, s22;
	v4 =	vadd.s32 s6, v0;
	s6 =	sadd.s32 $0xFFFFFFAB, s22;
	v14 =	vmul.bf16 v15, v10;
	v15 =	vld [tilespmem:s25+$0xFFFFFF10]  }
0x32d: {  	s17 =	sadd.s32 $0xFFFFFFDE, s22;
	s30 =	sadd.s32 $0xFFFFFFEF, s22;
	v18 =	vadd.s32 s14, v0;
	s14 =	sadd.s32 $0xFFFFFFCD, s22;
	v17 =	vld [tilespmem:s21+$0xFFFFFF10];
	v8 =	vunpack.i.u.bf16.f32 v6;
	v6 =	vunpack.i.l.bf16.f32 v6  }
0x32e: {  	v20 =	vadd.s32 s0, v0;
	v5 =	vmul.bf16 v7, v5;
	v19 =	vld [tilespmem:s25+$0xFFFFFF20];
	v21 =	vadd.f32 v6, v8  }
0x32f: {  	v9 =	vadd.s32 s18, v0;
	v10 =	vadd.s32 s6, v0;
	v8 =	vadd.s32 s14, v0;
	v22 =	vld [tilespmem:s21+$0xFFFFFF20]  }
0x330: {  	v7 =	vadd.s32 s17, v0;
	v6 =	vadd.bf16 v5, v14;
	v11 =	vmul.bf16 v12, v11;
	v12 =	vld [tilespmem:s25+$0xFFFFFF30];
	[tilespmem:v13+s13+$0x0] =	vst.idx.msk $0xffff, v21  }
0x331: {  	v5 =	vadd.s32 s30, v0;
	v13 =	vld [tilespmem:s21+$0xFFFFFF30]  }
0x332: {  	v14 =	vmul.bf16 v17, v15;
	v15 =	vld [tilespmem:s25+$0xFFFFFF40]  }
0x333: {  	v17 =	vld [tilespmem:s21+$0xFFFFFF40]  }
0x334: {  	v19 =	vmul.bf16 v22, v19;
	v11 =	vadd.bf16 v14, v11;
	v14 =	vld [tilespmem:s25+$0xFFFFFF50]  }
0x335: {  	v21 =	vld [tilespmem:s21+$0xFFFFFF50]  }
0x336: {  	v12 =	vmul.bf16 v13, v12;
	v13 =	vld [tilespmem:s25+$0xFFFFFF60]  }
0x337: {  	v22 =	vld [tilespmem:s21+$0xFFFFFF60]  }
0x338: {  	v12 =	vadd.bf16 v12, v19;
	v15 =	vmul.bf16 v17, v15;
	v17 =	vld [tilespmem:s25+$0xFFFFFF70]  }
0x339: {  	v19 =	vld [tilespmem:s21+$0xFFFFFF70]  }
0x33a: {  	v11 =	vadd.bf16 v12, v11;
	v12 =	vmul.bf16 v21, v14;
	v14 =	vld [tilespmem:s25+$0xFFFFFF80]  }
0x33b: {  	v21 =	vld [tilespmem:s21+$0xFFFFFF80]  }
0x33c: {  	v23 =	vunpack.i.u.bf16.f32 v11;
	v13 =	vmul.bf16 v22, v13;
	v12 =	vadd.bf16 v12, v15;
	v15 =	vld [tilespmem:s25+$0xFFFFFF90]  }
0x33d: {  	v11 =	vunpack.i.l.bf16.f32 v11;
	v22 =	vld [tilespmem:s21+$0xFFFFFF90]  }
0x33e: {  	v11 =	vadd.f32 v11, v23;
	v17 =	vmul.bf16 v19, v17;
	v19 =	vld [tilespmem:s25+$0xFFFFFFA0]  }
0x33f: {  	v23 =	vld [tilespmem:s21+$0xFFFFFFA0]  }
0x340: {  	[tilespmem:v16+s13+$0x0] =	vst.idx.msk $0xffff, v11;
	v11 =	vadd.bf16 v17, v13;
	v13 =	vmul.bf16 v21, v14;
	v14 =	vld [tilespmem:s25+$0xFFFFFFB0]  }
0x341: {  	v16 =	vld [tilespmem:s21+$0xFFFFFFB0]  }
0x342: {  	v11 =	vadd.bf16 v11, v12;
	v12 =	vmul.bf16 v22, v15;
	v15 =	vld [tilespmem:s25+$0xFFFFFFC0]  }
0x343: {  	v17 =	vld [tilespmem:s21+$0xFFFFFFC0]  }
0x344: {  	v21 =	vunpack.i.u.bf16.f32 v11;
	v19 =	vmul.bf16 v23, v19;
	v12 =	vadd.bf16 v12, v13;
	v13 =	vld [tilespmem:s25+$0xFFFFFFD0]  }
0x345: {  	v11 =	vunpack.i.l.bf16.f32 v11;
	v22 =	vld [tilespmem:s21+$0xFFFFFFD0]  }
0x346: {  	v11 =	vadd.f32 v11, v21;
	v14 =	vmul.bf16 v16, v14;
	v16 =	vld [tilespmem:s25+$0xFFFFFFE0]  }
0x347: {  	v21 =	vld [tilespmem:s21+$0xFFFFFFE0]  }
0x348: {  	[tilespmem:v18+s13+$0x0] =	vst.idx.msk $0xffff, v11;
	v11 =	vadd.bf16 v14, v19;
	v14 =	vmul.bf16 v17, v15;
	v15 =	vld [tilespmem:s25+$0xFFFFFFF0]  }
0x349: {  	v17 =	vld [tilespmem:s21+$0xFFFFFFF0]  }
0x34a: {  	v11 =	vadd.bf16 v11, v12;
	v12 =	vmul.bf16 v22, v13;
	v13 =	vld [tilespmem:s25+$0x0]  }
0x34b: {  	v18 =	vld [tilespmem:s21+$0x0]  }
0x34c: {  	v19 =	vunpack.i.u.bf16.f32 v11;
	v16 =	vmul.bf16 v21, v16;
	v12 =	vadd.bf16 v12, v14;
	v14 =	vld [tilespmem:s25+$0x10]  }
0x34d: {  	v11 =	vunpack.i.l.bf16.f32 v11;
	v21 =	vld [tilespmem:s21+$0x10]  }
0x34e: {  	v11 =	vadd.f32 v11, v19;
	v15 =	vmul.bf16 v17, v15;
	v17 =	vld [tilespmem:s25+$0x20]  }
0x34f: {  	v19 =	vld [tilespmem:s21+$0x20]  }
0x350: {  	[tilespmem:v20+s13+$0x0] =	vst.idx.msk $0xffff, v11;
	v11 =	vadd.bf16 v15, v16;
	v13 =	vmul.bf16 v18, v13;
	v15 =	vld [tilespmem:s25+$0x30]  }
0x351: {  	v16 =	vld [tilespmem:s21+$0x30]  }
0x352: {  	v11 =	vadd.bf16 v11, v12;
	v12 =	vmul.bf16 v21, v14;
	v14 =	vld [tilespmem:s25+$0x40]  }
0x353: {  	v18 =	vld [tilespmem:s21+$0x40]  }
0x354: {  	v20 =	vunpack.i.u.bf16.f32 v11;
	v17 =	vmul.bf16 v19, v17;
	v12 =	vadd.bf16 v12, v13;
	v13 =	vld [tilespmem:s25+$0x50]  }
0x355: {  	v11 =	vunpack.i.l.bf16.f32 v11;
	v19 =	vld [tilespmem:s21+$0x50]  }
0x356: {  	v11 =	vadd.f32 v11, v20;
	v15 =	vmul.bf16 v16, v15;
	v16 =	vld [tilespmem:s25+$0x60]  }
0x357: {  	v20 =	vld [tilespmem:s21+$0x60]  }
0x358: {  	[tilespmem:v10+s13+$0x0] =	vst.idx.msk $0xffff, v11;
	v10 =	vadd.bf16 v15, v17;
	v11 =	vmul.bf16 v18, v14;
	v14 =	vld [tilespmem:s25+$0x70]  }
0x359: {  	v15 =	vld [tilespmem:s21+$0x70]  }
0x35a: {  	v10 =	vadd.bf16 v10, v12;
	v12 =	vmul.bf16 v19, v13;
	v13 =	vld [tilespmem:s25+$0x80]  }
0x35b: {  	v17 =	vld [tilespmem:s21+$0x80]  }
0x35c: {  	v18 =	vunpack.i.u.bf16.f32 v10;
	v16 =	vmul.bf16 v20, v16;
	v11 =	vadd.bf16 v12, v11;
	v12 =	vld [tilespmem:s25+$0x90]  }
0x35d: {  	v10 =	vunpack.i.l.bf16.f32 v10;
	v19 =	vld [tilespmem:s21+$0x90]  }
0x35e: {  	v10 =	vadd.f32 v10, v18;
	v14 =	vmul.bf16 v15, v14;
	v15 =	vld [tilespmem:s25+$0xA0]  }
0x35f: {  	v18 =	vld [tilespmem:s21+$0xA0]  }
0x360: {  	[tilespmem:v9+s13+$0x0] =	vst.idx.msk $0xffff, v10;
	v9 =	vadd.bf16 v14, v16;
	v10 =	vmul.bf16 v17, v13;
	v13 =	vld [tilespmem:s25+$0xB0]  }
0x361: {  	v14 =	vld [tilespmem:s21+$0xB0]  }
0x362: {  	v9 =	vadd.bf16 v9, v11;
	v11 =	vmul.bf16 v19, v12;
	v12 =	vld [tilespmem:s25+$0xC0]  }
0x363: {  	v16 =	vld [tilespmem:s21+$0xC0]  }
0x364: {  	v17 =	vunpack.i.u.bf16.f32 v9;
	v15 =	vmul.bf16 v18, v15;
	v18 =	vadd.bf16 v11, v10;
	v19 =	vld [tilespmem:s25+$0xD0]  }
0x365: {  	v9 =	vunpack.i.l.bf16.f32 v9;
	v20 =	vld [tilespmem:s21+$0xD0]  }
.Ltmp9:
0x366: {  	v11 =	vadd.f32 v9, v17;
	v13 =	vmul.bf16 v14, v13;
	v9 =	vld [tilespmem:s25+$0xE0];
	(pc) =	sbr.rel @p1 .LBB2_21-.Ltmp9, $4  }
0x367: {  	v10 =	vld [tilespmem:s21+$0xE0]  }
0x368: {  	[tilespmem:v8+s13+$0x0] =	vst.idx.msk $0xffff, v11;
	v13 =	vadd.bf16 v13, v15;
	v14 =	vmul.bf16 v16, v12;
	v8 =	vld [tilespmem:s25+$0xF0]  }
0x369: {  	v11 =	vld [tilespmem:s21+$0xF0]  }
0x36a: {  	v12 =	vld [tilespmem:s25+$0xFFFFFEC0];
	v13 =	vadd.bf16 v13, v18;
	v15 =	vmul.bf16 v20, v19;
	s25 =	sadd.s32 $0x280, s25  }
0x36b: {  	_ =	sdelay $0x2  }
0x36c: {  	v9 =	vmul.bf16 v10, v9;
	v8 =	vmul.bf16 v11, v8  }
0x36d: {  	v2 =	vmul.bf16 v2, v12  }
0x36e: {  	v10 =	vadd.bf16 v15, v14;
	v8 =	vadd.bf16 v8, v9  }
0x36f: {  	v2 =	vadd.bf16 v3, v2  }
0x370: {  	v3 =	vadd.bf16 v8, v10  }
0x371: {  	v9 =	vunpack.i.l.bf16.f32 v13;
	v8 =	vunpack.i.u.bf16.f32 v13;
	v2 =	vadd.bf16 v6, v2  }
0x372: {  	v6 =	vadd.f32 v9, v8;
	v8 =	vunpack.i.u.bf16.f32 v3;
	v3 =	vunpack.i.l.bf16.f32 v3  }
0x373: {  	v9 =	vunpack.i.u.bf16.f32 v2;
	v2 =	vunpack.i.l.bf16.f32 v2;
	v3 =	vadd.f32 v3, v8  }
0x374: {  	[tilespmem:v7+s13+$0x0] =	vst.idx.msk $0xffff, v6;
	v2 =	vadd.f32 v2, v9  }
0x375: {  	p1 =	seq.s32 s20, $0x0;
	[tilespmem:v5+s13+$0x0] =	vst.idx.msk $0xffff, v3  }
0x376: {  	s0 =	simm.s32 @!p1 $0x7;
	[tilespmem:v4+s13+$0x0] =	vst.idx.msk $0xffff, v2  }
0x377: {  	_ =	swait.ge @!p1 [sflag:s0], $0x50  }
0x378: {  	v3 =	vld [tilespmem:$0x1FCC0]  }
0x379: {  	v4 =	vld [tilespmem:$0x1FCD0]  }
0x37a: {  	v5 =	vld [tilespmem:$0x1FCE0]  }
0x37b: {  	v6 =	vld [tilespmem:$0x1FCF0]  }
0x37c: {  	v7 =	vld [tilespmem:$0x1FD00]  }
0x37d: {  	v8 =	vld [tilespmem:$0x1FD10]  }
0x37e: {  	v9 =	vld [tilespmem:$0x1FD20]  }
0x37f: {  	v10 =	vld [tilespmem:$0x1FD30]  }
0x380: {  	v11 =	vld [tilespmem:$0x1FD40]  }
0x381: {  	v12 =	vld [tilespmem:$0x1FD60]  }
0x382: {  	v13 =	vld [tilespmem:$0x1FD80]  }
0x383: {  	v14 =	vld [tilespmem:$0x1FDA0]  }
0x384: {  	v15 =	vld [tilespmem:$0x1FDC0]  }
0x385: {  	[sflag:s0] =	ssyncset.done @!p1 $0x0;
	v16 =	vld [tilespmem:$0x1FDE0]  }
0x386: {  	v17 =	vld [tilespmem:$0x1FE00];
	[sflag:s0] =	ssyncadd.s32 @!p1 $0xFFFFFFB0  }
0x387: {  	v2 =	vld.idx.msk [tilespmem:v1+s13+$0x0], $0xffff  }
0x388: {  	v3 =	vld.idx.msk [tilespmem:v3+s13+$0x0], $0xffff  }
0x389: {  	v4 =	vld.idx.msk [tilespmem:v4+s13+$0x0], $0xffff  }
0x38a: {  	v5 =	vld.idx.msk [tilespmem:v5+s13+$0x0], $0xffff  }
0x38b: {  	v6 =	vld.idx.msk [tilespmem:v6+s13+$0x0], $0xffff  }
0x38c: {  	v7 =	vld.idx.msk [tilespmem:v7+s13+$0x0], $0xffff  }
0x38d: {  	v8 =	vld.idx.msk [tilespmem:v8+s13+$0x0], $0xffff  }
0x38e: {  	v9 =	vld.idx.msk [tilespmem:v9+s13+$0x0], $0xffff  }
0x38f: {  	v10 =	vld.idx.msk [tilespmem:v10+s13+$0x0], $0xffff  }
0x390: {  	v11 =	vld.idx.msk [tilespmem:v11+s13+$0x0], $0xffff  }
0x391: {  	v12 =	vld.idx.msk [tilespmem:v12+s13+$0x0], $0xffff  }
0x392: {  	v13 =	vld.idx.msk [tilespmem:v13+s13+$0x0], $0xffff  }
0x393: {  	v14 =	vld.idx.msk [tilespmem:v14+s13+$0x0], $0xffff;
	v2 =	vadd.f32 v3, v2  }
0x394: {  	v3 =	vld [tilespmem:$0x1FD50]  }
0x395: {  	v15 =	vld.idx.msk [tilespmem:v15+s13+$0x0], $0xffff;
	v2 =	vadd.f32 v4, v2  }
0x396: {  	v4 =	vld [tilespmem:$0x1FD70]  }
0x397: {  	v2 =	vadd.f32 v5, v2;
	v5 =	vld [tilespmem:$0x1FD90]  }
0x398: {  	v16 =	vld.idx.msk [tilespmem:v16+s13+$0x0], $0xffff  }
0x399: {  	v2 =	vadd.f32 v6, v2;
	v6 =	vld [tilespmem:$0x1FDB0]  }
0x39a: {  	v17 =	vld.idx.msk [tilespmem:v17+s13+$0x0], $0xffff  }
0x39b: {  	v2 =	vadd.f32 v7, v2;
	v7 =	vld [tilespmem:$0x1FDD0]  }
0x39c: {  	v3 =	vld.idx.msk [tilespmem:v3+s13+$0x0], $0xffff  }
0x39d: {  	v2 =	vadd.f32 v8, v2;
	v8 =	vld [tilespmem:$0x1FDF0]  }
0x39e: {  	v4 =	vld.idx.msk [tilespmem:v4+s13+$0x0], $0xffff  }
0x39f: {  	v5 =	vld.idx.msk [tilespmem:v5+s13+$0x0], $0xffff  }
0x3a0: {  	v2 =	vadd.f32 v9, v2;
	v9 =	vld [tilespmem:$0x1FE10]  }
0x3a1: {  	v6 =	vld.idx.msk [tilespmem:v6+s13+$0x0], $0xffff  }
0x3a2: {  	v2 =	vadd.f32 v10, v2;
	v10 =	vld [tilespmem:$0x1FE30]  }
0x3a3: {  	v7 =	vld.idx.msk [tilespmem:v7+s13+$0x0], $0xffff  }
0x3a4: {  	v2 =	vadd.f32 v11, v2;
	v11 =	vld [tilespmem:$0x1FE50]  }
0x3a5: {  	v8 =	vld.idx.msk [tilespmem:v8+s13+$0x0], $0xffff  }
0x3a6: {  	v2 =	vadd.f32 v3, v2;
	v3 =	vld [tilespmem:$0x1FE70]  }
0x3a7: {  	v6 =	vadd.f32 v15, v6;
	v15 =	vld [tilespmem:$0x1FE20]  }
0x3a8: {  	v9 =	vld.idx.msk [tilespmem:v9+s13+$0x0], $0xffff  }
0x3a9: {  	v2 =	vadd.f32 v12, v2;
	v12 =	vld [tilespmem:$0x1FEB0]  }
0x3aa: {  	v6 =	vadd.f32 v7, v6;
	v7 =	vld [tilespmem:$0x1FE40]  }
0x3ab: {  	v10 =	vld.idx.msk [tilespmem:v10+s13+$0x0], $0xffff  }
0x3ac: {  	v2 =	vadd.f32 v4, v2;
	v4 =	vld [tilespmem:$0x1FE90]  }
0x3ad: {  	v6 =	vadd.f32 v16, v6;
	v16 =	vld [tilespmem:$0x1FE60]  }
0x3ae: {  	v11 =	vld.idx.msk [tilespmem:v11+s13+$0x0], $0xffff  }
0x3af: {  	v2 =	vadd.f32 v13, v2;
	v13 =	vld [tilespmem:$0x1FEA0]  }
0x3b0: {  	v6 =	vadd.f32 v8, v6;
	v8 =	vld [tilespmem:$0x1FE80]  }
0x3b1: {  	v3 =	vld.idx.msk [tilespmem:v3+s13+$0x0], $0xffff  }
0x3b2: {  	v15 =	vld.idx.msk [tilespmem:v15+s13+$0x0], $0xffff  }
0x3b3: {  	v2 =	vadd.f32 v5, v2;
	v6 =	vadd.f32 v17, v6;
	v17 =	vld [tilespmem:$0x1FEC0]  }
0x3b4: {  	v12 =	vld.idx.msk [tilespmem:v12+s13+$0x0], $0xffff  }
0x3b5: {  	v2 =	vadd.f32 v14, v2;
	v14 =	vld [tilespmem:$0x1FF30]  }
0x3b6: {  	v7 =	vld.idx.msk [tilespmem:v7+s13+$0x0], $0xffff  }
0x3b7: {  	v6 =	vadd.f32 v9, v6;
	v9 =	vld [tilespmem:$0x1FED0]  }
0x3b8: {  	v4 =	vld.idx.msk [tilespmem:v4+s13+$0x0], $0xffff  }
0x3b9: {  	v16 =	vld.idx.msk [tilespmem:v16+s13+$0x0], $0xffff  }
0x3ba: {  	v13 =	vld.idx.msk [tilespmem:v13+s13+$0x0], $0xffff  }
0x3bb: {  	v6 =	vadd.f32 v15, v6;
	v15 =	vld [tilespmem:$0x1FEE0]  }
0x3bc: {  	v17 =	vld.idx.msk [tilespmem:v17+s13+$0x0], $0xffff  }
0x3bd: {  	v8 =	vld.idx.msk [tilespmem:v8+s13+$0x0], $0xffff;
	v6 =	vadd.f32 v10, v6  }
0x3be: {  	v10 =	vld [tilespmem:$0x1FF00]  }
0x3bf: {  	v6 =	vadd.f32 v7, v6;
	v7 =	vld [tilespmem:$0x1FF20]  }
0x3c0: {  	v9 =	vld.idx.msk [tilespmem:v9+s13+$0x0], $0xffff  }
0x3c1: {  	v5 =	vadd.f32 v17, v12;
	v12 =	vld [tilespmem:$0x1FEF0]  }
0x3c2: {  	v14 =	vld.idx.msk [tilespmem:v14+s13+$0x0], $0xffff  }
0x3c3: {  	v6 =	vadd.f32 v11, v6;
	v11 =	vld [tilespmem:$0x1FF40]  }
0x3c4: {  	v15 =	vld.idx.msk [tilespmem:v15+s13+$0x0], $0xffff  }
0x3c5: {  	v6 =	vadd.f32 v16, v6;
	v5 =	vadd.f32 v9, v5;
	v9 =	vld [tilespmem:$0x1FF10]  }
0x3c6: {  	v10 =	vld.idx.msk [tilespmem:v10+s13+$0x0], $0xffff  }
0x3c7: {  	v3 =	vadd.f32 v3, v6;
	v6 =	vld [tilespmem:$0x1FF60]  }
0x3c8: {  	v7 =	vld.idx.msk [tilespmem:v7+s13+$0x0], $0xffff  }
0x3c9: {  	v12 =	vld.idx.msk [tilespmem:v12+s13+$0x0], $0xffff  }
0x3ca: {  	v3 =	vadd.f32 v8, v3;
	v8 =	vld [tilespmem:$0x1FF70]  }
0x3cb: {  	v5 =	vadd.f32 v15, v5;
	v15 =	vld [tilespmem:$0x1FFB0]  }
0x3cc: {  	v2 =	vsub.f32 $0.0e+00, v2;
	v11 =	vld.idx.msk [tilespmem:v11+s13+$0x0], $0xffff  }
0x3cd: {  	v3 =	vadd.f32 v4, v3;
	v9 =	vld.idx.msk [tilespmem:v9+s13+$0x0], $0xffff  }
0x3ce: {  	v2 =	vmul.f32 $1.442695020e+00, v2;
	v4 =	vld [tilespmem:$0x1FF80];
	v5 =	vadd.f32 v12, v5  }
0x3cf: {  	v3 =	vadd.f32 v13, v3;
	v13 =	vld [tilespmem:$0x1FF90]  }
0x3d0: {  	(erf) = vpow2.f32 v2;
	v2 =	vadd.f32 v10, v5;
	v5 =	vld [tilespmem:$0x1FFC0]  }
0x3d1: {  	v6 =	vld.idx.msk [tilespmem:v6+s13+$0x0], $0xffff  }
0x3d2: {  	v2 =	vadd.f32 v9, v2;
	v9 =	vld [tilespmem:$0x1FFD0]  }
0x3d3: {  	v8 =	vld.idx.msk [tilespmem:v8+s13+$0x0], $0xffff  }
0x3d4: {  	v2 =	vadd.f32 v7, v2;
	v7 =	vld [tilespmem:$0x1FFE0]  }
0x3d5: {  	v12 =	vld [tilespmem:$0x1FF50]  }
0x3d6: {  	v10 =	vld [tilespmem:$0x1FFF0]  }
0x3d7: {  	v15 =	vld.idx.msk [tilespmem:v15+s13+$0x0], $0xffff  }
0x3d8: {  	v5 =	vld.idx.msk [tilespmem:v5+s13+$0x0], $0xffff  }
0x3d9: {  	v2 =	vadd.f32 v14, v2;
	v14 =	vld [tilespmem:$0x1FFA0]  }
0x3da: {  	v9 =	vld.idx.msk [tilespmem:v9+s13+$0x0], $0xffff  }
0x3db: {  	v17 =	vadd.s32 $0x335, v1;
	v4 =	vld.idx.msk [tilespmem:v4+s13+$0x0], $0xffff  }
0x3dc: {  	v7 =	vld.idx.msk [tilespmem:v7+s13+$0x0], $0xffff  }
0x3dd: {  	v12 =	vld.idx.msk [tilespmem:v12+s13+$0x0], $0xffff;
	v5 =	vadd.f32 v5, v15;
	v15 =	vadd.s32 $0x336, v1  }
0x3de: {  	v16 =	vadd.s32 $0x337, v1;
	v10 =	vld.idx.msk [tilespmem:v10+s13+$0x0], $0xffff  }
0x3df: {  	v18 =	vadd.s32 $0x440, v1;
	v13 =	vld.idx.msk [tilespmem:v13+s13+$0x0], $0xffff;
	v5 =	vadd.f32 v9, v5  }
0x3e0: {  	[tilespmem:$0x1FC00] =	vst v17;
	v2 =	vadd.f32 v11, v2;
	v9 =	vld.idx.msk [tilespmem:v17+s13+$0x0], $0xffff;
	v17 =	vadd.s32 $0x441, v1  }
0x3e1: {  	v19 =	vadd.s32 $0x338, v1;
	v3 =	vsub.f32 $0.0e+00, v3;
	v11 =	vpop (erf);
	v14 =	vld.idx.msk [tilespmem:v14+s13+$0x0], $0xffff;
	v5 =	vadd.f32 v7, v5  }
0x3e2: {  	v2 =	vadd.f32 v12, v2;
	v12 =	vadd.s32 $0x442, v1;
	v7 =	vadd.f32 $1.000000000e+00, v11;
	v11 =	vld.idx.msk [tilespmem:v15+s13+$0x0], $0xffff  }
0x3e3: {  	v3 =	vmul.f32 $1.442695020e+00, v3;
	[tilespmem:$0x1FC10] =	vst v15;
	v15 =	vadd.s32 $0x339, v1;
	v5 =	vadd.f32 v10, v5;
	v10 =	vld.idx.msk [tilespmem:v16+s13+$0x0], $0xffff  }
0x3e4: {  	[tilespmem:$0x1FC20] =	vst v16;
	v6 =	vadd.f32 v6, v2;
	(erf) = vrcp.f32 v7;
	v7 =	vld.idx.msk [tilespmem:v18+s13+$0x0], $0xffff;
	v16 =	vadd.s32 $0x443, v1  }
0x3e5: {  	v2 =	vadd.s32 $0x33A, v1;
	(erf) = vpow2.f32 v3;
	v3 =	vadd.f32 v9, v5;
	v9 =	vld.idx.msk [tilespmem:v17+s13+$0x0], $0xffff  }
0x3e6: {  	[tilespmem:$0x1FC30] =	vst v18;
	v6 =	vadd.f32 v8, v6;
	v8 =	vld.idx.msk [tilespmem:v19+s13+$0x0], $0xffff;
	v5 =	vadd.s32 $0x444, v1  }
0x3e7: {  	[tilespmem:$0x1FC60] =	vst v12;
	v12 =	vld.idx.msk [tilespmem:v12+s13+$0x0], $0xffff;
	v18 =	vadd.s32 $0x33B, v1;
	v11 =	vadd.f32 v11, v3  }
0x3e8: {  	v4 =	vadd.f32 v4, v6;
	v6 =	vadd.s32 $0x445, v1;
	[tilespmem:$0x1FC70] =	vst v15;
	v15 =	vld.idx.msk [tilespmem:v15+s13+$0x0], $0xffff  }
0x3e9: {  	v3 =	vadd.s32 $0x33C, v1;
	v10 =	vadd.f32 v10, v11;
	v11 =	vld.idx.msk [tilespmem:v16+s13+$0x0], $0xffff  }
0x3ea: {  	v13 =	vadd.f32 v13, v4;
	[tilespmem:$0x1FC80] =	vst v16;
	v16 =	vld.idx.msk [tilespmem:v2+s13+$0x0], $0xffff;
	v9 =	vadd.f32 v9, v7;
	v7 =	vadd.s32 $0x446, v1  }
0x3eb: {  	[tilespmem:$0x1FC40] =	vst v17;
	v4 =	vadd.s32 $0x33D, v1;
	v17 =	vld.idx.msk [tilespmem:v5+s13+$0x0], $0xffff;
	v8 =	vadd.f32 v8, v10  }
0x3ec: {  	v10 =	vadd.f32 v14, v13;
	v13 =	vld.idx.msk [tilespmem:v18+s13+$0x0], $0xffff;
	v12 =	vadd.f32 v12, v9;
	v9 =	vadd.s32 $0x447, v1  }
0x3ed: {  	[tilespmem:$0x1FC50] =	vst v19;
	v19 =	vpop (erf);
	v14 =	vadd.f32 v15, v8;
	v8 =	vadd.s32 $0x33E, v1;
	v15 =	vld.idx.msk [tilespmem:v6+s13+$0x0], $0xffff  }
0x3ee: {  	[tilespmem:$0x1FCA0] =	vst v18;
	v21 =	vld.idx.msk [tilespmem:v3+s13+$0x0], $0xffff;
	v18 =	vpop (erf);
	v20 =	vsub.f32 $0.0e+00, v10;
	v10 =	vadd.s32 $0x448, v1;
	v12 =	vadd.f32 v11, v12  }
0x3ef: {  	v18 =	vadd.f32 $1.000000000e+00, v18;
	v11 =	vadd.s32 $0x33F, v1;
	v14 =	vadd.f32 v16, v14;
	v16 =	vld.idx.msk [tilespmem:v7+s13+$0x0], $0xffff  }
0x3f0: {  	v22 =	vld.idx.msk [tilespmem:v4+s13+$0x0], $0xffff;
	v20 =	vmul.f32 $1.442695020e+00, v20;
	v17 =	vadd.f32 v17, v12;
	v12 =	vadd.s32 $0x449, v1  }
0x3f1: {  	(erf) = vrcp.f32 v18;
	v14 =	vadd.f32 v13, v14;
	v18 =	vld.idx.msk [tilespmem:v9+s13+$0x0], $0xffff  }
0x3f2: {  	(erf) = vpow2.f32 v20;
	v13 =	vadd.s32 $0x44A, v1;
	v20 =	vld.idx.msk [tilespmem:v8+s13+$0x0], $0xffff;
	v15 =	vadd.f32 v15, v17  }
0x3f3: {  	v17 =	vld.idx.msk [tilespmem:v10+s13+$0x0], $0xffff;
	v14 =	vadd.f32 v21, v14  }
0x3f4: {  	v21 =	vld.idx.msk [tilespmem:v11+s13+$0x0], $0xffff;
	v15 =	vadd.f32 v16, v15;
	v16 =	vadd.s32 $0x44B, v1  }
0x3f5: {  	v22 =	vadd.f32 v22, v14;
	v23 =	vld.idx.msk [tilespmem:v12+s13+$0x0], $0xffff  }
0x3f6: {  	v14 =	vadd.s32 $0x44C, v1;
	v15 =	vadd.f32 v18, v15  }
0x3f7: {  	v18 =	vadd.f32 v20, v22;
	v20 =	vld.idx.msk [tilespmem:v13+s13+$0x0], $0xffff  }
0x3f8: {  	v17 =	vadd.f32 v17, v15;
	v15 =	vadd.s32 $0x44D, v1  }
0x3f9: {  	v18 =	vadd.f32 v21, v18;
	v21 =	vld.idx.msk [tilespmem:v16+s13+$0x0], $0xffff  }
0x3fa: {  	v22 =	vpop (erf);
	v23 =	vadd.f32 v23, v17;
	v17 =	vadd.s32 $0x44E, v1  }
0x3fb: {  	v24 =	vpop (erf);
	v26 =	vld.idx.msk [tilespmem:v14+s13+$0x0], $0xffff;
	v25 =	vsub.f32 $0.0e+00, v18  }
0x3fc: {  	v24 =	vadd.f32 $1.000000000e+00, v24;
	v18 =	vadd.s32 $0x44F, v1;
	v20 =	vadd.f32 v20, v23  }
0x3fd: {  	v23 =	vmul.f32 $1.442695020e+00, v25;
	v25 =	vld.idx.msk [tilespmem:v15+s13+$0x0], $0xffff  }
0x3fe: {  	(erf) = vrcp.f32 v24;
	v20 =	vadd.f32 v21, v20  }
0x3ff: {  	(erf) = vpow2.f32 v23;
	v21 =	vld.idx.msk [tilespmem:v17+s13+$0x0], $0xffff  }
0x400: {  	v20 =	vadd.f32 v26, v20  }
0x401: {  	v23 =	vld.idx.msk [tilespmem:v18+s13+$0x0], $0xffff  }
0x402: {  	v20 =	vadd.f32 v25, v20;
	_ =	sdelay $0x1  }
0x403: {  	v20 =	vadd.f32 v21, v20;
	_ =	sdelay $0x1  }
0x404: {  	v20 =	vadd.f32 v23, v20  }
0x405: {  	v21 =	vpop (erf)  }
0x406: {  	v23 =	vpop (erf);
	v20 =	vsub.f32 $0.0e+00, v20  }
0x407: {  	v23 =	vadd.f32 $1.000000000e+00, v23  }
0x408: {  	v20 =	vmul.f32 $1.442695020e+00, v20  }
0x409: {  	(erf) = vrcp.f32 v23  }
0x40a: {  	(erf) = vpow2.f32 v20;
	_ =	sdelay $0x7  }
0x40b: {  	v20 =	vpop (erf)  }
0x40c: {  	v23 =	vpop (erf)  }
0x40d: {  	v23 =	vadd.f32 $1.000000000e+00, v23;
	_ =	sdelay $0x1  }
0x40e: {  	(erf) = vrcp.f32 v23;
	_ =	sdelay $0x5  }
0x40f: {  	s21 =	smul.u32 $0xA0, s20;
	[tilespmem:$0x17660] =	vst v19  }
0x410: {  	[tilespmem:$0x17670] =	vst v22  }
0x411: {  	s18 =	sadd.s32 s4, s21;
	[tilespmem:$0x17680] =	vst v21  }
0x412: {  	s0 =	sshrl.u32 s18, $0x3;
	[tilespmem:$0x17690] =	vst v20;
	v19 =	vpop (erf)  }
0x413: {  	s0 =	sadd.s32 s2, s0;
	[tilespmem:$0x176A0] =	vst v19  }
0x414: {  	[hbm4b:s0+s5] =	stream.linear.scatter [tilespmem:s28], [sflag:$0x7], $0x50, $0x38;
	[tilespmem:$0x17C50] =	vst v63  }
0x415: {  	s22 =	sadd.s32 $0xD8E0, s21;
	[tilespmem:$0x1FC90] =	vst v2  }
0x416: {  	[tilespmem:s7], [sflag:$0x3] =	stream.indirect.gather [spmem:s3], $0x40, s22, s23, $0xb8;
	[tilespmem:$0x17C50] =	vst v63  }
0x417: {  	s24 =	sadd.s32 $0xFFF0, s21;
	[tilespmem:$0x1FCB0] =	vst v3  }
0x418: {  	[tilespmem:s8], [sflag:$0x4] =	stream.indirect.gather [spmem:s3], $0x40, s24, s23, $0xb8;
	[tilespmem:$0x17C50] =	vst v63  }
0x419: {  	_ =	swait.ge [sflag:s15], $0x1400  }
0x41a: {  	[sflag:s15] =	ssyncset.done $0x0  }
0x41b: {  	[sflag:s15] =	ssyncadd.s32 $0xFFFFEC00  }
0x41c: {  	_ =	swait.ge [sflag:s29], $0x1400  }
0x41d: {  	[sflag:s29] =	ssyncset.done $0x0  }
0x41e: {  	s6 =	simm.s32 $0x14FA0;
	[sflag:s29] =	ssyncadd.s32 $0xFFFFEC00  }
0x41f: {  	s22 =	simm.s32 $0x163A0;
	v20 =	vld [tilespmem:s6+$0x100]  }
0x420: {  	v21 =	vld [tilespmem:s22+$0x100]  }
0x421: {  	v22 =	vld [tilespmem:s6+$0x110]  }
0x422: {  	v23 =	vld [tilespmem:s22+$0x110]  }
0x423: {  	v24 =	vld [tilespmem:s6+$0x120]  }
0x424: {  	v25 =	vld [tilespmem:s22+$0x120]  }
0x425: {  	v26 =	vld [tilespmem:s6+$0x130]  }
0x426: {  	v27 =	vld [tilespmem:s22+$0x130]  }
0x427: {  	v19 =	vld [tilespmem:s22+$0xFFFFFEC0]  }
0x428: {  	v28 =	vld [tilespmem:s6+$0xFFFFFED0]  }
0x429: {  	v29 =	vld [tilespmem:s22+$0xFFFFFED0]  }
0x42a: {  	v30 =	vld [tilespmem:s6+$0xFFFFFEE0]  }
0x42b: {  	v31 =	vld [tilespmem:s22+$0xFFFFFEE0]  }
0x42c: {  	v32 =	vld [tilespmem:s6+$0xFFFFFEF0]  }
0x42d: {  	v33 =	vld [tilespmem:s22+$0xFFFFFEF0]  }
0x42e: {  	v34 =	vld [tilespmem:s6+$0xFFFFFF00]  }
0x42f: {  	v35 =	vld [tilespmem:s22+$0xFFFFFF00]  }
0x430: {  	v36 =	vld [tilespmem:s6+$0xFFFFFF10]  }
0x431: {  	v37 =	vld [tilespmem:s22+$0xFFFFFF10]  }
0x432: {  	v38 =	vld [tilespmem:s6+$0xFFFFFF20]  }
0x433: {  	v39 =	vld [tilespmem:s22+$0xFFFFFF20]  }
0x434: {  	v40 =	vld [tilespmem:s6+$0xFFFFFF30]  }
0x435: {  	v41 =	vld [tilespmem:s22+$0xFFFFFF30]  }
0x436: {  	v42 =	vld [tilespmem:s6+$0xFFFFFF40]  }
0x437: {  	v43 =	vld [tilespmem:s22+$0xFFFFFF40]  }
0x438: {  	v44 =	vld [tilespmem:s6+$0xFFFFFF50]  }
0x439: {  	v45 =	vld [tilespmem:s22+$0xFFFFFF50]  }
0x43a: {  	v46 =	vld [tilespmem:s6+$0xFFFFFF60]  }
0x43b: {  	v47 =	vld [tilespmem:s22+$0xFFFFFF60]  }
0x43c: {  	v48 =	vld [tilespmem:s6+$0xFFFFFF70]  }
0x43d: {  	v49 =	vld [tilespmem:s22+$0xFFFFFF70]  }
0x43e: {  	v50 =	vld [tilespmem:s6+$0xFFFFFF80]  }
0x43f: {  	v51 =	vld [tilespmem:s22+$0xFFFFFF80]  }
0x440: {  	v52 =	vld [tilespmem:s6+$0xFFFFFF90]  }
0x441: {  	v53 =	vld [tilespmem:s22+$0xFFFFFF90]  }
0x442: {  	v54 =	vld [tilespmem:s6+$0xFFFFFFA0]  }
0x443: {  	v55 =	vld [tilespmem:s22+$0xFFFFFFA0]  }
0x444: {  	v56 =	vld [tilespmem:s6+$0xFFFFFFB0]  }
0x445: {  	v57 =	vld [tilespmem:s22+$0xFFFFFFB0]  }
0x446: {  	v58 =	vld [tilespmem:s6+$0xFFFFFFC0]  }
0x447: {  	v59 =	vld [tilespmem:s22+$0xFFFFFFC0]  }
0x448: {  	v60 =	vld [tilespmem:s6+$0xFFFFFFD0]  }
0x449: {  	v61 =	vld [tilespmem:s22+$0xFFFFFFD0]  }
0x44a: {  	v2 =	vld [tilespmem:s6+$0xFFFFFFE0]  }
0x44b: {  	v62 =	vld [tilespmem:s22+$0xFFFFFFE0]  }
0x44c: {  	v63 =	vld [tilespmem:s6+$0xFFFFFFF0]  }
0x44d: {  	v3 =	vld [tilespmem:s22+$0xFFFFFFF0]  }
0x44e: {  	v20 =	vmul.bf16 v21, v20;
	v21 =	vmul.bf16 v23, v22;
	v22 =	vld [tilespmem:s6+$0x0]  }
0x44f: {  	v23 =	vmul.bf16 v25, v24;
	v24 =	vmul.bf16 v27, v26;
	v25 =	vld [tilespmem:s22+$0x0]  }
0x450: {  	v26 =	vld [tilespmem:s6+$0x10];
	v27 =	vmul.bf16 v37, v36;
	v41 =	vmul.bf16 v41, v40  }
0x451: {  	v37 =	vld [tilespmem:s6+$0x20];
	v36 =	vmul.bf16 v47, v46;
	v49 =	vmul.bf16 v49, v48  }
0x452: {  	v40 =	vld [tilespmem:s6+$0x40];
	v30 =	vmul.bf16 v31, v30;
	v2 =	vmul.bf16 v62, v2  }
0x453: {  	v3 =	vmul.bf16 v3, v63;
	v62 =	vld [tilespmem:s22+$0x70];
	v32 =	vmul.bf16 v33, v32;
	v21 =	vadd.bf16 v21, v20  }
0x454: {  	v63 =	vld [tilespmem:s6+$0x80];
	v23 =	vadd.bf16 v24, v23;
	v24 =	vmul.bf16 v35, v34;
	v35 =	vmul.bf16 v39, v38  }
0x455: {  	s24 =	simm.s32 $0x99;
	v34 =	vld [tilespmem:s22+$0x10];
	v20 =	vmul.bf16 v29, v28;
	v28 =	vmul.bf16 v43, v42;
	v31 =	vadd.bf16 v49, v36  }
0x456: {  	v29 =	vld [tilespmem:s6+$0x30];
	v2 =	vadd.bf16 v3, v2;
	v49 =	vadd.s32 s24, v0;
	v21 =	vadd.bf16 v23, v21  }
0x457: {  	v3 =	vld [tilespmem:s22+$0x80];
	v24 =	vadd.bf16 v27, v24;
	v27 =	vadd.bf16 v41, v35;
	v35 =	vmul.bf16 v45, v44  }
0x458: {  	v38 =	vld [tilespmem:s22+$0x30];
	v22 =	vmul.bf16 v25, v22;
	v45 =	vunpack.i.u.bf16.f32 v21;
	v21 =	vunpack.i.l.bf16.f32 v21  }
0x459: {  	v42 =	vld [tilespmem:s22+$0x40];
	v24 =	vadd.bf16 v27, v24;
	v27 =	vmul.bf16 v51, v50;
	v51 =	vmul.bf16 v53, v52  }
0x45a: {  	s25 =	simm.s32 $0x11;
	v23 =	vld [tilespmem:s22+$0x20];
	v28 =	vadd.bf16 v35, v28;
	v52 =	vmul.bf16 v55, v54;
	v53 =	vmul.bf16 v57, v56  }
0x45b: {  	v54 =	vld [tilespmem:s6+$0x50];
	v50 =	vadd.s32 s25, v0;
	v21 =	vadd.f32 v21, v45;
	v25 =	vmul.bf16 v34, v26  }
0x45c: {  	v55 =	vld [tilespmem:s22+$0x50];
	v3 =	vmul.bf16 v3, v63;
	v27 =	vadd.bf16 v51, v27;
	v56 =	vunpack.i.u.bf16.f32 v24  }
0x45d: {  	s14 =	simm.s32 $0x22;
	v57 =	vld [tilespmem:s6+$0x60];
	v24 =	vunpack.i.l.bf16.f32 v24;
	v35 =	vadd.bf16 v53, v52;
	v28 =	vadd.bf16 v31, v28  }
0x45e: {  	v26 =	vld [tilespmem:s6+$0x90];
	v31 =	vmul.bf16 v59, v58;
	v59 =	vmul.bf16 v61, v60;
	v51 =	vadd.s32 s14, v0  }
0x45f: {  	v58 =	vld [tilespmem:s22+$0x60];
	v52 =	vmul.bf16 v42, v40;
	v24 =	vadd.f32 v24, v56;
	v23 =	vmul.bf16 v23, v37  }
0x460: {  	v60 =	vld [tilespmem:s6+$0x70];
	v22 =	vadd.bf16 v25, v22;
	v25 =	vmul.bf16 v38, v29;
	v27 =	vadd.bf16 v35, v27  }
0x461: {  	s30 =	simm.s32 $0x33;
	v53 =	vld [tilespmem:s22+$0xA0];
	v61 =	vunpack.i.u.bf16.f32 v28;
	v28 =	vunpack.i.l.bf16.f32 v28;
	v31 =	vadd.bf16 v59, v31  }
0x462: {  	v29 =	vld [tilespmem:s6+$0xA0];
	v28 =	vadd.f32 v28, v61;
	v36 =	vmul.bf16 v55, v54;
	v54 =	vadd.s32 s30, v0  }
0x463: {  	s14 =	simm.s32 $0x55;
	v56 =	vld [tilespmem:s6+$0xB0];
	v23 =	vadd.bf16 v25, v23;
	v48 =	vunpack.i.u.bf16.f32 v27;
	v27 =	vunpack.i.l.bf16.f32 v27  }
0x464: {  	s1 =	simm.s32 $0x44;
	v61 =	vadd.s32 s14, v0;
	v2 =	vadd.bf16 v2, v31;
	v31 =	vld [tilespmem:s22+$0x90];
	v27 =	vadd.f32 v27, v48  }
0x465: {  	s17 =	simm.s32 $0x66;
	v39 =	vmul.bf16 v58, v57;
	v55 =	vmul.bf16 v62, v60;
	v57 =	vadd.s32 s1, v0;
	v58 =	vld [tilespmem:s22+$0xB0]  }
0x466: {  	v63 =	vld [tilespmem:s6+$0xD0];
	[tilespmem:v49+s13+$0x0] =	vst.idx.msk $0xffff, v21;
	v25 =	vadd.bf16 v36, v52;
	v21 =	vadd.bf16 v23, v22;
	v62 =	vadd.s32 s17, v0  }
0x467: {  	[tilespmem:v50+s13+$0x0] =	vst.idx.msk $0xffff, v24;
	v60 =	vld [tilespmem:s6+$0xC0];
	v59 =	vunpack.i.u.bf16.f32 v2;
	v2 =	vunpack.i.l.bf16.f32 v2;
	v39 =	vadd.bf16 v55, v39  }
0x468: {  	v22 =	vld [tilespmem:s22+$0xC0];
	[tilespmem:v51+s13+$0x0] =	vst.idx.msk $0xffff, v28;
	v28 =	vmul.bf16 v53, v29;
	v2 =	vadd.f32 v2, v59;
	v24 =	vunpack.i.u.bf16.f32 v21  }
0x469: {  	v21 =	vunpack.i.l.bf16.f32 v21;
	v23 =	vadd.bf16 v39, v25;
	v25 =	vmul.bf16 v31, v26;
	v31 =	vld [tilespmem:s22+$0xD0]  }
0x46a: {  	v24 =	vadd.f32 v21, v24;
	[tilespmem:v54+s13+$0x0] =	vst.idx.msk $0xffff, v27;
	v27 =	vld [tilespmem:s22+$0xE0];
	v29 =	vmul.bf16 v58, v56  }
0x46b: {  	s25 =	simm.s32 $0x77;
	v26 =	vld [tilespmem:s6+$0xE0];
	[tilespmem:v57+s13+$0x0] =	vst.idx.msk $0xffff, v2;
	v21 =	vunpack.i.u.bf16.f32 v23;
	v3 =	vadd.bf16 v25, v3;
	v23 =	vunpack.i.l.bf16.f32 v23  }
0x46c: {  	s18 =	simm.s32 $0x0;
	[tilespmem:v61+s13+$0x0] =	vst.idx.msk $0xffff, v24;
	v24 =	vadd.s32 s25, v0;
	v25 =	vld [tilespmem:s6+$0xF0];
	v2 =	vadd.f32 v23, v21;
	v36 =	vadd.bf16 v29, v28  }
0x46d: {  	s30 =	simm.s32 $0x88;
	v21 =	vadd.s32 s18, v0;
	v23 =	vadd.bf16 v32, v30;
	v29 =	vmul.bf16 v22, v60;
	v28 =	vld [tilespmem:s22+$0xF0]  }
0x46e: {  	s25 =	simm.s32 $0x0;
	v22 =	vadd.s32 s30, v0;
	[tilespmem:v62+s13+$0x0] =	vst.idx.msk $0xffff, v2;
	v30 =	vadd.bf16 v36, v3;
	v32 =	vmul.bf16 v31, v63;
	v31 =	vld [tilespmem:s6+$0xFFFFFEC0];
	s6 =	simm.s32 $0x15220  }
.LBB2_23:
0x46f: {  	v2 =	vld [tilespmem:s6+$0x100];
	s22 =	sadd.s32 $0x280, s22  }
0x470: {  	v3 =	vld [tilespmem:s22+$0x100];
	v33 =	vunpack.i.u.bf16.f32 v30;
	v26 =	vmul.bf16 v27, v26;
	v27 =	vadd.bf16 v32, v29  }
0x471: {  	v30 =	vunpack.i.l.bf16.f32 v30;
	v29 =	vld [tilespmem:s6+$0x110]  }
0x472: {  	v30 =	vadd.f32 v30, v33;
	v32 =	vld [tilespmem:s22+$0x110];
	v25 =	vmul.bf16 v28, v25  }
0x473: {  	v28 =	vld [tilespmem:s6+$0x120];
	v19 =	vmul.bf16 v19, v31  }
0x474: {  	v31 =	vld [tilespmem:s22+$0x120];
	[tilespmem:v24+s13+$0x0] =	vst.idx.msk $0xffff, v30;
	v24 =	vadd.bf16 v25, v26  }
0x475: {  	v25 =	vld [tilespmem:s6+$0x130];
	v20 =	vadd.bf16 v20, v19  }
0x476: {  	s25 =	sadd.s32 $0xA, s25;
	v26 =	vld [tilespmem:s22+$0x130];
	v24 =	vadd.bf16 v24, v27  }
0x477: {  	p2 =	slt.u32 s25, $0x46;
	v19 =	vld [tilespmem:s22+$0xFFFFFEC0];
	v20 =	vadd.bf16 v23, v20  }
0x478: {  	v23 =	vld [tilespmem:s6+$0xFFFFFED0];
	v27 =	vunpack.i.u.bf16.f32 v24;
	v24 =	vunpack.i.l.bf16.f32 v24  }
0x479: {  	v30 =	vld [tilespmem:s22+$0xFFFFFED0];
	v33 =	vunpack.i.u.bf16.f32 v20;
	v20 =	vunpack.i.l.bf16.f32 v20;
	v24 =	vadd.f32 v24, v27  }
0x47a: {  	v2 =	vmul.bf16 v3, v2;
	v3 =	vmul.bf16 v32, v29;
	v27 =	vld [tilespmem:s6+$0xFFFFFEE0];
	v20 =	vadd.f32 v20, v33  }
0x47b: {  	v28 =	vmul.bf16 v31, v28;
	v29 =	vld [tilespmem:s22+$0xFFFFFEE0];
	v25 =	vmul.bf16 v26, v25;
	[tilespmem:v22+s13+$0x0] =	vst.idx.msk $0xffff, v24  }
0x47c: {  	v22 =	vld [tilespmem:s6+$0xFFFFFEF0];
	[tilespmem:v21+s13+$0x0] =	vst.idx.msk $0xffff, v20  }
0x47d: {  	v2 =	vadd.bf16 v3, v2;
	v24 =	vld [tilespmem:s22+$0xFFFFFEF0];
	v3 =	vadd.bf16 v25, v28  }
0x47e: {  	s24 =	sadd.s32 $0xAA, s24;
	v20 =	vmul.bf16 v30, v23;
	v28 =	vld [tilespmem:s6+$0xFFFFFF00]  }
0x47f: {  	s0 =	sadd.s32 $0xFFFFFF67, s24;
	s14 =	sadd.s32 $0xFFFFFF78, s24;
	s17 =	sadd.s32 $0xFFFFFF89, s24;
	v30 =	vld [tilespmem:s22+$0xFFFFFF00];
	v2 =	vadd.bf16 v3, v2;
	v3 =	vadd.s32 s24, v0  }
0x480: {  	s18 =	sadd.s32 $0xFFFFFFBC, s24;
	v31 =	vadd.s32 s14, v0;
	s14 =	sadd.s32 $0xFFFFFFAB, s24;
	v21 =	vadd.s32 s0, v0;
	s0 =	sadd.s32 $0xFFFFFF9A, s24;
	v23 =	vmul.bf16 v29, v27;
	v29 =	vld [tilespmem:s6+$0xFFFFFF10]  }
0x481: {  	s30 =	sadd.s32 $0xFFFFFFDE, s24;
	s1 =	sadd.s32 $0xFFFFFFEF, s24;
	v33 =	vadd.s32 s17, v0;
	s17 =	sadd.s32 $0xFFFFFFCD, s24;
	v32 =	vld [tilespmem:s22+$0xFFFFFF10];
	v25 =	vunpack.i.u.bf16.f32 v2;
	v2 =	vunpack.i.l.bf16.f32 v2  }
0x482: {  	v35 =	vadd.s32 s0, v0;
	v22 =	vmul.bf16 v24, v22;
	v34 =	vld [tilespmem:s6+$0xFFFFFF20];
	v2 =	vadd.f32 v2, v25  }
0x483: {  	v26 =	vadd.s32 s18, v0;
	v27 =	vadd.s32 s14, v0;
	v25 =	vadd.s32 s17, v0;
	v36 =	vld [tilespmem:s22+$0xFFFFFF20]  }
0x484: {  	v24 =	vadd.s32 s30, v0;
	v23 =	vadd.bf16 v22, v23;
	v28 =	vmul.bf16 v30, v28;
	v30 =	vld [tilespmem:s6+$0xFFFFFF30];
	[tilespmem:v3+s13+$0x0] =	vst.idx.msk $0xffff, v2  }
0x485: {  	v22 =	vadd.s32 s1, v0;
	v2 =	vld [tilespmem:s22+$0xFFFFFF30]  }
0x486: {  	v3 =	vmul.bf16 v32, v29;
	v29 =	vld [tilespmem:s6+$0xFFFFFF40]  }
0x487: {  	v32 =	vld [tilespmem:s22+$0xFFFFFF40]  }
0x488: {  	v34 =	vmul.bf16 v36, v34;
	v3 =	vadd.bf16 v3, v28;
	v28 =	vld [tilespmem:s6+$0xFFFFFF50]  }
0x489: {  	v36 =	vld [tilespmem:s22+$0xFFFFFF50]  }
0x48a: {  	v2 =	vmul.bf16 v2, v30;
	v30 =	vld [tilespmem:s6+$0xFFFFFF60]  }
0x48b: {  	v37 =	vld [tilespmem:s22+$0xFFFFFF60]  }
0x48c: {  	v2 =	vadd.bf16 v2, v34;
	v29 =	vmul.bf16 v32, v29;
	v32 =	vld [tilespmem:s6+$0xFFFFFF70]  }
0x48d: {  	v34 =	vld [tilespmem:s22+$0xFFFFFF70]  }
0x48e: {  	v2 =	vadd.bf16 v2, v3;
	v3 =	vmul.bf16 v36, v28;
	v28 =	vld [tilespmem:s6+$0xFFFFFF80]  }
0x48f: {  	v36 =	vld [tilespmem:s22+$0xFFFFFF80]  }
0x490: {  	v38 =	vunpack.i.u.bf16.f32 v2;
	v30 =	vmul.bf16 v37, v30;
	v3 =	vadd.bf16 v3, v29;
	v29 =	vld [tilespmem:s6+$0xFFFFFF90]  }
0x491: {  	v2 =	vunpack.i.l.bf16.f32 v2;
	v37 =	vld [tilespmem:s22+$0xFFFFFF90]  }
0x492: {  	v2 =	vadd.f32 v2, v38;
	v32 =	vmul.bf16 v34, v32;
	v34 =	vld [tilespmem:s6+$0xFFFFFFA0]  }
0x493: {  	v38 =	vld [tilespmem:s22+$0xFFFFFFA0]  }
0x494: {  	[tilespmem:v31+s13+$0x0] =	vst.idx.msk $0xffff, v2;
	v2 =	vadd.bf16 v32, v30;
	v28 =	vmul.bf16 v36, v28;
	v30 =	vld [tilespmem:s6+$0xFFFFFFB0]  }
0x495: {  	v31 =	vld [tilespmem:s22+$0xFFFFFFB0]  }
0x496: {  	v2 =	vadd.bf16 v2, v3;
	v3 =	vmul.bf16 v37, v29;
	v29 =	vld [tilespmem:s6+$0xFFFFFFC0]  }
0x497: {  	v32 =	vld [tilespmem:s22+$0xFFFFFFC0]  }
0x498: {  	v36 =	vunpack.i.u.bf16.f32 v2;
	v34 =	vmul.bf16 v38, v34;
	v3 =	vadd.bf16 v3, v28;
	v28 =	vld [tilespmem:s6+$0xFFFFFFD0]  }
0x499: {  	v2 =	vunpack.i.l.bf16.f32 v2;
	v37 =	vld [tilespmem:s22+$0xFFFFFFD0]  }
0x49a: {  	v2 =	vadd.f32 v2, v36;
	v30 =	vmul.bf16 v31, v30;
	v31 =	vld [tilespmem:s6+$0xFFFFFFE0]  }
0x49b: {  	v36 =	vld [tilespmem:s22+$0xFFFFFFE0]  }
0x49c: {  	[tilespmem:v33+s13+$0x0] =	vst.idx.msk $0xffff, v2;
	v2 =	vadd.bf16 v30, v34;
	v29 =	vmul.bf16 v32, v29;
	v30 =	vld [tilespmem:s6+$0xFFFFFFF0]  }
0x49d: {  	v32 =	vld [tilespmem:s22+$0xFFFFFFF0]  }
0x49e: {  	v2 =	vadd.bf16 v2, v3;
	v3 =	vmul.bf16 v37, v28;
	v28 =	vld [tilespmem:s6+$0x0]  }
0x49f: {  	v33 =	vld [tilespmem:s22+$0x0]  }
0x4a0: {  	v34 =	vunpack.i.u.bf16.f32 v2;
	v31 =	vmul.bf16 v36, v31;
	v3 =	vadd.bf16 v3, v29;
	v29 =	vld [tilespmem:s6+$0x10]  }
0x4a1: {  	v2 =	vunpack.i.l.bf16.f32 v2;
	v36 =	vld [tilespmem:s22+$0x10]  }
0x4a2: {  	v2 =	vadd.f32 v2, v34;
	v30 =	vmul.bf16 v32, v30;
	v32 =	vld [tilespmem:s6+$0x20]  }
0x4a3: {  	v34 =	vld [tilespmem:s22+$0x20]  }
0x4a4: {  	[tilespmem:v35+s13+$0x0] =	vst.idx.msk $0xffff, v2;
	v2 =	vadd.bf16 v30, v31;
	v28 =	vmul.bf16 v33, v28;
	v30 =	vld [tilespmem:s6+$0x30]  }
0x4a5: {  	v31 =	vld [tilespmem:s22+$0x30]  }
0x4a6: {  	v2 =	vadd.bf16 v2, v3;
	v3 =	vmul.bf16 v36, v29;
	v29 =	vld [tilespmem:s6+$0x40]  }
0x4a7: {  	v33 =	vld [tilespmem:s22+$0x40]  }
0x4a8: {  	v35 =	vunpack.i.u.bf16.f32 v2;
	v32 =	vmul.bf16 v34, v32;
	v3 =	vadd.bf16 v3, v28;
	v28 =	vld [tilespmem:s6+$0x50]  }
0x4a9: {  	v2 =	vunpack.i.l.bf16.f32 v2;
	v34 =	vld [tilespmem:s22+$0x50]  }
0x4aa: {  	v2 =	vadd.f32 v2, v35;
	v30 =	vmul.bf16 v31, v30;
	v31 =	vld [tilespmem:s6+$0x60]  }
0x4ab: {  	v35 =	vld [tilespmem:s22+$0x60]  }
0x4ac: {  	[tilespmem:v27+s13+$0x0] =	vst.idx.msk $0xffff, v2;
	v2 =	vadd.bf16 v30, v32;
	v27 =	vmul.bf16 v33, v29;
	v29 =	vld [tilespmem:s6+$0x70]  }
0x4ad: {  	v30 =	vld [tilespmem:s22+$0x70]  }
0x4ae: {  	v2 =	vadd.bf16 v2, v3;
	v3 =	vmul.bf16 v34, v28;
	v28 =	vld [tilespmem:s6+$0x80]  }
0x4af: {  	v32 =	vld [tilespmem:s22+$0x80]  }
0x4b0: {  	v33 =	vunpack.i.u.bf16.f32 v2;
	v31 =	vmul.bf16 v35, v31;
	v3 =	vadd.bf16 v3, v27;
	v27 =	vld [tilespmem:s6+$0x90]  }
0x4b1: {  	v2 =	vunpack.i.l.bf16.f32 v2;
	v34 =	vld [tilespmem:s22+$0x90]  }
0x4b2: {  	v2 =	vadd.f32 v2, v33;
	v29 =	vmul.bf16 v30, v29;
	v30 =	vld [tilespmem:s6+$0xA0]  }
0x4b3: {  	v33 =	vld [tilespmem:s22+$0xA0]  }
0x4b4: {  	[tilespmem:v26+s13+$0x0] =	vst.idx.msk $0xffff, v2;
	v2 =	vadd.bf16 v29, v31;
	v26 =	vmul.bf16 v32, v28;
	v28 =	vld [tilespmem:s6+$0xB0]  }
0x4b5: {  	v29 =	vld [tilespmem:s22+$0xB0]  }
0x4b6: {  	v2 =	vadd.bf16 v2, v3;
	v3 =	vmul.bf16 v34, v27;
	v31 =	vld [tilespmem:s6+$0xC0]  }
0x4b7: {  	v32 =	vld [tilespmem:s22+$0xC0]  }
0x4b8: {  	v27 =	vunpack.i.u.bf16.f32 v2;
	v30 =	vmul.bf16 v33, v30;
	v3 =	vadd.bf16 v3, v26;
	v33 =	vld [tilespmem:s6+$0xD0]  }
0x4b9: {  	v2 =	vunpack.i.l.bf16.f32 v2;
	v34 =	vld [tilespmem:s22+$0xD0]  }
.Ltmp10:
0x4ba: {  	v2 =	vadd.f32 v2, v27;
	v28 =	vmul.bf16 v29, v28;
	v26 =	vld [tilespmem:s6+$0xE0];
	(pc) =	sbr.rel @p2 .LBB2_23-.Ltmp10, $4  }
0x4bb: {  	v27 =	vld [tilespmem:s22+$0xE0]  }
0x4bc: {  	[tilespmem:v25+s13+$0x0] =	vst.idx.msk $0xffff, v2;
	v2 =	vadd.bf16 v28, v30;
	v29 =	vmul.bf16 v32, v31;
	v25 =	vld [tilespmem:s6+$0xF0]  }
0x4bd: {  	v28 =	vld [tilespmem:s22+$0xF0]  }
0x4be: {  	v31 =	vld [tilespmem:s6+$0xFFFFFEC0];
	v30 =	vadd.bf16 v2, v3;
	v32 =	vmul.bf16 v34, v33;
	s6 =	sadd.s32 $0x280, s6  }
0x4bf: {  	_ =	sdelay $0x2  }
0x4c0: {  	v2 =	vmul.bf16 v27, v26;
	v3 =	vmul.bf16 v28, v25  }
0x4c1: {  	v19 =	vmul.bf16 v19, v31  }
0x4c2: {  	v31 =	vadd.bf16 v32, v29;
	v2 =	vadd.bf16 v3, v2  }
0x4c3: {  	v3 =	vadd.bf16 v20, v19  }
0x4c4: {  	v2 =	vadd.bf16 v2, v31  }
0x4c5: {  	v19 =	vunpack.i.u.bf16.f32 v30;
	v20 =	vunpack.i.l.bf16.f32 v30;
	v3 =	vadd.bf16 v23, v3  }
0x4c6: {  	v19 =	vadd.f32 v20, v19;
	v20 =	vunpack.i.u.bf16.f32 v2;
	v2 =	vunpack.i.l.bf16.f32 v2  }
0x4c7: {  	v23 =	vunpack.i.u.bf16.f32 v3;
	v3 =	vunpack.i.l.bf16.f32 v3;
	v2 =	vadd.f32 v2, v20  }
0x4c8: {  	[tilespmem:v24+s13+$0x0] =	vst.idx.msk $0xffff, v19;
	v3 =	vadd.f32 v3, v23  }
0x4c9: {  	[tilespmem:v22+s13+$0x0] =	vst.idx.msk $0xffff, v2  }
0x4ca: {  	s0 =	simm.s32 @!p1 $0x8;
	[tilespmem:v21+s13+$0x0] =	vst.idx.msk $0xffff, v3  }
0x4cb: {  	_ =	swait.ge @!p1 [sflag:s0], $0x50  }
0x4cc: {  	v3 =	vld [tilespmem:$0x1FCC0]  }
0x4cd: {  	v19 =	vld [tilespmem:$0x1FCD0]  }
0x4ce: {  	v20 =	vld [tilespmem:$0x1FCE0]  }
0x4cf: {  	v32 =	vld [tilespmem:$0x1FCF0]  }
0x4d0: {  	v33 =	vld [tilespmem:$0x1FD00]  }
0x4d1: {  	v34 =	vld [tilespmem:$0x1FD10]  }
0x4d2: {  	v35 =	vld [tilespmem:$0x1FD20]  }
0x4d3: {  	v36 =	vld [tilespmem:$0x1FD30]  }
0x4d4: {  	v37 =	vld [tilespmem:$0x1FD40]  }
0x4d5: {  	v38 =	vld [tilespmem:$0x1FD60]  }
0x4d6: {  	v39 =	vld [tilespmem:$0x1FD80]  }
0x4d7: {  	v40 =	vld [tilespmem:$0x1FDA0]  }
0x4d8: {  	v41 =	vld [tilespmem:$0x1FDB0]  }
0x4d9: {  	v42 =	vld [tilespmem:$0x1FDC0]  }
0x4da: {  	v43 =	vld [tilespmem:$0x1FDD0]  }
0x4db: {  	v44 =	vld [tilespmem:$0x1FDE0]  }
0x4dc: {  	v45 =	vld [tilespmem:$0x1FDF0]  }
0x4dd: {  	v46 =	vld [tilespmem:$0x1FE00]  }
0x4de: {  	v47 =	vld [tilespmem:$0x1FE10]  }
0x4df: {  	v48 =	vld [tilespmem:$0x1FE20]  }
0x4e0: {  	v49 =	vld [tilespmem:$0x1FE30]  }
0x4e1: {  	v50 =	vld [tilespmem:$0x1FE40]  }
0x4e2: {  	v51 =	vld [tilespmem:$0x1FE50]  }
0x4e3: {  	v52 =	vld [tilespmem:$0x1FE60]  }
0x4e4: {  	v53 =	vld [tilespmem:$0x1FE80]  }
0x4e5: {  	v54 =	vld [tilespmem:$0x1FEB0]  }
0x4e6: {  	v55 =	vld [tilespmem:$0x1FEC0]  }
0x4e7: {  	v56 =	vld [tilespmem:$0x1FED0]  }
0x4e8: {  	v57 =	vld [tilespmem:$0x1FEA0]  }
0x4e9: {  	v58 =	vld [tilespmem:$0x1FEE0]  }
0x4ea: {  	v59 =	vld [tilespmem:$0x1FEF0]  }
0x4eb: {  	v60 =	vld [tilespmem:$0x1FF00]  }
0x4ec: {  	v61 =	vld [tilespmem:$0x1FF10]  }
0x4ed: {  	[sflag:s0] =	ssyncset.done @!p1 $0x0;
	v62 =	vld [tilespmem:$0x1FF20]  }
0x4ee: {  	v63 =	vld [tilespmem:$0x1FF30];
	[sflag:s0] =	ssyncadd.s32 @!p1 $0xFFFFFFB0  }
0x4ef: {  	v2 =	vld.idx.msk [tilespmem:v1+s13+$0x0], $0xffff  }
0x4f0: {  	v3 =	vld.idx.msk [tilespmem:v3+s13+$0x0], $0xffff  }
0x4f1: {  	v19 =	vld.idx.msk [tilespmem:v19+s13+$0x0], $0xffff  }
0x4f2: {  	v20 =	vld.idx.msk [tilespmem:v20+s13+$0x0], $0xffff  }
0x4f3: {  	v21 =	vld.idx.msk [tilespmem:v32+s13+$0x0], $0xffff  }
0x4f4: {  	v22 =	vld.idx.msk [tilespmem:v33+s13+$0x0], $0xffff  }
0x4f5: {  	v23 =	vld.idx.msk [tilespmem:v34+s13+$0x0], $0xffff  }
0x4f6: {  	v24 =	vld.idx.msk [tilespmem:v35+s13+$0x0], $0xffff  }
0x4f7: {  	v25 =	vld.idx.msk [tilespmem:v36+s13+$0x0], $0xffff  }
0x4f8: {  	v26 =	vld.idx.msk [tilespmem:v37+s13+$0x0], $0xffff  }
0x4f9: {  	v27 =	vld.idx.msk [tilespmem:v38+s13+$0x0], $0xffff  }
0x4fa: {  	v28 =	vld.idx.msk [tilespmem:v39+s13+$0x0], $0xffff  }
0x4fb: {  	v29 =	vld.idx.msk [tilespmem:v40+s13+$0x0], $0xffff  }
0x4fc: {  	v30 =	vld.idx.msk [tilespmem:v42+s13+$0x0], $0xffff  }
0x4fd: {  	v31 =	vld.idx.msk [tilespmem:v44+s13+$0x0], $0xffff  }
0x4fe: {  	v32 =	vld.idx.msk [tilespmem:v46+s13+$0x0], $0xffff  }
0x4ff: {  	v33 =	vld [tilespmem:$0x1FF50]  }
0x500: {  	v34 =	vld [tilespmem:$0x1FFB0]  }
0x501: {  	v35 =	vld [tilespmem:$0x1FF60]  }
0x502: {  	v36 =	vld [tilespmem:$0x1FFD0]  }
0x503: {  	v37 =	vld [tilespmem:$0x1FF70]  }
0x504: {  	v38 =	vld [tilespmem:$0x1FFE0];
	v2 =	vadd.f32 v3, v2  }
0x505: {  	v39 =	vld [tilespmem:$0x1FFF0]  }
0x506: {  	v40 =	vld [tilespmem:$0x1FF90];
	v2 =	vadd.f32 v19, v2  }
0x507: {  	v3 =	vld [tilespmem:$0x1FD50]  }
0x508: {  	v44 =	vld [tilespmem:$0x1FC10];
	v2 =	vadd.f32 v20, v2  }
0x509: {  	v46 =	vld [tilespmem:$0x1FC30]  }
0x50a: {  	v19 =	vld [tilespmem:$0x1FD70];
	v2 =	vadd.f32 v21, v2  }
0x50b: {  	v21 =	vld.idx.msk [tilespmem:v41+s13+$0x0], $0xffff  }
0x50c: {  	v20 =	vld [tilespmem:$0x1FD90];
	v2 =	vadd.f32 v22, v2  }
0x50d: {  	v22 =	vld.idx.msk [tilespmem:v43+s13+$0x0], $0xffff  }
0x50e: {  	v41 =	vld [tilespmem:$0x1FC00];
	v2 =	vadd.f32 v23, v2  }
0x50f: {  	v3 =	vld.idx.msk [tilespmem:v3+s13+$0x0], $0xffff  }
0x510: {  	v43 =	vld [tilespmem:$0x1FFA0];
	v21 =	vadd.f32 v30, v21;
	v2 =	vadd.f32 v24, v2  }
0x511: {  	v23 =	vld.idx.msk [tilespmem:v45+s13+$0x0], $0xffff  }
0x512: {  	v19 =	vld.idx.msk [tilespmem:v19+s13+$0x0], $0xffff;
	v21 =	vadd.f32 v22, v21;
	v2 =	vadd.f32 v25, v2  }
0x513: {  	v45 =	vld [tilespmem:$0x1FC20]  }
0x514: {  	v30 =	vld.idx.msk [tilespmem:v48+s13+$0x0], $0xffff;
	v21 =	vadd.f32 v31, v21;
	v2 =	vadd.f32 v26, v2  }
0x515: {  	v48 =	vld [tilespmem:$0x1FC60]  }
0x516: {  	v24 =	vld.idx.msk [tilespmem:v47+s13+$0x0], $0xffff;
	v21 =	vadd.f32 v23, v21;
	v2 =	vadd.f32 v3, v2  }
0x517: {  	v20 =	vld.idx.msk [tilespmem:v20+s13+$0x0], $0xffff  }
0x518: {  	v21 =	vadd.f32 v32, v21;
	v32 =	vld.idx.msk [tilespmem:v55+s13+$0x0], $0xffff;
	v2 =	vadd.f32 v27, v2  }
0x519: {  	v27 =	vld.idx.msk [tilespmem:v54+s13+$0x0], $0xffff  }
0x51a: {  	v47 =	vld [tilespmem:$0x1FC50];
	v2 =	vadd.f32 v19, v2  }
0x51b: {  	v21 =	vadd.f32 v24, v21;
	v24 =	vld.idx.msk [tilespmem:v56+s13+$0x0], $0xffff  }
0x51c: {  	v25 =	vld.idx.msk [tilespmem:v49+s13+$0x0], $0xffff;
	v2 =	vadd.f32 v28, v2  }
0x51d: {  	v21 =	vadd.f32 v30, v21;
	v30 =	vld.idx.msk [tilespmem:v58+s13+$0x0], $0xffff  }
0x51e: {  	v22 =	vld.idx.msk [tilespmem:v50+s13+$0x0], $0xffff;
	v2 =	vadd.f32 v20, v2;
	v20 =	vadd.f32 v32, v27  }
0x51f: {  	v27 =	vld.idx.msk [tilespmem:v59+s13+$0x0], $0xffff  }
0x520: {  	v50 =	vld [tilespmem:$0x1FC90];
	v2 =	vadd.f32 v29, v2;
	v20 =	vadd.f32 v24, v20  }
0x521: {  	v21 =	vadd.f32 v25, v21;
	v25 =	vld.idx.msk [tilespmem:v60+s13+$0x0], $0xffff  }
0x522: {  	v3 =	vld [tilespmem:$0x1FE70];
	v2 =	vsub.f32 $0.0e+00, v2;
	v20 =	vadd.f32 v30, v20  }
0x523: {  	v31 =	vld.idx.msk [tilespmem:v52+s13+$0x0], $0xffff  }
0x524: {  	v19 =	vld [tilespmem:$0x1FE90];
	v2 =	vmul.f32 $1.442695020e+00, v2;
	v20 =	vadd.f32 v27, v20  }
0x525: {  	v26 =	vld.idx.msk [tilespmem:v51+s13+$0x0], $0xffff  }
0x526: {  	(erf) = vpow2.f32 v2;
	v2 =	vadd.f32 v25, v20;
	v20 =	vld [tilespmem:$0x1FFC0]  }
0x527: {  	v23 =	vld.idx.msk [tilespmem:v53+s13+$0x0], $0xffff  }
0x528: {  	v28 =	vld.idx.msk [tilespmem:v57+s13+$0x0], $0xffff  }
0x529: {  	v32 =	vld [tilespmem:$0x1FF40];
	v21 =	vadd.f32 v22, v21  }
0x52a: {  	v3 =	vld.idx.msk [tilespmem:v3+s13+$0x0], $0xffff  }
0x52b: {  	v24 =	vld.idx.msk [tilespmem:v61+s13+$0x0], $0xffff;
	v21 =	vadd.f32 v26, v21  }
0x52c: {  	v19 =	vld.idx.msk [tilespmem:v19+s13+$0x0], $0xffff  }
0x52d: {  	v30 =	vld.idx.msk [tilespmem:v34+s13+$0x0], $0xffff;
	v21 =	vadd.f32 v31, v21  }
0x52e: {  	v20 =	vld.idx.msk [tilespmem:v20+s13+$0x0], $0xffff  }
0x52f: {  	v22 =	vld.idx.msk [tilespmem:v62+s13+$0x0], $0xffff;
	v3 =	vadd.f32 v3, v21  }
0x530: {  	v29 =	vld.idx.msk [tilespmem:v63+s13+$0x0], $0xffff  }
0x531: {  	v26 =	vld.idx.msk [tilespmem:v32+s13+$0x0], $0xffff;
	v3 =	vadd.f32 v23, v3  }
0x532: {  	v2 =	vadd.f32 v24, v2;
	v24 =	vld.idx.msk [tilespmem:v36+s13+$0x0], $0xffff  }
0x533: {  	v3 =	vadd.f32 v19, v3;
	v19 =	vadd.f32 v20, v30;
	v20 =	vld [tilespmem:$0x1FF80]  }
0x534: {  	v2 =	vadd.f32 v22, v2;
	v22 =	vld.idx.msk [tilespmem:v38+s13+$0x0], $0xffff  }
0x535: {  	v27 =	vld.idx.msk [tilespmem:v33+s13+$0x0], $0xffff  }
0x536: {  	v25 =	vld.idx.msk [tilespmem:v39+s13+$0x0], $0xffff;
	v2 =	vadd.f32 v29, v2  }
0x537: {  	v21 =	vld.idx.msk [tilespmem:v35+s13+$0x0], $0xffff;
	v3 =	vadd.f32 v28, v3;
	v19 =	vadd.f32 v24, v19  }
0x538: {  	v2 =	vadd.f32 v26, v2;
	v24 =	vld.idx.msk [tilespmem:v41+s13+$0x0], $0xffff  }
0x539: {  	v23 =	vld.idx.msk [tilespmem:v37+s13+$0x0], $0xffff;
	v3 =	vsub.f32 $0.0e+00, v3;
	v42 =	vpop (erf);
	v19 =	vadd.f32 v22, v19  }
0x53a: {  	v49 =	vld [tilespmem:$0x1FC80];
	v26 =	vadd.f32 $1.000000000e+00, v42;
	v2 =	vadd.f32 v27, v2  }
0x53b: {  	v3 =	vmul.f32 $1.442695020e+00, v3;
	v19 =	vadd.f32 v25, v19;
	v20 =	vld.idx.msk [tilespmem:v20+s13+$0x0], $0xffff  }
0x53c: {  	v52 =	vld [tilespmem:$0x1FCA0];
	(erf) = vrcp.f32 v26;
	v2 =	vadd.f32 v21, v2  }
0x53d: {  	(erf) = vpow2.f32 v3;
	v3 =	vadd.f32 v24, v19;
	v19 =	vld [tilespmem:$0x1FC40]  }
0x53e: {  	v55 =	vld [tilespmem:$0x1FCB0];
	v2 =	vadd.f32 v23, v2  }
0x53f: {  	v28 =	vld.idx.msk [tilespmem:v40+s13+$0x0], $0xffff  }
0x540: {  	v2 =	vadd.f32 v20, v2;
	v20 =	vld [tilespmem:$0x1FC70]  }
0x541: {  	v27 =	vld.idx.msk [tilespmem:v44+s13+$0x0], $0xffff  }
0x542: {  	v21 =	vld.idx.msk [tilespmem:v46+s13+$0x0], $0xffff  }
0x543: {  	v23 =	vld.idx.msk [tilespmem:v47+s13+$0x0], $0xffff  }
0x544: {  	v25 =	vld.idx.msk [tilespmem:v45+s13+$0x0], $0xffff  }
0x545: {  	v19 =	vld.idx.msk [tilespmem:v19+s13+$0x0], $0xffff  }
0x546: {  	v22 =	vld.idx.msk [tilespmem:v43+s13+$0x0], $0xffff  }
0x547: {  	v24 =	vld.idx.msk [tilespmem:v48+s13+$0x0], $0xffff;
	v3 =	vadd.f32 v27, v3  }
0x548: {  	v20 =	vld.idx.msk [tilespmem:v20+s13+$0x0], $0xffff  }
0x549: {  	v3 =	vadd.f32 v25, v3;
	v25 =	vld.idx.msk [tilespmem:v49+s13+$0x0], $0xffff  }
0x54a: {  	v26 =	vld.idx.msk [tilespmem:v50+s13+$0x0], $0xffff;
	v2 =	vadd.f32 v28, v2;
	v19 =	vadd.f32 v19, v21  }
0x54b: {  	v51 =	vld.idx.msk [tilespmem:v5+s13+$0x0], $0xffff;
	v3 =	vadd.f32 v23, v3  }
0x54c: {  	v2 =	vadd.f32 v22, v2;
	v22 =	vld.idx.msk [tilespmem:v52+s13+$0x0], $0xffff;
	v19 =	vadd.f32 v24, v19  }
0x54d: {  	v53 =	vpop (erf);
	v3 =	vadd.f32 v20, v3;
	v20 =	vld.idx.msk [tilespmem:v6+s13+$0x0], $0xffff  }
0x54e: {  	v54 =	vpop (erf);
	v2 =	vsub.f32 $0.0e+00, v2;
	v19 =	vadd.f32 v25, v19;
	v25 =	vld.idx.msk [tilespmem:v55+s13+$0x0], $0xffff  }
0x54f: {  	v56 =	vld.idx.msk [tilespmem:v7+s13+$0x0], $0xffff;
	v24 =	vadd.f32 $1.000000000e+00, v54;
	v3 =	vadd.f32 v26, v3  }
0x550: {  	v57 =	vld.idx.msk [tilespmem:v4+s13+$0x0], $0xffff;
	v2 =	vmul.f32 $1.442695020e+00, v2;
	v19 =	vadd.f32 v51, v19  }
0x551: {  	v58 =	vld.idx.msk [tilespmem:v9+s13+$0x0], $0xffff;
	(erf) = vrcp.f32 v24;
	v3 =	vadd.f32 v22, v3  }
0x552: {  	(erf) = vpow2.f32 v2;
	v2 =	vadd.f32 v20, v19;
	v19 =	vld.idx.msk [tilespmem:v8+s13+$0x0], $0xffff  }
0x553: {  	v20 =	vld.idx.msk [tilespmem:v10+s13+$0x0], $0xffff;
	v3 =	vadd.f32 v25, v3  }
0x554: {  	v59 =	vld.idx.msk [tilespmem:v11+s13+$0x0], $0xffff;
	v2 =	vadd.f32 v56, v2  }
0x555: {  	v60 =	vld.idx.msk [tilespmem:v12+s13+$0x0], $0xffff;
	v3 =	vadd.f32 v57, v3  }
0x556: {  	v2 =	vadd.f32 v58, v2  }
0x557: {  	v3 =	vadd.f32 v19, v3;
	v19 =	vld.idx.msk [tilespmem:v13+s13+$0x0], $0xffff  }
0x558: {  	v2 =	vadd.f32 v20, v2  }
0x559: {  	v20 =	vld.idx.msk [tilespmem:v16+s13+$0x0], $0xffff;
	v3 =	vadd.f32 v59, v3  }
0x55a: {  	v61 =	vpop (erf);
	v2 =	vadd.f32 v60, v2  }
0x55b: {  	v63 =	vld.idx.msk [tilespmem:v14+s13+$0x0], $0xffff;
	v62 =	vpop (erf);
	v3 =	vsub.f32 $0.0e+00, v3  }
0x55c: {  	v21 =	vadd.f32 $1.000000000e+00, v62;
	v2 =	vadd.f32 v19, v2  }
0x55d: {  	v19 =	vld.idx.msk [tilespmem:v15+s13+$0x0], $0xffff;
	v3 =	vmul.f32 $1.442695020e+00, v3  }
0x55e: {  	(erf) = vrcp.f32 v21;
	v2 =	vadd.f32 v20, v2  }
0x55f: {  	(erf) = vpow2.f32 v3;
	v3 =	vld.idx.msk [tilespmem:v17+s13+$0x0], $0xffff  }
0x560: {  	v2 =	vadd.f32 v63, v2  }
0x561: {  	v20 =	vld.idx.msk [tilespmem:v18+s13+$0x0], $0xffff  }
0x562: {  	v2 =	vadd.f32 v19, v2;
	_ =	sdelay $0x1  }
0x563: {  	v2 =	vadd.f32 v3, v2;
	_ =	sdelay $0x1  }
0x564: {  	v2 =	vadd.f32 v20, v2  }
0x565: {  	v3 =	vpop (erf)  }
0x566: {  	v19 =	vpop (erf);
	v2 =	vsub.f32 $0.0e+00, v2  }
0x567: {  	v19 =	vadd.f32 $1.000000000e+00, v19  }
0x568: {  	v2 =	vmul.f32 $1.442695020e+00, v2  }
0x569: {  	(erf) = vrcp.f32 v19  }
0x56a: {  	(erf) = vpow2.f32 v2;
	_ =	sdelay $0x7  }
0x56b: {  	v2 =	vpop (erf)  }
0x56c: {  	v19 =	vpop (erf)  }
0x56d: {  	v19 =	vadd.f32 $1.000000000e+00, v19;
	_ =	sdelay $0x1  }
0x56e: {  	(erf) = vrcp.f32 v19;
	_ =	sdelay $0x5  }
0x56f: {  	p1 =	seq.s32 s20, $0x3D;
	[tilespmem:$0x176B0] =	vst v53  }
.Ltmp11:
0x570: {  	[tilespmem:$0x176C0] =	vst v61;
	(pc) =	sbr.rel @p1 .LBB2_26-.Ltmp11, $4  }
0x571: {  	s30 =	sadd.s32 s21, s26;
	[tilespmem:$0x176D0] =	vst v3  }
0x572: {  	s0 =	sshrl.u32 s30, $0x3;
	[tilespmem:$0x176E0] =	vst v2;
	v2 =	vpop (erf)  }
0x573: {  	s0 =	sadd.s32 s2, s0;
	[tilespmem:$0x176F0] =	vst v2  }
0x574: {  	[hbm4b:s0+s5] =	stream.linear.scatter [tilespmem:s16], [sflag:$0x8], $0x50, $0x38;
	[tilespmem:$0x17C50] =	vst v63  }
.Ltmp12:
0x575: {  	(pc) =	sbr.rel .LBB2_20-.Ltmp12, $4  }
0x576: {  	s0 =	sadd.s32 $0xD930, s21  }
0x577: {  	[tilespmem:s9], [sflag:$0x5] =	stream.indirect.gather [spmem:s3], $0x40, s0, s23, $0xb8;
	[tilespmem:$0x17C50] =	vst v63  }
0x578: {  	s30 =	sadd.s32 $0x10040, s21;
	s20 =	sadd.s32 $0x1, s20  }
0x579: {  	[tilespmem:s10], [sflag:$0x6] =	stream.indirect.gather [spmem:s3], $0x40, s30, s23, $0xb8;
	[tilespmem:$0x17C50] =	vst v63  }
.LBB2_26:
0x57a: {  	_ =	swait.ge [sflag:s11], $0x1400  }
0x57b: {  	[sflag:s11] =	ssyncset.done $0x0  }
0x57c: {  	[sflag:s11] =	ssyncadd.s32 $0xFFFFEC00  }
0x57d: {  	_ =	swait.ge [sflag:s12], $0x1400  }
0x57e: {  	[sflag:s12] =	ssyncset.done $0x0  }
0x57f: {  	s6 =	simm.s32 $0x127A0;
	[sflag:s12] =	ssyncadd.s32 $0xFFFFEC00  }
0x580: {  	s20 =	simm.s32 $0x13BA0;
	v2 =	vld [tilespmem:s6+$0x100]  }
0x581: {  	v3 =	vld [tilespmem:s20+$0x100]  }
0x582: {  	v20 =	vld [tilespmem:s6+$0x110]  }
0x583: {  	v23 =	vld [tilespmem:s20+$0x110]  }
0x584: {  	v24 =	vld [tilespmem:s6+$0x120]  }
0x585: {  	v25 =	vld [tilespmem:s20+$0x120]  }
0x586: {  	v26 =	vld [tilespmem:s6+$0x130]  }
0x587: {  	v27 =	vld [tilespmem:s20+$0x130]  }
0x588: {  	v19 =	vld [tilespmem:s20+$0xFFFFFEC0]  }
0x589: {  	v28 =	vld [tilespmem:s6+$0xFFFFFED0]  }
0x58a: {  	v29 =	vld [tilespmem:s20+$0xFFFFFED0]  }
0x58b: {  	v30 =	vld [tilespmem:s6+$0xFFFFFEE0]  }
0x58c: {  	v31 =	vld [tilespmem:s20+$0xFFFFFEE0]  }
0x58d: {  	v21 =	vld [tilespmem:s6+$0xFFFFFEF0]  }
0x58e: {  	v22 =	vld [tilespmem:s20+$0xFFFFFEF0]  }
0x58f: {  	v32 =	vld [tilespmem:s6+$0xFFFFFF00]  }
0x590: {  	v33 =	vld [tilespmem:s20+$0xFFFFFF00]  }
0x591: {  	v34 =	vld [tilespmem:s6+$0xFFFFFF10]  }
0x592: {  	v35 =	vld [tilespmem:s20+$0xFFFFFF10]  }
0x593: {  	v36 =	vld [tilespmem:s6+$0xFFFFFF20]  }
0x594: {  	v37 =	vld [tilespmem:s20+$0xFFFFFF20]  }
0x595: {  	v38 =	vld [tilespmem:s6+$0xFFFFFF30]  }
0x596: {  	v39 =	vld [tilespmem:s20+$0xFFFFFF30]  }
0x597: {  	v40 =	vld [tilespmem:s6+$0xFFFFFF40]  }
0x598: {  	v41 =	vld [tilespmem:s20+$0xFFFFFF40]  }
0x599: {  	v42 =	vld [tilespmem:s6+$0xFFFFFF50]  }
0x59a: {  	v43 =	vld [tilespmem:s20+$0xFFFFFF50]  }
0x59b: {  	v44 =	vld [tilespmem:s6+$0xFFFFFF60]  }
0x59c: {  	v45 =	vld [tilespmem:s20+$0xFFFFFF60]  }
0x59d: {  	v46 =	vld [tilespmem:s6+$0xFFFFFF70]  }
0x59e: {  	v47 =	vld [tilespmem:s20+$0xFFFFFF70]  }
0x59f: {  	v48 =	vld [tilespmem:s6+$0xFFFFFF80]  }
0x5a0: {  	v49 =	vld [tilespmem:s20+$0xFFFFFF80]  }
0x5a1: {  	v50 =	vld [tilespmem:s6+$0xFFFFFF90]  }
0x5a2: {  	v51 =	vld [tilespmem:s20+$0xFFFFFF90]  }
0x5a3: {  	v52 =	vld [tilespmem:s6+$0xFFFFFFA0]  }
0x5a4: {  	v53 =	vld [tilespmem:s20+$0xFFFFFFA0]  }
0x5a5: {  	v54 =	vld [tilespmem:s6+$0xFFFFFFB0]  }
0x5a6: {  	v55 =	vld [tilespmem:s20+$0xFFFFFFB0]  }
0x5a7: {  	v56 =	vld [tilespmem:s6+$0xFFFFFFC0]  }
0x5a8: {  	v57 =	vld [tilespmem:s20+$0xFFFFFFC0]  }
0x5a9: {  	v58 =	vld [tilespmem:s6+$0xFFFFFFD0]  }
0x5aa: {  	v59 =	vld [tilespmem:s20+$0xFFFFFFD0]  }
0x5ab: {  	v60 =	vld [tilespmem:s6+$0xFFFFFFE0]  }
0x5ac: {  	v61 =	vld [tilespmem:s20+$0xFFFFFFE0]  }
0x5ad: {  	v62 =	vld [tilespmem:s6+$0xFFFFFFF0]  }
0x5ae: {  	v63 =	vld [tilespmem:s20+$0xFFFFFFF0]  }
0x5af: {  	v2 =	vmul.bf16 v3, v2;
	v3 =	vmul.bf16 v23, v20;
	v23 =	vld [tilespmem:s6+$0x0]  }
0x5b0: {  	v20 =	vmul.bf16 v25, v24;
	v24 =	vmul.bf16 v27, v26;
	v25 =	vld [tilespmem:s20+$0x0]  }
0x5b1: {  	v26 =	vmul.bf16 v35, v34;
	v27 =	vld [tilespmem:s20+$0x10];
	v35 =	vmul.bf16 v41, v40  }
0x5b2: {  	v34 =	vld [tilespmem:s6+$0x20];
	v43 =	vmul.bf16 v43, v42;
	v46 =	vmul.bf16 v47, v46  }
0x5b3: {  	v2 =	vadd.bf16 v3, v2;
	v3 =	vld [tilespmem:s6+$0x10];
	v20 =	vadd.bf16 v24, v20;
	v24 =	vmul.bf16 v33, v32  }
0x5b4: {  	v32 =	vmul.bf16 v37, v36;
	v33 =	vmul.bf16 v39, v38;
	v37 =	vld [tilespmem:s20+$0x20]  }
0x5b5: {  	v30 =	vmul.bf16 v31, v30;
	v39 =	vld [tilespmem:s6+$0x30];
	v2 =	vadd.bf16 v20, v2;
	v24 =	vadd.bf16 v26, v24  }
0x5b6: {  	s21 =	simm.s32 $0x99;
	v38 =	vld [tilespmem:s6+$0x50];
	v26 =	vmul.bf16 v45, v44;
	v20 =	vmul.bf16 v29, v28;
	v28 =	vadd.bf16 v33, v32  }
0x5b7: {  	v29 =	vadd.bf16 v43, v35;
	v32 =	vld [tilespmem:s20+$0x30];
	v23 =	vmul.bf16 v25, v23;
	v25 =	vadd.s32 s21, v0  }
0x5b8: {  	s1 =	simm.s32 $0x22;
	v35 =	vld [tilespmem:s6+$0x40];
	v47 =	vunpack.i.u.bf16.f32 v2;
	v2 =	vunpack.i.l.bf16.f32 v2;
	v26 =	vadd.bf16 v46, v26  }
0x5b9: {  	v33 =	vld [tilespmem:s20+$0x40];
	v24 =	vadd.bf16 v28, v24;
	v28 =	vmul.bf16 v49, v48;
	v48 =	vadd.s32 s1, v0  }
0x5ba: {  	v49 =	vld [tilespmem:s6+$0x90];
	v3 =	vmul.bf16 v27, v3;
	v26 =	vadd.bf16 v26, v29;
	v29 =	vmul.bf16 v51, v50  }
0x5bb: {  	v2 =	vadd.f32 v2, v47;
	v51 =	vmul.bf16 v53, v52;
	v53 =	vmul.bf16 v55, v54;
	v54 =	vld [tilespmem:s20+$0x50]  }
0x5bc: {  	v34 =	vmul.bf16 v37, v34;
	v52 =	vunpack.i.u.bf16.f32 v24;
	v24 =	vunpack.i.l.bf16.f32 v24;
	v55 =	vld [tilespmem:s20+$0x60]  }
0x5bd: {  	v50 =	vld [tilespmem:s20+$0x90];
	v24 =	vadd.f32 v24, v52;
	v32 =	vmul.bf16 v32, v39;
	v3 =	vadd.bf16 v3, v23  }
0x5be: {  	v28 =	vadd.bf16 v29, v28;
	v29 =	vld [tilespmem:s6+$0x60];
	v31 =	vunpack.i.u.bf16.f32 v26;
	v26 =	vunpack.i.l.bf16.f32 v26  }
0x5bf: {  	s14 =	simm.s32 $0x33;
	v26 =	vadd.f32 v26, v31;
	v31 =	vmul.bf16 v57, v56;
	v57 =	vmul.bf16 v59, v58;
	v58 =	vld [tilespmem:s6+$0x70]  }
0x5c0: {  	s17 =	simm.s32 $0x44;
	v23 =	vadd.s32 s14, v0;
	v36 =	vadd.bf16 v53, v51;
	v59 =	vmul.bf16 v61, v60;
	v61 =	vld [tilespmem:s20+$0x70]  }
0x5c1: {  	s18 =	simm.s32 $0x55;
	v27 =	vld [tilespmem:s6+$0x80];
	v33 =	vmul.bf16 v33, v35;
	v51 =	vadd.s32 s17, v0;
	v60 =	vmul.bf16 v63, v62  }
0x5c2: {  	s0 =	simm.s32 $0x11;
	v52 =	vld [tilespmem:s6+$0xA0];
	v53 =	vadd.s32 s18, v0;
	v32 =	vadd.bf16 v32, v34;
	v28 =	vadd.bf16 v36, v28  }
0x5c3: {  	v62 =	vadd.s32 s0, v0;
	v63 =	vld [tilespmem:s20+$0x80];
	v31 =	vadd.bf16 v57, v31;
	v36 =	vadd.bf16 v60, v59  }
0x5c4: {  	v56 =	vld [tilespmem:s6+$0xB0];
	v38 =	vmul.bf16 v54, v38;
	v3 =	vadd.bf16 v32, v3;
	v34 =	vmul.bf16 v50, v49  }
0x5c5: {  	v54 =	vld [tilespmem:s20+$0xA0];
	v29 =	vmul.bf16 v55, v29;
	v31 =	vadd.bf16 v36, v31;
	v43 =	vmul.bf16 v61, v58  }
0x5c6: {  	v57 =	vld [tilespmem:s20+$0xB0];
	v55 =	vunpack.i.u.bf16.f32 v28;
	v28 =	vunpack.i.l.bf16.f32 v28;
	v33 =	vadd.bf16 v38, v33  }
0x5c7: {  	[tilespmem:v25+s13+$0x0] =	vst.idx.msk $0xffff, v2;
	v59 =	vld [tilespmem:s6+$0xC0];
	v2 =	vunpack.i.u.bf16.f32 v3;
	v3 =	vunpack.i.l.bf16.f32 v3;
	v29 =	vadd.bf16 v43, v29  }
0x5c8: {  	v28 =	vadd.f32 v28, v55;
	v2 =	vadd.f32 v3, v2;
	v3 =	vld [tilespmem:s6+$0xD0];
	v60 =	vmul.bf16 v63, v27  }
0x5c9: {  	s22 =	simm.s32 $0x66;
	[tilespmem:v62+s13+$0x0] =	vst.idx.msk $0xffff, v24;
	v61 =	vld [tilespmem:s20+$0xD0];
	v58 =	vunpack.i.u.bf16.f32 v31;
	v31 =	vunpack.i.l.bf16.f32 v31;
	v25 =	vadd.bf16 v29, v33  }
0x5ca: {  	v24 =	vadd.f32 v31, v58;
	v31 =	vadd.s32 s22, v0;
	[tilespmem:v23+s13+$0x0] =	vst.idx.msk $0xffff, v28;
	v23 =	vmul.bf16 v54, v52;
	v29 =	vld [tilespmem:s20+$0xC0]  }
0x5cb: {  	[tilespmem:v48+s13+$0x0] =	vst.idx.msk $0xffff, v26;
	v26 =	vld [tilespmem:s6+$0xE0];
	v28 =	vmul.bf16 v57, v56;
	v27 =	vunpack.i.u.bf16.f32 v25;
	v25 =	vunpack.i.l.bf16.f32 v25  }
0x5cc: {  	s24 =	simm.s32 $0x0;
	v22 =	vmul.bf16 v22, v21;
	v62 =	vadd.f32 v25, v27;
	v27 =	vld [tilespmem:s20+$0xE0]  }
0x5cd: {  	s25 =	simm.s32 $0x77;
	v21 =	vadd.s32 s24, v0;
	[tilespmem:v53+s13+$0x0] =	vst.idx.msk $0xffff, v2;
	v2 =	vadd.bf16 v34, v60;
	v63 =	vadd.bf16 v28, v23;
	v28 =	vld [tilespmem:s20+$0xF0]  }
0x5ce: {  	s30 =	simm.s32 $0x88;
	[tilespmem:v51+s13+$0x0] =	vst.idx.msk $0xffff, v24;
	v23 =	vadd.bf16 v22, v30;
	v24 =	vadd.s32 s25, v0;
	v32 =	vmul.bf16 v61, v3;
	v25 =	vld [tilespmem:s6+$0xF0]  }
0x5cf: {  	s22 =	simm.s32 $0x0;
	v22 =	vadd.s32 s30, v0;
	v30 =	vadd.bf16 v63, v2;
	[tilespmem:v31+s13+$0x0] =	vst.idx.msk $0xffff, v62;
	v31 =	vmul.bf16 v29, v59;
	v29 =	vld [tilespmem:s6+$0xFFFFFEC0];
	s6 =	simm.s32 $0x12A20  }
.LBB2_27:
0x5d0: {  	v2 =	vld [tilespmem:s6+$0x100];
	s20 =	sadd.s32 $0x280, s20  }
0x5d1: {  	v3 =	vld [tilespmem:s20+$0x100];
	v33 =	vunpack.i.u.bf16.f32 v30;
	v26 =	vmul.bf16 v27, v26;
	v27 =	vadd.bf16 v32, v31  }
0x5d2: {  	v30 =	vunpack.i.l.bf16.f32 v30;
	v31 =	vld [tilespmem:s6+$0x110]  }
0x5d3: {  	v30 =	vadd.f32 v30, v33;
	v32 =	vld [tilespmem:s20+$0x110];
	v25 =	vmul.bf16 v28, v25  }
0x5d4: {  	v28 =	vld [tilespmem:s6+$0x120];
	v19 =	vmul.bf16 v19, v29  }
0x5d5: {  	v29 =	vld [tilespmem:s20+$0x120];
	[tilespmem:v24+s13+$0x0] =	vst.idx.msk $0xffff, v30;
	v24 =	vadd.bf16 v25, v26  }
0x5d6: {  	v25 =	vld [tilespmem:s6+$0x130];
	v20 =	vadd.bf16 v20, v19  }
0x5d7: {  	s22 =	sadd.s32 $0xA, s22;
	v26 =	vld [tilespmem:s20+$0x130];
	v24 =	vadd.bf16 v24, v27  }
0x5d8: {  	p1 =	slt.u32 s22, $0x46;
	v19 =	vld [tilespmem:s20+$0xFFFFFEC0];
	v20 =	vadd.bf16 v23, v20  }
0x5d9: {  	v23 =	vld [tilespmem:s6+$0xFFFFFED0];
	v27 =	vunpack.i.u.bf16.f32 v24;
	v24 =	vunpack.i.l.bf16.f32 v24  }
0x5da: {  	v30 =	vld [tilespmem:s20+$0xFFFFFED0];
	v33 =	vunpack.i.u.bf16.f32 v20;
	v20 =	vunpack.i.l.bf16.f32 v20;
	v24 =	vadd.f32 v24, v27  }
0x5db: {  	v2 =	vmul.bf16 v3, v2;
	v3 =	vmul.bf16 v32, v31;
	v27 =	vld [tilespmem:s6+$0xFFFFFEE0];
	v20 =	vadd.f32 v20, v33  }
0x5dc: {  	v28 =	vmul.bf16 v29, v28;
	v31 =	vld [tilespmem:s20+$0xFFFFFEE0];
	v25 =	vmul.bf16 v26, v25;
	[tilespmem:v22+s13+$0x0] =	vst.idx.msk $0xffff, v24  }
0x5dd: {  	v22 =	vld [tilespmem:s6+$0xFFFFFEF0];
	[tilespmem:v21+s13+$0x0] =	vst.idx.msk $0xffff, v20  }
0x5de: {  	v2 =	vadd.bf16 v3, v2;
	v24 =	vld [tilespmem:s20+$0xFFFFFEF0];
	v3 =	vadd.bf16 v25, v28  }
0x5df: {  	s21 =	sadd.s32 $0xAA, s21;
	v20 =	vmul.bf16 v30, v23;
	v28 =	vld [tilespmem:s6+$0xFFFFFF00]  }
0x5e0: {  	s0 =	sadd.s32 $0xFFFFFF67, s21;
	s1 =	sadd.s32 $0xFFFFFF78, s21;
	s14 =	sadd.s32 $0xFFFFFF89, s21;
	v29 =	vld [tilespmem:s20+$0xFFFFFF00];
	v2 =	vadd.bf16 v3, v2;
	v3 =	vadd.s32 s21, v0  }
0x5e1: {  	s17 =	sadd.s32 $0xFFFFFFBC, s21;
	v21 =	vadd.s32 s0, v0;
	s0 =	sadd.s32 $0xFFFFFF9A, s21;
	v23 =	vmul.bf16 v31, v27;
	v30 =	vld [tilespmem:s6+$0xFFFFFF10];
	v31 =	vadd.s32 s1, v0;
	s1 =	sadd.s32 $0xFFFFFFAB, s21  }
0x5e2: {  	s18 =	sadd.s32 $0xFFFFFFDE, s21;
	s24 =	sadd.s32 $0xFFFFFFEF, s21;
	v33 =	vadd.s32 s14, v0;
	s14 =	sadd.s32 $0xFFFFFFCD, s21;
	v32 =	vld [tilespmem:s20+$0xFFFFFF10];
	v25 =	vunpack.i.u.bf16.f32 v2;
	v2 =	vunpack.i.l.bf16.f32 v2  }
0x5e3: {  	v35 =	vadd.s32 s0, v0;
	v22 =	vmul.bf16 v24, v22;
	v34 =	vld [tilespmem:s6+$0xFFFFFF20];
	v2 =	vadd.f32 v2, v25  }
0x5e4: {  	v26 =	vadd.s32 s17, v0;
	v27 =	vadd.s32 s1, v0;
	v25 =	vadd.s32 s14, v0;
	v36 =	vld [tilespmem:s20+$0xFFFFFF20]  }
0x5e5: {  	v24 =	vadd.s32 s18, v0;
	v23 =	vadd.bf16 v22, v23;
	v28 =	vmul.bf16 v29, v28;
	v29 =	vld [tilespmem:s6+$0xFFFFFF30];
	[tilespmem:v3+s13+$0x0] =	vst.idx.msk $0xffff, v2  }
0x5e6: {  	v22 =	vadd.s32 s24, v0;
	v2 =	vld [tilespmem:s20+$0xFFFFFF30]  }
0x5e7: {  	v3 =	vmul.bf16 v32, v30;
	v30 =	vld [tilespmem:s6+$0xFFFFFF40]  }
0x5e8: {  	v32 =	vld [tilespmem:s20+$0xFFFFFF40]  }
0x5e9: {  	v34 =	vmul.bf16 v36, v34;
	v3 =	vadd.bf16 v3, v28;
	v28 =	vld [tilespmem:s6+$0xFFFFFF50]  }
0x5ea: {  	v36 =	vld [tilespmem:s20+$0xFFFFFF50]  }
0x5eb: {  	v2 =	vmul.bf16 v2, v29;
	v29 =	vld [tilespmem:s6+$0xFFFFFF60]  }
0x5ec: {  	v37 =	vld [tilespmem:s20+$0xFFFFFF60]  }
0x5ed: {  	v2 =	vadd.bf16 v2, v34;
	v30 =	vmul.bf16 v32, v30;
	v32 =	vld [tilespmem:s6+$0xFFFFFF70]  }
0x5ee: {  	v34 =	vld [tilespmem:s20+$0xFFFFFF70]  }
0x5ef: {  	v2 =	vadd.bf16 v2, v3;
	v3 =	vmul.bf16 v36, v28;
	v28 =	vld [tilespmem:s6+$0xFFFFFF80]  }
0x5f0: {  	v36 =	vld [tilespmem:s20+$0xFFFFFF80]  }
0x5f1: {  	v38 =	vunpack.i.u.bf16.f32 v2;
	v29 =	vmul.bf16 v37, v29;
	v3 =	vadd.bf16 v3, v30;
	v30 =	vld [tilespmem:s6+$0xFFFFFF90]  }
0x5f2: {  	v2 =	vunpack.i.l.bf16.f32 v2;
	v37 =	vld [tilespmem:s20+$0xFFFFFF90]  }
0x5f3: {  	v2 =	vadd.f32 v2, v38;
	v32 =	vmul.bf16 v34, v32;
	v34 =	vld [tilespmem:s6+$0xFFFFFFA0]  }
0x5f4: {  	v38 =	vld [tilespmem:s20+$0xFFFFFFA0]  }
0x5f5: {  	[tilespmem:v31+s13+$0x0] =	vst.idx.msk $0xffff, v2;
	v2 =	vadd.bf16 v32, v29;
	v28 =	vmul.bf16 v36, v28;
	v29 =	vld [tilespmem:s6+$0xFFFFFFB0]  }
0x5f6: {  	v31 =	vld [tilespmem:s20+$0xFFFFFFB0]  }
0x5f7: {  	v2 =	vadd.bf16 v2, v3;
	v3 =	vmul.bf16 v37, v30;
	v30 =	vld [tilespmem:s6+$0xFFFFFFC0]  }
0x5f8: {  	v32 =	vld [tilespmem:s20+$0xFFFFFFC0]  }
0x5f9: {  	v36 =	vunpack.i.u.bf16.f32 v2;
	v34 =	vmul.bf16 v38, v34;
	v3 =	vadd.bf16 v3, v28;
	v28 =	vld [tilespmem:s6+$0xFFFFFFD0]  }
0x5fa: {  	v2 =	vunpack.i.l.bf16.f32 v2;
	v37 =	vld [tilespmem:s20+$0xFFFFFFD0]  }
0x5fb: {  	v2 =	vadd.f32 v2, v36;
	v29 =	vmul.bf16 v31, v29;
	v31 =	vld [tilespmem:s6+$0xFFFFFFE0]  }
0x5fc: {  	v36 =	vld [tilespmem:s20+$0xFFFFFFE0]  }
0x5fd: {  	[tilespmem:v33+s13+$0x0] =	vst.idx.msk $0xffff, v2;
	v2 =	vadd.bf16 v29, v34;
	v29 =	vmul.bf16 v32, v30;
	v30 =	vld [tilespmem:s6+$0xFFFFFFF0]  }
0x5fe: {  	v32 =	vld [tilespmem:s20+$0xFFFFFFF0]  }
0x5ff: {  	v2 =	vadd.bf16 v2, v3;
	v3 =	vmul.bf16 v37, v28;
	v28 =	vld [tilespmem:s6+$0x0]  }
0x600: {  	v33 =	vld [tilespmem:s20+$0x0]  }
0x601: {  	v34 =	vunpack.i.u.bf16.f32 v2;
	v31 =	vmul.bf16 v36, v31;
	v3 =	vadd.bf16 v3, v29;
	v29 =	vld [tilespmem:s6+$0x10]  }
0x602: {  	v2 =	vunpack.i.l.bf16.f32 v2;
	v36 =	vld [tilespmem:s20+$0x10]  }
0x603: {  	v2 =	vadd.f32 v2, v34;
	v30 =	vmul.bf16 v32, v30;
	v32 =	vld [tilespmem:s6+$0x20]  }
0x604: {  	v34 =	vld [tilespmem:s20+$0x20]  }
0x605: {  	[tilespmem:v35+s13+$0x0] =	vst.idx.msk $0xffff, v2;
	v2 =	vadd.bf16 v30, v31;
	v28 =	vmul.bf16 v33, v28;
	v30 =	vld [tilespmem:s6+$0x30]  }
0x606: {  	v31 =	vld [tilespmem:s20+$0x30]  }
0x607: {  	v2 =	vadd.bf16 v2, v3;
	v3 =	vmul.bf16 v36, v29;
	v29 =	vld [tilespmem:s6+$0x40]  }
0x608: {  	v33 =	vld [tilespmem:s20+$0x40]  }
0x609: {  	v35 =	vunpack.i.u.bf16.f32 v2;
	v32 =	vmul.bf16 v34, v32;
	v3 =	vadd.bf16 v3, v28;
	v28 =	vld [tilespmem:s6+$0x50]  }
0x60a: {  	v2 =	vunpack.i.l.bf16.f32 v2;
	v34 =	vld [tilespmem:s20+$0x50]  }
0x60b: {  	v2 =	vadd.f32 v2, v35;
	v30 =	vmul.bf16 v31, v30;
	v31 =	vld [tilespmem:s6+$0x60]  }
0x60c: {  	v35 =	vld [tilespmem:s20+$0x60]  }
0x60d: {  	[tilespmem:v27+s13+$0x0] =	vst.idx.msk $0xffff, v2;
	v2 =	vadd.bf16 v30, v32;
	v27 =	vmul.bf16 v33, v29;
	v29 =	vld [tilespmem:s6+$0x70]  }
0x60e: {  	v30 =	vld [tilespmem:s20+$0x70]  }
0x60f: {  	v2 =	vadd.bf16 v2, v3;
	v3 =	vmul.bf16 v34, v28;
	v28 =	vld [tilespmem:s6+$0x80]  }
0x610: {  	v32 =	vld [tilespmem:s20+$0x80]  }
0x611: {  	v33 =	vunpack.i.u.bf16.f32 v2;
	v31 =	vmul.bf16 v35, v31;
	v3 =	vadd.bf16 v3, v27;
	v27 =	vld [tilespmem:s6+$0x90]  }
0x612: {  	v2 =	vunpack.i.l.bf16.f32 v2;
	v34 =	vld [tilespmem:s20+$0x90]  }
0x613: {  	v2 =	vadd.f32 v2, v33;
	v29 =	vmul.bf16 v30, v29;
	v30 =	vld [tilespmem:s6+$0xA0]  }
0x614: {  	v33 =	vld [tilespmem:s20+$0xA0]  }
0x615: {  	[tilespmem:v26+s13+$0x0] =	vst.idx.msk $0xffff, v2;
	v2 =	vadd.bf16 v29, v31;
	v26 =	vmul.bf16 v32, v28;
	v28 =	vld [tilespmem:s6+$0xB0]  }
0x616: {  	v29 =	vld [tilespmem:s20+$0xB0]  }
0x617: {  	v2 =	vadd.bf16 v2, v3;
	v3 =	vmul.bf16 v34, v27;
	v31 =	vld [tilespmem:s6+$0xC0]  }
0x618: {  	v32 =	vld [tilespmem:s20+$0xC0]  }
0x619: {  	v27 =	vunpack.i.u.bf16.f32 v2;
	v30 =	vmul.bf16 v33, v30;
	v3 =	vadd.bf16 v3, v26;
	v33 =	vld [tilespmem:s6+$0xD0]  }
0x61a: {  	v2 =	vunpack.i.l.bf16.f32 v2;
	v34 =	vld [tilespmem:s20+$0xD0]  }
.Ltmp13:
0x61b: {  	v2 =	vadd.f32 v2, v27;
	v28 =	vmul.bf16 v29, v28;
	v26 =	vld [tilespmem:s6+$0xE0];
	(pc) =	sbr.rel @p1 .LBB2_27-.Ltmp13, $4  }
0x61c: {  	v27 =	vld [tilespmem:s20+$0xE0]  }
0x61d: {  	[tilespmem:v25+s13+$0x0] =	vst.idx.msk $0xffff, v2;
	v2 =	vadd.bf16 v28, v30;
	v31 =	vmul.bf16 v32, v31;
	v25 =	vld [tilespmem:s6+$0xF0]  }
0x61e: {  	v28 =	vld [tilespmem:s20+$0xF0]  }
0x61f: {  	v29 =	vld [tilespmem:s6+$0xFFFFFEC0];
	v30 =	vadd.bf16 v2, v3;
	v32 =	vmul.bf16 v34, v33;
	s6 =	sadd.s32 $0x280, s6  }
0x620: {  	_ =	sdelay $0x2  }
0x621: {  	v2 =	vmul.bf16 v27, v26;
	v3 =	vmul.bf16 v28, v25  }
0x622: {  	v19 =	vmul.bf16 v19, v29  }
0x623: {  	v41 =	vadd.bf16 v32, v31;
	v2 =	vadd.bf16 v3, v2  }
0x624: {  	v3 =	vadd.bf16 v20, v19  }
0x625: {  	v2 =	vadd.bf16 v2, v41  }
0x626: {  	v42 =	vunpack.i.u.bf16.f32 v30;
	v43 =	vunpack.i.l.bf16.f32 v30;
	v3 =	vadd.bf16 v23, v3  }
0x627: {  	v19 =	vadd.f32 v43, v42;
	v44 =	vunpack.i.u.bf16.f32 v2;
	v2 =	vunpack.i.l.bf16.f32 v2  }
0x628: {  	v23 =	vunpack.i.u.bf16.f32 v3;
	v3 =	vunpack.i.l.bf16.f32 v3;
	v2 =	vadd.f32 v2, v44  }
0x629: {  	[tilespmem:v24+s13+$0x0] =	vst.idx.msk $0xffff, v19;
	v3 =	vadd.f32 v3, v23  }
0x62a: {  	[tilespmem:v22+s13+$0x0] =	vst.idx.msk $0xffff, v2  }
0x62b: {  	s1 =	simm.s32 $0x7;
	[tilespmem:v21+s13+$0x0] =	vst.idx.msk $0xffff, v3  }
0x62c: {  	_ =	swait.ge [sflag:s1], $0x50  }
0x62d: {  	v3 =	vld [tilespmem:$0x1FCC0]  }
0x62e: {  	v45 =	vld [tilespmem:$0x1FCD0]  }
0x62f: {  	v46 =	vld [tilespmem:$0x1FCE0]  }
0x630: {  	v47 =	vld [tilespmem:$0x1FCF0]  }
0x631: {  	v48 =	vld [tilespmem:$0x1FD00]  }
0x632: {  	v49 =	vld [tilespmem:$0x1FD10]  }
0x633: {  	v50 =	vld [tilespmem:$0x1FD20]  }
0x634: {  	v51 =	vld [tilespmem:$0x1FD30]  }
0x635: {  	v52 =	vld [tilespmem:$0x1FD40]  }
0x636: {  	v53 =	vld [tilespmem:$0x1FD60]  }
0x637: {  	v54 =	vld [tilespmem:$0x1FD70]  }
0x638: {  	v55 =	vld [tilespmem:$0x1FD80]  }
0x639: {  	v56 =	vld [tilespmem:$0x1FD90]  }
0x63a: {  	v57 =	vld [tilespmem:$0x1FDA0]  }
0x63b: {  	v58 =	vld [tilespmem:$0x1FDB0]  }
0x63c: {  	v59 =	vld [tilespmem:$0x1FDC0]  }
0x63d: {  	v60 =	vld [tilespmem:$0x1FDD0]  }
0x63e: {  	v61 =	vld [tilespmem:$0x1FDE0]  }
0x63f: {  	v62 =	vld [tilespmem:$0x1FDF0]  }
0x640: {  	v63 =	vld [tilespmem:$0x1FE00]  }
0x641: {  	v36 =	vld [tilespmem:$0x1FE10]  }
0x642: {  	v37 =	vld [tilespmem:$0x1FE20]  }
0x643: {  	v38 =	vld [tilespmem:$0x1FE30]  }
0x644: {  	v39 =	vld [tilespmem:$0x1FE40]  }
0x645: {  	v40 =	vld [tilespmem:$0x1FE50]  }
0x646: {  	v41 =	vld [tilespmem:$0x1FE60]  }
0x647: {  	v42 =	vld [tilespmem:$0x1FE80]  }
0x648: {  	v43 =	vld [tilespmem:$0x1FEB0]  }
0x649: {  	v44 =	vld [tilespmem:$0x1FEC0]  }
0x64a: {  	[sflag:s1] =	ssyncset.done $0x0;
	v33 =	vld [tilespmem:$0x1FC00]  }
0x64b: {  	v35 =	vld [tilespmem:$0x1FFA0];
	[sflag:s1] =	ssyncadd.s32 $0xFFFFFFB0  }
0x64c: {  	v2 =	vld.idx.msk [tilespmem:v1+s13+$0x0], $0xffff  }
0x64d: {  	v3 =	vld.idx.msk [tilespmem:v3+s13+$0x0], $0xffff  }
0x64e: {  	v19 =	vld.idx.msk [tilespmem:v45+s13+$0x0], $0xffff  }
0x64f: {  	v20 =	vld.idx.msk [tilespmem:v46+s13+$0x0], $0xffff  }
0x650: {  	v21 =	vld.idx.msk [tilespmem:v47+s13+$0x0], $0xffff  }
0x651: {  	v22 =	vld.idx.msk [tilespmem:v48+s13+$0x0], $0xffff  }
0x652: {  	v23 =	vld.idx.msk [tilespmem:v49+s13+$0x0], $0xffff  }
0x653: {  	v24 =	vld.idx.msk [tilespmem:v50+s13+$0x0], $0xffff  }
0x654: {  	v25 =	vld.idx.msk [tilespmem:v51+s13+$0x0], $0xffff  }
0x655: {  	v26 =	vld.idx.msk [tilespmem:v52+s13+$0x0], $0xffff  }
0x656: {  	v27 =	vld.idx.msk [tilespmem:v53+s13+$0x0], $0xffff  }
0x657: {  	v28 =	vld.idx.msk [tilespmem:v55+s13+$0x0], $0xffff  }
0x658: {  	v29 =	vld.idx.msk [tilespmem:v57+s13+$0x0], $0xffff  }
0x659: {  	v30 =	vld.idx.msk [tilespmem:v59+s13+$0x0], $0xffff  }
0x65a: {  	v31 =	vld.idx.msk [tilespmem:v61+s13+$0x0], $0xffff  }
0x65b: {  	v32 =	vld.idx.msk [tilespmem:v63+s13+$0x0], $0xffff  }
0x65c: {  	v45 =	vld [tilespmem:$0x1FE90]  }
0x65d: {  	v46 =	vld [tilespmem:$0x1FED0]  }
0x65e: {  	v47 =	vld [tilespmem:$0x1FEA0]  }
0x65f: {  	v48 =	vld [tilespmem:$0x1FEE0]  }
0x660: {  	v50 =	vld [tilespmem:$0x1FEF0]  }
0x661: {  	v51 =	vld [tilespmem:$0x1FF00]  }
0x662: {  	v52 =	vld [tilespmem:$0x1FF10]  }
0x663: {  	v53 =	vld [tilespmem:$0x1FF20]  }
0x664: {  	v55 =	vld [tilespmem:$0x1FF40]  }
0x665: {  	v57 =	vld [tilespmem:$0x1FFB0]  }
0x666: {  	v59 =	vld [tilespmem:$0x1FF60]  }
0x667: {  	v2 =	vadd.f32 v3, v2;
	v3 =	vld [tilespmem:$0x1FD50]  }
0x668: {  	v61 =	vld [tilespmem:$0x1FF70]  }
0x669: {  	v2 =	vadd.f32 v19, v2;
	v19 =	vld.idx.msk [tilespmem:v54+s13+$0x0], $0xffff  }
0x66a: {  	v54 =	vld [tilespmem:$0x1FF30]  }
0x66b: {  	v2 =	vadd.f32 v20, v2;
	v20 =	vld.idx.msk [tilespmem:v56+s13+$0x0], $0xffff  }
0x66c: {  	v56 =	vld [tilespmem:$0x1FF50]  }
0x66d: {  	v2 =	vadd.f32 v21, v2;
	v21 =	vld.idx.msk [tilespmem:v58+s13+$0x0], $0xffff  }
0x66e: {  	v58 =	vld [tilespmem:$0x1FFC0]  }
0x66f: {  	v3 =	vld.idx.msk [tilespmem:v3+s13+$0x0], $0xffff  }
0x670: {  	v2 =	vadd.f32 v22, v2;
	v22 =	vld.idx.msk [tilespmem:v60+s13+$0x0], $0xffff  }
0x671: {  	v60 =	vld [tilespmem:$0x1FFD0]  }
0x672: {  	v2 =	vadd.f32 v23, v2;
	v23 =	vld.idx.msk [tilespmem:v62+s13+$0x0], $0xffff  }
0x673: {  	v62 =	vld [tilespmem:$0x1FFE0]  }
0x674: {  	v21 =	vadd.f32 v30, v21;
	v30 =	vld.idx.msk [tilespmem:v37+s13+$0x0], $0xffff  }
0x675: {  	v37 =	vld [tilespmem:$0x1FC10]  }
0x676: {  	v2 =	vadd.f32 v24, v2;
	v24 =	vld.idx.msk [tilespmem:v36+s13+$0x0], $0xffff  }
0x677: {  	v21 =	vadd.f32 v22, v21;
	v22 =	vld.idx.msk [tilespmem:v39+s13+$0x0], $0xffff  }
0x678: {  	v39 =	vld [tilespmem:$0x1FC30]  }
0x679: {  	v2 =	vadd.f32 v25, v2;
	v25 =	vld.idx.msk [tilespmem:v38+s13+$0x0], $0xffff  }
0x67a: {  	v38 =	vld [tilespmem:$0x1FC20]  }
0x67b: {  	v21 =	vadd.f32 v31, v21;
	v31 =	vld.idx.msk [tilespmem:v41+s13+$0x0], $0xffff  }
0x67c: {  	v41 =	vld [tilespmem:$0x1FC50]  }
0x67d: {  	v2 =	vadd.f32 v26, v2;
	v26 =	vld.idx.msk [tilespmem:v40+s13+$0x0], $0xffff  }
0x67e: {  	v40 =	vld [tilespmem:$0x1FC40]  }
0x67f: {  	v21 =	vadd.f32 v23, v21;
	v23 =	vld.idx.msk [tilespmem:v42+s13+$0x0], $0xffff  }
0x680: {  	v42 =	vld [tilespmem:$0x1FC60]  }
0x681: {  	v2 =	vadd.f32 v3, v2;
	v3 =	vld [tilespmem:$0x1FE70]  }
0x682: {  	v21 =	vadd.f32 v32, v21;
	v32 =	vld.idx.msk [tilespmem:v44+s13+$0x0], $0xffff  }
0x683: {  	v44 =	vld [tilespmem:$0x1FC80]  }
0x684: {  	v2 =	vadd.f32 v27, v2;
	v27 =	vld.idx.msk [tilespmem:v43+s13+$0x0], $0xffff  }
0x685: {  	v43 =	vld [tilespmem:$0x1FC70]  }
0x686: {  	v21 =	vadd.f32 v24, v21;
	v24 =	vld.idx.msk [tilespmem:v46+s13+$0x0], $0xffff  }
0x687: {  	v46 =	vld [tilespmem:$0x1FCA0]  }
0x688: {  	v2 =	vadd.f32 v19, v2;
	v19 =	vld.idx.msk [tilespmem:v45+s13+$0x0], $0xffff  }
0x689: {  	v45 =	vld [tilespmem:$0x1FC90]  }
0x68a: {  	v21 =	vadd.f32 v30, v21;
	v30 =	vld.idx.msk [tilespmem:v48+s13+$0x0], $0xffff  }
0x68b: {  	v2 =	vadd.f32 v28, v2;
	v28 =	vld.idx.msk [tilespmem:v47+s13+$0x0], $0xffff  }
0x68c: {  	v49 =	vadd.f32 v32, v27;
	v27 =	vld.idx.msk [tilespmem:v50+s13+$0x0], $0xffff  }
0x68d: {  	v21 =	vadd.f32 v25, v21;
	v25 =	vld.idx.msk [tilespmem:v51+s13+$0x0], $0xffff  }
0x68e: {  	v32 =	vld [tilespmem:$0x1FF90]  }
0x68f: {  	v3 =	vld.idx.msk [tilespmem:v3+s13+$0x0], $0xffff;
	v2 =	vadd.f32 v20, v2  }
0x690: {  	v20 =	vadd.f32 v24, v49;
	v24 =	vld.idx.msk [tilespmem:v52+s13+$0x0], $0xffff  }
0x691: {  	v21 =	vadd.f32 v22, v21;
	v22 =	vld.idx.msk [tilespmem:v53+s13+$0x0], $0xffff;
	v2 =	vadd.f32 v29, v2  }
0x692: {  	v49 =	vld [tilespmem:$0x1FCB0]  }
0x693: {  	v29 =	vld.idx.msk [tilespmem:v54+s13+$0x0], $0xffff;
	v20 =	vadd.f32 v30, v20;
	v2 =	vsub.f32 $0.0e+00, v2  }
0x694: {  	v21 =	vadd.f32 v26, v21;
	v26 =	vld.idx.msk [tilespmem:v55+s13+$0x0], $0xffff  }
0x695: {  	v30 =	vld.idx.msk [tilespmem:v57+s13+$0x0], $0xffff;
	v20 =	vadd.f32 v27, v20;
	v2 =	vmul.f32 $1.442695020e+00, v2  }
0x696: {  	v21 =	vadd.f32 v31, v21;
	v31 =	vld [tilespmem:$0x1FFF0]  }
0x697: {  	(erf) = vpow2.f32 v2;
	v2 =	vadd.f32 v25, v20;
	v20 =	vld.idx.msk [tilespmem:v58+s13+$0x0], $0xffff  }
0x698: {  	v27 =	vld.idx.msk [tilespmem:v56+s13+$0x0], $0xffff  }
0x699: {  	v3 =	vadd.f32 v3, v21;
	v21 =	vld.idx.msk [tilespmem:v59+s13+$0x0], $0xffff;
	v2 =	vadd.f32 v24, v2  }
0x69a: {  	v24 =	vld.idx.msk [tilespmem:v60+s13+$0x0], $0xffff  }
0x69b: {  	v3 =	vadd.f32 v23, v3;
	v2 =	vadd.f32 v22, v2;
	v22 =	vld.idx.msk [tilespmem:v62+s13+$0x0], $0xffff  }
0x69c: {  	v63 =	vadd.f32 v20, v30;
	v30 =	vld [tilespmem:$0x1FF80]  }
0x69d: {  	v23 =	vld.idx.msk [tilespmem:v61+s13+$0x0], $0xffff;
	v3 =	vadd.f32 v19, v3  }
0x69e: {  	v25 =	vld.idx.msk [tilespmem:v31+s13+$0x0], $0xffff;
	v2 =	vadd.f32 v29, v2  }
0x69f: {  	v3 =	vadd.f32 v28, v3;
	v28 =	vld.idx.msk [tilespmem:v37+s13+$0x0], $0xffff;
	v19 =	vadd.f32 v24, v63  }
0x6a0: {  	v24 =	vld.idx.msk [tilespmem:v32+s13+$0x0], $0xffff;
	v2 =	vadd.f32 v26, v2  }
0x6a1: {  	v26 =	vld.idx.msk [tilespmem:v33+s13+$0x0], $0xffff;
	v19 =	vadd.f32 v22, v19  }
0x6a2: {  	v3 =	vsub.f32 $0.0e+00, v3;
	v34 =	vpop (erf);
	v22 =	vld.idx.msk [tilespmem:v35+s13+$0x0], $0xffff;
	v2 =	vadd.f32 v27, v2  }
0x6a3: {  	v36 =	vadd.f32 $1.000000000e+00, v34;
	v19 =	vadd.f32 v25, v19;
	v25 =	vld.idx.msk [tilespmem:v38+s13+$0x0], $0xffff  }
0x6a4: {  	v3 =	vmul.f32 $1.442695020e+00, v3;
	v20 =	vld.idx.msk [tilespmem:v30+s13+$0x0], $0xffff  }
0x6a5: {  	(erf) = vrcp.f32 v36;
	v2 =	vadd.f32 v21, v2;
	v21 =	vld.idx.msk [tilespmem:v39+s13+$0x0], $0xffff  }
0x6a6: {  	(erf) = vpow2.f32 v3;
	v3 =	vadd.f32 v26, v19;
	v19 =	vld.idx.msk [tilespmem:v40+s13+$0x0], $0xffff  }
0x6a7: {  	v2 =	vadd.f32 v23, v2;
	v23 =	vld.idx.msk [tilespmem:v41+s13+$0x0], $0xffff  }
0x6a8: {  	v26 =	vld.idx.msk [tilespmem:v42+s13+$0x0], $0xffff;
	v3 =	vadd.f32 v28, v3  }
0x6a9: {  	v2 =	vadd.f32 v20, v2;
	v20 =	vld.idx.msk [tilespmem:v43+s13+$0x0], $0xffff  }
0x6aa: {  	v3 =	vadd.f32 v25, v3;
	v25 =	vld.idx.msk [tilespmem:v44+s13+$0x0], $0xffff  }
0x6ab: {  	v19 =	vadd.f32 v19, v21;
	v21 =	vld.idx.msk [tilespmem:v45+s13+$0x0], $0xffff;
	v2 =	vadd.f32 v24, v2  }
0x6ac: {  	v5 =	vld.idx.msk [tilespmem:v5+s13+$0x0], $0xffff;
	v3 =	vadd.f32 v23, v3  }
0x6ad: {  	v19 =	vadd.f32 v26, v19;
	v2 =	vadd.f32 v22, v2;
	v22 =	vld.idx.msk [tilespmem:v46+s13+$0x0], $0xffff  }
0x6ae: {  	v6 =	vld.idx.msk [tilespmem:v6+s13+$0x0], $0xffff;
	v47 =	vpop (erf);
	v3 =	vadd.f32 v20, v3  }
0x6af: {  	v24 =	vld.idx.msk [tilespmem:v49+s13+$0x0], $0xffff;
	v19 =	vadd.f32 v25, v19;
	v48 =	vpop (erf);
	v2 =	vsub.f32 $0.0e+00, v2  }
0x6b0: {  	v7 =	vld.idx.msk [tilespmem:v7+s13+$0x0], $0xffff;
	v50 =	vadd.f32 $1.000000000e+00, v48;
	v3 =	vadd.f32 v21, v3  }
0x6b1: {  	v4 =	vld.idx.msk [tilespmem:v4+s13+$0x0], $0xffff;
	v5 =	vadd.f32 v5, v19;
	v2 =	vmul.f32 $1.442695020e+00, v2  }
0x6b2: {  	v9 =	vld.idx.msk [tilespmem:v9+s13+$0x0], $0xffff;
	(erf) = vrcp.f32 v50;
	v3 =	vadd.f32 v22, v3  }
0x6b3: {  	v51 =	vld.idx.msk [tilespmem:v8+s13+$0x0], $0xffff;
	(erf) = vpow2.f32 v2;
	v2 =	vadd.f32 v6, v5  }
0x6b4: {  	v52 =	vld.idx.msk [tilespmem:v10+s13+$0x0], $0xffff;
	v3 =	vadd.f32 v24, v3  }
0x6b5: {  	v53 =	vld.idx.msk [tilespmem:v11+s13+$0x0], $0xffff;
	v2 =	vadd.f32 v7, v2  }
0x6b6: {  	v54 =	vld.idx.msk [tilespmem:v12+s13+$0x0], $0xffff;
	v3 =	vadd.f32 v4, v3  }
0x6b7: {  	v2 =	vadd.f32 v9, v2  }
0x6b8: {  	v55 =	vld.idx.msk [tilespmem:v13+s13+$0x0], $0xffff;
	v3 =	vadd.f32 v51, v3  }
0x6b9: {  	v2 =	vadd.f32 v52, v2  }
0x6ba: {  	v56 =	vld.idx.msk [tilespmem:v16+s13+$0x0], $0xffff;
	v3 =	vadd.f32 v53, v3  }
0x6bb: {  	v57 =	vpop (erf);
	v2 =	vadd.f32 v54, v2  }
0x6bc: {  	v59 =	vld.idx.msk [tilespmem:v14+s13+$0x0], $0xffff;
	v58 =	vpop (erf);
	v3 =	vsub.f32 $0.0e+00, v3  }
0x6bd: {  	v2 =	vadd.f32 v55, v2;
	v4 =	vadd.f32 $1.000000000e+00, v58  }
0x6be: {  	v60 =	vld.idx.msk [tilespmem:v15+s13+$0x0], $0xffff;
	v3 =	vmul.f32 $1.442695020e+00, v3  }
0x6bf: {  	(erf) = vrcp.f32 v4;
	v2 =	vadd.f32 v56, v2  }
0x6c0: {  	(erf) = vpow2.f32 v3;
	v3 =	vld.idx.msk [tilespmem:v17+s13+$0x0], $0xffff  }
0x6c1: {  	v2 =	vadd.f32 v59, v2  }
0x6c2: {  	v61 =	vld.idx.msk [tilespmem:v18+s13+$0x0], $0xffff  }
0x6c3: {  	v2 =	vadd.f32 v60, v2;
	_ =	sdelay $0x1  }
0x6c4: {  	v2 =	vadd.f32 v3, v2;
	_ =	sdelay $0x1  }
0x6c5: {  	v2 =	vadd.f32 v61, v2  }
0x6c6: {  	v3 =	vpop (erf)  }
0x6c7: {  	v62 =	vpop (erf);
	v2 =	vsub.f32 $0.0e+00, v2  }
0x6c8: {  	v4 =	vadd.f32 $1.000000000e+00, v62  }
0x6c9: {  	v2 =	vmul.f32 $1.442695020e+00, v2  }
0x6ca: {  	(erf) = vrcp.f32 v4  }
0x6cb: {  	(erf) = vpow2.f32 v2;
	_ =	sdelay $0x7  }
0x6cc: {  	v2 =	vpop (erf)  }
0x6cd: {  	v63 =	vpop (erf)  }
0x6ce: {  	v4 =	vadd.f32 $1.000000000e+00, v63;
	_ =	sdelay $0x1  }
0x6cf: {  	(erf) = vrcp.f32 v4;
	_ =	sdelay $0x5  }
0x6d0: {  	[tilespmem:$0x17660] =	vst v47  }
0x6d1: {  	[tilespmem:$0x17670] =	vst v57  }
0x6d2: {  	[tilespmem:$0x17680] =	vst v3  }
0x6d3: {  	[tilespmem:$0x17690] =	vst v2;
	v2 =	vpop (erf)  }
0x6d4: {  	s0 =	rddreg [dreg:$0x16];
	[tilespmem:$0x176A0] =	vst v2  }
0x6d5: {  	[hbm4b:s0+s5] =	stream.linear.scatter [tilespmem:s28], [sflag:$0x7], $0x50, $0x38;
	[tilespmem:$0x17C50] =	vst v63  }
0x6d6: {  	_ =	swait.ge [sflag:s1], $0x50  }
0x6d7: {  	[sflag:s1] =	ssyncset.done $0x0  }
0x6d8: {  	s25 =	simm.s32 $0x8;
	[sflag:s1] =	ssyncadd.s32 $0xFFFFFFB0  }
0x6d9: {  	_ =	swait.ge [sflag:s25], $0x50  }
0x6da: {  	s19 =	sadd.s32 $0x1, s19;
	s30 =	rddreg [dreg:$0x17]  }
0x6db: {  	p1 =	sne.s32 s19, s30  }
.Ltmp14:
0x6dc: {  	_ = 	snop;
	(pc) =	sbr.rel @p1 .LBB2_1-.Ltmp14, $3  }
0x6dd: {  	_ =	sdelay $0x1  }
0x6de: {  	s14 =	simm.s32 $0xFF50;
	s17 =	simm.s32 $0x9C40;
	[sflag:s25] =	ssyncset.done $0x0  }
0x6df: {  	s18 =	simm.s32 $0xC440;
	s1 =	simm.s32 $0xD840;
	[sflag:s25] =	ssyncadd.s32 $0xFFFFFFB0  }
0x6e0: {  	_ =	sfence.sel $0x180000  }
0x6e1: {  	[bflag:$0x0] =	sbarrier.arrive $0xFFFF  }
0x6e2: {  	_ =	strace $0x90000047  }
0x6e3: {  	s0 =	stileid.u32;
	[bflag:$0x2] =	sbarrier.arrive $0xFFFF  }
0x6e4: {  	p0 =	sne.s32 s0, $0x0;
	s0 =	rddreg [dreg:$0x3]  }
0x6e5: {  	s0 =	sadd.s32 @!p0 $0x100000, s0  }
0x6e6: {  	[sflag:s0] =	ssyncadd.tile.s32 @!p0 $0x1;
	_ =	shalt  }
.Lfunc_end2:
_tile_overlayer_lowered:
.L_overlay_start_2:
0x6e7: {  	(tag) =	ssettag $0x2  }
0x6e8: {  	s0 =	rddreg [dreg:$0x0];
	s2 =	stileid.u32  }
0x6e9: {  	s1 =	rddreg [dreg:$0x1];
	p0 =	sne.s32 s2, $0x0  }
0x6ea: {  	s3 =	rddreg [dreg:$0x2];
	[bflag:$0x3] =	sbarrier.arrive $0xFFFF;
	s2 =	simm.s32 @!p0 $0x1C09  }
0x6eb: {  	[timem:s3], [sflag:s2] =	dma.local @!p0 [hbm:s0], s1  }
0x6ec: {  	s0 =	simm.s32 @!p0 $0x9  }
0x6ed: {  	_ =	swait.ge @!p0 [sflag:s0], s1  }
0x6ee: {  	s1 =	ssub.s32 @!p0 $0x0, s1;
	[sflag:s0] =	ssyncset.done @!p0 $0x0  }
0x6ef: {  	[sflag:s0] =	ssyncadd.s32 @!p0 s1  }
0x6f0: {  	[bflag:$0x3] =	sbarrier.arrive $0xFFFF  }
0x6f1: {  	_ =	shalt  }

</sc_bundles>
